<compile_context>
chip_gen: v7x
topology: tpu7x:2x2x1
jax: 0.10.2.dev20260603
libtpu: 0.0.44.dev20260713+nightly
codegen_flags: <defaults>
</compile_context>

<pallas_src>
import functools

import jax
import jax.numpy as jnp
from jax import lax
from jax.experimental import pallas as pl
from jax.experimental.pallas import tpu as pltpu
from jax.experimental.pallas import tpu_sc as plsc

N = 10000
C = 256
E = 160000

NC = 2
NS = 16
LANES = 16

NP = 10240
EP = 161792
ED = EP // NS
NG = ED // 128
CH = C // 2
HALF = N // NC
ACCR = 5120

_MESH = plsc.VectorSubcoreMesh(core_axis_name="c", subcore_axis_name="s",
                               num_cores=NC, num_subcores=NS)
_SC_PARAMS = pltpu.CompilerParams(needs_layout_passes=False)


def _newton_rsqrt(x):
    i = plsc.bitcast(x, jnp.int32)
    y = plsc.bitcast(jnp.int32(0x5F3759DF) - (i >> 1), jnp.float32)
    for _ in range(3):
        y = y * (1.5 - 0.5 * x * y * y)
    return y


@functools.partial(
    pl.kernel,
    out_type=jax.ShapeDtypeStruct((NP,), jnp.float32),
    mesh=_MESH,
    compiler_params=_SC_PARAMS,
    scratch_types=[
        pltpu.VMEM((ED,), jnp.int32),
        pltpu.VMEM((ED,), jnp.float32),
        pltpu.VMEM((NP,), jnp.float32),
        pltpu.VMEM((NP,), jnp.float32),
        pltpu.VMEM((NP // NS,), jnp.float32),
        pltpu.VMEM_SHARED((NS * NP,), jnp.float32),
    ],
)
def _deg_dinv(dst_hbm, ew_hbm, dinv_hbm, dstb, ewb, degl, sbuf, dinvv, spart):
    cid = lax.axis_index("c")
    sid = lax.axis_index("s")
    pltpu.sync_copy(dst_hbm.at[pl.ds(sid * ED, ED)], dstb)
    pltpu.sync_copy(ew_hbm.at[pl.ds(sid * ED, ED)], ewb)

    def zero_body(i, _):
        degl[pl.ds(i * LANES, LANES)] = jnp.zeros((LANES,), jnp.float32)
        return 0
    lax.fori_loop(0, NP // LANES, zero_body, 0)

    def edge_body(i, _):
        sl = pl.ds(i * LANES, LANES)
        plsc.addupdate_scatter(degl, [dstb[sl]], ewb[sl])
        return 0
    lax.fori_loop(0, ED // LANES, edge_body, 0)

    pltpu.sync_copy(degl, spart.at[pl.ds(sid * NP, NP)])
    plsc.subcore_barrier()

    nsl = NP // NS
    base = sid * nsl
    for t in range(NS):
        pltpu.sync_copy(spart.at[pl.ds(t * NP + base, nsl)],
                        sbuf.at[pl.ds(t * nsl, nsl)])

    def red_body(k, _):
        acc = jnp.full((LANES,), 1.0, jnp.float32)
        for t in range(NS):
            acc = acc + sbuf[pl.ds(t * nsl + k * LANES, LANES)]
        dinvv[pl.ds(k * LANES, LANES)] = _newton_rsqrt(acc)
        return 0
    lax.fori_loop(0, nsl // LANES, red_body, 0)

    @pl.when(cid == 0)
    def _():
        pltpu.sync_copy(dinvv, dinv_hbm.at[pl.ds(base, nsl)])


@functools.partial(
    pl.kernel,
    out_type=jax.ShapeDtypeStruct((N, C), jnp.float32),
    mesh=_MESH,
    compiler_params=_SC_PARAMS,
    scratch_types=[
        pltpu.VMEM((ED,), jnp.int32),
        pltpu.VMEM((ED,), jnp.int32),
        pltpu.VMEM((ED,), jnp.float32),
        pltpu.VMEM((NP,), jnp.float32),
        pltpu.VMEM((C,), jnp.float32),
        pltpu.VMEM((ED,), jnp.float32),
        pltpu.VMEM((NG, 128), jnp.int32),
        pltpu.VMEM((128, CH), jnp.float32),
        pltpu.VMEM((8, CH), jnp.float32),
        pltpu.VMEM((8, CH), jnp.float32),
        pltpu.VMEM_SHARED((ACCR, CH), jnp.float32),
    ],
)
def _gcn_agg(src_hbm, dst_hbm, ew_hbm, dinv_hbm, xh0_hbm, xh1_hbm, bg_hbm,
             out_hbm, srcb, dstc, ewc, dinvb, bgb, scaleb, idxb,
             rows0, dchunk, xchunk, acc):
    cid = lax.axis_index("c")
    sid = lax.axis_index("s")
    base = cid * HALF

    pltpu.sync_copy(src_hbm.at[pl.ds(sid * ED, ED)], srcb)
    pltpu.sync_copy(dst_hbm.at[pl.ds(sid * ED, ED)], dstc)
    pltpu.sync_copy(ew_hbm.at[pl.ds(sid * ED, ED)], ewc)
    pltpu.sync_copy(dinv_hbm, dinvb)
    pltpu.sync_copy(bg_hbm, bgb)

    def prep(g, _):
        off = g * 128
        for k in range(8):
            sl = pl.ds(off + k * LANES, LANES)
            dl = dstc[sl] - base
            ok = (dl >= 0) & (dl < HALF)
            sv = plsc.load_gather(dinvb, [srcb[sl]])
            scaleb[sl] = sv * ewc[sl]
            idxb[g, pl.ds(k * LANES, LANES)] = jnp.where(ok, dl, HALF + sid)
        return 0
    lax.fori_loop(0, NG, prep, 0)

    def scale_rows(g, rb):
        def scale_row(e, _):
            sv = plsc.load_gather(
                scaleb, [jnp.full((LANES,), g * 128 + e, jnp.int32)])
            for r in range(CH // LANES):
                sl2 = pl.ds(r * LANES, LANES)
                rb[e, sl2] = rb[e, sl2] * sv
            return 0
        lax.fori_loop(0, 128, scale_row, 0)

    zr0 = sid * (ACCR // NS)
    for p in range(2):
        xw_hbm = xh0_hbm if p == 0 else xh1_hbm

        def zrow(r, _):
            for k in range(CH // LANES):
                rows0[r, pl.ds(k * LANES, LANES)] = jnp.zeros((LANES,),
                                                              jnp.float32)
            return 0
        lax.fori_loop(0, 128, zrow, 0)
        pltpu.sync_copy(rows0, acc.at[pl.ds(zr0, 128)])
        pltpu.sync_copy(rows0, acc.at[pl.ds(zr0 + 128, 128)])
        pltpu.sync_copy(rows0.at[pl.ds(0, 64)], acc.at[pl.ds(zr0 + 256, 64)])
        plsc.subcore_barrier()

        def group(g, _):
            pltpu.sync_copy(xw_hbm.at[srcb.at[pl.ds(g * 128, 128)]], rows0)
            scale_rows(g, rows0)
            pltpu.sync_copy(rows0, acc.at[idxb.at[g]], add=True)
            return 0
        lax.fori_loop(0, NG, group, 0)
        plsc.subcore_barrier()

        nchunks = HALF // 8

        def drain(jj, _):
            j = jj * NS + sid

            @pl.when(j < nchunks)
            def _():
                row0 = j * 8
                g0 = base + row0
                pltpu.sync_copy(acc.at[pl.ds(row0, 8)], dchunk)
                pltpu.sync_copy(xw_hbm.at[pl.ds(g0, 8)], xchunk)
                for rr in range(8):
                    dval = plsc.load_gather(
                        dinvb, [jnp.full((LANES,), g0 + rr, jnp.int32)])
                    for r in range(CH // LANES):
                        sl2 = pl.ds(r * LANES, LANES)
                        dchunk[rr, sl2] = (dval * (dchunk[rr, sl2]
                                                   + dval * xchunk[rr, sl2])
                                           + bgb[pl.ds(p * CH + r * LANES,
                                                       LANES)])
                pltpu.sync_copy(dchunk,
                                out_hbm.at[pl.ds(g0, 8), pl.ds(p * CH, CH)])
            return 0
        lax.fori_loop(0, (nchunks + NS - 1) // NS + 1, drain, 0)
        plsc.subcore_barrier()


_BLK = 1000


def _glu_mm_body(x_ref, w1_ref, b1_ref, wg_ref, o0_ref, o1_ref):
    h = jnp.dot(x_ref[...], w1_ref[...],
                preferred_element_type=jnp.float32) + b1_ref[...][None, :]
    act = h[:, :C] * jax.nn.sigmoid(h[:, C:])
    xw = jnp.dot(act, wg_ref[...], preferred_element_type=jnp.float32)
    o0_ref[...] = xw[:, :CH]
    o1_ref[...] = xw[:, CH:]


def _glu2_body(t_ref, w2_ref, b2_ref, o_ref):
    h = jnp.dot(t_ref[...], w2_ref[...],
                preferred_element_type=jnp.float32) + b2_ref[...][None, :]
    o_ref[...] = h[:, :C] * jax.nn.sigmoid(h[:, C:])


def _glu_mm(x2, W1, b1, Wg):
    return pl.pallas_call(
        _glu_mm_body,
        grid=(N // _BLK,),
        in_specs=[
            pl.BlockSpec((_BLK, C), lambda i: (i, 0)),
            pl.BlockSpec((C, 2 * C), lambda i: (0, 0)),
            pl.BlockSpec((2 * C,), lambda i: (0,)),
            pl.BlockSpec((C, C), lambda i: (0, 0)),
        ],
        out_specs=[pl.BlockSpec((_BLK, CH), lambda i: (i, 0)),
                   pl.BlockSpec((_BLK, CH), lambda i: (i, 0))],
        out_shape=[jax.ShapeDtypeStruct((N, CH), jnp.float32),
                   jax.ShapeDtypeStruct((N, CH), jnp.float32)],
    )(x2, W1, b1, Wg)


def _glu2(t, W2, b2):
    return pl.pallas_call(
        _glu2_body,
        grid=(N // _BLK,),
        in_specs=[
            pl.BlockSpec((_BLK, C), lambda i: (i, 0)),
            pl.BlockSpec((C, 2 * C), lambda i: (0, 0)),
            pl.BlockSpec((2 * C,), lambda i: (0,)),
        ],
        out_specs=pl.BlockSpec((_BLK, C), lambda i: (i, 0)),
        out_shape=jax.ShapeDtypeStruct((N, C), jnp.float32),
    )(t, W2, b2)


def kernel(x, edge_index, edge_attr, batch, W1, b1, Wg, bg, W2, b2):
    x2 = x.reshape(N, C)
    pad = EP - E
    srcp = jnp.concatenate([edge_index[0], jnp.zeros((pad,), jnp.int32)])
    dstp = jnp.concatenate([edge_index[1], jnp.zeros((pad,), jnp.int32)])
    ewp = jnp.concatenate([edge_attr, jnp.zeros((pad,), jnp.float32)])

    dinv = _deg_dinv(dstp, ewp)
    xh0, xh1 = _glu_mm(x2, W1, b1, Wg)
    t = _gcn_agg(srcp, dstp, ewp, dinv, xh0, xh1, bg)
    y = _glu2(t, W2, b2)
    return y.reshape(1, 1, N, C)

# --- scband reference (transcript-rebuilt; emitter-appended) ---
"""Pipeline reference for scband-spatio-temporal-block-82248623719056 (READ-ONLY COPY).

The authoritative reference and input builder live on the scoring server;
editing this copy changes nothing except your own understanding.
"""

import jax, jax.numpy as jnp
import numpy as np

N_NODES = 10000
N_EDGES = 160000
IN_C = 256
HID_C = 256
OUT_C = 256


def _glu(x, W, b):
    # TemporalGatedConv with kernel_size=1: pointwise conv producing 2*out channels + GLU gate
    h = jnp.einsum('btnc,cd->btnd', x, W) + b
    a, g = jnp.split(h, 2, axis=-1)
    return a * jax.nn.sigmoid(g)


def _gcn(x, edge_index, edge_weight, W, b, num_nodes):
    # PyG-style GCNConv: symmetric-normalized adjacency with self-loops, edge_attr as edge weights
    x = x @ W
    src = edge_index[0]
    dst = edge_index[1]
    loop = jnp.arange(num_nodes, dtype=src.dtype)
    src = jnp.concatenate([src, loop])
    dst = jnp.concatenate([dst, loop])
    ew = jnp.concatenate([edge_weight, jnp.ones((num_nodes,), dtype=x.dtype)])
    deg = jnp.zeros((num_nodes,), dtype=x.dtype).at[dst].add(ew)
    dinv = jnp.where(deg > 0, jax.lax.rsqrt(jnp.maximum(deg, 1e-12)), 0.0)
    norm = dinv[src] * ew * dinv[dst]
    msg = x[src] * norm[:, None]
    out = jnp.zeros_like(x).at[dst].add(msg)
    return out + b


def setup_inputs(seed: int = 0):
    key = jax.random.key(seed)
    ks = jax.random.split(key, 12)
    x = jax.random.normal(ks[0], (1, 1, N_NODES, IN_C), dtype=jnp.float32)
    edge_index = jax.random.randint(ks[1], (2, N_EDGES), 0, N_NODES, dtype=jnp.int32)
    edge_attr = jax.random.uniform(ks[2], (N_EDGES,), dtype=jnp.float32)
    batch = jnp.zeros((N_NODES,), dtype=jnp.int32)
    W1 = jax.random.normal(ks[3], (IN_C, 2 * OUT_C), dtype=jnp.float32) / np.sqrt(IN_C)
    b1 = jnp.zeros((2 * OUT_C,), dtype=jnp.float32)
    Wg = jax.random.normal(ks[4], (OUT_C, HID_C), dtype=jnp.float32) / np.sqrt(OUT_C)
    bg = jnp.zeros((HID_C,), dtype=jnp.float32)
    W2 = jax.random.normal(ks[5], (HID_C, 2 * OUT_C), dtype=jnp.float32) / np.sqrt(HID_C)
    b2 = jnp.zeros((2 * OUT_C,), dtype=jnp.float32)
    return {"x": x, "edge_index": edge_index, "edge_attr": edge_attr, "batch": batch,
            "W1": W1, "b1": b1, "Wg": Wg, "bg": bg, "W2": W2, "b2": b2}


def reference(x, edge_index, edge_attr, batch, W1, b1, Wg, bg, W2, b2):
    # tgc1
    h = _glu(x, W1, b1)
    N, M, n, c = h.shape
    xf = h.reshape(N * M * n, c)
    # Original module's edge-replication loop runs N*M-1 times and raises on its
    # first iteration; with N*M == 1 it is skipped entirely, so edges pass through unchanged.
    xg = _gcn(xf, edge_index, edge_attr, Wg, bg, N * M * n)
    xr = xg.reshape(N, M, n, -1)
    # tgc2
    return _glu(xr, W2, b2)

if __name__ == "__main__":
    import jax
    _d = setup_inputs()
    print(jax.jit(kernel)(*tuple(_d.values())))

</pallas_src>

<mosaic_0001>
#map = affine_map<(d0, d1) -> (0)>
module attributes {stable_mosaic.version = 14 : i64} {
  func.func @_deg_dinv(%arg0: i32, %arg1: i32, %arg2: memref<161792xi32, #tpu.memory_space<hbm>>, %arg3: memref<161792xf32, #tpu.memory_space<hbm>>, %arg4: memref<10240xf32, #tpu.memory_space<hbm>>, %arg5: memref<10112xi32, #tpu.memory_space<vmem>>, %arg6: memref<10112xf32, #tpu.memory_space<vmem>>, %arg7: memref<10240xf32, #tpu.memory_space<vmem>>, %arg8: memref<10240xf32, #tpu.memory_space<vmem>>, %arg9: memref<640xf32, #tpu.memory_space<vmem>>, %arg10: memref<163840xf32, #tpu.memory_space<vmem_shared>>) attributes {dimension_semantics = [#tpu.dimension_semantics<core_parallel>, #tpu.dimension_semantics<subcore_parallel>], iteration_bounds = array<i64: 2, 16>, scalar_prefetch = 0 : i64, scratch_operands = 6 : i64, tpu.core_type = #tpu.core_type<sc_vector_subcore>, window_params = [{transform_indices = #map}, {transform_indices = #map}, {transform_indices = #map}]} {
    %mul3A = arith.constant 10112 : i32
    %mul3A_0 = arith.muli %arg1, %mul3A : i32
    "tpu.region"() ({
      %run_scoped3A = tpu.sem_alloc : memref<!tpu.dma_semaphore, #tpu.memory_space<semaphore_mem>>
      %dma_start3A = tpu.memref_slice %arg2[%mul3A_0] : memref<161792xi32, #tpu.memory_space<hbm>> -> memref<10112xi32, #tpu.memory_space<hbm>>
      %dma_start3A_60 = tpu.memref_slice %arg2[%mul3A_0] : memref<161792xi32, #tpu.memory_space<hbm>> -> memref<10112xi32, #tpu.memory_space<hbm>>
      tpu.enqueue_dma source(%dma_start3A_60 : memref<10112xi32, #tpu.memory_space<hbm>>) target(%arg5 : memref<10112xi32, #tpu.memory_space<vmem>>) target_semaphore(%run_scoped3A : memref<!tpu.dma_semaphore, #tpu.memory_space<semaphore_mem>>)
      %dma_wait3A = tpu.memref_slice %arg2[%mul3A_0] : memref<161792xi32, #tpu.memory_space<hbm>> -> memref<10112xi32, #tpu.memory_space<hbm>>
      %dma_wait3A_61 = tpu.memref_slice %arg2[%mul3A_0] : memref<161792xi32, #tpu.memory_space<hbm>> -> memref<10112xi32, #tpu.memory_space<hbm>>
      tpu.wait_dma2 semaphore(%run_scoped3A : memref<!tpu.dma_semaphore, #tpu.memory_space<semaphore_mem>>) src(%dma_wait3A_61 : memref<10112xi32, #tpu.memory_space<hbm>>) dst(%arg5 : memref<10112xi32, #tpu.memory_space<vmem>>)
      tpu.yield
    }) : () -> ()
    %mul3A_1 = arith.constant 10112 : i32
    %mul3A_2 = arith.muli %arg1, %mul3A_1 : i32
    "tpu.region"() ({
      %run_scoped3A = tpu.sem_alloc : memref<!tpu.dma_semaphore, #tpu.memory_space<semaphore_mem>>
      %dma_start3A = tpu.memref_slice %arg3[%mul3A_2] : memref<161792xf32, #tpu.memory_space<hbm>> -> memref<10112xf32, #tpu.memory_space<hbm>>
      %dma_start3A_60 = tpu.memref_slice %arg3[%mul3A_2] : memref<161792xf32, #tpu.memory_space<hbm>> -> memref<10112xf32, #tpu.memory_space<hbm>>
      tpu.enqueue_dma source(%dma_start3A_60 : memref<10112xf32, #tpu.memory_space<hbm>>) target(%arg6 : memref<10112xf32, #tpu.memory_space<vmem>>) target_semaphore(%run_scoped3A : memref<!tpu.dma_semaphore, #tpu.memory_space<semaphore_mem>>)
      %dma_wait3A = tpu.memref_slice %arg3[%mul3A_2] : memref<161792xf32, #tpu.memory_space<hbm>> -> memref<10112xf32, #tpu.memory_space<hbm>>
      %dma_wait3A_61 = tpu.memref_slice %arg3[%mul3A_2] : memref<161792xf32, #tpu.memory_space<hbm>> -> memref<10112xf32, #tpu.memory_space<hbm>>
      tpu.wait_dma2 semaphore(%run_scoped3A : memref<!tpu.dma_semaphore, #tpu.memory_space<semaphore_mem>>) src(%dma_wait3A_61 : memref<10112xf32, #tpu.memory_space<hbm>>) dst(%arg6 : memref<10112xf32, #tpu.memory_space<vmem>>)
      tpu.yield
    }) : () -> ()
    %scan3A = arith.constant 0 : i32
    %scan3A_3 = arith.constant 0 : i32
    %scan3A_4 = arith.constant 640 : i32
    %scan3A_5 = arith.addi %scan3A_3, %scan3A_4 : i32
    %scan3A_6 = arith.constant 1 : i32
    %scan3A_7 = scf.for %scan3A_60 = %scan3A_3 to %scan3A_5 step %scan3A_6 iter_args(%scan3A_61 = %scan3A) -> (i32)  : i32 {
      %broadcast_in_dim3A = arith.constant 0.000000e+00 : f32
      %broadcast_in_dim3A_62 = vector.broadcast %broadcast_in_dim3A : f32 to vector<16xf32>
      %mul3A_63 = arith.constant 16 : i32
      %mul3A_64 = arith.muli %scan3A_60, %mul3A_63 : i32
      %swap3A = arith.index_cast %mul3A_64 : i32 to index
      %swap3A_65 = tpu.vector_load %arg7[%swap3A] {strides = array<i32>} : memref<10240xf32, #tpu.memory_space<vmem>>, vector<16xf32>,
      tpu.vector_store %arg7[%swap3A], %broadcast_in_dim3A_62 {strides = array<i32>} : memref<10240xf32, #tpu.memory_space<vmem>>, vector<16xf32>,
      %scan3A_66 = arith.constant 0 : i32
      scf.yield %scan3A_66 : i32
    }
    %scan3A_8 = arith.constant 640 : i32
    %scan3A_9 = arith.constant 0 : i32
    %scan3A_10 = arith.constant 0 : i32
    %scan3A_11 = arith.constant 632 : i32
    %scan3A_12 = arith.addi %scan3A_10, %scan3A_11 : i32
    %scan3A_13 = arith.constant 1 : i32
    %scan3A_14 = scf.for %scan3A_60 = %scan3A_10 to %scan3A_12 step %scan3A_13 iter_args(%scan3A_61 = %scan3A_9) -> (i32)  : i32 {
      %mul3A_62 = arith.constant 16 : i32
      %mul3A_63 = arith.muli %scan3A_60, %mul3A_62 : i32
      %get3A = arith.index_cast %mul3A_63 : i32 to index
      %get3A_64 = tpu.vector_load %arg5[%get3A] {strides = array<i32>} : memref<10112xi32, #tpu.memory_space<vmem>>, vector<16xi32>,
      %get3A_65 = arith.index_cast %mul3A_63 : i32 to index
      %get3A_66 = tpu.vector_load %arg6[%get3A_65] {strides = array<i32>} : memref<10112xf32, #tpu.memory_space<vmem>>, vector<16xf32>,
      tpu.vector_store_idx %arg7[%get3A_64], %get3A_66 {add = true} : memref<10240xf32, #tpu.memory_space<vmem>>[vector<16xi32>], vector<16xf32>,
      %scan3A_67 = arith.constant 0 : i32
      scf.yield %scan3A_67 : i32
    }
    %scan3A_15 = arith.constant 632 : i32
    %mul3A_16 = arith.constant 10240 : i32
    %mul3A_17 = arith.muli %arg1, %mul3A_16 : i32
    "tpu.region"() ({
      %run_scoped3A = tpu.sem_alloc : memref<!tpu.dma_semaphore, #tpu.memory_space<semaphore_mem>>
      %dma_start3A = tpu.memref_slice %arg10[%mul3A_17] : memref<163840xf32, #tpu.memory_space<vmem_shared>> -> memref<10240xf32, #tpu.memory_space<vmem_shared>>
      %dma_start3A_60 = tpu.memref_slice %arg10[%mul3A_17] : memref<163840xf32, #tpu.memory_space<vmem_shared>> -> memref<10240xf32, #tpu.memory_space<vmem_shared>>
      tpu.enqueue_dma source(%arg7 : memref<10240xf32, #tpu.memory_space<vmem>>) target(%dma_start3A_60 : memref<10240xf32, #tpu.memory_space<vmem_shared>>) target_semaphore(%run_scoped3A : memref<!tpu.dma_semaphore, #tpu.memory_space<semaphore_mem>>)
      %dma_wait3A = tpu.memref_slice %arg10[%mul3A_17] : memref<163840xf32, #tpu.memory_space<vmem_shared>> -> memref<10240xf32, #tpu.memory_space<vmem_shared>>
      %dma_wait3A_61 = tpu.memref_slice %arg10[%mul3A_17] : memref<163840xf32, #tpu.memory_space<vmem_shared>> -> memref<10240xf32, #tpu.memory_space<vmem_shared>>
      tpu.wait_dma2 semaphore(%run_scoped3A : memref<!tpu.dma_semaphore, #tpu.memory_space<semaphore_mem>>) src(%arg7 : memref<10240xf32, #tpu.memory_space<vmem>>) dst(%dma_wait3A_61 : memref<10240xf32, #tpu.memory_space<vmem_shared>>)
      tpu.yield
    }) : () -> ()
    %barrier3A = arith.constant 0 : index
    tpu.barrier barrier_id(%barrier3A)
    %mul3A_18 = arith.constant 640 : i32
    %mul3A_19 = arith.muli %arg1, %mul3A_18 : i32
    %add3A = arith.constant 0 : i32
    %add3A_20 = arith.addi %add3A, %mul3A_19 : i32
    "tpu.region"() ({
      %run_scoped3A = tpu.sem_alloc : memref<!tpu.dma_semaphore, #tpu.memory_space<semaphore_mem>>
      %dma_start3A = arith.constant 0 : i32
      %dma_start3A_60 = tpu.memref_slice %arg8[%dma_start3A] : memref<10240xf32, #tpu.memory_space<vmem>> -> memref<640xf32, #tpu.memory_space<vmem>>
      %dma_start3A_61 = tpu.memref_slice %arg10[%add3A_20] : memref<163840xf32, #tpu.memory_space<vmem_shared>> -> memref<640xf32, #tpu.memory_space<vmem_shared>>
      %dma_start3A_62 = arith.constant 0 : i32
      %dma_start3A_63 = tpu.memref_slice %arg8[%dma_start3A_62] : memref<10240xf32, #tpu.memory_space<vmem>> -> memref<640xf32, #tpu.memory_space<vmem>>
      %dma_start3A_64 = tpu.memref_slice %arg10[%add3A_20] : memref<163840xf32, #tpu.memory_space<vmem_shared>> -> memref<640xf32, #tpu.memory_space<vmem_shared>>
      tpu.enqueue_dma source(%dma_start3A_64 : memref<640xf32, #tpu.memory_space<vmem_shared>>) target(%dma_start3A_63 : memref<640xf32, #tpu.memory_space<vmem>>) target_semaphore(%run_scoped3A : memref<!tpu.dma_semaphore, #tpu.memory_space<semaphore_mem>>)
      %dma_wait3A = arith.constant 0 : i32
      %dma_wait3A_65 = tpu.memref_slice %arg8[%dma_wait3A] : memref<10240xf32, #tpu.memory_space<vmem>> -> memref<640xf32, #tpu.memory_space<vmem>>
      %dma_wait3A_66 = tpu.memref_slice %arg10[%add3A_20] : memref<163840xf32, #tpu.memory_space<vmem_shared>> -> memref<640xf32, #tpu.memory_space<vmem_shared>>
      %dma_wait3A_67 = arith.constant 0 : i32
      %dma_wait3A_68 = tpu.memref_slice %arg8[%dma_wait3A_67] : memref<10240xf32, #tpu.memory_space<vmem>> -> memref<640xf32, #tpu.memory_space<vmem>>
      %dma_wait3A_69 = tpu.memref_slice %arg10[%add3A_20] : memref<163840xf32, #tpu.memory_space<vmem_shared>> -> memref<640xf32, #tpu.memory_space<vmem_shared>>
      tpu.wait_dma2 semaphore(%run_scoped3A : memref<!tpu.dma_semaphore, #tpu.memory_space<semaphore_mem>>) src(%dma_wait3A_69 : memref<640xf32, #tpu.memory_space<vmem_shared>>) dst(%dma_wait3A_68 : memref<640xf32, #tpu.memory_space<vmem>>)
      tpu.yield
    }) : () -> ()
    %add3A_21 = arith.constant 10240 : i32
    %add3A_22 = arith.addi %add3A_21, %mul3A_19 : i32
    "tpu.region"() ({
      %run_scoped3A = tpu.sem_alloc : memref<!tpu.dma_semaphore, #tpu.memory_space<semaphore_mem>>
      %dma_start3A = arith.constant 640 : i32
      %dma_start3A_60 = tpu.memref_slice %arg8[%dma_start3A] : memref<10240xf32, #tpu.memory_space<vmem>> -> memref<640xf32, #tpu.memory_space<vmem>>
      %dma_start3A_61 = tpu.memref_slice %arg10[%add3A_22] : memref<163840xf32, #tpu.memory_space<vmem_shared>> -> memref<640xf32, #tpu.memory_space<vmem_shared>>
      %dma_start3A_62 = arith.constant 640 : i32
      %dma_start3A_63 = tpu.memref_slice %arg8[%dma_start3A_62] : memref<10240xf32, #tpu.memory_space<vmem>> -> memref<640xf32, #tpu.memory_space<vmem>>
      %dma_start3A_64 = tpu.memref_slice %arg10[%add3A_22] : memref<163840xf32, #tpu.memory_space<vmem_shared>> -> memref<640xf32, #tpu.memory_space<vmem_shared>>
      tpu.enqueue_dma source(%dma_start3A_64 : memref<640xf32, #tpu.memory_space<vmem_shared>>) target(%dma_start3A_63 : memref<640xf32, #tpu.memory_space<vmem>>) target_semaphore(%run_scoped3A : memref<!tpu.dma_semaphore, #tpu.memory_space<semaphore_mem>>)
      %dma_wait3A = arith.constant 640 : i32
      %dma_wait3A_65 = tpu.memref_slice %arg8[%dma_wait3A] : memref<10240xf32, #tpu.memory_space<vmem>> -> memref<640xf32, #tpu.memory_space<vmem>>
      %dma_wait3A_66 = tpu.memref_slice %arg10[%add3A_22] : memref<163840xf32, #tpu.memory_space<vmem_shared>> -> memref<640xf32, #tpu.memory_space<vmem_shared>>
      %dma_wait3A_67 = arith.constant 640 : i32
      %dma_wait3A_68 = tpu.memref_slice %arg8[%dma_wait3A_67] : memref<10240xf32, #tpu.memory_space<vmem>> -> memref<640xf32, #tpu.memory_space<vmem>>
      %dma_wait3A_69 = tpu.memref_slice %arg10[%add3A_22] : memref<163840xf32, #tpu.memory_space<vmem_shared>> -> memref<640xf32, #tpu.memory_space<vmem_shared>>
      tpu.wait_dma2 semaphore(%run_scoped3A : memref<!tpu.dma_semaphore, #tpu.memory_space<semaphore_mem>>) src(%dma_wait3A_69 : memref<640xf32, #tpu.memory_space<vmem_shared>>) dst(%dma_wait3A_68 : memref<640xf32, #tpu.memory_space<vmem>>)
      tpu.yield
    }) : () -> ()
    %add3A_23 = arith.constant 20480 : i32
    %add3A_24 = arith.addi %add3A_23, %mul3A_19 : i32
    "tpu.region"() ({
      %run_scoped3A = tpu.sem_alloc : memref<!tpu.dma_semaphore, #tpu.memory_space<semaphore_mem>>
      %dma_start3A = arith.constant 1280 : i32
      %dma_start3A_60 = tpu.memref_slice %arg8[%dma_start3A] : memref<10240xf32, #tpu.memory_space<vmem>> -> memref<640xf32, #tpu.memory_space<vmem>>
      %dma_start3A_61 = tpu.memref_slice %arg10[%add3A_24] : memref<163840xf32, #tpu.memory_space<vmem_shared>> -> memref<640xf32, #tpu.memory_space<vmem_shared>>
      %dma_start3A_62 = arith.constant 1280 : i32
      %dma_start3A_63 = tpu.memref_slice %arg8[%dma_start3A_62] : memref<10240xf32, #tpu.memory_space<vmem>> -> memref<640xf32, #tpu.memory_space<vmem>>
      %dma_start3A_64 = tpu.memref_slice %arg10[%add3A_24] : memref<163840xf32, #tpu.memory_space<vmem_shared>> -> memref<640xf32, #tpu.memory_space<vmem_shared>>
      tpu.enqueue_dma source(%dma_start3A_64 : memref<640xf32, #tpu.memory_space<vmem_shared>>) target(%dma_start3A_63 : memref<640xf32, #tpu.memory_space<vmem>>) target_semaphore(%run_scoped3A : memref<!tpu.dma_semaphore, #tpu.memory_space<semaphore_mem>>)
      %dma_wait3A = arith.constant 1280 : i32
      %dma_wait3A_65 = tpu.memref_slice %arg8[%dma_wait3A] : memref<10240xf32, #tpu.memory_space<vmem>> -> memref<640xf32, #tpu.memory_space<vmem>>
      %dma_wait3A_66 = tpu.memref_slice %arg10[%add3A_24] : memref<163840xf32, #tpu.memory_space<vmem_shared>> -> memref<640xf32, #tpu.memory_space<vmem_shared>>
      %dma_wait3A_67 = arith.constant 1280 : i32
      %dma_wait3A_68 = tpu.memref_slice %arg8[%dma_wait3A_67] : memref<10240xf32, #tpu.memory_space<vmem>> -> memref<640xf32, #tpu.memory_space<vmem>>
      %dma_wait3A_69 = tpu.memref_slice %arg10[%add3A_24] : memref<163840xf32, #tpu.memory_space<vmem_shared>> -> memref<640xf32, #tpu.memory_space<vmem_shared>>
      tpu.wait_dma2 semaphore(%run_scoped3A : memref<!tpu.dma_semaphore, #tpu.memory_space<semaphore_mem>>) src(%dma_wait3A_69 : memref<640xf32, #tpu.memory_space<vmem_shared>>) dst(%dma_wait3A_68 : memref<640xf32, #tpu.memory_space<vmem>>)
      tpu.yield
    }) : () -> ()
    %add3A_25 = arith.constant 30720 : i32
    %add3A_26 = arith.addi %add3A_25, %mul3A_19 : i32
    "tpu.region"() ({
      %run_scoped3A = tpu.sem_alloc : memref<!tpu.dma_semaphore, #tpu.memory_space<semaphore_mem>>
      %dma_start3A = arith.constant 1920 : i32
      %dma_start3A_60 = tpu.memref_slice %arg8[%dma_start3A] : memref<10240xf32, #tpu.memory_space<vmem>> -> memref<640xf32, #tpu.memory_space<vmem>>
      %dma_start3A_61 = tpu.memref_slice %arg10[%add3A_26] : memref<163840xf32, #tpu.memory_space<vmem_shared>> -> memref<640xf32, #tpu.memory_space<vmem_shared>>
      %dma_start3A_62 = arith.constant 1920 : i32
      %dma_start3A_63 = tpu.memref_slice %arg8[%dma_start3A_62] : memref<10240xf32, #tpu.memory_space<vmem>> -> memref<640xf32, #tpu.memory_space<vmem>>
      %dma_start3A_64 = tpu.memref_slice %arg10[%add3A_26] : memref<163840xf32, #tpu.memory_space<vmem_shared>> -> memref<640xf32, #tpu.memory_space<vmem_shared>>
      tpu.enqueue_dma source(%dma_start3A_64 : memref<640xf32, #tpu.memory_space<vmem_shared>>) target(%dma_start3A_63 : memref<640xf32, #tpu.memory_space<vmem>>) target_semaphore(%run_scoped3A : memref<!tpu.dma_semaphore, #tpu.memory_space<semaphore_mem>>)
      %dma_wait3A = arith.constant 1920 : i32
      %dma_wait3A_65 = tpu.memref_slice %arg8[%dma_wait3A] : memref<10240xf32, #tpu.memory_space<vmem>> -> memref<640xf32, #tpu.memory_space<vmem>>
      %dma_wait3A_66 = tpu.memref_slice %arg10[%add3A_26] : memref<163840xf32, #tpu.memory_space<vmem_shared>> -> memref<640xf32, #tpu.memory_space<vmem_shared>>
      %dma_wait3A_67 = arith.constant 1920 : i32
      %dma_wait3A_68 = tpu.memref_slice %arg8[%dma_wait3A_67] : memref<10240xf32, #tpu.memory_space<vmem>> -> memref<640xf32, #tpu.memory_space<vmem>>
      %dma_wait3A_69 = tpu.memref_slice %arg10[%add3A_26] : memref<163840xf32, #tpu.memory_space<vmem_shared>> -> memref<640xf32, #tpu.memory_space<vmem_shared>>
      tpu.wait_dma2 semaphore(%run_scoped3A : memref<!tpu.dma_semaphore, #tpu.memory_space<semaphore_mem>>) src(%dma_wait3A_69 : memref<640xf32, #tpu.memory_space<vmem_shared>>) dst(%dma_wait3A_68 : memref<640xf32, #tpu.memory_space<vmem>>)
      tpu.yield
    }) : () -> ()
    %add3A_27 = arith.constant 40960 : i32
    %add3A_28 = arith.addi %add3A_27, %mul3A_19 : i32
    "tpu.region"() ({
      %run_scoped3A = tpu.sem_alloc : memref<!tpu.dma_semaphore, #tpu.memory_space<semaphore_mem>>
      %dma_start3A = arith.constant 2560 : i32
      %dma_start3A_60 = tpu.memref_slice %arg8[%dma_start3A] : memref<10240xf32, #tpu.memory_space<vmem>> -> memref<640xf32, #tpu.memory_space<vmem>>
      %dma_start3A_61 = tpu.memref_slice %arg10[%add3A_28] : memref<163840xf32, #tpu.memory_space<vmem_shared>> -> memref<640xf32, #tpu.memory_space<vmem_shared>>
      %dma_start3A_62 = arith.constant 2560 : i32
      %dma_start3A_63 = tpu.memref_slice %arg8[%dma_start3A_62] : memref<10240xf32, #tpu.memory_space<vmem>> -> memref<640xf32, #tpu.memory_space<vmem>>
      %dma_start3A_64 = tpu.memref_slice %arg10[%add3A_28] : memref<163840xf32, #tpu.memory_space<vmem_shared>> -> memref<640xf32, #tpu.memory_space<vmem_shared>>
      tpu.enqueue_dma source(%dma_start3A_64 : memref<640xf32, #tpu.memory_space<vmem_shared>>) target(%dma_start3A_63 : memref<640xf32, #tpu.memory_space<vmem>>) target_semaphore(%run_scoped3A : memref<!tpu.dma_semaphore, #tpu.memory_space<semaphore_mem>>)
      %dma_wait3A = arith.constant 2560 : i32
      %dma_wait3A_65 = tpu.memref_slice %arg8[%dma_wait3A] : memref<10240xf32, #tpu.memory_space<vmem>> -> memref<640xf32, #tpu.memory_space<vmem>>
      %dma_wait3A_66 = tpu.memref_slice %arg10[%add3A_28] : memref<163840xf32, #tpu.memory_space<vmem_shared>> -> memref<640xf32, #tpu.memory_space<vmem_shared>>
      %dma_wait3A_67 = arith.constant 2560 : i32
      %dma_wait3A_68 = tpu.memref_slice %arg8[%dma_wait3A_67] : memref<10240xf32, #tpu.memory_space<vmem>> -> memref<640xf32, #tpu.memory_space<vmem>>
      %dma_wait3A_69 = tpu.memref_slice %arg10[%add3A_28] : memref<163840xf32, #tpu.memory_space<vmem_shared>> -> memref<640xf32, #tpu.memory_space<vmem_shared>>
      tpu.wait_dma2 semaphore(%run_scoped3A : memref<!tpu.dma_semaphore, #tpu.memory_space<semaphore_mem>>) src(%dma_wait3A_69 : memref<640xf32, #tpu.memory_space<vmem_shared>>) dst(%dma_wait3A_68 : memref<640xf32, #tpu.memory_space<vmem>>)
      tpu.yield
    }) : () -> ()
    %add3A_29 = arith.constant 51200 : i32
    %add3A_30 = arith.addi %add3A_29, %mul3A_19 : i32
    "tpu.region"() ({
      %run_scoped3A = tpu.sem_alloc : memref<!tpu.dma_semaphore, #tpu.memory_space<semaphore_mem>>
      %dma_start3A = arith.constant 3200 : i32
      %dma_start3A_60 = tpu.memref_slice %arg8[%dma_start3A] : memref<10240xf32, #tpu.memory_space<vmem>> -> memref<640xf32, #tpu.memory_space<vmem>>
      %dma_start3A_61 = tpu.memref_slice %arg10[%add3A_30] : memref<163840xf32, #tpu.memory_space<vmem_shared>> -> memref<640xf32, #tpu.memory_space<vmem_shared>>
      %dma_start3A_62 = arith.constant 3200 : i32
      %dma_start3A_63 = tpu.memref_slice %arg8[%dma_start3A_62] : memref<10240xf32, #tpu.memory_space<vmem>> -> memref<640xf32, #tpu.memory_space<vmem>>
      %dma_start3A_64 = tpu.memref_slice %arg10[%add3A_30] : memref<163840xf32, #tpu.memory_space<vmem_shared>> -> memref<640xf32, #tpu.memory_space<vmem_shared>>
      tpu.enqueue_dma source(%dma_start3A_64 : memref<640xf32, #tpu.memory_space<vmem_shared>>) target(%dma_start3A_63 : memref<640xf32, #tpu.memory_space<vmem>>) target_semaphore(%run_scoped3A : memref<!tpu.dma_semaphore, #tpu.memory_space<semaphore_mem>>)
      %dma_wait3A = arith.constant 3200 : i32
      %dma_wait3A_65 = tpu.memref_slice %arg8[%dma_wait3A] : memref<10240xf32, #tpu.memory_space<vmem>> -> memref<640xf32, #tpu.memory_space<vmem>>
      %dma_wait3A_66 = tpu.memref_slice %arg10[%add3A_30] : memref<163840xf32, #tpu.memory_space<vmem_shared>> -> memref<640xf32, #tpu.memory_space<vmem_shared>>
      %dma_wait3A_67 = arith.constant 3200 : i32
      %dma_wait3A_68 = tpu.memref_slice %arg8[%dma_wait3A_67] : memref<10240xf32, #tpu.memory_space<vmem>> -> memref<640xf32, #tpu.memory_space<vmem>>
      %dma_wait3A_69 = tpu.memref_slice %arg10[%add3A_30] : memref<163840xf32, #tpu.memory_space<vmem_shared>> -> memref<640xf32, #tpu.memory_space<vmem_shared>>
      tpu.wait_dma2 semaphore(%run_scoped3A : memref<!tpu.dma_semaphore, #tpu.memory_space<semaphore_mem>>) src(%dma_wait3A_69 : memref<640xf32, #tpu.memory_space<vmem_shared>>) dst(%dma_wait3A_68 : memref<640xf32, #tpu.memory_space<vmem>>)
      tpu.yield
    }) : () -> ()
    %add3A_31 = arith.constant 61440 : i32
    %add3A_32 = arith.addi %add3A_31, %mul3A_19 : i32
    "tpu.region"() ({
      %run_scoped3A = tpu.sem_alloc : memref<!tpu.dma_semaphore, #tpu.memory_space<semaphore_mem>>
      %dma_start3A = arith.constant 3840 : i32
      %dma_start3A_60 = tpu.memref_slice %arg8[%dma_start3A] : memref<10240xf32, #tpu.memory_space<vmem>> -> memref<640xf32, #tpu.memory_space<vmem>>
      %dma_start3A_61 = tpu.memref_slice %arg10[%add3A_32] : memref<163840xf32, #tpu.memory_space<vmem_shared>> -> memref<640xf32, #tpu.memory_space<vmem_shared>>
      %dma_start3A_62 = arith.constant 3840 : i32
      %dma_start3A_63 = tpu.memref_slice %arg8[%dma_start3A_62] : memref<10240xf32, #tpu.memory_space<vmem>> -> memref<640xf32, #tpu.memory_space<vmem>>
      %dma_start3A_64 = tpu.memref_slice %arg10[%add3A_32] : memref<163840xf32, #tpu.memory_space<vmem_shared>> -> memref<640xf32, #tpu.memory_space<vmem_shared>>
      tpu.enqueue_dma source(%dma_start3A_64 : memref<640xf32, #tpu.memory_space<vmem_shared>>) target(%dma_start3A_63 : memref<640xf32, #tpu.memory_space<vmem>>) target_semaphore(%run_scoped3A : memref<!tpu.dma_semaphore, #tpu.memory_space<semaphore_mem>>)
      %dma_wait3A = arith.constant 3840 : i32
      %dma_wait3A_65 = tpu.memref_slice %arg8[%dma_wait3A] : memref<10240xf32, #tpu.memory_space<vmem>> -> memref<640xf32, #tpu.memory_space<vmem>>
      %dma_wait3A_66 = tpu.memref_slice %arg10[%add3A_32] : memref<163840xf32, #tpu.memory_space<vmem_shared>> -> memref<640xf32, #tpu.memory_space<vmem_shared>>
      %dma_wait3A_67 = arith.constant 3840 : i32
      %dma_wait3A_68 = tpu.memref_slice %arg8[%dma_wait3A_67] : memref<10240xf32, #tpu.memory_space<vmem>> -> memref<640xf32, #tpu.memory_space<vmem>>
      %dma_wait3A_69 = tpu.memref_slice %arg10[%add3A_32] : memref<163840xf32, #tpu.memory_space<vmem_shared>> -> memref<640xf32, #tpu.memory_space<vmem_shared>>
      tpu.wait_dma2 semaphore(%run_scoped3A : memref<!tpu.dma_semaphore, #tpu.memory_space<semaphore_mem>>) src(%dma_wait3A_69 : memref<640xf32, #tpu.memory_space<vmem_shared>>) dst(%dma_wait3A_68 : memref<640xf32, #tpu.memory_space<vmem>>)
      tpu.yield
    }) : () -> ()
    %add3A_33 = arith.constant 71680 : i32
    %add3A_34 = arith.addi %add3A_33, %mul3A_19 : i32
    "tpu.region"() ({
      %run_scoped3A = tpu.sem_alloc : memref<!tpu.dma_semaphore, #tpu.memory_space<semaphore_mem>>
      %dma_start3A = arith.constant 4480 : i32
      %dma_start3A_60 = tpu.memref_slice %arg8[%dma_start3A] : memref<10240xf32, #tpu.memory_space<vmem>> -> memref<640xf32, #tpu.memory_space<vmem>>
      %dma_start3A_61 = tpu.memref_slice %arg10[%add3A_34] : memref<163840xf32, #tpu.memory_space<vmem_shared>> -> memref<640xf32, #tpu.memory_space<vmem_shared>>
      %dma_start3A_62 = arith.constant 4480 : i32
      %dma_start3A_63 = tpu.memref_slice %arg8[%dma_start3A_62] : memref<10240xf32, #tpu.memory_space<vmem>> -> memref<640xf32, #tpu.memory_space<vmem>>
      %dma_start3A_64 = tpu.memref_slice %arg10[%add3A_34] : memref<163840xf32, #tpu.memory_space<vmem_shared>> -> memref<640xf32, #tpu.memory_space<vmem_shared>>
      tpu.enqueue_dma source(%dma_start3A_64 : memref<640xf32, #tpu.memory_space<vmem_shared>>) target(%dma_start3A_63 : memref<640xf32, #tpu.memory_space<vmem>>) target_semaphore(%run_scoped3A : memref<!tpu.dma_semaphore, #tpu.memory_space<semaphore_mem>>)
      %dma_wait3A = arith.constant 4480 : i32
      %dma_wait3A_65 = tpu.memref_slice %arg8[%dma_wait3A] : memref<10240xf32, #tpu.memory_space<vmem>> -> memref<640xf32, #tpu.memory_space<vmem>>
      %dma_wait3A_66 = tpu.memref_slice %arg10[%add3A_34] : memref<163840xf32, #tpu.memory_space<vmem_shared>> -> memref<640xf32, #tpu.memory_space<vmem_shared>>
      %dma_wait3A_67 = arith.constant 4480 : i32
      %dma_wait3A_68 = tpu.memref_slice %arg8[%dma_wait3A_67] : memref<10240xf32, #tpu.memory_space<vmem>> -> memref<640xf32, #tpu.memory_space<vmem>>
      %dma_wait3A_69 = tpu.memref_slice %arg10[%add3A_34] : memref<163840xf32, #tpu.memory_space<vmem_shared>> -> memref<640xf32, #tpu.memory_space<vmem_shared>>
      tpu.wait_dma2 semaphore(%run_scoped3A : memref<!tpu.dma_semaphore, #tpu.memory_space<semaphore_mem>>) src(%dma_wait3A_69 : memref<640xf32, #tpu.memory_space<vmem_shared>>) dst(%dma_wait3A_68 : memref<640xf32, #tpu.memory_space<vmem>>)
      tpu.yield
    }) : () -> ()
    %add3A_35 = arith.constant 81920 : i32
    %add3A_36 = arith.addi %add3A_35, %mul3A_19 : i32
    "tpu.region"() ({
      %run_scoped3A = tpu.sem_alloc : memref<!tpu.dma_semaphore, #tpu.memory_space<semaphore_mem>>
      %dma_start3A = arith.constant 5120 : i32
      %dma_start3A_60 = tpu.memref_slice %arg8[%dma_start3A] : memref<10240xf32, #tpu.memory_space<vmem>> -> memref<640xf32, #tpu.memory_space<vmem>>
      %dma_start3A_61 = tpu.memref_slice %arg10[%add3A_36] : memref<163840xf32, #tpu.memory_space<vmem_shared>> -> memref<640xf32, #tpu.memory_space<vmem_shared>>
      %dma_start3A_62 = arith.constant 5120 : i32
      %dma_start3A_63 = tpu.memref_slice %arg8[%dma_start3A_62] : memref<10240xf32, #tpu.memory_space<vmem>> -> memref<640xf32, #tpu.memory_space<vmem>>
      %dma_start3A_64 = tpu.memref_slice %arg10[%add3A_36] : memref<163840xf32, #tpu.memory_space<vmem_shared>> -> memref<640xf32, #tpu.memory_space<vmem_shared>>
      tpu.enqueue_dma source(%dma_start3A_64 : memref<640xf32, #tpu.memory_space<vmem_shared>>) target(%dma_start3A_63 : memref<640xf32, #tpu.memory_space<vmem>>) target_semaphore(%run_scoped3A : memref<!tpu.dma_semaphore, #tpu.memory_space<semaphore_mem>>)
      %dma_wait3A = arith.constant 5120 : i32
      %dma_wait3A_65 = tpu.memref_slice %arg8[%dma_wait3A] : memref<10240xf32, #tpu.memory_space<vmem>> -> memref<640xf32, #tpu.memory_space<vmem>>
      %dma_wait3A_66 = tpu.memref_slice %arg10[%add3A_36] : memref<163840xf32, #tpu.memory_space<vmem_shared>> -> memref<640xf32, #tpu.memory_space<vmem_shared>>
      %dma_wait3A_67 = arith.constant 5120 : i32
      %dma_wait3A_68 = tpu.memref_slice %arg8[%dma_wait3A_67] : memref<10240xf32, #tpu.memory_space<vmem>> -> memref<640xf32, #tpu.memory_space<vmem>>
      %dma_wait3A_69 = tpu.memref_slice %arg10[%add3A_36] : memref<163840xf32, #tpu.memory_space<vmem_shared>> -> memref<640xf32, #tpu.memory_space<vmem_shared>>
      tpu.wait_dma2 semaphore(%run_scoped3A : memref<!tpu.dma_semaphore, #tpu.memory_space<semaphore_mem>>) src(%dma_wait3A_69 : memref<640xf32, #tpu.memory_space<vmem_shared>>) dst(%dma_wait3A_68 : memref<640xf32, #tpu.memory_space<vmem>>)
      tpu.yield
    }) : () -> ()
    %add3A_37 = arith.constant 92160 : i32
    %add3A_38 = arith.addi %add3A_37, %mul3A_19 : i32
    "tpu.region"() ({
      %run_scoped3A = tpu.sem_alloc : memref<!tpu.dma_semaphore, #tpu.memory_space<semaphore_mem>>
      %dma_start3A = arith.constant 5760 : i32
      %dma_start3A_60 = tpu.memref_slice %arg8[%dma_start3A] : memref<10240xf32, #tpu.memory_space<vmem>> -> memref<640xf32, #tpu.memory_space<vmem>>
      %dma_start3A_61 = tpu.memref_slice %arg10[%add3A_38] : memref<163840xf32, #tpu.memory_space<vmem_shared>> -> memref<640xf32, #tpu.memory_space<vmem_shared>>
      %dma_start3A_62 = arith.constant 5760 : i32
      %dma_start3A_63 = tpu.memref_slice %arg8[%dma_start3A_62] : memref<10240xf32, #tpu.memory_space<vmem>> -> memref<640xf32, #tpu.memory_space<vmem>>
      %dma_start3A_64 = tpu.memref_slice %arg10[%add3A_38] : memref<163840xf32, #tpu.memory_space<vmem_shared>> -> memref<640xf32, #tpu.memory_space<vmem_shared>>
      tpu.enqueue_dma source(%dma_start3A_64 : memref<640xf32, #tpu.memory_space<vmem_shared>>) target(%dma_start3A_63 : memref<640xf32, #tpu.memory_space<vmem>>) target_semaphore(%run_scoped3A : memref<!tpu.dma_semaphore, #tpu.memory_space<semaphore_mem>>)
      %dma_wait3A = arith.constant 5760 : i32
      %dma_wait3A_65 = tpu.memref_slice %arg8[%dma_wait3A] : memref<10240xf32, #tpu.memory_space<vmem>> -> memref<640xf32, #tpu.memory_space<vmem>>
      %dma_wait3A_66 = tpu.memref_slice %arg10[%add3A_38] : memref<163840xf32, #tpu.memory_space<vmem_shared>> -> memref<640xf32, #tpu.memory_space<vmem_shared>>
      %dma_wait3A_67 = arith.constant 5760 : i32
      %dma_wait3A_68 = tpu.memref_slice %arg8[%dma_wait3A_67] : memref<10240xf32, #tpu.memory_space<vmem>> -> memref<640xf32, #tpu.memory_space<vmem>>
      %dma_wait3A_69 = tpu.memref_slice %arg10[%add3A_38] : memref<163840xf32, #tpu.memory_space<vmem_shared>> -> memref<640xf32, #tpu.memory_space<vmem_shared>>
      tpu.wait_dma2 semaphore(%run_scoped3A : memref<!tpu.dma_semaphore, #tpu.memory_space<semaphore_mem>>) src(%dma_wait3A_69 : memref<640xf32, #tpu.memory_space<vmem_shared>>) dst(%dma_wait3A_68 : memref<640xf32, #tpu.memory_space<vmem>>)
      tpu.yield
    }) : () -> ()
    %add3A_39 = arith.constant 102400 : i32
    %add3A_40 = arith.addi %add3A_39, %mul3A_19 : i32
    "tpu.region"() ({
      %run_scoped3A = tpu.sem_alloc : memref<!tpu.dma_semaphore, #tpu.memory_space<semaphore_mem>>
      %dma_start3A = arith.constant 6400 : i32
      %dma_start3A_60 = tpu.memref_slice %arg8[%dma_start3A] : memref<10240xf32, #tpu.memory_space<vmem>> -> memref<640xf32, #tpu.memory_space<vmem>>
      %dma_start3A_61 = tpu.memref_slice %arg10[%add3A_40] : memref<163840xf32, #tpu.memory_space<vmem_shared>> -> memref<640xf32, #tpu.memory_space<vmem_shared>>
      %dma_start3A_62 = arith.constant 6400 : i32
      %dma_start3A_63 = tpu.memref_slice %arg8[%dma_start3A_62] : memref<10240xf32, #tpu.memory_space<vmem>> -> memref<640xf32, #tpu.memory_space<vmem>>
      %dma_start3A_64 = tpu.memref_slice %arg10[%add3A_40] : memref<163840xf32, #tpu.memory_space<vmem_shared>> -> memref<640xf32, #tpu.memory_space<vmem_shared>>
      tpu.enqueue_dma source(%dma_start3A_64 : memref<640xf32, #tpu.memory_space<vmem_shared>>) target(%dma_start3A_63 : memref<640xf32, #tpu.memory_space<vmem>>) target_semaphore(%run_scoped3A : memref<!tpu.dma_semaphore, #tpu.memory_space<semaphore_mem>>)
      %dma_wait3A = arith.constant 6400 : i32
      %dma_wait3A_65 = tpu.memref_slice %arg8[%dma_wait3A] : memref<10240xf32, #tpu.memory_space<vmem>> -> memref<640xf32, #tpu.memory_space<vmem>>
      %dma_wait3A_66 = tpu.memref_slice %arg10[%add3A_40] : memref<163840xf32, #tpu.memory_space<vmem_shared>> -> memref<640xf32, #tpu.memory_space<vmem_shared>>
      %dma_wait3A_67 = arith.constant 6400 : i32
      %dma_wait3A_68 = tpu.memref_slice %arg8[%dma_wait3A_67] : memref<10240xf32, #tpu.memory_space<vmem>> -> memref<640xf32, #tpu.memory_space<vmem>>
      %dma_wait3A_69 = tpu.memref_slice %arg10[%add3A_40] : memref<163840xf32, #tpu.memory_space<vmem_shared>> -> memref<640xf32, #tpu.memory_space<vmem_shared>>
      tpu.wait_dma2 semaphore(%run_scoped3A : memref<!tpu.dma_semaphore, #tpu.memory_space<semaphore_mem>>) src(%dma_wait3A_69 : memref<640xf32, #tpu.memory_space<vmem_shared>>) dst(%dma_wait3A_68 : memref<640xf32, #tpu.memory_space<vmem>>)
      tpu.yield
    }) : () -> ()
    %add3A_41 = arith.constant 112640 : i32
    %add3A_42 = arith.addi %add3A_41, %mul3A_19 : i32
    "tpu.region"() ({
      %run_scoped3A = tpu.sem_alloc : memref<!tpu.dma_semaphore, #tpu.memory_space<semaphore_mem>>
      %dma_start3A = arith.constant 7040 : i32
      %dma_start3A_60 = tpu.memref_slice %arg8[%dma_start3A] : memref<10240xf32, #tpu.memory_space<vmem>> -> memref<640xf32, #tpu.memory_space<vmem>>
      %dma_start3A_61 = tpu.memref_slice %arg10[%add3A_42] : memref<163840xf32, #tpu.memory_space<vmem_shared>> -> memref<640xf32, #tpu.memory_space<vmem_shared>>
      %dma_start3A_62 = arith.constant 7040 : i32
      %dma_start3A_63 = tpu.memref_slice %arg8[%dma_start3A_62] : memref<10240xf32, #tpu.memory_space<vmem>> -> memref<640xf32, #tpu.memory_space<vmem>>
      %dma_start3A_64 = tpu.memref_slice %arg10[%add3A_42] : memref<163840xf32, #tpu.memory_space<vmem_shared>> -> memref<640xf32, #tpu.memory_space<vmem_shared>>
      tpu.enqueue_dma source(%dma_start3A_64 : memref<640xf32, #tpu.memory_space<vmem_shared>>) target(%dma_start3A_63 : memref<640xf32, #tpu.memory_space<vmem>>) target_semaphore(%run_scoped3A : memref<!tpu.dma_semaphore, #tpu.memory_space<semaphore_mem>>)
      %dma_wait3A = arith.constant 7040 : i32
      %dma_wait3A_65 = tpu.memref_slice %arg8[%dma_wait3A] : memref<10240xf32, #tpu.memory_space<vmem>> -> memref<640xf32, #tpu.memory_space<vmem>>
      %dma_wait3A_66 = tpu.memref_slice %arg10[%add3A_42] : memref<163840xf32, #tpu.memory_space<vmem_shared>> -> memref<640xf32, #tpu.memory_space<vmem_shared>>
      %dma_wait3A_67 = arith.constant 7040 : i32
      %dma_wait3A_68 = tpu.memref_slice %arg8[%dma_wait3A_67] : memref<10240xf32, #tpu.memory_space<vmem>> -> memref<640xf32, #tpu.memory_space<vmem>>
      %dma_wait3A_69 = tpu.memref_slice %arg10[%add3A_42] : memref<163840xf32, #tpu.memory_space<vmem_shared>> -> memref<640xf32, #tpu.memory_space<vmem_shared>>
      tpu.wait_dma2 semaphore(%run_scoped3A : memref<!tpu.dma_semaphore, #tpu.memory_space<semaphore_mem>>) src(%dma_wait3A_69 : memref<640xf32, #tpu.memory_space<vmem_shared>>) dst(%dma_wait3A_68 : memref<640xf32, #tpu.memory_space<vmem>>)
      tpu.yield
    }) : () -> ()
    %add3A_43 = arith.constant 122880 : i32
    %add3A_44 = arith.addi %add3A_43, %mul3A_19 : i32
    "tpu.region"() ({
      %run_scoped3A = tpu.sem_alloc : memref<!tpu.dma_semaphore, #tpu.memory_space<semaphore_mem>>
      %dma_start3A = arith.constant 7680 : i32
      %dma_start3A_60 = tpu.memref_slice %arg8[%dma_start3A] : memref<10240xf32, #tpu.memory_space<vmem>> -> memref<640xf32, #tpu.memory_space<vmem>>
      %dma_start3A_61 = tpu.memref_slice %arg10[%add3A_44] : memref<163840xf32, #tpu.memory_space<vmem_shared>> -> memref<640xf32, #tpu.memory_space<vmem_shared>>
      %dma_start3A_62 = arith.constant 7680 : i32
      %dma_start3A_63 = tpu.memref_slice %arg8[%dma_start3A_62] : memref<10240xf32, #tpu.memory_space<vmem>> -> memref<640xf32, #tpu.memory_space<vmem>>
      %dma_start3A_64 = tpu.memref_slice %arg10[%add3A_44] : memref<163840xf32, #tpu.memory_space<vmem_shared>> -> memref<640xf32, #tpu.memory_space<vmem_shared>>
      tpu.enqueue_dma source(%dma_start3A_64 : memref<640xf32, #tpu.memory_space<vmem_shared>>) target(%dma_start3A_63 : memref<640xf32, #tpu.memory_space<vmem>>) target_semaphore(%run_scoped3A : memref<!tpu.dma_semaphore, #tpu.memory_space<semaphore_mem>>)
      %dma_wait3A = arith.constant 7680 : i32
      %dma_wait3A_65 = tpu.memref_slice %arg8[%dma_wait3A] : memref<10240xf32, #tpu.memory_space<vmem>> -> memref<640xf32, #tpu.memory_space<vmem>>
      %dma_wait3A_66 = tpu.memref_slice %arg10[%add3A_44] : memref<163840xf32, #tpu.memory_space<vmem_shared>> -> memref<640xf32, #tpu.memory_space<vmem_shared>>
      %dma_wait3A_67 = arith.constant 7680 : i32
      %dma_wait3A_68 = tpu.memref_slice %arg8[%dma_wait3A_67] : memref<10240xf32, #tpu.memory_space<vmem>> -> memref<640xf32, #tpu.memory_space<vmem>>
      %dma_wait3A_69 = tpu.memref_slice %arg10[%add3A_44] : memref<163840xf32, #tpu.memory_space<vmem_shared>> -> memref<640xf32, #tpu.memory_space<vmem_shared>>
      tpu.wait_dma2 semaphore(%run_scoped3A : memref<!tpu.dma_semaphore, #tpu.memory_space<semaphore_mem>>) src(%dma_wait3A_69 : memref<640xf32, #tpu.memory_space<vmem_shared>>) dst(%dma_wait3A_68 : memref<640xf32, #tpu.memory_space<vmem>>)
      tpu.yield
    }) : () -> ()
    %add3A_45 = arith.constant 133120 : i32
    %add3A_46 = arith.addi %add3A_45, %mul3A_19 : i32
    "tpu.region"() ({
      %run_scoped3A = tpu.sem_alloc : memref<!tpu.dma_semaphore, #tpu.memory_space<semaphore_mem>>
      %dma_start3A = arith.constant 8320 : i32
      %dma_start3A_60 = tpu.memref_slice %arg8[%dma_start3A] : memref<10240xf32, #tpu.memory_space<vmem>> -> memref<640xf32, #tpu.memory_space<vmem>>
      %dma_start3A_61 = tpu.memref_slice %arg10[%add3A_46] : memref<163840xf32, #tpu.memory_space<vmem_shared>> -> memref<640xf32, #tpu.memory_space<vmem_shared>>
      %dma_start3A_62 = arith.constant 8320 : i32
      %dma_start3A_63 = tpu.memref_slice %arg8[%dma_start3A_62] : memref<10240xf32, #tpu.memory_space<vmem>> -> memref<640xf32, #tpu.memory_space<vmem>>
      %dma_start3A_64 = tpu.memref_slice %arg10[%add3A_46] : memref<163840xf32, #tpu.memory_space<vmem_shared>> -> memref<640xf32, #tpu.memory_space<vmem_shared>>
      tpu.enqueue_dma source(%dma_start3A_64 : memref<640xf32, #tpu.memory_space<vmem_shared>>) target(%dma_start3A_63 : memref<640xf32, #tpu.memory_space<vmem>>) target_semaphore(%run_scoped3A : memref<!tpu.dma_semaphore, #tpu.memory_space<semaphore_mem>>)
      %dma_wait3A = arith.constant 8320 : i32
      %dma_wait3A_65 = tpu.memref_slice %arg8[%dma_wait3A] : memref<10240xf32, #tpu.memory_space<vmem>> -> memref<640xf32, #tpu.memory_space<vmem>>
      %dma_wait3A_66 = tpu.memref_slice %arg10[%add3A_46] : memref<163840xf32, #tpu.memory_space<vmem_shared>> -> memref<640xf32, #tpu.memory_space<vmem_shared>>
      %dma_wait3A_67 = arith.constant 8320 : i32
      %dma_wait3A_68 = tpu.memref_slice %arg8[%dma_wait3A_67] : memref<10240xf32, #tpu.memory_space<vmem>> -> memref<640xf32, #tpu.memory_space<vmem>>
      %dma_wait3A_69 = tpu.memref_slice %arg10[%add3A_46] : memref<163840xf32, #tpu.memory_space<vmem_shared>> -> memref<640xf32, #tpu.memory_space<vmem_shared>>
      tpu.wait_dma2 semaphore(%run_scoped3A : memref<!tpu.dma_semaphore, #tpu.memory_space<semaphore_mem>>) src(%dma_wait3A_69 : memref<640xf32, #tpu.memory_space<vmem_shared>>) dst(%dma_wait3A_68 : memref<640xf32, #tpu.memory_space<vmem>>)
      tpu.yield
    }) : () -> ()
    %add3A_47 = arith.constant 143360 : i32
    %add3A_48 = arith.addi %add3A_47, %mul3A_19 : i32
    "tpu.region"() ({
      %run_scoped3A = tpu.sem_alloc : memref<!tpu.dma_semaphore, #tpu.memory_space<semaphore_mem>>
      %dma_start3A = arith.constant 8960 : i32
      %dma_start3A_60 = tpu.memref_slice %arg8[%dma_start3A] : memref<10240xf32, #tpu.memory_space<vmem>> -> memref<640xf32, #tpu.memory_space<vmem>>
      %dma_start3A_61 = tpu.memref_slice %arg10[%add3A_48] : memref<163840xf32, #tpu.memory_space<vmem_shared>> -> memref<640xf32, #tpu.memory_space<vmem_shared>>
      %dma_start3A_62 = arith.constant 8960 : i32
      %dma_start3A_63 = tpu.memref_slice %arg8[%dma_start3A_62] : memref<10240xf32, #tpu.memory_space<vmem>> -> memref<640xf32, #tpu.memory_space<vmem>>
      %dma_start3A_64 = tpu.memref_slice %arg10[%add3A_48] : memref<163840xf32, #tpu.memory_space<vmem_shared>> -> memref<640xf32, #tpu.memory_space<vmem_shared>>
      tpu.enqueue_dma source(%dma_start3A_64 : memref<640xf32, #tpu.memory_space<vmem_shared>>) target(%dma_start3A_63 : memref<640xf32, #tpu.memory_space<vmem>>) target_semaphore(%run_scoped3A : memref<!tpu.dma_semaphore, #tpu.memory_space<semaphore_mem>>)
      %dma_wait3A = arith.constant 8960 : i32
      %dma_wait3A_65 = tpu.memref_slice %arg8[%dma_wait3A] : memref<10240xf32, #tpu.memory_space<vmem>> -> memref<640xf32, #tpu.memory_space<vmem>>
      %dma_wait3A_66 = tpu.memref_slice %arg10[%add3A_48] : memref<163840xf32, #tpu.memory_space<vmem_shared>> -> memref<640xf32, #tpu.memory_space<vmem_shared>>
      %dma_wait3A_67 = arith.constant 8960 : i32
      %dma_wait3A_68 = tpu.memref_slice %arg8[%dma_wait3A_67] : memref<10240xf32, #tpu.memory_space<vmem>> -> memref<640xf32, #tpu.memory_space<vmem>>
      %dma_wait3A_69 = tpu.memref_slice %arg10[%add3A_48] : memref<163840xf32, #tpu.memory_space<vmem_shared>> -> memref<640xf32, #tpu.memory_space<vmem_shared>>
      tpu.wait_dma2 semaphore(%run_scoped3A : memref<!tpu.dma_semaphore, #tpu.memory_space<semaphore_mem>>) src(%dma_wait3A_69 : memref<640xf32, #tpu.memory_space<vmem_shared>>) dst(%dma_wait3A_68 : memref<640xf32, #tpu.memory_space<vmem>>)
      tpu.yield
    }) : () -> ()
    %add3A_49 = arith.constant 153600 : i32
    %add3A_50 = arith.addi %add3A_49, %mul3A_19 : i32
    "tpu.region"() ({
      %run_scoped3A = tpu.sem_alloc : memref<!tpu.dma_semaphore, #tpu.memory_space<semaphore_mem>>
      %dma_start3A = arith.constant 9600 : i32
      %dma_start3A_60 = tpu.memref_slice %arg8[%dma_start3A] : memref<10240xf32, #tpu.memory_space<vmem>> -> memref<640xf32, #tpu.memory_space<vmem>>
      %dma_start3A_61 = tpu.memref_slice %arg10[%add3A_50] : memref<163840xf32, #tpu.memory_space<vmem_shared>> -> memref<640xf32, #tpu.memory_space<vmem_shared>>
      %dma_start3A_62 = arith.constant 9600 : i32
      %dma_start3A_63 = tpu.memref_slice %arg8[%dma_start3A_62] : memref<10240xf32, #tpu.memory_space<vmem>> -> memref<640xf32, #tpu.memory_space<vmem>>
      %dma_start3A_64 = tpu.memref_slice %arg10[%add3A_50] : memref<163840xf32, #tpu.memory_space<vmem_shared>> -> memref<640xf32, #tpu.memory_space<vmem_shared>>
      tpu.enqueue_dma source(%dma_start3A_64 : memref<640xf32, #tpu.memory_space<vmem_shared>>) target(%dma_start3A_63 : memref<640xf32, #tpu.memory_space<vmem>>) target_semaphore(%run_scoped3A : memref<!tpu.dma_semaphore, #tpu.memory_space<semaphore_mem>>)
      %dma_wait3A = arith.constant 9600 : i32
      %dma_wait3A_65 = tpu.memref_slice %arg8[%dma_wait3A] : memref<10240xf32, #tpu.memory_space<vmem>> -> memref<640xf32, #tpu.memory_space<vmem>>
      %dma_wait3A_66 = tpu.memref_slice %arg10[%add3A_50] : memref<163840xf32, #tpu.memory_space<vmem_shared>> -> memref<640xf32, #tpu.memory_space<vmem_shared>>
      %dma_wait3A_67 = arith.constant 9600 : i32
      %dma_wait3A_68 = tpu.memref_slice %arg8[%dma_wait3A_67] : memref<10240xf32, #tpu.memory_space<vmem>> -> memref<640xf32, #tpu.memory_space<vmem>>
      %dma_wait3A_69 = tpu.memref_slice %arg10[%add3A_50] : memref<163840xf32, #tpu.memory_space<vmem_shared>> -> memref<640xf32, #tpu.memory_space<vmem_shared>>
      tpu.wait_dma2 semaphore(%run_scoped3A : memref<!tpu.dma_semaphore, #tpu.memory_space<semaphore_mem>>) src(%dma_wait3A_69 : memref<640xf32, #tpu.memory_space<vmem_shared>>) dst(%dma_wait3A_68 : memref<640xf32, #tpu.memory_space<vmem>>)
      tpu.yield
    }) : () -> ()
    %scan3A_51 = arith.constant 0 : i32
    %scan3A_52 = arith.constant 0 : i32
    %scan3A_53 = arith.constant 40 : i32
    %scan3A_54 = arith.addi %scan3A_52, %scan3A_53 : i32
    %scan3A_55 = arith.constant 1 : i32
    %scan3A_56 = scf.for %scan3A_60 = %scan3A_52 to %scan3A_54 step %scan3A_55 iter_args(%scan3A_61 = %scan3A_51) -> (i32)  : i32 {
      %broadcast_in_dim3A = arith.constant 1.000000e+00 : f32
      %broadcast_in_dim3A_62 = vector.broadcast %broadcast_in_dim3A : f32 to vector<16xf32>
      %mul3A_63 = arith.constant 16 : i32
      %mul3A_64 = arith.muli %scan3A_60, %mul3A_63 : i32
      %add3A_65 = arith.constant 0 : i32
      %add3A_66 = arith.addi %add3A_65, %mul3A_64 : i32
      %get3A = arith.index_cast %add3A_66 : i32 to index
      %get3A_67 = tpu.vector_load %arg8[%get3A] {strides = array<i32>} : memref<10240xf32, #tpu.memory_space<vmem>>, vector<16xf32>,
      %add3A_68 = arith.addf %broadcast_in_dim3A_62, %get3A_67 : vector<16xf32>
      %mul3A_69 = arith.constant 16 : i32
      %mul3A_70 = arith.muli %scan3A_60, %mul3A_69 : i32
      %add3A_71 = arith.constant 640 : i32
      %add3A_72 = arith.addi %add3A_71, %mul3A_70 : i32
      %get3A_73 = arith.index_cast %add3A_72 : i32 to index
      %get3A_74 = tpu.vector_load %arg8[%get3A_73] {strides = array<i32>} : memref<10240xf32, #tpu.memory_space<vmem>>, vector<16xf32>,
      %add3A_75 = arith.addf %add3A_68, %get3A_74 : vector<16xf32>
      %mul3A_76 = arith.constant 16 : i32
      %mul3A_77 = arith.muli %scan3A_60, %mul3A_76 : i32
      %add3A_78 = arith.constant 1280 : i32
      %add3A_79 = arith.addi %add3A_78, %mul3A_77 : i32
      %get3A_80 = arith.index_cast %add3A_79 : i32 to index
      %get3A_81 = tpu.vector_load %arg8[%get3A_80] {strides = array<i32>} : memref<10240xf32, #tpu.memory_space<vmem>>, vector<16xf32>,
      %add3A_82 = arith.addf %add3A_75, %get3A_81 : vector<16xf32>
      %mul3A_83 = arith.constant 16 : i32
      %mul3A_84 = arith.muli %scan3A_60, %mul3A_83 : i32
      %add3A_85 = arith.constant 1920 : i32
      %add3A_86 = arith.addi %add3A_85, %mul3A_84 : i32
      %get3A_87 = arith.index_cast %add3A_86 : i32 to index
      %get3A_88 = tpu.vector_load %arg8[%get3A_87] {strides = array<i32>} : memref<10240xf32, #tpu.memory_space<vmem>>, vector<16xf32>,
      %add3A_89 = arith.addf %add3A_82, %get3A_88 : vector<16xf32>
      %mul3A_90 = arith.constant 16 : i32
      %mul3A_91 = arith.muli %scan3A_60, %mul3A_90 : i32
      %add3A_92 = arith.constant 2560 : i32
      %add3A_93 = arith.addi %add3A_92, %mul3A_91 : i32
      %get3A_94 = arith.index_cast %add3A_93 : i32 to index
      %get3A_95 = tpu.vector_load %arg8[%get3A_94] {strides = array<i32>} : memref<10240xf32, #tpu.memory_space<vmem>>, vector<16xf32>,
      %add3A_96 = arith.addf %add3A_89, %get3A_95 : vector<16xf32>
      %mul3A_97 = arith.constant 16 : i32
      %mul3A_98 = arith.muli %scan3A_60, %mul3A_97 : i32
      %add3A_99 = arith.constant 3200 : i32
      %add3A_100 = arith.addi %add3A_99, %mul3A_98 : i32
      %get3A_101 = arith.index_cast %add3A_100 : i32 to index
      %get3A_102 = tpu.vector_load %arg8[%get3A_101] {strides = array<i32>} : memref<10240xf32, #tpu.memory_space<vmem>>, vector<16xf32>,
      %add3A_103 = arith.addf %add3A_96, %get3A_102 : vector<16xf32>
      %mul3A_104 = arith.constant 16 : i32
      %mul3A_105 = arith.muli %scan3A_60, %mul3A_104 : i32
      %add3A_106 = arith.constant 3840 : i32
      %add3A_107 = arith.addi %add3A_106, %mul3A_105 : i32
      %get3A_108 = arith.index_cast %add3A_107 : i32 to index
      %get3A_109 = tpu.vector_load %arg8[%get3A_108] {strides = array<i32>} : memref<10240xf32, #tpu.memory_space<vmem>>, vector<16xf32>,
      %add3A_110 = arith.addf %add3A_103, %get3A_109 : vector<16xf32>
      %mul3A_111 = arith.constant 16 : i32
      %mul3A_112 = arith.muli %scan3A_60, %mul3A_111 : i32
      %add3A_113 = arith.constant 4480 : i32
      %add3A_114 = arith.addi %add3A_113, %mul3A_112 : i32
      %get3A_115 = arith.index_cast %add3A_114 : i32 to index
      %get3A_116 = tpu.vector_load %arg8[%get3A_115] {strides = array<i32>} : memref<10240xf32, #tpu.memory_space<vmem>>, vector<16xf32>,
      %add3A_117 = arith.addf %add3A_110, %get3A_116 : vector<16xf32>
      %mul3A_118 = arith.constant 16 : i32
      %mul3A_119 = arith.muli %scan3A_60, %mul3A_118 : i32
      %add3A_120 = arith.constant 5120 : i32
      %add3A_121 = arith.addi %add3A_120, %mul3A_119 : i32
      %get3A_122 = arith.index_cast %add3A_121 : i32 to index
      %get3A_123 = tpu.vector_load %arg8[%get3A_122] {strides = array<i32>} : memref<10240xf32, #tpu.memory_space<vmem>>, vector<16xf32>,
      %add3A_124 = arith.addf %add3A_117, %get3A_123 : vector<16xf32>
      %mul3A_125 = arith.constant 16 : i32
      %mul3A_126 = arith.muli %scan3A_60, %mul3A_125 : i32
      %add3A_127 = arith.constant 5760 : i32
      %add3A_128 = arith.addi %add3A_127, %mul3A_126 : i32
      %get3A_129 = arith.index_cast %add3A_128 : i32 to index
      %get3A_130 = tpu.vector_load %arg8[%get3A_129] {strides = array<i32>} : memref<10240xf32, #tpu.memory_space<vmem>>, vector<16xf32>,
      %add3A_131 = arith.addf %add3A_124, %get3A_130 : vector<16xf32>
      %mul3A_132 = arith.constant 16 : i32
      %mul3A_133 = arith.muli %scan3A_60, %mul3A_132 : i32
      %add3A_134 = arith.constant 6400 : i32
      %add3A_135 = arith.addi %add3A_134, %mul3A_133 : i32
      %get3A_136 = arith.index_cast %add3A_135 : i32 to index
      %get3A_137 = tpu.vector_load %arg8[%get3A_136] {strides = array<i32>} : memref<10240xf32, #tpu.memory_space<vmem>>, vector<16xf32>,
      %add3A_138 = arith.addf %add3A_131, %get3A_137 : vector<16xf32>
      %mul3A_139 = arith.constant 16 : i32
      %mul3A_140 = arith.muli %scan3A_60, %mul3A_139 : i32
      %add3A_141 = arith.constant 7040 : i32
      %add3A_142 = arith.addi %add3A_141, %mul3A_140 : i32
      %get3A_143 = arith.index_cast %add3A_142 : i32 to index
      %get3A_144 = tpu.vector_load %arg8[%get3A_143] {strides = array<i32>} : memref<10240xf32, #tpu.memory_space<vmem>>, vector<16xf32>,
      %add3A_145 = arith.addf %add3A_138, %get3A_144 : vector<16xf32>
      %mul3A_146 = arith.constant 16 : i32
      %mul3A_147 = arith.muli %scan3A_60, %mul3A_146 : i32
      %add3A_148 = arith.constant 7680 : i32
      %add3A_149 = arith.addi %add3A_148, %mul3A_147 : i32
      %get3A_150 = arith.index_cast %add3A_149 : i32 to index
      %get3A_151 = tpu.vector_load %arg8[%get3A_150] {strides = array<i32>} : memref<10240xf32, #tpu.memory_space<vmem>>, vector<16xf32>,
      %add3A_152 = arith.addf %add3A_145, %get3A_151 : vector<16xf32>
      %mul3A_153 = arith.constant 16 : i32
      %mul3A_154 = arith.muli %scan3A_60, %mul3A_153 : i32
      %add3A_155 = arith.constant 8320 : i32
      %add3A_156 = arith.addi %add3A_155, %mul3A_154 : i32
      %get3A_157 = arith.index_cast %add3A_156 : i32 to index
      %get3A_158 = tpu.vector_load %arg8[%get3A_157] {strides = array<i32>} : memref<10240xf32, #tpu.memory_space<vmem>>, vector<16xf32>,
      %add3A_159 = arith.addf %add3A_152, %get3A_158 : vector<16xf32>
      %mul3A_160 = arith.constant 16 : i32
      %mul3A_161 = arith.muli %scan3A_60, %mul3A_160 : i32
      %add3A_162 = arith.constant 8960 : i32
      %add3A_163 = arith.addi %add3A_162, %mul3A_161 : i32
      %get3A_164 = arith.index_cast %add3A_163 : i32 to index
      %get3A_165 = tpu.vector_load %arg8[%get3A_164] {strides = array<i32>} : memref<10240xf32, #tpu.memory_space<vmem>>, vector<16xf32>,
      %add3A_166 = arith.addf %add3A_159, %get3A_165 : vector<16xf32>
      %mul3A_167 = arith.constant 16 : i32
      %mul3A_168 = arith.muli %scan3A_60, %mul3A_167 : i32
      %add3A_169 = arith.constant 9600 : i32
      %add3A_170 = arith.addi %add3A_169, %mul3A_168 : i32
      %get3A_171 = arith.index_cast %add3A_170 : i32 to index
      %get3A_172 = tpu.vector_load %arg8[%get3A_171] {strides = array<i32>} : memref<10240xf32, #tpu.memory_space<vmem>>, vector<16xf32>,
      %add3A_173 = arith.addf %add3A_166, %get3A_172 : vector<16xf32>
      %bitcast3A = vector.bitcast %add3A_173 : vector<16xf32> to vector<16xi32>
      %shift_right_arithmetic3A = arith.constant 1 : i32
      %shift_right_arithmetic3A_174 = vector.broadcast %shift_right_arithmetic3A : i32 to vector<16xi32>
      %shift_right_arithmetic3A_175 = arith.shrsi %bitcast3A, %shift_right_arithmetic3A_174 : vector<16xi32>
      %sub3A = arith.constant 1597463007 : i32
      %sub3A_176 = vector.broadcast %sub3A : i32 to vector<16xi32>
      %sub3A_177 = arith.subi %sub3A_176, %shift_right_arithmetic3A_175 : vector<16xi32>
      %bitcast3A_178 = vector.bitcast %sub3A_177 : vector<16xi32> to vector<16xf32>
      %mul3A_179 = arith.constant 5.000000e-01 : f32
      %mul3A_180 = vector.broadcast %mul3A_179 : f32 to vector<16xf32>
      %mul3A_181 = arith.mulf %mul3A_180, %add3A_173 : vector<16xf32>
      %mul3A_182 = arith.mulf %mul3A_181, %bitcast3A_178 : vector<16xf32>
      %mul3A_183 = arith.mulf %mul3A_182, %bitcast3A_178 : vector<16xf32>
      %sub3A_184 = arith.constant 1.500000e+00 : f32
      %sub3A_185 = vector.broadcast %sub3A_184 : f32 to vector<16xf32>
      %sub3A_186 = arith.subf %sub3A_185, %mul3A_183 : vector<16xf32>
      %mul3A_187 = arith.mulf %bitcast3A_178, %sub3A_186 : vector<16xf32>
      %mul3A_188 = arith.constant 5.000000e-01 : f32
      %mul3A_189 = vector.broadcast %mul3A_188 : f32 to vector<16xf32>
      %mul3A_190 = arith.mulf %mul3A_189, %add3A_173 : vector<16xf32>
      %mul3A_191 = arith.mulf %mul3A_190, %mul3A_187 : vector<16xf32>
      %mul3A_192 = arith.mulf %mul3A_191, %mul3A_187 : vector<16xf32>
      %sub3A_193 = arith.constant 1.500000e+00 : f32
      %sub3A_194 = vector.broadcast %sub3A_193 : f32 to vector<16xf32>
      %sub3A_195 = arith.subf %sub3A_194, %mul3A_192 : vector<16xf32>
      %mul3A_196 = arith.mulf %mul3A_187, %sub3A_195 : vector<16xf32>
      %mul3A_197 = arith.constant 5.000000e-01 : f32
      %mul3A_198 = vector.broadcast %mul3A_197 : f32 to vector<16xf32>
      %mul3A_199 = arith.mulf %mul3A_198, %add3A_173 : vector<16xf32>
      %mul3A_200 = arith.mulf %mul3A_199, %mul3A_196 : vector<16xf32>
      %mul3A_201 = arith.mulf %mul3A_200, %mul3A_196 : vector<16xf32>
      %sub3A_202 = arith.constant 1.500000e+00 : f32
      %sub3A_203 = vector.broadcast %sub3A_202 : f32 to vector<16xf32>
      %sub3A_204 = arith.subf %sub3A_203, %mul3A_201 : vector<16xf32>
      %mul3A_205 = arith.mulf %mul3A_196, %sub3A_204 : vector<16xf32>
      %mul3A_206 = arith.constant 16 : i32
      %mul3A_207 = arith.muli %scan3A_60, %mul3A_206 : i32
      %swap3A = arith.index_cast %mul3A_207 : i32 to index
      %swap3A_208 = tpu.vector_load %arg9[%swap3A] {strides = array<i32>} : memref<640xf32, #tpu.memory_space<vmem>>, vector<16xf32>,
      tpu.vector_store %arg9[%swap3A], %mul3A_205 {strides = array<i32>} : memref<640xf32, #tpu.memory_space<vmem>>, vector<16xf32>,
      %scan3A_209 = arith.constant 0 : i32
      scf.yield %scan3A_209 : i32
    }
    %scan3A_57 = arith.constant 40 : i32
    %eq3A = arith.constant 0 : i32
    %eq3A_58 = arith.cmpi eq, %arg0, %eq3A : i32
    %convert_element_type3A = arith.extui %eq3A_58 : i1 to i32
    %cond3A = arith.constant 0 : i32
    %cond3A_59 = arith.cmpi ne, %convert_element_type3A, %cond3A : i32
    scf.if %cond3A_59 {
      "tpu.region"() ({
        %run_scoped3A = tpu.sem_alloc : memref<!tpu.dma_semaphore, #tpu.memory_space<semaphore_mem>>
        %dma_start3A = tpu.memref_slice %arg4[%mul3A_19] : memref<10240xf32, #tpu.memory_space<hbm>> -> memref<640xf32, #tpu.memory_space<hbm>>
        %dma_start3A_60 = tpu.memref_slice %arg4[%mul3A_19] : memref<10240xf32, #tpu.memory_space<hbm>> -> memref<640xf32, #tpu.memory_space<hbm>>
        tpu.enqueue_dma source(%arg9 : memref<640xf32, #tpu.memory_space<vmem>>) target(%dma_start3A_60 : memref<640xf32, #tpu.memory_space<hbm>>) target_semaphore(%run_scoped3A : memref<!tpu.dma_semaphore, #tpu.memory_space<semaphore_mem>>)
        %dma_wait3A = tpu.memref_slice %arg4[%mul3A_19] : memref<10240xf32, #tpu.memory_space<hbm>> -> memref<640xf32, #tpu.memory_space<hbm>>
        %dma_wait3A_61 = tpu.memref_slice %arg4[%mul3A_19] : memref<10240xf32, #tpu.memory_space<hbm>> -> memref<640xf32, #tpu.memory_space<hbm>>
        tpu.wait_dma2 semaphore(%run_scoped3A : memref<!tpu.dma_semaphore, #tpu.memory_space<semaphore_mem>>) src(%arg9 : memref<640xf32, #tpu.memory_space<vmem>>) dst(%dma_wait3A_61 : memref<640xf32, #tpu.memory_space<hbm>>)
        tpu.yield
      }) : () -> ()
    } else {
    }
    return
  }
}

#map = affine_map<(d0, d1) -> (0)>
#map1 = affine_map<(d0, d1) -> (0, 0)>
module attributes {stable_mosaic.version = 14 : i64} {
  func.func @_gcn_agg(%arg0: i32, %arg1: i32, %arg2: memref<161792xi32, #tpu.memory_space<hbm>>, %arg3: memref<161792xi32, #tpu.memory_space<hbm>>, %arg4: memref<161792xf32, #tpu.memory_space<hbm>>, %arg5: memref<10240xf32, #tpu.memory_space<hbm>>, %arg6: memref<10000x128xf32, #tpu.memory_space<hbm>>, %arg7: memref<10000x128xf32, #tpu.memory_space<hbm>>, %arg8: memref<256xf32, #tpu.memory_space<hbm>>, %arg9: memref<10000x256xf32, #tpu.memory_space<hbm>>, %arg10: memref<10112xi32, #tpu.memory_space<vmem>>, %arg11: memref<10112xi32, #tpu.memory_space<vmem>>, %arg12: memref<10112xf32, #tpu.memory_space<vmem>>, %arg13: memref<10240xf32, #tpu.memory_space<vmem>>, %arg14: memref<256xf32, #tpu.memory_space<vmem>>, %arg15: memref<10112xf32, #tpu.memory_space<vmem>>, %arg16: memref<79x128xi32, #tpu.memory_space<vmem>>, %arg17: memref<128x128xf32, #tpu.memory_space<vmem>>, %arg18: memref<8x128xf32, #tpu.memory_space<vmem>>, %arg19: memref<8x128xf32, #tpu.memory_space<vmem>>, %arg20: memref<5120x128xf32, #tpu.memory_space<vmem_shared>>) attributes {dimension_semantics = [#tpu.dimension_semantics<core_parallel>, #tpu.dimension_semantics<subcore_parallel>], iteration_bounds = array<i64: 2, 16>, scalar_prefetch = 0 : i64, scratch_operands = 11 : i64, tpu.core_type = #tpu.core_type<sc_vector_subcore>, window_params = [{transform_indices = #map}, {transform_indices = #map}, {transform_indices = #map}, {transform_indices = #map}, {transform_indices = #map1}, {transform_indices = #map1}, {transform_indices = #map}, {transform_indices = #map1}]} {
    %mul3A = arith.constant 5000 : i32
    %mul3A_0 = arith.muli %arg0, %mul3A : i32
    %mul3A_1 = arith.constant 10112 : i32
    %mul3A_2 = arith.muli %arg1, %mul3A_1 : i32
    "tpu.region"() ({
      %run_scoped3A = tpu.sem_alloc : memref<!tpu.dma_semaphore, #tpu.memory_space<semaphore_mem>>
      %dma_start3A = tpu.memref_slice %arg2[%mul3A_2] : memref<161792xi32, #tpu.memory_space<hbm>> -> memref<10112xi32, #tpu.memory_space<hbm>>
      %dma_start3A_69 = tpu.memref_slice %arg2[%mul3A_2] : memref<161792xi32, #tpu.memory_space<hbm>> -> memref<10112xi32, #tpu.memory_space<hbm>>
      tpu.enqueue_dma source(%dma_start3A_69 : memref<10112xi32, #tpu.memory_space<hbm>>) target(%arg10 : memref<10112xi32, #tpu.memory_space<vmem>>) target_semaphore(%run_scoped3A : memref<!tpu.dma_semaphore, #tpu.memory_space<semaphore_mem>>)
      %dma_wait3A = tpu.memref_slice %arg2[%mul3A_2] : memref<161792xi32, #tpu.memory_space<hbm>> -> memref<10112xi32, #tpu.memory_space<hbm>>
      %dma_wait3A_70 = tpu.memref_slice %arg2[%mul3A_2] : memref<161792xi32, #tpu.memory_space<hbm>> -> memref<10112xi32, #tpu.memory_space<hbm>>
      tpu.wait_dma2 semaphore(%run_scoped3A : memref<!tpu.dma_semaphore, #tpu.memory_space<semaphore_mem>>) src(%dma_wait3A_70 : memref<10112xi32, #tpu.memory_space<hbm>>) dst(%arg10 : memref<10112xi32, #tpu.memory_space<vmem>>)
      tpu.yield
    }) : () -> ()
    %mul3A_3 = arith.constant 10112 : i32
    %mul3A_4 = arith.muli %arg1, %mul3A_3 : i32
    "tpu.region"() ({
      %run_scoped3A = tpu.sem_alloc : memref<!tpu.dma_semaphore, #tpu.memory_space<semaphore_mem>>
      %dma_start3A = tpu.memref_slice %arg3[%mul3A_4] : memref<161792xi32, #tpu.memory_space<hbm>> -> memref<10112xi32, #tpu.memory_space<hbm>>
      %dma_start3A_69 = tpu.memref_slice %arg3[%mul3A_4] : memref<161792xi32, #tpu.memory_space<hbm>> -> memref<10112xi32, #tpu.memory_space<hbm>>
      tpu.enqueue_dma source(%dma_start3A_69 : memref<10112xi32, #tpu.memory_space<hbm>>) target(%arg11 : memref<10112xi32, #tpu.memory_space<vmem>>) target_semaphore(%run_scoped3A : memref<!tpu.dma_semaphore, #tpu.memory_space<semaphore_mem>>)
      %dma_wait3A = tpu.memref_slice %arg3[%mul3A_4] : memref<161792xi32, #tpu.memory_space<hbm>> -> memref<10112xi32, #tpu.memory_space<hbm>>
      %dma_wait3A_70 = tpu.memref_slice %arg3[%mul3A_4] : memref<161792xi32, #tpu.memory_space<hbm>> -> memref<10112xi32, #tpu.memory_space<hbm>>
      tpu.wait_dma2 semaphore(%run_scoped3A : memref<!tpu.dma_semaphore, #tpu.memory_space<semaphore_mem>>) src(%dma_wait3A_70 : memref<10112xi32, #tpu.memory_space<hbm>>) dst(%arg11 : memref<10112xi32, #tpu.memory_space<vmem>>)
      tpu.yield
    }) : () -> ()
    %mul3A_5 = arith.constant 10112 : i32
    %mul3A_6 = arith.muli %arg1, %mul3A_5 : i32
    "tpu.region"() ({
      %run_scoped3A = tpu.sem_alloc : memref<!tpu.dma_semaphore, #tpu.memory_space<semaphore_mem>>
      %dma_start3A = tpu.memref_slice %arg4[%mul3A_6] : memref<161792xf32, #tpu.memory_space<hbm>> -> memref<10112xf32, #tpu.memory_space<hbm>>
      %dma_start3A_69 = tpu.memref_slice %arg4[%mul3A_6] : memref<161792xf32, #tpu.memory_space<hbm>> -> memref<10112xf32, #tpu.memory_space<hbm>>
      tpu.enqueue_dma source(%dma_start3A_69 : memref<10112xf32, #tpu.memory_space<hbm>>) target(%arg12 : memref<10112xf32, #tpu.memory_space<vmem>>) target_semaphore(%run_scoped3A : memref<!tpu.dma_semaphore, #tpu.memory_space<semaphore_mem>>)
      %dma_wait3A = tpu.memref_slice %arg4[%mul3A_6] : memref<161792xf32, #tpu.memory_space<hbm>> -> memref<10112xf32, #tpu.memory_space<hbm>>
      %dma_wait3A_70 = tpu.memref_slice %arg4[%mul3A_6] : memref<161792xf32, #tpu.memory_space<hbm>> -> memref<10112xf32, #tpu.memory_space<hbm>>
      tpu.wait_dma2 semaphore(%run_scoped3A : memref<!tpu.dma_semaphore, #tpu.memory_space<semaphore_mem>>) src(%dma_wait3A_70 : memref<10112xf32, #tpu.memory_space<hbm>>) dst(%arg12 : memref<10112xf32, #tpu.memory_space<vmem>>)
      tpu.yield
    }) : () -> ()
    "tpu.region"() ({
      %run_scoped3A = tpu.sem_alloc : memref<!tpu.dma_semaphore, #tpu.memory_space<semaphore_mem>>
      tpu.enqueue_dma source(%arg5 : memref<10240xf32, #tpu.memory_space<hbm>>) target(%arg13 : memref<10240xf32, #tpu.memory_space<vmem>>) target_semaphore(%run_scoped3A : memref<!tpu.dma_semaphore, #tpu.memory_space<semaphore_mem>>)
      tpu.wait_dma2 semaphore(%run_scoped3A : memref<!tpu.dma_semaphore, #tpu.memory_space<semaphore_mem>>) src(%arg5 : memref<10240xf32, #tpu.memory_space<hbm>>) dst(%arg13 : memref<10240xf32, #tpu.memory_space<vmem>>)
      tpu.yield
    }) : () -> ()
    "tpu.region"() ({
      %run_scoped3A = tpu.sem_alloc : memref<!tpu.dma_semaphore, #tpu.memory_space<semaphore_mem>>
      tpu.enqueue_dma source(%arg8 : memref<256xf32, #tpu.memory_space<hbm>>) target(%arg14 : memref<256xf32, #tpu.memory_space<vmem>>) target_semaphore(%run_scoped3A : memref<!tpu.dma_semaphore, #tpu.memory_space<semaphore_mem>>)
      tpu.wait_dma2 semaphore(%run_scoped3A : memref<!tpu.dma_semaphore, #tpu.memory_space<semaphore_mem>>) src(%arg8 : memref<256xf32, #tpu.memory_space<hbm>>) dst(%arg14 : memref<256xf32, #tpu.memory_space<vmem>>)
      tpu.yield
    }) : () -> ()
    %scan3A = arith.constant 0 : i32
    %scan3A_7 = arith.constant 0 : i32
    %scan3A_8 = arith.constant 79 : i32
    %scan3A_9 = arith.addi %scan3A_7, %scan3A_8 : i32
    %scan3A_10 = arith.constant 1 : i32
    %scan3A_11 = scf.for %scan3A_69 = %scan3A_7 to %scan3A_9 step %scan3A_10 iter_args(%scan3A_70 = %scan3A) -> (i32)  : i32 {
      %mul3A_71 = arith.constant 128 : i32
      %mul3A_72 = arith.muli %scan3A_69, %mul3A_71 : i32
      %add3A_73 = arith.constant 0 : i32
      %add3A_74 = arith.addi %mul3A_72, %add3A_73 : i32
      %get3A = arith.index_cast %add3A_74 : i32 to index
      %get3A_75 = tpu.vector_load %arg11[%get3A] {strides = array<i32>} : memref<10112xi32, #tpu.memory_space<vmem>>, vector<16xi32>,
      %sub3A = vector.broadcast %mul3A_0 : i32 to vector<16xi32>
      %sub3A_76 = arith.subi %get3A_75, %sub3A : vector<16xi32>
      %ge3A = arith.constant 0 : i32
      %ge3A_77 = vector.broadcast %ge3A : i32 to vector<16xi32>
      %ge3A_78 = arith.cmpi sge, %sub3A_76, %ge3A_77 : vector<16xi32>
      %lt3A = arith.constant 5000 : i32
      %lt3A_79 = vector.broadcast %lt3A : i32 to vector<16xi32>
      %lt3A_80 = arith.cmpi slt, %sub3A_76, %lt3A_79 : vector<16xi32>
      %and3A = arith.andi %ge3A_78, %lt3A_80 : vector<16xi1>
      %get3A_81 = arith.index_cast %add3A_74 : i32 to index
      %get3A_82 = tpu.vector_load %arg10[%get3A_81] {strides = array<i32>} : memref<10112xi32, #tpu.memory_space<vmem>>, vector<16xi32>,
      %gather3A = tpu.vector_load_idx %arg13[%get3A_82] : memref<10240xf32, #tpu.memory_space<vmem>>[vector<16xi32>], vector<16xf32>,
      %get3A_83 = arith.index_cast %add3A_74 : i32 to index
      %get3A_84 = tpu.vector_load %arg12[%get3A_83] {strides = array<i32>} : memref<10112xf32, #tpu.memory_space<vmem>>, vector<16xf32>,
      %mul3A_85 = arith.mulf %gather3A, %get3A_84 : vector<16xf32>
      %swap3A = arith.index_cast %add3A_74 : i32 to index
      %swap3A_86 = tpu.vector_load %arg15[%swap3A] {strides = array<i32>} : memref<10112xf32, #tpu.memory_space<vmem>>, vector<16xf32>,
      tpu.vector_store %arg15[%swap3A], %mul3A_85 {strides = array<i32>} : memref<10112xf32, #tpu.memory_space<vmem>>, vector<16xf32>,
      %add3A_87 = arith.constant 5000 : i32
      %add3A_88 = arith.addi %add3A_87, %arg1 : i32
      %broadcast_in_dim3A = vector.broadcast %add3A_88 : i32 to vector<16xi32>
      %select_n3A = arith.select %and3A, %sub3A_76, %broadcast_in_dim3A : vector<16xi1>, vector<16xi32>
      %swap3A_89 = arith.index_cast %scan3A_69 : i32 to index
      %swap3A_90 = arith.constant 0 : index
      %swap3A_91 = tpu.vector_load %arg16[%swap3A_89, %swap3A_90] {strides = array<i32>} : memref<79x128xi32, #tpu.memory_space<vmem>>, vector<16xi32>,
      tpu.vector_store %arg16[%swap3A_89, %swap3A_90], %select_n3A {strides = array<i32>} : memref<79x128xi32, #tpu.memory_space<vmem>>, vector<16xi32>,
      %add3A_92 = arith.constant 16 : i32
      %add3A_93 = arith.addi %mul3A_72, %add3A_92 : i32
      %get3A_94 = arith.index_cast %add3A_93 : i32 to index
      %get3A_95 = tpu.vector_load %arg11[%get3A_94] {strides = array<i32>} : memref<10112xi32, #tpu.memory_space<vmem>>, vector<16xi32>,
      %sub3A_96 = vector.broadcast %mul3A_0 : i32 to vector<16xi32>
      %sub3A_97 = arith.subi %get3A_95, %sub3A_96 : vector<16xi32>
      %ge3A_98 = arith.constant 0 : i32
      %ge3A_99 = vector.broadcast %ge3A_98 : i32 to vector<16xi32>
      %ge3A_100 = arith.cmpi sge, %sub3A_97, %ge3A_99 : vector<16xi32>
      %lt3A_101 = arith.constant 5000 : i32
      %lt3A_102 = vector.broadcast %lt3A_101 : i32 to vector<16xi32>
      %lt3A_103 = arith.cmpi slt, %sub3A_97, %lt3A_102 : vector<16xi32>
      %and3A_104 = arith.andi %ge3A_100, %lt3A_103 : vector<16xi1>
      %get3A_105 = arith.index_cast %add3A_93 : i32 to index
      %get3A_106 = tpu.vector_load %arg10[%get3A_105] {strides = array<i32>} : memref<10112xi32, #tpu.memory_space<vmem>>, vector<16xi32>,
      %gather3A_107 = tpu.vector_load_idx %arg13[%get3A_106] : memref<10240xf32, #tpu.memory_space<vmem>>[vector<16xi32>], vector<16xf32>,
      %get3A_108 = arith.index_cast %add3A_93 : i32 to index
      %get3A_109 = tpu.vector_load %arg12[%get3A_108] {strides = array<i32>} : memref<10112xf32, #tpu.memory_space<vmem>>, vector<16xf32>,
      %mul3A_110 = arith.mulf %gather3A_107, %get3A_109 : vector<16xf32>
      %swap3A_111 = arith.index_cast %add3A_93 : i32 to index
      %swap3A_112 = tpu.vector_load %arg15[%swap3A_111] {strides = array<i32>} : memref<10112xf32, #tpu.memory_space<vmem>>, vector<16xf32>,
      tpu.vector_store %arg15[%swap3A_111], %mul3A_110 {strides = array<i32>} : memref<10112xf32, #tpu.memory_space<vmem>>, vector<16xf32>,
      %add3A_113 = arith.constant 5000 : i32
      %add3A_114 = arith.addi %add3A_113, %arg1 : i32
      %broadcast_in_dim3A_115 = vector.broadcast %add3A_114 : i32 to vector<16xi32>
      %select_n3A_116 = arith.select %and3A_104, %sub3A_97, %broadcast_in_dim3A_115 : vector<16xi1>, vector<16xi32>
      %swap3A_117 = arith.index_cast %scan3A_69 : i32 to index
      %swap3A_118 = arith.constant 16 : index
      %swap3A_119 = tpu.vector_load %arg16[%swap3A_117, %swap3A_118] {strides = array<i32>} : memref<79x128xi32, #tpu.memory_space<vmem>>, vector<16xi32>,
      tpu.vector_store %arg16[%swap3A_117, %swap3A_118], %select_n3A_116 {strides = array<i32>} : memref<79x128xi32, #tpu.memory_space<vmem>>, vector<16xi32>,
      %add3A_120 = arith.constant 32 : i32
      %add3A_121 = arith.addi %mul3A_72, %add3A_120 : i32
      %get3A_122 = arith.index_cast %add3A_121 : i32 to index
      %get3A_123 = tpu.vector_load %arg11[%get3A_122] {strides = array<i32>} : memref<10112xi32, #tpu.memory_space<vmem>>, vector<16xi32>,
      %sub3A_124 = vector.broadcast %mul3A_0 : i32 to vector<16xi32>
      %sub3A_125 = arith.subi %get3A_123, %sub3A_124 : vector<16xi32>
      %ge3A_126 = arith.constant 0 : i32
      %ge3A_127 = vector.broadcast %ge3A_126 : i32 to vector<16xi32>
      %ge3A_128 = arith.cmpi sge, %sub3A_125, %ge3A_127 : vector<16xi32>
      %lt3A_129 = arith.constant 5000 : i32
      %lt3A_130 = vector.broadcast %lt3A_129 : i32 to vector<16xi32>
      %lt3A_131 = arith.cmpi slt, %sub3A_125, %lt3A_130 : vector<16xi32>
      %and3A_132 = arith.andi %ge3A_128, %lt3A_131 : vector<16xi1>
      %get3A_133 = arith.index_cast %add3A_121 : i32 to index
      %get3A_134 = tpu.vector_load %arg10[%get3A_133] {strides = array<i32>} : memref<10112xi32, #tpu.memory_space<vmem>>, vector<16xi32>,
      %gather3A_135 = tpu.vector_load_idx %arg13[%get3A_134] : memref<10240xf32, #tpu.memory_space<vmem>>[vector<16xi32>], vector<16xf32>,
      %get3A_136 = arith.index_cast %add3A_121 : i32 to index
      %get3A_137 = tpu.vector_load %arg12[%get3A_136] {strides = array<i32>} : memref<10112xf32, #tpu.memory_space<vmem>>, vector<16xf32>,
      %mul3A_138 = arith.mulf %gather3A_135, %get3A_137 : vector<16xf32>
      %swap3A_139 = arith.index_cast %add3A_121 : i32 to index
      %swap3A_140 = tpu.vector_load %arg15[%swap3A_139] {strides = array<i32>} : memref<10112xf32, #tpu.memory_space<vmem>>, vector<16xf32>,
      tpu.vector_store %arg15[%swap3A_139], %mul3A_138 {strides = array<i32>} : memref<10112xf32, #tpu.memory_space<vmem>>, vector<16xf32>,
      %add3A_141 = arith.constant 5000 : i32
      %add3A_142 = arith.addi %add3A_141, %arg1 : i32
      %broadcast_in_dim3A_143 = vector.broadcast %add3A_142 : i32 to vector<16xi32>
      %select_n3A_144 = arith.select %and3A_132, %sub3A_125, %broadcast_in_dim3A_143 : vector<16xi1>, vector<16xi32>
      %swap3A_145 = arith.index_cast %scan3A_69 : i32 to index
      %swap3A_146 = arith.constant 32 : index
      %swap3A_147 = tpu.vector_load %arg16[%swap3A_145, %swap3A_146] {strides = array<i32>} : memref<79x128xi32, #tpu.memory_space<vmem>>, vector<16xi32>,
      tpu.vector_store %arg16[%swap3A_145, %swap3A_146], %select_n3A_144 {strides = array<i32>} : memref<79x128xi32, #tpu.memory_space<vmem>>, vector<16xi32>,
      %add3A_148 = arith.constant 48 : i32
      %add3A_149 = arith.addi %mul3A_72, %add3A_148 : i32
      %get3A_150 = arith.index_cast %add3A_149 : i32 to index
      %get3A_151 = tpu.vector_load %arg11[%get3A_150] {strides = array<i32>} : memref<10112xi32, #tpu.memory_space<vmem>>, vector<16xi32>,
      %sub3A_152 = vector.broadcast %mul3A_0 : i32 to vector<16xi32>
      %sub3A_153 = arith.subi %get3A_151, %sub3A_152 : vector<16xi32>
      %ge3A_154 = arith.constant 0 : i32
      %ge3A_155 = vector.broadcast %ge3A_154 : i32 to vector<16xi32>
      %ge3A_156 = arith.cmpi sge, %sub3A_153, %ge3A_155 : vector<16xi32>
      %lt3A_157 = arith.constant 5000 : i32
      %lt3A_158 = vector.broadcast %lt3A_157 : i32 to vector<16xi32>
      %lt3A_159 = arith.cmpi slt, %sub3A_153, %lt3A_158 : vector<16xi32>
      %and3A_160 = arith.andi %ge3A_156, %lt3A_159 : vector<16xi1>
      %get3A_161 = arith.index_cast %add3A_149 : i32 to index
      %get3A_162 = tpu.vector_load %arg10[%get3A_161] {strides = array<i32>} : memref<10112xi32, #tpu.memory_space<vmem>>, vector<16xi32>,
      %gather3A_163 = tpu.vector_load_idx %arg13[%get3A_162] : memref<10240xf32, #tpu.memory_space<vmem>>[vector<16xi32>], vector<16xf32>,
      %get3A_164 = arith.index_cast %add3A_149 : i32 to index
      %get3A_165 = tpu.vector_load %arg12[%get3A_164] {strides = array<i32>} : memref<10112xf32, #tpu.memory_space<vmem>>, vector<16xf32>,
      %mul3A_166 = arith.mulf %gather3A_163, %get3A_165 : vector<16xf32>
      %swap3A_167 = arith.index_cast %add3A_149 : i32 to index
      %swap3A_168 = tpu.vector_load %arg15[%swap3A_167] {strides = array<i32>} : memref<10112xf32, #tpu.memory_space<vmem>>, vector<16xf32>,
      tpu.vector_store %arg15[%swap3A_167], %mul3A_166 {strides = array<i32>} : memref<10112xf32, #tpu.memory_space<vmem>>, vector<16xf32>,
      %add3A_169 = arith.constant 5000 : i32
      %add3A_170 = arith.addi %add3A_169, %arg1 : i32
      %broadcast_in_dim3A_171 = vector.broadcast %add3A_170 : i32 to vector<16xi32>
      %select_n3A_172 = arith.select %and3A_160, %sub3A_153, %broadcast_in_dim3A_171 : vector<16xi1>, vector<16xi32>
      %swap3A_173 = arith.index_cast %scan3A_69 : i32 to index
      %swap3A_174 = arith.constant 48 : index
      %swap3A_175 = tpu.vector_load %arg16[%swap3A_173, %swap3A_174] {strides = array<i32>} : memref<79x128xi32, #tpu.memory_space<vmem>>, vector<16xi32>,
      tpu.vector_store %arg16[%swap3A_173, %swap3A_174], %select_n3A_172 {strides = array<i32>} : memref<79x128xi32, #tpu.memory_space<vmem>>, vector<16xi32>,
      %add3A_176 = arith.constant 64 : i32
      %add3A_177 = arith.addi %mul3A_72, %add3A_176 : i32
      %get3A_178 = arith.index_cast %add3A_177 : i32 to index
      %get3A_179 = tpu.vector_load %arg11[%get3A_178] {strides = array<i32>} : memref<10112xi32, #tpu.memory_space<vmem>>, vector<16xi32>,
      %sub3A_180 = vector.broadcast %mul3A_0 : i32 to vector<16xi32>
      %sub3A_181 = arith.subi %get3A_179, %sub3A_180 : vector<16xi32>
      %ge3A_182 = arith.constant 0 : i32
      %ge3A_183 = vector.broadcast %ge3A_182 : i32 to vector<16xi32>
      %ge3A_184 = arith.cmpi sge, %sub3A_181, %ge3A_183 : vector<16xi32>
      %lt3A_185 = arith.constant 5000 : i32
      %lt3A_186 = vector.broadcast %lt3A_185 : i32 to vector<16xi32>
      %lt3A_187 = arith.cmpi slt, %sub3A_181, %lt3A_186 : vector<16xi32>
      %and3A_188 = arith.andi %ge3A_184, %lt3A_187 : vector<16xi1>
      %get3A_189 = arith.index_cast %add3A_177 : i32 to index
      %get3A_190 = tpu.vector_load %arg10[%get3A_189] {strides = array<i32>} : memref<10112xi32, #tpu.memory_space<vmem>>, vector<16xi32>,
      %gather3A_191 = tpu.vector_load_idx %arg13[%get3A_190] : memref<10240xf32, #tpu.memory_space<vmem>>[vector<16xi32>], vector<16xf32>,
      %get3A_192 = arith.index_cast %add3A_177 : i32 to index
      %get3A_193 = tpu.vector_load %arg12[%get3A_192] {strides = array<i32>} : memref<10112xf32, #tpu.memory_space<vmem>>, vector<16xf32>,
      %mul3A_194 = arith.mulf %gather3A_191, %get3A_193 : vector<16xf32>
      %swap3A_195 = arith.index_cast %add3A_177 : i32 to index
      %swap3A_196 = tpu.vector_load %arg15[%swap3A_195] {strides = array<i32>} : memref<10112xf32, #tpu.memory_space<vmem>>, vector<16xf32>,
      tpu.vector_store %arg15[%swap3A_195], %mul3A_194 {strides = array<i32>} : memref<10112xf32, #tpu.memory_space<vmem>>, vector<16xf32>,
      %add3A_197 = arith.constant 5000 : i32
      %add3A_198 = arith.addi %add3A_197, %arg1 : i32
      %broadcast_in_dim3A_199 = vector.broadcast %add3A_198 : i32 to vector<16xi32>
      %select_n3A_200 = arith.select %and3A_188, %sub3A_181, %broadcast_in_dim3A_199 : vector<16xi1>, vector<16xi32>
      %swap3A_201 = arith.index_cast %scan3A_69 : i32 to index
      %swap3A_202 = arith.constant 64 : index
      %swap3A_203 = tpu.vector_load %arg16[%swap3A_201, %swap3A_202] {strides = array<i32>} : memref<79x128xi32, #tpu.memory_space<vmem>>, vector<16xi32>,
      tpu.vector_store %arg16[%swap3A_201, %swap3A_202], %select_n3A_200 {strides = array<i32>} : memref<79x128xi32, #tpu.memory_space<vmem>>, vector<16xi32>,
      %add3A_204 = arith.constant 80 : i32
      %add3A_205 = arith.addi %mul3A_72, %add3A_204 : i32
      %get3A_206 = arith.index_cast %add3A_205 : i32 to index
      %get3A_207 = tpu.vector_load %arg11[%get3A_206] {strides = array<i32>} : memref<10112xi32, #tpu.memory_space<vmem>>, vector<16xi32>,
      %sub3A_208 = vector.broadcast %mul3A_0 : i32 to vector<16xi32>
      %sub3A_209 = arith.subi %get3A_207, %sub3A_208 : vector<16xi32>
      %ge3A_210 = arith.constant 0 : i32
      %ge3A_211 = vector.broadcast %ge3A_210 : i32 to vector<16xi32>
      %ge3A_212 = arith.cmpi sge, %sub3A_209, %ge3A_211 : vector<16xi32>
      %lt3A_213 = arith.constant 5000 : i32
      %lt3A_214 = vector.broadcast %lt3A_213 : i32 to vector<16xi32>
      %lt3A_215 = arith.cmpi slt, %sub3A_209, %lt3A_214 : vector<16xi32>
      %and3A_216 = arith.andi %ge3A_212, %lt3A_215 : vector<16xi1>
      %get3A_217 = arith.index_cast %add3A_205 : i32 to index
      %get3A_218 = tpu.vector_load %arg10[%get3A_217] {strides = array<i32>} : memref<10112xi32, #tpu.memory_space<vmem>>, vector<16xi32>,
      %gather3A_219 = tpu.vector_load_idx %arg13[%get3A_218] : memref<10240xf32, #tpu.memory_space<vmem>>[vector<16xi32>], vector<16xf32>,
      %get3A_220 = arith.index_cast %add3A_205 : i32 to index
      %get3A_221 = tpu.vector_load %arg12[%get3A_220] {strides = array<i32>} : memref<10112xf32, #tpu.memory_space<vmem>>, vector<16xf32>,
      %mul3A_222 = arith.mulf %gather3A_219, %get3A_221 : vector<16xf32>
      %swap3A_223 = arith.index_cast %add3A_205 : i32 to index
      %swap3A_224 = tpu.vector_load %arg15[%swap3A_223] {strides = array<i32>} : memref<10112xf32, #tpu.memory_space<vmem>>, vector<16xf32>,
      tpu.vector_store %arg15[%swap3A_223], %mul3A_222 {strides = array<i32>} : memref<10112xf32, #tpu.memory_space<vmem>>, vector<16xf32>,
      %add3A_225 = arith.constant 5000 : i32
      %add3A_226 = arith.addi %add3A_225, %arg1 : i32
      %broadcast_in_dim3A_227 = vector.broadcast %add3A_226 : i32 to vector<16xi32>
      %select_n3A_228 = arith.select %and3A_216, %sub3A_209, %broadcast_in_dim3A_227 : vector<16xi1>, vector<16xi32>
      %swap3A_229 = arith.index_cast %scan3A_69 : i32 to index
      %swap3A_230 = arith.constant 80 : index
      %swap3A_231 = tpu.vector_load %arg16[%swap3A_229, %swap3A_230] {strides = array<i32>} : memref<79x128xi32, #tpu.memory_space<vmem>>, vector<16xi32>,
      tpu.vector_store %arg16[%swap3A_229, %swap3A_230], %select_n3A_228 {strides = array<i32>} : memref<79x128xi32, #tpu.memory_space<vmem>>, vector<16xi32>,
      %add3A_232 = arith.constant 96 : i32
      %add3A_233 = arith.addi %mul3A_72, %add3A_232 : i32
      %get3A_234 = arith.index_cast %add3A_233 : i32 to index
      %get3A_235 = tpu.vector_load %arg11[%get3A_234] {strides = array<i32>} : memref<10112xi32, #tpu.memory_space<vmem>>, vector<16xi32>,
      %sub3A_236 = vector.broadcast %mul3A_0 : i32 to vector<16xi32>
      %sub3A_237 = arith.subi %get3A_235, %sub3A_236 : vector<16xi32>
      %ge3A_238 = arith.constant 0 : i32
      %ge3A_239 = vector.broadcast %ge3A_238 : i32 to vector<16xi32>
      %ge3A_240 = arith.cmpi sge, %sub3A_237, %ge3A_239 : vector<16xi32>
      %lt3A_241 = arith.constant 5000 : i32
      %lt3A_242 = vector.broadcast %lt3A_241 : i32 to vector<16xi32>
      %lt3A_243 = arith.cmpi slt, %sub3A_237, %lt3A_242 : vector<16xi32>
      %and3A_244 = arith.andi %ge3A_240, %lt3A_243 : vector<16xi1>
      %get3A_245 = arith.index_cast %add3A_233 : i32 to index
      %get3A_246 = tpu.vector_load %arg10[%get3A_245] {strides = array<i32>} : memref<10112xi32, #tpu.memory_space<vmem>>, vector<16xi32>,
      %gather3A_247 = tpu.vector_load_idx %arg13[%get3A_246] : memref<10240xf32, #tpu.memory_space<vmem>>[vector<16xi32>], vector<16xf32>,
      %get3A_248 = arith.index_cast %add3A_233 : i32 to index
      %get3A_249 = tpu.vector_load %arg12[%get3A_248] {strides = array<i32>} : memref<10112xf32, #tpu.memory_space<vmem>>, vector<16xf32>,
      %mul3A_250 = arith.mulf %gather3A_247, %get3A_249 : vector<16xf32>
      %swap3A_251 = arith.index_cast %add3A_233 : i32 to index
      %swap3A_252 = tpu.vector_load %arg15[%swap3A_251] {strides = array<i32>} : memref<10112xf32, #tpu.memory_space<vmem>>, vector<16xf32>,
      tpu.vector_store %arg15[%swap3A_251], %mul3A_250 {strides = array<i32>} : memref<10112xf32, #tpu.memory_space<vmem>>, vector<16xf32>,
      %add3A_253 = arith.constant 5000 : i32
      %add3A_254 = arith.addi %add3A_253, %arg1 : i32
      %broadcast_in_dim3A_255 = vector.broadcast %add3A_254 : i32 to vector<16xi32>
      %select_n3A_256 = arith.select %and3A_244, %sub3A_237, %broadcast_in_dim3A_255 : vector<16xi1>, vector<16xi32>
      %swap3A_257 = arith.index_cast %scan3A_69 : i32 to index
      %swap3A_258 = arith.constant 96 : index
      %swap3A_259 = tpu.vector_load %arg16[%swap3A_257, %swap3A_258] {strides = array<i32>} : memref<79x128xi32, #tpu.memory_space<vmem>>, vector<16xi32>,
      tpu.vector_store %arg16[%swap3A_257, %swap3A_258], %select_n3A_256 {strides = array<i32>} : memref<79x128xi32, #tpu.memory_space<vmem>>, vector<16xi32>,
      %add3A_260 = arith.constant 112 : i32
      %add3A_261 = arith.addi %mul3A_72, %add3A_260 : i32
      %get3A_262 = arith.index_cast %add3A_261 : i32 to index
      %get3A_263 = tpu.vector_load %arg11[%get3A_262] {strides = array<i32>} : memref<10112xi32, #tpu.memory_space<vmem>>, vector<16xi32>,
      %sub3A_264 = vector.broadcast %mul3A_0 : i32 to vector<16xi32>
      %sub3A_265 = arith.subi %get3A_263, %sub3A_264 : vector<16xi32>
      %ge3A_266 = arith.constant 0 : i32
      %ge3A_267 = vector.broadcast %ge3A_266 : i32 to vector<16xi32>
      %ge3A_268 = arith.cmpi sge, %sub3A_265, %ge3A_267 : vector<16xi32>
      %lt3A_269 = arith.constant 5000 : i32
      %lt3A_270 = vector.broadcast %lt3A_269 : i32 to vector<16xi32>
      %lt3A_271 = arith.cmpi slt, %sub3A_265, %lt3A_270 : vector<16xi32>
      %and3A_272 = arith.andi %ge3A_268, %lt3A_271 : vector<16xi1>
      %get3A_273 = arith.index_cast %add3A_261 : i32 to index
      %get3A_274 = tpu.vector_load %arg10[%get3A_273] {strides = array<i32>} : memref<10112xi32, #tpu.memory_space<vmem>>, vector<16xi32>,
      %gather3A_275 = tpu.vector_load_idx %arg13[%get3A_274] : memref<10240xf32, #tpu.memory_space<vmem>>[vector<16xi32>], vector<16xf32>,
      %get3A_276 = arith.index_cast %add3A_261 : i32 to index
      %get3A_277 = tpu.vector_load %arg12[%get3A_276] {strides = array<i32>} : memref<10112xf32, #tpu.memory_space<vmem>>, vector<16xf32>,
      %mul3A_278 = arith.mulf %gather3A_275, %get3A_277 : vector<16xf32>
      %swap3A_279 = arith.index_cast %add3A_261 : i32 to index
      %swap3A_280 = tpu.vector_load %arg15[%swap3A_279] {strides = array<i32>} : memref<10112xf32, #tpu.memory_space<vmem>>, vector<16xf32>,
      tpu.vector_store %arg15[%swap3A_279], %mul3A_278 {strides = array<i32>} : memref<10112xf32, #tpu.memory_space<vmem>>, vector<16xf32>,
      %add3A_281 = arith.constant 5000 : i32
      %add3A_282 = arith.addi %add3A_281, %arg1 : i32
      %broadcast_in_dim3A_283 = vector.broadcast %add3A_282 : i32 to vector<16xi32>
      %select_n3A_284 = arith.select %and3A_272, %sub3A_265, %broadcast_in_dim3A_283 : vector<16xi1>, vector<16xi32>
      %swap3A_285 = arith.index_cast %scan3A_69 : i32 to index
      %swap3A_286 = arith.constant 112 : index
      %swap3A_287 = tpu.vector_load %arg16[%swap3A_285, %swap3A_286] {strides = array<i32>} : memref<79x128xi32, #tpu.memory_space<vmem>>, vector<16xi32>,
      tpu.vector_store %arg16[%swap3A_285, %swap3A_286], %select_n3A_284 {strides = array<i32>} : memref<79x128xi32, #tpu.memory_space<vmem>>, vector<16xi32>,
      %scan3A_288 = arith.constant 0 : i32
      scf.yield %scan3A_288 : i32
    }
    %scan3A_12 = arith.constant 79 : i32
    %mul3A_13 = arith.constant 320 : i32
    %mul3A_14 = arith.muli %arg1, %mul3A_13 : i32
    %scan3A_15 = arith.constant 0 : i32
    %scan3A_16 = arith.constant 0 : i32
    %scan3A_17 = arith.constant 128 : i32
    %scan3A_18 = arith.addi %scan3A_16, %scan3A_17 : i32
    %scan3A_19 = arith.constant 1 : i32
    %scan3A_20 = scf.for %scan3A_69 = %scan3A_16 to %scan3A_18 step %scan3A_19 iter_args(%scan3A_70 = %scan3A_15) -> (i32)  : i32 {
      %broadcast_in_dim3A = arith.constant 0.000000e+00 : f32
      %broadcast_in_dim3A_71 = vector.broadcast %broadcast_in_dim3A : f32 to vector<16xf32>
      %swap3A = arith.index_cast %scan3A_69 : i32 to index
      %swap3A_72 = arith.constant 0 : index
      %swap3A_73 = tpu.vector_load %arg17[%swap3A, %swap3A_72] {strides = array<i32>} : memref<128x128xf32, #tpu.memory_space<vmem>>, vector<16xf32>,
      tpu.vector_store %arg17[%swap3A, %swap3A_72], %broadcast_in_dim3A_71 {strides = array<i32>} : memref<128x128xf32, #tpu.memory_space<vmem>>, vector<16xf32>,
      %broadcast_in_dim3A_74 = arith.constant 0.000000e+00 : f32
      %broadcast_in_dim3A_75 = vector.broadcast %broadcast_in_dim3A_74 : f32 to vector<16xf32>
      %swap3A_76 = arith.index_cast %scan3A_69 : i32 to index
      %swap3A_77 = arith.constant 16 : index
      %swap3A_78 = tpu.vector_load %arg17[%swap3A_76, %swap3A_77] {strides = array<i32>} : memref<128x128xf32, #tpu.memory_space<vmem>>, vector<16xf32>,
      tpu.vector_store %arg17[%swap3A_76, %swap3A_77], %broadcast_in_dim3A_75 {strides = array<i32>} : memref<128x128xf32, #tpu.memory_space<vmem>>, vector<16xf32>,
      %broadcast_in_dim3A_79 = arith.constant 0.000000e+00 : f32
      %broadcast_in_dim3A_80 = vector.broadcast %broadcast_in_dim3A_79 : f32 to vector<16xf32>
      %swap3A_81 = arith.index_cast %scan3A_69 : i32 to index
      %swap3A_82 = arith.constant 32 : index
      %swap3A_83 = tpu.vector_load %arg17[%swap3A_81, %swap3A_82] {strides = array<i32>} : memref<128x128xf32, #tpu.memory_space<vmem>>, vector<16xf32>,
      tpu.vector_store %arg17[%swap3A_81, %swap3A_82], %broadcast_in_dim3A_80 {strides = array<i32>} : memref<128x128xf32, #tpu.memory_space<vmem>>, vector<16xf32>,
      %broadcast_in_dim3A_84 = arith.constant 0.000000e+00 : f32
      %broadcast_in_dim3A_85 = vector.broadcast %broadcast_in_dim3A_84 : f32 to vector<16xf32>
      %swap3A_86 = arith.index_cast %scan3A_69 : i32 to index
      %swap3A_87 = arith.constant 48 : index
      %swap3A_88 = tpu.vector_load %arg17[%swap3A_86, %swap3A_87] {strides = array<i32>} : memref<128x128xf32, #tpu.memory_space<vmem>>, vector<16xf32>,
      tpu.vector_store %arg17[%swap3A_86, %swap3A_87], %broadcast_in_dim3A_85 {strides = array<i32>} : memref<128x128xf32, #tpu.memory_space<vmem>>, vector<16xf32>,
      %broadcast_in_dim3A_89 = arith.constant 0.000000e+00 : f32
      %broadcast_in_dim3A_90 = vector.broadcast %broadcast_in_dim3A_89 : f32 to vector<16xf32>
      %swap3A_91 = arith.index_cast %scan3A_69 : i32 to index
      %swap3A_92 = arith.constant 64 : index
      %swap3A_93 = tpu.vector_load %arg17[%swap3A_91, %swap3A_92] {strides = array<i32>} : memref<128x128xf32, #tpu.memory_space<vmem>>, vector<16xf32>,
      tpu.vector_store %arg17[%swap3A_91, %swap3A_92], %broadcast_in_dim3A_90 {strides = array<i32>} : memref<128x128xf32, #tpu.memory_space<vmem>>, vector<16xf32>,
      %broadcast_in_dim3A_94 = arith.constant 0.000000e+00 : f32
      %broadcast_in_dim3A_95 = vector.broadcast %broadcast_in_dim3A_94 : f32 to vector<16xf32>
      %swap3A_96 = arith.index_cast %scan3A_69 : i32 to index
      %swap3A_97 = arith.constant 80 : index
      %swap3A_98 = tpu.vector_load %arg17[%swap3A_96, %swap3A_97] {strides = array<i32>} : memref<128x128xf32, #tpu.memory_space<vmem>>, vector<16xf32>,
      tpu.vector_store %arg17[%swap3A_96, %swap3A_97], %broadcast_in_dim3A_95 {strides = array<i32>} : memref<128x128xf32, #tpu.memory_space<vmem>>, vector<16xf32>,
      %broadcast_in_dim3A_99 = arith.constant 0.000000e+00 : f32
      %broadcast_in_dim3A_100 = vector.broadcast %broadcast_in_dim3A_99 : f32 to vector<16xf32>
      %swap3A_101 = arith.index_cast %scan3A_69 : i32 to index
      %swap3A_102 = arith.constant 96 : index
      %swap3A_103 = tpu.vector_load %arg17[%swap3A_101, %swap3A_102] {strides = array<i32>} : memref<128x128xf32, #tpu.memory_space<vmem>>, vector<16xf32>,
      tpu.vector_store %arg17[%swap3A_101, %swap3A_102], %broadcast_in_dim3A_100 {strides = array<i32>} : memref<128x128xf32, #tpu.memory_space<vmem>>, vector<16xf32>,
      %broadcast_in_dim3A_104 = arith.constant 0.000000e+00 : f32
      %broadcast_in_dim3A_105 = vector.broadcast %broadcast_in_dim3A_104 : f32 to vector<16xf32>
      %swap3A_106 = arith.index_cast %scan3A_69 : i32 to index
      %swap3A_107 = arith.constant 112 : index
      %swap3A_108 = tpu.vector_load %arg17[%swap3A_106, %swap3A_107] {strides = array<i32>} : memref<128x128xf32, #tpu.memory_space<vmem>>, vector<16xf32>,
      tpu.vector_store %arg17[%swap3A_106, %swap3A_107], %broadcast_in_dim3A_105 {strides = array<i32>} : memref<128x128xf32, #tpu.memory_space<vmem>>, vector<16xf32>,
      %scan3A_109 = arith.constant 0 : i32
      scf.yield %scan3A_109 : i32
    }
    %scan3A_21 = arith.constant 128 : i32
    "tpu.region"() ({
      %run_scoped3A = tpu.sem_alloc : memref<!tpu.dma_semaphore, #tpu.memory_space<semaphore_mem>>
      %dma_start3A = arith.constant 0 : i32
      %dma_start3A_69 = tpu.memref_slice %arg20[%mul3A_14, %dma_start3A] : memref<5120x128xf32, #tpu.memory_space<vmem_shared>> -> memref<128x128xf32, #tpu.memory_space<vmem_shared>>
      %dma_start3A_70 = arith.constant 0 : i32
      %dma_start3A_71 = tpu.memref_slice %arg20[%mul3A_14, %dma_start3A_70] : memref<5120x128xf32, #tpu.memory_space<vmem_shared>> -> memref<128x128xf32, #tpu.memory_space<vmem_shared>>
      tpu.enqueue_dma source(%arg17 : memref<128x128xf32, #tpu.memory_space<vmem>>) target(%dma_start3A_71 : memref<128x128xf32, #tpu.memory_space<vmem_shared>>) target_semaphore(%run_scoped3A : memref<!tpu.dma_semaphore, #tpu.memory_space<semaphore_mem>>)
      %dma_wait3A = arith.constant 0 : i32
      %dma_wait3A_72 = tpu.memref_slice %arg20[%mul3A_14, %dma_wait3A] : memref<5120x128xf32, #tpu.memory_space<vmem_shared>> -> memref<128x128xf32, #tpu.memory_space<vmem_shared>>
      %dma_wait3A_73 = arith.constant 0 : i32
      %dma_wait3A_74 = tpu.memref_slice %arg20[%mul3A_14, %dma_wait3A_73] : memref<5120x128xf32, #tpu.memory_space<vmem_shared>> -> memref<128x128xf32, #tpu.memory_space<vmem_shared>>
      tpu.wait_dma2 semaphore(%run_scoped3A : memref<!tpu.dma_semaphore, #tpu.memory_space<semaphore_mem>>) src(%arg17 : memref<128x128xf32, #tpu.memory_space<vmem>>) dst(%dma_wait3A_74 : memref<128x128xf32, #tpu.memory_space<vmem_shared>>)
      tpu.yield
    }) : () -> ()
    %add3A = arith.constant 128 : i32
    %add3A_22 = arith.addi %mul3A_14, %add3A : i32
    "tpu.region"() ({
      %run_scoped3A = tpu.sem_alloc : memref<!tpu.dma_semaphore, #tpu.memory_space<semaphore_mem>>
      %dma_start3A = arith.constant 0 : i32
      %dma_start3A_69 = tpu.memref_slice %arg20[%add3A_22, %dma_start3A] : memref<5120x128xf32, #tpu.memory_space<vmem_shared>> -> memref<128x128xf32, #tpu.memory_space<vmem_shared>>
      %dma_start3A_70 = arith.constant 0 : i32
      %dma_start3A_71 = tpu.memref_slice %arg20[%add3A_22, %dma_start3A_70] : memref<5120x128xf32, #tpu.memory_space<vmem_shared>> -> memref<128x128xf32, #tpu.memory_space<vmem_shared>>
      tpu.enqueue_dma source(%arg17 : memref<128x128xf32, #tpu.memory_space<vmem>>) target(%dma_start3A_71 : memref<128x128xf32, #tpu.memory_space<vmem_shared>>) target_semaphore(%run_scoped3A : memref<!tpu.dma_semaphore, #tpu.memory_space<semaphore_mem>>)
      %dma_wait3A = arith.constant 0 : i32
      %dma_wait3A_72 = tpu.memref_slice %arg20[%add3A_22, %dma_wait3A] : memref<5120x128xf32, #tpu.memory_space<vmem_shared>> -> memref<128x128xf32, #tpu.memory_space<vmem_shared>>
      %dma_wait3A_73 = arith.constant 0 : i32
      %dma_wait3A_74 = tpu.memref_slice %arg20[%add3A_22, %dma_wait3A_73] : memref<5120x128xf32, #tpu.memory_space<vmem_shared>> -> memref<128x128xf32, #tpu.memory_space<vmem_shared>>
      tpu.wait_dma2 semaphore(%run_scoped3A : memref<!tpu.dma_semaphore, #tpu.memory_space<semaphore_mem>>) src(%arg17 : memref<128x128xf32, #tpu.memory_space<vmem>>) dst(%dma_wait3A_74 : memref<128x128xf32, #tpu.memory_space<vmem_shared>>)
      tpu.yield
    }) : () -> ()
    %add3A_23 = arith.constant 256 : i32
    %add3A_24 = arith.addi %mul3A_14, %add3A_23 : i32
    "tpu.region"() ({
      %run_scoped3A = tpu.sem_alloc : memref<!tpu.dma_semaphore, #tpu.memory_space<semaphore_mem>>
      %dma_start3A = arith.constant 0 : i32
      %dma_start3A_69 = arith.constant 0 : i32
      %dma_start3A_70 = tpu.memref_slice %arg17[%dma_start3A, %dma_start3A_69] : memref<128x128xf32, #tpu.memory_space<vmem>> -> memref<64x128xf32, #tpu.memory_space<vmem>>
      %dma_start3A_71 = arith.constant 0 : i32
      %dma_start3A_72 = tpu.memref_slice %arg20[%add3A_24, %dma_start3A_71] : memref<5120x128xf32, #tpu.memory_space<vmem_shared>> -> memref<64x128xf32, #tpu.memory_space<vmem_shared>>
      %dma_start3A_73 = arith.constant 0 : i32
      %dma_start3A_74 = tpu.memref_slice %arg20[%add3A_24, %dma_start3A_73] : memref<5120x128xf32, #tpu.memory_space<vmem_shared>> -> memref<64x128xf32, #tpu.memory_space<vmem_shared>>
      %dma_start3A_75 = arith.constant 0 : i32
      %dma_start3A_76 = arith.constant 0 : i32
      %dma_start3A_77 = tpu.memref_slice %arg17[%dma_start3A_75, %dma_start3A_76] : memref<128x128xf32, #tpu.memory_space<vmem>> -> memref<64x128xf32, #tpu.memory_space<vmem>>
      tpu.enqueue_dma source(%dma_start3A_77 : memref<64x128xf32, #tpu.memory_space<vmem>>) target(%dma_start3A_74 : memref<64x128xf32, #tpu.memory_space<vmem_shared>>) target_semaphore(%run_scoped3A : memref<!tpu.dma_semaphore, #tpu.memory_space<semaphore_mem>>)
      %dma_wait3A = arith.constant 0 : i32
      %dma_wait3A_78 = arith.constant 0 : i32
      %dma_wait3A_79 = tpu.memref_slice %arg17[%dma_wait3A, %dma_wait3A_78] : memref<128x128xf32, #tpu.memory_space<vmem>> -> memref<64x128xf32, #tpu.memory_space<vmem>>
      %dma_wait3A_80 = arith.constant 0 : i32
      %dma_wait3A_81 = tpu.memref_slice %arg20[%add3A_24, %dma_wait3A_80] : memref<5120x128xf32, #tpu.memory_space<vmem_shared>> -> memref<64x128xf32, #tpu.memory_space<vmem_shared>>
      %dma_wait3A_82 = arith.constant 0 : i32
      %dma_wait3A_83 = tpu.memref_slice %arg20[%add3A_24, %dma_wait3A_82] : memref<5120x128xf32, #tpu.memory_space<vmem_shared>> -> memref<64x128xf32, #tpu.memory_space<vmem_shared>>
      %dma_wait3A_84 = arith.constant 0 : i32
      %dma_wait3A_85 = arith.constant 0 : i32
      %dma_wait3A_86 = tpu.memref_slice %arg17[%dma_wait3A_84, %dma_wait3A_85] : memref<128x128xf32, #tpu.memory_space<vmem>> -> memref<64x128xf32, #tpu.memory_space<vmem>>
      tpu.wait_dma2 semaphore(%run_scoped3A : memref<!tpu.dma_semaphore, #tpu.memory_space<semaphore_mem>>) src(%dma_wait3A_86 : memref<64x128xf32, #tpu.memory_space<vmem>>) dst(%dma_wait3A_83 : memref<64x128xf32, #tpu.memory_space<vmem_shared>>)
      tpu.yield
    }) : () -> ()
    %barrier3A = arith.constant 0 : index
    tpu.barrier barrier_id(%barrier3A)
    %scan3A_25 = arith.constant 0 : i32
    %scan3A_26 = arith.constant 0 : i32
    %scan3A_27 = arith.constant 79 : i32
    %scan3A_28 = arith.addi %scan3A_26, %scan3A_27 : i32
    %scan3A_29 = arith.constant 1 : i32
    %scan3A_30 = scf.for %scan3A_69 = %scan3A_26 to %scan3A_28 step %scan3A_29 iter_args(%scan3A_70 = %scan3A_25) -> (i32)  : i32 {
      %mul3A_71 = arith.constant 128 : i32
      %mul3A_72 = arith.muli %scan3A_69, %mul3A_71 : i32
      "tpu.region"() ({
        %run_scoped3A = tpu.sem_alloc : memref<!tpu.dma_semaphore, #tpu.memory_space<semaphore_mem>>
        %dma_start3A = tpu.memref_slice %arg10[%mul3A_72] : memref<10112xi32, #tpu.memory_space<vmem>> -> memref<128xi32, #tpu.memory_space<vmem>>
        %dma_start3A_81 = arith.constant 0 : i32
        %dma_start3A_82 = arith.constant 0 : i32
        %dma_start3A_83 = tpu.memref_slice %arg6[%dma_start3A_81, %dma_start3A_82] : memref<10000x128xf32, #tpu.memory_space<hbm>> -> memref<10000x128xf32, #tpu.memory_space<hbm>>
        tpu.enqueue_indirect_dma source(%dma_start3A_83 : memref<10000x128xf32, #tpu.memory_space<hbm>>) target(%arg17 : memref<128x128xf32, #tpu.memory_space<vmem>>) offsets(%dma_start3A : memref<128xi32, #tpu.memory_space<vmem>>) semaphore(%run_scoped3A : memref<!tpu.dma_semaphore, #tpu.memory_space<semaphore_mem>>)
        %dma_wait3A = tpu.memref_slice %arg10[%mul3A_72] : memref<10112xi32, #tpu.memory_space<vmem>> -> memref<128xi32, #tpu.memory_space<vmem>>
        %dma_wait3A_84 = arith.constant 0 : i32
        %dma_wait3A_85 = arith.constant 0 : i32
        %dma_wait3A_86 = tpu.memref_slice %arg6[%dma_wait3A_84, %dma_wait3A_85] : memref<10000x128xf32, #tpu.memory_space<hbm>> -> memref<10000x128xf32, #tpu.memory_space<hbm>>
        tpu.wait_indirect_dma semaphore(%run_scoped3A : memref<!tpu.dma_semaphore, #tpu.memory_space<semaphore_mem>>) src(%dma_wait3A_86 : memref<10000x128xf32, #tpu.memory_space<hbm>>) dst(%arg17 : memref<128x128xf32, #tpu.memory_space<vmem>>)
        tpu.yield
      }) : () -> ()
      %scan3A_73 = arith.constant 0 : i32
      %scan3A_74 = arith.constant 0 : i32
      %scan3A_75 = arith.constant 128 : i32
      %scan3A_76 = arith.addi %scan3A_74, %scan3A_75 : i32
      %scan3A_77 = arith.constant 1 : i32
      %scan3A_78 = scf.for %scan3A_81 = %scan3A_74 to %scan3A_76 step %scan3A_77 iter_args(%scan3A_82 = %scan3A_73) -> (i32)  : i32 {
        %mul3A_83 = arith.constant 128 : i32
        %mul3A_84 = arith.muli %scan3A_69, %mul3A_83 : i32
        %add3A_85 = arith.addi %mul3A_84, %scan3A_81 : i32
        %broadcast_in_dim3A = vector.broadcast %add3A_85 : i32 to vector<16xi32>
        %gather3A = tpu.vector_load_idx %arg15[%broadcast_in_dim3A] : memref<10112xf32, #tpu.memory_space<vmem>>[vector<16xi32>], vector<16xf32>,
        %get3A = arith.index_cast %scan3A_81 : i32 to index
        %get3A_86 = arith.constant 0 : index
        %get3A_87 = tpu.vector_load %arg17[%get3A, %get3A_86] {strides = array<i32>} : memref<128x128xf32, #tpu.memory_space<vmem>>, vector<16xf32>,
        %mul3A_88 = arith.mulf %get3A_87, %gather3A : vector<16xf32>
        %swap3A = arith.index_cast %scan3A_81 : i32 to index
        %swap3A_89 = arith.constant 0 : index
        %swap3A_90 = tpu.vector_load %arg17[%swap3A, %swap3A_89] {strides = array<i32>} : memref<128x128xf32, #tpu.memory_space<vmem>>, vector<16xf32>,
        tpu.vector_store %arg17[%swap3A, %swap3A_89], %mul3A_88 {strides = array<i32>} : memref<128x128xf32, #tpu.memory_space<vmem>>, vector<16xf32>,
        %get3A_91 = arith.index_cast %scan3A_81 : i32 to index
        %get3A_92 = arith.constant 16 : index
        %get3A_93 = tpu.vector_load %arg17[%get3A_91, %get3A_92] {strides = array<i32>} : memref<128x128xf32, #tpu.memory_space<vmem>>, vector<16xf32>,
        %mul3A_94 = arith.mulf %get3A_93, %gather3A : vector<16xf32>
        %swap3A_95 = arith.index_cast %scan3A_81 : i32 to index
        %swap3A_96 = arith.constant 16 : index
        %swap3A_97 = tpu.vector_load %arg17[%swap3A_95, %swap3A_96] {strides = array<i32>} : memref<128x128xf32, #tpu.memory_space<vmem>>, vector<16xf32>,
        tpu.vector_store %arg17[%swap3A_95, %swap3A_96], %mul3A_94 {strides = array<i32>} : memref<128x128xf32, #tpu.memory_space<vmem>>, vector<16xf32>,
        %get3A_98 = arith.index_cast %scan3A_81 : i32 to index
        %get3A_99 = arith.constant 32 : index
        %get3A_100 = tpu.vector_load %arg17[%get3A_98, %get3A_99] {strides = array<i32>} : memref<128x128xf32, #tpu.memory_space<vmem>>, vector<16xf32>,
        %mul3A_101 = arith.mulf %get3A_100, %gather3A : vector<16xf32>
        %swap3A_102 = arith.index_cast %scan3A_81 : i32 to index
        %swap3A_103 = arith.constant 32 : index
        %swap3A_104 = tpu.vector_load %arg17[%swap3A_102, %swap3A_103] {strides = array<i32>} : memref<128x128xf32, #tpu.memory_space<vmem>>, vector<16xf32>,
        tpu.vector_store %arg17[%swap3A_102, %swap3A_103], %mul3A_101 {strides = array<i32>} : memref<128x128xf32, #tpu.memory_space<vmem>>, vector<16xf32>,
        %get3A_105 = arith.index_cast %scan3A_81 : i32 to index
        %get3A_106 = arith.constant 48 : index
        %get3A_107 = tpu.vector_load %arg17[%get3A_105, %get3A_106] {strides = array<i32>} : memref<128x128xf32, #tpu.memory_space<vmem>>, vector<16xf32>,
        %mul3A_108 = arith.mulf %get3A_107, %gather3A : vector<16xf32>
        %swap3A_109 = arith.index_cast %scan3A_81 : i32 to index
        %swap3A_110 = arith.constant 48 : index
        %swap3A_111 = tpu.vector_load %arg17[%swap3A_109, %swap3A_110] {strides = array<i32>} : memref<128x128xf32, #tpu.memory_space<vmem>>, vector<16xf32>,
        tpu.vector_store %arg17[%swap3A_109, %swap3A_110], %mul3A_108 {strides = array<i32>} : memref<128x128xf32, #tpu.memory_space<vmem>>, vector<16xf32>,
        %get3A_112 = arith.index_cast %scan3A_81 : i32 to index
        %get3A_113 = arith.constant 64 : index
        %get3A_114 = tpu.vector_load %arg17[%get3A_112, %get3A_113] {strides = array<i32>} : memref<128x128xf32, #tpu.memory_space<vmem>>, vector<16xf32>,
        %mul3A_115 = arith.mulf %get3A_114, %gather3A : vector<16xf32>
        %swap3A_116 = arith.index_cast %scan3A_81 : i32 to index
        %swap3A_117 = arith.constant 64 : index
        %swap3A_118 = tpu.vector_load %arg17[%swap3A_116, %swap3A_117] {strides = array<i32>} : memref<128x128xf32, #tpu.memory_space<vmem>>, vector<16xf32>,
        tpu.vector_store %arg17[%swap3A_116, %swap3A_117], %mul3A_115 {strides = array<i32>} : memref<128x128xf32, #tpu.memory_space<vmem>>, vector<16xf32>,
        %get3A_119 = arith.index_cast %scan3A_81 : i32 to index
        %get3A_120 = arith.constant 80 : index
        %get3A_121 = tpu.vector_load %arg17[%get3A_119, %get3A_120] {strides = array<i32>} : memref<128x128xf32, #tpu.memory_space<vmem>>, vector<16xf32>,
        %mul3A_122 = arith.mulf %get3A_121, %gather3A : vector<16xf32>
        %swap3A_123 = arith.index_cast %scan3A_81 : i32 to index
        %swap3A_124 = arith.constant 80 : index
        %swap3A_125 = tpu.vector_load %arg17[%swap3A_123, %swap3A_124] {strides = array<i32>} : memref<128x128xf32, #tpu.memory_space<vmem>>, vector<16xf32>,
        tpu.vector_store %arg17[%swap3A_123, %swap3A_124], %mul3A_122 {strides = array<i32>} : memref<128x128xf32, #tpu.memory_space<vmem>>, vector<16xf32>,
        %get3A_126 = arith.index_cast %scan3A_81 : i32 to index
        %get3A_127 = arith.constant 96 : index
        %get3A_128 = tpu.vector_load %arg17[%get3A_126, %get3A_127] {strides = array<i32>} : memref<128x128xf32, #tpu.memory_space<vmem>>, vector<16xf32>,
        %mul3A_129 = arith.mulf %get3A_128, %gather3A : vector<16xf32>
        %swap3A_130 = arith.index_cast %scan3A_81 : i32 to index
        %swap3A_131 = arith.constant 96 : index
        %swap3A_132 = tpu.vector_load %arg17[%swap3A_130, %swap3A_131] {strides = array<i32>} : memref<128x128xf32, #tpu.memory_space<vmem>>, vector<16xf32>,
        tpu.vector_store %arg17[%swap3A_130, %swap3A_131], %mul3A_129 {strides = array<i32>} : memref<128x128xf32, #tpu.memory_space<vmem>>, vector<16xf32>,
        %get3A_133 = arith.index_cast %scan3A_81 : i32 to index
        %get3A_134 = arith.constant 112 : index
        %get3A_135 = tpu.vector_load %arg17[%get3A_133, %get3A_134] {strides = array<i32>} : memref<128x128xf32, #tpu.memory_space<vmem>>, vector<16xf32>,
        %mul3A_136 = arith.mulf %get3A_135, %gather3A : vector<16xf32>
        %swap3A_137 = arith.index_cast %scan3A_81 : i32 to index
        %swap3A_138 = arith.constant 112 : index
        %swap3A_139 = tpu.vector_load %arg17[%swap3A_137, %swap3A_138] {strides = array<i32>} : memref<128x128xf32, #tpu.memory_space<vmem>>, vector<16xf32>,
        tpu.vector_store %arg17[%swap3A_137, %swap3A_138], %mul3A_136 {strides = array<i32>} : memref<128x128xf32, #tpu.memory_space<vmem>>, vector<16xf32>,
        %scan3A_140 = arith.constant 0 : i32
        scf.yield %scan3A_140 : i32
      }
      %scan3A_79 = arith.constant 128 : i32
      "tpu.region"() ({
        %run_scoped3A = tpu.sem_alloc : memref<!tpu.dma_semaphore, #tpu.memory_space<semaphore_mem>>
        %dma_start3A = arith.constant 0 : i32
        %dma_start3A_81 = tpu.memref_slice %arg16[%scan3A_69, %dma_start3A] : memref<79x128xi32, #tpu.memory_space<vmem>> -> memref<1x128xi32, #tpu.memory_space<vmem>>
        %dma_start3A_82 = tpu.memref_squeeze %dma_start3A_81 : memref<1x128xi32, #tpu.memory_space<vmem>> -> memref<128xi32, #tpu.memory_space<vmem>>
        %dma_start3A_83 = arith.constant 0 : i32
        %dma_start3A_84 = arith.constant 0 : i32
        %dma_start3A_85 = tpu.memref_slice %arg20[%dma_start3A_83, %dma_start3A_84] : memref<5120x128xf32, #tpu.memory_space<vmem_shared>> -> memref<5120x128xf32, #tpu.memory_space<vmem_shared>>
        tpu.enqueue_indirect_dma source(%arg17 : memref<128x128xf32, #tpu.memory_space<vmem>>) target(%dma_start3A_85 : memref<5120x128xf32, #tpu.memory_space<vmem_shared>>) offsets(%dma_start3A_82 : memref<128xi32, #tpu.memory_space<vmem>>) semaphore(%run_scoped3A : memref<!tpu.dma_semaphore, #tpu.memory_space<semaphore_mem>>) {add = true}
        %dma_wait3A = arith.constant 0 : i32
        %dma_wait3A_86 = tpu.memref_slice %arg16[%scan3A_69, %dma_wait3A] : memref<79x128xi32, #tpu.memory_space<vmem>> -> memref<1x128xi32, #tpu.memory_space<vmem>>
        %dma_wait3A_87 = tpu.memref_squeeze %dma_wait3A_86 : memref<1x128xi32, #tpu.memory_space<vmem>> -> memref<128xi32, #tpu.memory_space<vmem>>
        %dma_wait3A_88 = arith.constant 0 : i32
        %dma_wait3A_89 = arith.constant 0 : i32
        %dma_wait3A_90 = tpu.memref_slice %arg20[%dma_wait3A_88, %dma_wait3A_89] : memref<5120x128xf32, #tpu.memory_space<vmem_shared>> -> memref<5120x128xf32, #tpu.memory_space<vmem_shared>>
        tpu.wait_indirect_dma semaphore(%run_scoped3A : memref<!tpu.dma_semaphore, #tpu.memory_space<semaphore_mem>>) src(%arg17 : memref<128x128xf32, #tpu.memory_space<vmem>>) dst(%dma_wait3A_90 : memref<5120x128xf32, #tpu.memory_space<vmem_shared>>)
        tpu.yield
      }) : () -> ()
      %scan3A_80 = arith.constant 0 : i32
      scf.yield %scan3A_80 : i32
    }
    %scan3A_31 = arith.constant 79 : i32
    %barrier3A_32 = arith.constant 0 : index
    tpu.barrier barrier_id(%barrier3A_32)
    %scan3A_33 = arith.constant 0 : i32
    %scan3A_34 = arith.constant 0 : i32
    %scan3A_35 = arith.constant 41 : i32
    %scan3A_36 = arith.addi %scan3A_34, %scan3A_35 : i32
    %scan3A_37 = arith.constant 1 : i32
    %scan3A_38 = scf.for %scan3A_69 = %scan3A_34 to %scan3A_36 step %scan3A_37 iter_args(%scan3A_70 = %scan3A_33) -> (i32)  : i32 {
      %mul3A_71 = arith.constant 16 : i32
      %mul3A_72 = arith.muli %scan3A_69, %mul3A_71 : i32
      %add3A_73 = arith.addi %mul3A_72, %arg1 : i32
      %lt3A = arith.constant 625 : i32
      %lt3A_74 = arith.cmpi slt, %add3A_73, %lt3A : i32
      %convert_element_type3A = arith.extui %lt3A_74 : i1 to i32
      %cond3A = arith.constant 0 : i32
      %cond3A_75 = arith.cmpi ne, %convert_element_type3A, %cond3A : i32
      scf.if %cond3A_75 {
        %mul3A_77 = arith.constant 8 : i32
        %mul3A_78 = arith.muli %add3A_73, %mul3A_77 : i32
        %add3A_79 = arith.addi %mul3A_0, %mul3A_78 : i32
        "tpu.region"() ({
          %run_scoped3A = tpu.sem_alloc : memref<!tpu.dma_semaphore, #tpu.memory_space<semaphore_mem>>
          %dma_start3A = arith.constant 0 : i32
          %dma_start3A_1260 = tpu.memref_slice %arg20[%mul3A_78, %dma_start3A] : memref<5120x128xf32, #tpu.memory_space<vmem_shared>> -> memref<8x128xf32, #tpu.memory_space<vmem_shared>>
          %dma_start3A_1261 = arith.constant 0 : i32
          %dma_start3A_1262 = tpu.memref_slice %arg20[%mul3A_78, %dma_start3A_1261] : memref<5120x128xf32, #tpu.memory_space<vmem_shared>> -> memref<8x128xf32, #tpu.memory_space<vmem_shared>>
          tpu.enqueue_dma source(%dma_start3A_1262 : memref<8x128xf32, #tpu.memory_space<vmem_shared>>) target(%arg18 : memref<8x128xf32, #tpu.memory_space<vmem>>) target_semaphore(%run_scoped3A : memref<!tpu.dma_semaphore, #tpu.memory_space<semaphore_mem>>)
          %dma_wait3A = arith.constant 0 : i32
          %dma_wait3A_1263 = tpu.memref_slice %arg20[%mul3A_78, %dma_wait3A] : memref<5120x128xf32, #tpu.memory_space<vmem_shared>> -> memref<8x128xf32, #tpu.memory_space<vmem_shared>>
          %dma_wait3A_1264 = arith.constant 0 : i32
          %dma_wait3A_1265 = tpu.memref_slice %arg20[%mul3A_78, %dma_wait3A_1264] : memref<5120x128xf32, #tpu.memory_space<vmem_shared>> -> memref<8x128xf32, #tpu.memory_space<vmem_shared>>
          tpu.wait_dma2 semaphore(%run_scoped3A : memref<!tpu.dma_semaphore, #tpu.memory_space<semaphore_mem>>) src(%dma_wait3A_1265 : memref<8x128xf32, #tpu.memory_space<vmem_shared>>) dst(%arg18 : memref<8x128xf32, #tpu.memory_space<vmem>>)
          tpu.yield
        }) : () -> ()
        "tpu.region"() ({
          %run_scoped3A = tpu.sem_alloc : memref<!tpu.dma_semaphore, #tpu.memory_space<semaphore_mem>>
          %dma_start3A = arith.constant 0 : i32
          %dma_start3A_1260 = tpu.memref_slice %arg6[%add3A_79, %dma_start3A] : memref<10000x128xf32, #tpu.memory_space<hbm>> -> memref<8x128xf32, #tpu.memory_space<hbm>>
          %dma_start3A_1261 = arith.constant 0 : i32
          %dma_start3A_1262 = tpu.memref_slice %arg6[%add3A_79, %dma_start3A_1261] : memref<10000x128xf32, #tpu.memory_space<hbm>> -> memref<8x128xf32, #tpu.memory_space<hbm>>
          tpu.enqueue_dma source(%dma_start3A_1262 : memref<8x128xf32, #tpu.memory_space<hbm>>) target(%arg19 : memref<8x128xf32, #tpu.memory_space<vmem>>) target_semaphore(%run_scoped3A : memref<!tpu.dma_semaphore, #tpu.memory_space<semaphore_mem>>)
          %dma_wait3A = arith.constant 0 : i32
          %dma_wait3A_1263 = tpu.memref_slice %arg6[%add3A_79, %dma_wait3A] : memref<10000x128xf32, #tpu.memory_space<hbm>> -> memref<8x128xf32, #tpu.memory_space<hbm>>
          %dma_wait3A_1264 = arith.constant 0 : i32
          %dma_wait3A_1265 = tpu.memref_slice %arg6[%add3A_79, %dma_wait3A_1264] : memref<10000x128xf32, #tpu.memory_space<hbm>> -> memref<8x128xf32, #tpu.memory_space<hbm>>
          tpu.wait_dma2 semaphore(%run_scoped3A : memref<!tpu.dma_semaphore, #tpu.memory_space<semaphore_mem>>) src(%dma_wait3A_1265 : memref<8x128xf32, #tpu.memory_space<hbm>>) dst(%arg19 : memref<8x128xf32, #tpu.memory_space<vmem>>)
          tpu.yield
        }) : () -> ()
        %add3A_80 = arith.constant 0 : i32
        %add3A_81 = arith.addi %add3A_79, %add3A_80 : i32
        %broadcast_in_dim3A = vector.broadcast %add3A_81 : i32 to vector<16xi32>
        %gather3A = tpu.vector_load_idx %arg13[%broadcast_in_dim3A] : memref<10240xf32, #tpu.memory_space<vmem>>[vector<16xi32>], vector<16xf32>,
        %get3A = arith.constant 0 : i32
        %get3A_82 = arith.index_cast %get3A : i32 to index
        %get3A_83 = arith.constant 0 : index
        %get3A_84 = tpu.vector_load %arg18[%get3A_82, %get3A_83] {strides = array<i32>} : memref<8x128xf32, #tpu.memory_space<vmem>>, vector<16xf32>,
        %get3A_85 = arith.constant 0 : i32
        %get3A_86 = arith.index_cast %get3A_85 : i32 to index
        %get3A_87 = arith.constant 0 : index
        %get3A_88 = tpu.vector_load %arg19[%get3A_86, %get3A_87] {strides = array<i32>} : memref<8x128xf32, #tpu.memory_space<vmem>>, vector<16xf32>,
        %mul3A_89 = arith.mulf %gather3A, %get3A_88 : vector<16xf32>
        %add3A_90 = arith.addf %get3A_84, %mul3A_89 : vector<16xf32>
        %mul3A_91 = arith.mulf %gather3A, %add3A_90 : vector<16xf32>
        %get3A_92 = arith.constant 0 : index
        %get3A_93 = tpu.vector_load %arg14[%get3A_92] {strides = array<i32>} : memref<256xf32, #tpu.memory_space<vmem>>, vector<16xf32>,
        %add3A_94 = arith.addf %mul3A_91, %get3A_93 : vector<16xf32>
        %swap3A = arith.constant 0 : i32
        %swap3A_95 = arith.index_cast %swap3A : i32 to index
        %swap3A_96 = arith.constant 0 : index
        %swap3A_97 = tpu.vector_load %arg18[%swap3A_95, %swap3A_96] {strides = array<i32>} : memref<8x128xf32, #tpu.memory_space<vmem>>, vector<16xf32>,
        tpu.vector_store %arg18[%swap3A_95, %swap3A_96], %add3A_94 {strides = array<i32>} : memref<8x128xf32, #tpu.memory_space<vmem>>, vector<16xf32>,
        %get3A_98 = arith.constant 0 : i32
        %get3A_99 = arith.index_cast %get3A_98 : i32 to index
        %get3A_100 = arith.constant 16 : index
        %get3A_101 = tpu.vector_load %arg18[%get3A_99, %get3A_100] {strides = array<i32>} : memref<8x128xf32, #tpu.memory_space<vmem>>, vector<16xf32>,
        %get3A_102 = arith.constant 0 : i32
        %get3A_103 = arith.index_cast %get3A_102 : i32 to index
        %get3A_104 = arith.constant 16 : index
        %get3A_105 = tpu.vector_load %arg19[%get3A_103, %get3A_104] {strides = array<i32>} : memref<8x128xf32, #tpu.memory_space<vmem>>, vector<16xf32>,
        %mul3A_106 = arith.mulf %gather3A, %get3A_105 : vector<16xf32>
        %add3A_107 = arith.addf %get3A_101, %mul3A_106 : vector<16xf32>
        %mul3A_108 = arith.mulf %gather3A, %add3A_107 : vector<16xf32>
        %get3A_109 = arith.constant 16 : index
        %get3A_110 = tpu.vector_load %arg14[%get3A_109] {strides = array<i32>} : memref<256xf32, #tpu.memory_space<vmem>>, vector<16xf32>,
        %add3A_111 = arith.addf %mul3A_108, %get3A_110 : vector<16xf32>
        %swap3A_112 = arith.constant 0 : i32
        %swap3A_113 = arith.index_cast %swap3A_112 : i32 to index
        %swap3A_114 = arith.constant 16 : index
        %swap3A_115 = tpu.vector_load %arg18[%swap3A_113, %swap3A_114] {strides = array<i32>} : memref<8x128xf32, #tpu.memory_space<vmem>>, vector<16xf32>,
        tpu.vector_store %arg18[%swap3A_113, %swap3A_114], %add3A_111 {strides = array<i32>} : memref<8x128xf32, #tpu.memory_space<vmem>>, vector<16xf32>,
        %get3A_116 = arith.constant 0 : i32
        %get3A_117 = arith.index_cast %get3A_116 : i32 to index
        %get3A_118 = arith.constant 32 : index
        %get3A_119 = tpu.vector_load %arg18[%get3A_117, %get3A_118] {strides = array<i32>} : memref<8x128xf32, #tpu.memory_space<vmem>>, vector<16xf32>,
        %get3A_120 = arith.constant 0 : i32
        %get3A_121 = arith.index_cast %get3A_120 : i32 to index
        %get3A_122 = arith.constant 32 : index
        %get3A_123 = tpu.vector_load %arg19[%get3A_121, %get3A_122] {strides = array<i32>} : memref<8x128xf32, #tpu.memory_space<vmem>>, vector<16xf32>,
        %mul3A_124 = arith.mulf %gather3A, %get3A_123 : vector<16xf32>
        %add3A_125 = arith.addf %get3A_119, %mul3A_124 : vector<16xf32>
        %mul3A_126 = arith.mulf %gather3A, %add3A_125 : vector<16xf32>
        %get3A_127 = arith.constant 32 : index
        %get3A_128 = tpu.vector_load %arg14[%get3A_127] {strides = array<i32>} : memref<256xf32, #tpu.memory_space<vmem>>, vector<16xf32>,
        %add3A_129 = arith.addf %mul3A_126, %get3A_128 : vector<16xf32>
        %swap3A_130 = arith.constant 0 : i32
        %swap3A_131 = arith.index_cast %swap3A_130 : i32 to index
        %swap3A_132 = arith.constant 32 : index
        %swap3A_133 = tpu.vector_load %arg18[%swap3A_131, %swap3A_132] {strides = array<i32>} : memref<8x128xf32, #tpu.memory_space<vmem>>, vector<16xf32>,
        tpu.vector_store %arg18[%swap3A_131, %swap3A_132], %add3A_129 {strides = array<i32>} : memref<8x128xf32, #tpu.memory_space<vmem>>, vector<16xf32>,
        %get3A_134 = arith.constant 0 : i32
        %get3A_135 = arith.index_cast %get3A_134 : i32 to index
        %get3A_136 = arith.constant 48 : index
        %get3A_137 = tpu.vector_load %arg18[%get3A_135, %get3A_136] {strides = array<i32>} : memref<8x128xf32, #tpu.memory_space<vmem>>, vector<16xf32>,
        %get3A_138 = arith.constant 0 : i32
        %get3A_139 = arith.index_cast %get3A_138 : i32 to index
        %get3A_140 = arith.constant 48 : index
        %get3A_141 = tpu.vector_load %arg19[%get3A_139, %get3A_140] {strides = array<i32>} : memref<8x128xf32, #tpu.memory_space<vmem>>, vector<16xf32>,
        %mul3A_142 = arith.mulf %gather3A, %get3A_141 : vector<16xf32>
        %add3A_143 = arith.addf %get3A_137, %mul3A_142 : vector<16xf32>
        %mul3A_144 = arith.mulf %gather3A, %add3A_143 : vector<16xf32>
        %get3A_145 = arith.constant 48 : index
        %get3A_146 = tpu.vector_load %arg14[%get3A_145] {strides = array<i32>} : memref<256xf32, #tpu.memory_space<vmem>>, vector<16xf32>,
        %add3A_147 = arith.addf %mul3A_144, %get3A_146 : vector<16xf32>
        %swap3A_148 = arith.constant 0 : i32
        %swap3A_149 = arith.index_cast %swap3A_148 : i32 to index
        %swap3A_150 = arith.constant 48 : index
        %swap3A_151 = tpu.vector_load %arg18[%swap3A_149, %swap3A_150] {strides = array<i32>} : memref<8x128xf32, #tpu.memory_space<vmem>>, vector<16xf32>,
        tpu.vector_store %arg18[%swap3A_149, %swap3A_150], %add3A_147 {strides = array<i32>} : memref<8x128xf32, #tpu.memory_space<vmem>>, vector<16xf32>,
        %get3A_152 = arith.constant 0 : i32
        %get3A_153 = arith.index_cast %get3A_152 : i32 to index
        %get3A_154 = arith.constant 64 : index
        %get3A_155 = tpu.vector_load %arg18[%get3A_153, %get3A_154] {strides = array<i32>} : memref<8x128xf32, #tpu.memory_space<vmem>>, vector<16xf32>,
        %get3A_156 = arith.constant 0 : i32
        %get3A_157 = arith.index_cast %get3A_156 : i32 to index
        %get3A_158 = arith.constant 64 : index
        %get3A_159 = tpu.vector_load %arg19[%get3A_157, %get3A_158] {strides = array<i32>} : memref<8x128xf32, #tpu.memory_space<vmem>>, vector<16xf32>,
        %mul3A_160 = arith.mulf %gather3A, %get3A_159 : vector<16xf32>
        %add3A_161 = arith.addf %get3A_155, %mul3A_160 : vector<16xf32>
        %mul3A_162 = arith.mulf %gather3A, %add3A_161 : vector<16xf32>
        %get3A_163 = arith.constant 64 : index
        %get3A_164 = tpu.vector_load %arg14[%get3A_163] {strides = array<i32>} : memref<256xf32, #tpu.memory_space<vmem>>, vector<16xf32>,
        %add3A_165 = arith.addf %mul3A_162, %get3A_164 : vector<16xf32>
        %swap3A_166 = arith.constant 0 : i32
        %swap3A_167 = arith.index_cast %swap3A_166 : i32 to index
        %swap3A_168 = arith.constant 64 : index
        %swap3A_169 = tpu.vector_load %arg18[%swap3A_167, %swap3A_168] {strides = array<i32>} : memref<8x128xf32, #tpu.memory_space<vmem>>, vector<16xf32>,
        tpu.vector_store %arg18[%swap3A_167, %swap3A_168], %add3A_165 {strides = array<i32>} : memref<8x128xf32, #tpu.memory_space<vmem>>, vector<16xf32>,
        %get3A_170 = arith.constant 0 : i32
        %get3A_171 = arith.index_cast %get3A_170 : i32 to index
        %get3A_172 = arith.constant 80 : index
        %get3A_173 = tpu.vector_load %arg18[%get3A_171, %get3A_172] {strides = array<i32>} : memref<8x128xf32, #tpu.memory_space<vmem>>, vector<16xf32>,
        %get3A_174 = arith.constant 0 : i32
        %get3A_175 = arith.index_cast %get3A_174 : i32 to index
        %get3A_176 = arith.constant 80 : index
        %get3A_177 = tpu.vector_load %arg19[%get3A_175, %get3A_176] {strides = array<i32>} : memref<8x128xf32, #tpu.memory_space<vmem>>, vector<16xf32>,
        %mul3A_178 = arith.mulf %gather3A, %get3A_177 : vector<16xf32>
        %add3A_179 = arith.addf %get3A_173, %mul3A_178 : vector<16xf32>
        %mul3A_180 = arith.mulf %gather3A, %add3A_179 : vector<16xf32>
        %get3A_181 = arith.constant 80 : index
        %get3A_182 = tpu.vector_load %arg14[%get3A_181] {strides = array<i32>} : memref<256xf32, #tpu.memory_space<vmem>>, vector<16xf32>,
        %add3A_183 = arith.addf %mul3A_180, %get3A_182 : vector<16xf32>
        %swap3A_184 = arith.constant 0 : i32
        %swap3A_185 = arith.index_cast %swap3A_184 : i32 to index
        %swap3A_186 = arith.constant 80 : index
        %swap3A_187 = tpu.vector_load %arg18[%swap3A_185, %swap3A_186] {strides = array<i32>} : memref<8x128xf32, #tpu.memory_space<vmem>>, vector<16xf32>,
        tpu.vector_store %arg18[%swap3A_185, %swap3A_186], %add3A_183 {strides = array<i32>} : memref<8x128xf32, #tpu.memory_space<vmem>>, vector<16xf32>,
        %get3A_188 = arith.constant 0 : i32
        %get3A_189 = arith.index_cast %get3A_188 : i32 to index
        %get3A_190 = arith.constant 96 : index
        %get3A_191 = tpu.vector_load %arg18[%get3A_189, %get3A_190] {strides = array<i32>} : memref<8x128xf32, #tpu.memory_space<vmem>>, vector<16xf32>,
        %get3A_192 = arith.constant 0 : i32
        %get3A_193 = arith.index_cast %get3A_192 : i32 to index
        %get3A_194 = arith.constant 96 : index
        %get3A_195 = tpu.vector_load %arg19[%get3A_193, %get3A_194] {strides = array<i32>} : memref<8x128xf32, #tpu.memory_space<vmem>>, vector<16xf32>,
        %mul3A_196 = arith.mulf %gather3A, %get3A_195 : vector<16xf32>
        %add3A_197 = arith.addf %get3A_191, %mul3A_196 : vector<16xf32>
        %mul3A_198 = arith.mulf %gather3A, %add3A_197 : vector<16xf32>
        %get3A_199 = arith.constant 96 : index
        %get3A_200 = tpu.vector_load %arg14[%get3A_199] {strides = array<i32>} : memref<256xf32, #tpu.memory_space<vmem>>, vector<16xf32>,
        %add3A_201 = arith.addf %mul3A_198, %get3A_200 : vector<16xf32>
        %swap3A_202 = arith.constant 0 : i32
        %swap3A_203 = arith.index_cast %swap3A_202 : i32 to index
        %swap3A_204 = arith.constant 96 : index
        %swap3A_205 = tpu.vector_load %arg18[%swap3A_203, %swap3A_204] {strides = array<i32>} : memref<8x128xf32, #tpu.memory_space<vmem>>, vector<16xf32>,
        tpu.vector_store %arg18[%swap3A_203, %swap3A_204], %add3A_201 {strides = array<i32>} : memref<8x128xf32, #tpu.memory_space<vmem>>, vector<16xf32>,
        %get3A_206 = arith.constant 0 : i32
        %get3A_207 = arith.index_cast %get3A_206 : i32 to index
        %get3A_208 = arith.constant 112 : index
        %get3A_209 = tpu.vector_load %arg18[%get3A_207, %get3A_208] {strides = array<i32>} : memref<8x128xf32, #tpu.memory_space<vmem>>, vector<16xf32>,
        %get3A_210 = arith.constant 0 : i32
        %get3A_211 = arith.index_cast %get3A_210 : i32 to index
        %get3A_212 = arith.constant 112 : index
        %get3A_213 = tpu.vector_load %arg19[%get3A_211, %get3A_212] {strides = array<i32>} : memref<8x128xf32, #tpu.memory_space<vmem>>, vector<16xf32>,
        %mul3A_214 = arith.mulf %gather3A, %get3A_213 : vector<16xf32>
        %add3A_215 = arith.addf %get3A_209, %mul3A_214 : vector<16xf32>
        %mul3A_216 = arith.mulf %gather3A, %add3A_215 : vector<16xf32>
        %get3A_217 = arith.constant 112 : index
        %get3A_218 = tpu.vector_load %arg14[%get3A_217] {strides = array<i32>} : memref<256xf32, #tpu.memory_space<vmem>>, vector<16xf32>,
        %add3A_219 = arith.addf %mul3A_216, %get3A_218 : vector<16xf32>
        %swap3A_220 = arith.constant 0 : i32
        %swap3A_221 = arith.index_cast %swap3A_220 : i32 to index
        %swap3A_222 = arith.constant 112 : index
        %swap3A_223 = tpu.vector_load %arg18[%swap3A_221, %swap3A_222] {strides = array<i32>} : memref<8x128xf32, #tpu.memory_space<vmem>>, vector<16xf32>,
        tpu.vector_store %arg18[%swap3A_221, %swap3A_222], %add3A_219 {strides = array<i32>} : memref<8x128xf32, #tpu.memory_space<vmem>>, vector<16xf32>,
        %add3A_224 = arith.constant 1 : i32
        %add3A_225 = arith.addi %add3A_79, %add3A_224 : i32
        %broadcast_in_dim3A_226 = vector.broadcast %add3A_225 : i32 to vector<16xi32>
        %gather3A_227 = tpu.vector_load_idx %arg13[%broadcast_in_dim3A_226] : memref<10240xf32, #tpu.memory_space<vmem>>[vector<16xi32>], vector<16xf32>,
        %get3A_228 = arith.constant 1 : i32
        %get3A_229 = arith.index_cast %get3A_228 : i32 to index
        %get3A_230 = arith.constant 0 : index
        %get3A_231 = tpu.vector_load %arg18[%get3A_229, %get3A_230] {strides = array<i32>} : memref<8x128xf32, #tpu.memory_space<vmem>>, vector<16xf32>,
        %get3A_232 = arith.constant 1 : i32
        %get3A_233 = arith.index_cast %get3A_232 : i32 to index
        %get3A_234 = arith.constant 0 : index
        %get3A_235 = tpu.vector_load %arg19[%get3A_233, %get3A_234] {strides = array<i32>} : memref<8x128xf32, #tpu.memory_space<vmem>>, vector<16xf32>,
        %mul3A_236 = arith.mulf %gather3A_227, %get3A_235 : vector<16xf32>
        %add3A_237 = arith.addf %get3A_231, %mul3A_236 : vector<16xf32>
        %mul3A_238 = arith.mulf %gather3A_227, %add3A_237 : vector<16xf32>
        %get3A_239 = arith.constant 0 : index
        %get3A_240 = tpu.vector_load %arg14[%get3A_239] {strides = array<i32>} : memref<256xf32, #tpu.memory_space<vmem>>, vector<16xf32>,
        %add3A_241 = arith.addf %mul3A_238, %get3A_240 : vector<16xf32>
        %swap3A_242 = arith.constant 1 : i32
        %swap3A_243 = arith.index_cast %swap3A_242 : i32 to index
        %swap3A_244 = arith.constant 0 : index
        %swap3A_245 = tpu.vector_load %arg18[%swap3A_243, %swap3A_244] {strides = array<i32>} : memref<8x128xf32, #tpu.memory_space<vmem>>, vector<16xf32>,
        tpu.vector_store %arg18[%swap3A_243, %swap3A_244], %add3A_241 {strides = array<i32>} : memref<8x128xf32, #tpu.memory_space<vmem>>, vector<16xf32>,
        %get3A_246 = arith.constant 1 : i32
        %get3A_247 = arith.index_cast %get3A_246 : i32 to index
        %get3A_248 = arith.constant 16 : index
        %get3A_249 = tpu.vector_load %arg18[%get3A_247, %get3A_248] {strides = array<i32>} : memref<8x128xf32, #tpu.memory_space<vmem>>, vector<16xf32>,
        %get3A_250 = arith.constant 1 : i32
        %get3A_251 = arith.index_cast %get3A_250 : i32 to index
        %get3A_252 = arith.constant 16 : index
        %get3A_253 = tpu.vector_load %arg19[%get3A_251, %get3A_252] {strides = array<i32>} : memref<8x128xf32, #tpu.memory_space<vmem>>, vector<16xf32>,
        %mul3A_254 = arith.mulf %gather3A_227, %get3A_253 : vector<16xf32>
        %add3A_255 = arith.addf %get3A_249, %mul3A_254 : vector<16xf32>
        %mul3A_256 = arith.mulf %gather3A_227, %add3A_255 : vector<16xf32>
        %get3A_257 = arith.constant 16 : index
        %get3A_258 = tpu.vector_load %arg14[%get3A_257] {strides = array<i32>} : memref<256xf32, #tpu.memory_space<vmem>>, vector<16xf32>,
        %add3A_259 = arith.addf %mul3A_256, %get3A_258 : vector<16xf32>
        %swap3A_260 = arith.constant 1 : i32
        %swap3A_261 = arith.index_cast %swap3A_260 : i32 to index
        %swap3A_262 = arith.constant 16 : index
        %swap3A_263 = tpu.vector_load %arg18[%swap3A_261, %swap3A_262] {strides = array<i32>} : memref<8x128xf32, #tpu.memory_space<vmem>>, vector<16xf32>,
        tpu.vector_store %arg18[%swap3A_261, %swap3A_262], %add3A_259 {strides = array<i32>} : memref<8x128xf32, #tpu.memory_space<vmem>>, vector<16xf32>,
        %get3A_264 = arith.constant 1 : i32
        %get3A_265 = arith.index_cast %get3A_264 : i32 to index
        %get3A_266 = arith.constant 32 : index
        %get3A_267 = tpu.vector_load %arg18[%get3A_265, %get3A_266] {strides = array<i32>} : memref<8x128xf32, #tpu.memory_space<vmem>>, vector<16xf32>,
        %get3A_268 = arith.constant 1 : i32
        %get3A_269 = arith.index_cast %get3A_268 : i32 to index
        %get3A_270 = arith.constant 32 : index
        %get3A_271 = tpu.vector_load %arg19[%get3A_269, %get3A_270] {strides = array<i32>} : memref<8x128xf32, #tpu.memory_space<vmem>>, vector<16xf32>,
        %mul3A_272 = arith.mulf %gather3A_227, %get3A_271 : vector<16xf32>
        %add3A_273 = arith.addf %get3A_267, %mul3A_272 : vector<16xf32>
        %mul3A_274 = arith.mulf %gather3A_227, %add3A_273 : vector<16xf32>
        %get3A_275 = arith.constant 32 : index
        %get3A_276 = tpu.vector_load %arg14[%get3A_275] {strides = array<i32>} : memref<256xf32, #tpu.memory_space<vmem>>, vector<16xf32>,
        %add3A_277 = arith.addf %mul3A_274, %get3A_276 : vector<16xf32>
        %swap3A_278 = arith.constant 1 : i32
        %swap3A_279 = arith.index_cast %swap3A_278 : i32 to index
        %swap3A_280 = arith.constant 32 : index
        %swap3A_281 = tpu.vector_load %arg18[%swap3A_279, %swap3A_280] {strides = array<i32>} : memref<8x128xf32, #tpu.memory_space<vmem>>, vector<16xf32>,
        tpu.vector_store %arg18[%swap3A_279, %swap3A_280], %add3A_277 {strides = array<i32>} : memref<8x128xf32, #tpu.memory_space<vmem>>, vector<16xf32>,
        %get3A_282 = arith.constant 1 : i32
        %get3A_283 = arith.index_cast %get3A_282 : i32 to index
        %get3A_284 = arith.constant 48 : index
        %get3A_285 = tpu.vector_load %arg18[%get3A_283, %get3A_284] {strides = array<i32>} : memref<8x128xf32, #tpu.memory_space<vmem>>, vector<16xf32>,
        %get3A_286 = arith.constant 1 : i32
        %get3A_287 = arith.index_cast %get3A_286 : i32 to index
        %get3A_288 = arith.constant 48 : index
        %get3A_289 = tpu.vector_load %arg19[%get3A_287, %get3A_288] {strides = array<i32>} : memref<8x128xf32, #tpu.memory_space<vmem>>, vector<16xf32>,
        %mul3A_290 = arith.mulf %gather3A_227, %get3A_289 : vector<16xf32>
        %add3A_291 = arith.addf %get3A_285, %mul3A_290 : vector<16xf32>
        %mul3A_292 = arith.mulf %gather3A_227, %add3A_291 : vector<16xf32>
        %get3A_293 = arith.constant 48 : index
        %get3A_294 = tpu.vector_load %arg14[%get3A_293] {strides = array<i32>} : memref<256xf32, #tpu.memory_space<vmem>>, vector<16xf32>,
        %add3A_295 = arith.addf %mul3A_292, %get3A_294 : vector<16xf32>
        %swap3A_296 = arith.constant 1 : i32
        %swap3A_297 = arith.index_cast %swap3A_296 : i32 to index
        %swap3A_298 = arith.constant 48 : index
        %swap3A_299 = tpu.vector_load %arg18[%swap3A_297, %swap3A_298] {strides = array<i32>} : memref<8x128xf32, #tpu.memory_space<vmem>>, vector<16xf32>,
        tpu.vector_store %arg18[%swap3A_297, %swap3A_298], %add3A_295 {strides = array<i32>} : memref<8x128xf32, #tpu.memory_space<vmem>>, vector<16xf32>,
        %get3A_300 = arith.constant 1 : i32
        %get3A_301 = arith.index_cast %get3A_300 : i32 to index
        %get3A_302 = arith.constant 64 : index
        %get3A_303 = tpu.vector_load %arg18[%get3A_301, %get3A_302] {strides = array<i32>} : memref<8x128xf32, #tpu.memory_space<vmem>>, vector<16xf32>,
        %get3A_304 = arith.constant 1 : i32
        %get3A_305 = arith.index_cast %get3A_304 : i32 to index
        %get3A_306 = arith.constant 64 : index
        %get3A_307 = tpu.vector_load %arg19[%get3A_305, %get3A_306] {strides = array<i32>} : memref<8x128xf32, #tpu.memory_space<vmem>>, vector<16xf32>,
        %mul3A_308 = arith.mulf %gather3A_227, %get3A_307 : vector<16xf32>
        %add3A_309 = arith.addf %get3A_303, %mul3A_308 : vector<16xf32>
        %mul3A_310 = arith.mulf %gather3A_227, %add3A_309 : vector<16xf32>
        %get3A_311 = arith.constant 64 : index
        %get3A_312 = tpu.vector_load %arg14[%get3A_311] {strides = array<i32>} : memref<256xf32, #tpu.memory_space<vmem>>, vector<16xf32>,
        %add3A_313 = arith.addf %mul3A_310, %get3A_312 : vector<16xf32>
        %swap3A_314 = arith.constant 1 : i32
        %swap3A_315 = arith.index_cast %swap3A_314 : i32 to index
        %swap3A_316 = arith.constant 64 : index
        %swap3A_317 = tpu.vector_load %arg18[%swap3A_315, %swap3A_316] {strides = array<i32>} : memref<8x128xf32, #tpu.memory_space<vmem>>, vector<16xf32>,
        tpu.vector_store %arg18[%swap3A_315, %swap3A_316], %add3A_313 {strides = array<i32>} : memref<8x128xf32, #tpu.memory_space<vmem>>, vector<16xf32>,
        %get3A_318 = arith.constant 1 : i32
        %get3A_319 = arith.index_cast %get3A_318 : i32 to index
        %get3A_320 = arith.constant 80 : index
        %get3A_321 = tpu.vector_load %arg18[%get3A_319, %get3A_320] {strides = array<i32>} : memref<8x128xf32, #tpu.memory_space<vmem>>, vector<16xf32>,
        %get3A_322 = arith.constant 1 : i32
        %get3A_323 = arith.index_cast %get3A_322 : i32 to index
        %get3A_324 = arith.constant 80 : index
        %get3A_325 = tpu.vector_load %arg19[%get3A_323, %get3A_324] {strides = array<i32>} : memref<8x128xf32, #tpu.memory_space<vmem>>, vector<16xf32>,
        %mul3A_326 = arith.mulf %gather3A_227, %get3A_325 : vector<16xf32>
        %add3A_327 = arith.addf %get3A_321, %mul3A_326 : vector<16xf32>
        %mul3A_328 = arith.mulf %gather3A_227, %add3A_327 : vector<16xf32>
        %get3A_329 = arith.constant 80 : index
        %get3A_330 = tpu.vector_load %arg14[%get3A_329] {strides = array<i32>} : memref<256xf32, #tpu.memory_space<vmem>>, vector<16xf32>,
        %add3A_331 = arith.addf %mul3A_328, %get3A_330 : vector<16xf32>
        %swap3A_332 = arith.constant 1 : i32
        %swap3A_333 = arith.index_cast %swap3A_332 : i32 to index
        %swap3A_334 = arith.constant 80 : index
        %swap3A_335 = tpu.vector_load %arg18[%swap3A_333, %swap3A_334] {strides = array<i32>} : memref<8x128xf32, #tpu.memory_space<vmem>>, vector<16xf32>,
        tpu.vector_store %arg18[%swap3A_333, %swap3A_334], %add3A_331 {strides = array<i32>} : memref<8x128xf32, #tpu.memory_space<vmem>>, vector<16xf32>,
        %get3A_336 = arith.constant 1 : i32
        %get3A_337 = arith.index_cast %get3A_336 : i32 to index
        %get3A_338 = arith.constant 96 : index
        %get3A_339 = tpu.vector_load %arg18[%get3A_337, %get3A_338] {strides = array<i32>} : memref<8x128xf32, #tpu.memory_space<vmem>>, vector<16xf32>,
        %get3A_340 = arith.constant 1 : i32
        %get3A_341 = arith.index_cast %get3A_340 : i32 to index
        %get3A_342 = arith.constant 96 : index
        %get3A_343 = tpu.vector_load %arg19[%get3A_341, %get3A_342] {strides = array<i32>} : memref<8x128xf32, #tpu.memory_space<vmem>>, vector<16xf32>,
        %mul3A_344 = arith.mulf %gather3A_227, %get3A_343 : vector<16xf32>
        %add3A_345 = arith.addf %get3A_339, %mul3A_344 : vector<16xf32>
        %mul3A_346 = arith.mulf %gather3A_227, %add3A_345 : vector<16xf32>
        %get3A_347 = arith.constant 96 : index
        %get3A_348 = tpu.vector_load %arg14[%get3A_347] {strides = array<i32>} : memref<256xf32, #tpu.memory_space<vmem>>, vector<16xf32>,
        %add3A_349 = arith.addf %mul3A_346, %get3A_348 : vector<16xf32>
        %swap3A_350 = arith.constant 1 : i32
        %swap3A_351 = arith.index_cast %swap3A_350 : i32 to index
        %swap3A_352 = arith.constant 96 : index
        %swap3A_353 = tpu.vector_load %arg18[%swap3A_351, %swap3A_352] {strides = array<i32>} : memref<8x128xf32, #tpu.memory_space<vmem>>, vector<16xf32>,
        tpu.vector_store %arg18[%swap3A_351, %swap3A_352], %add3A_349 {strides = array<i32>} : memref<8x128xf32, #tpu.memory_space<vmem>>, vector<16xf32>,
        %get3A_354 = arith.constant 1 : i32
        %get3A_355 = arith.index_cast %get3A_354 : i32 to index
        %get3A_356 = arith.constant 112 : index
        %get3A_357 = tpu.vector_load %arg18[%get3A_355, %get3A_356] {strides = array<i32>} : memref<8x128xf32, #tpu.memory_space<vmem>>, vector<16xf32>,
        %get3A_358 = arith.constant 1 : i32
        %get3A_359 = arith.index_cast %get3A_358 : i32 to index
        %get3A_360 = arith.constant 112 : index
        %get3A_361 = tpu.vector_load %arg19[%get3A_359, %get3A_360] {strides = array<i32>} : memref<8x128xf32, #tpu.memory_space<vmem>>, vector<16xf32>,
        %mul3A_362 = arith.mulf %gather3A_227, %get3A_361 : vector<16xf32>
        %add3A_363 = arith.addf %get3A_357, %mul3A_362 : vector<16xf32>
        %mul3A_364 = arith.mulf %gather3A_227, %add3A_363 : vector<16xf32>
        %get3A_365 = arith.constant 112 : index
        %get3A_366 = tpu.vector_load %arg14[%get3A_365] {strides = array<i32>} : memref<256xf32, #tpu.memory_space<vmem>>, vector<16xf32>,
        %add3A_367 = arith.addf %mul3A_364, %get3A_366 : vector<16xf32>
        %swap3A_368 = arith.constant 1 : i32
        %swap3A_369 = arith.index_cast %swap3A_368 : i32 to index
        %swap3A_370 = arith.constant 112 : index
        %swap3A_371 = tpu.vector_load %arg18[%swap3A_369, %swap3A_370] {strides = array<i32>} : memref<8x128xf32, #tpu.memory_space<vmem>>, vector<16xf32>,
        tpu.vector_store %arg18[%swap3A_369, %swap3A_370], %add3A_367 {strides = array<i32>} : memref<8x128xf32, #tpu.memory_space<vmem>>, vector<16xf32>,
        %add3A_372 = arith.constant 2 : i32
        %add3A_373 = arith.addi %add3A_79, %add3A_372 : i32
        %broadcast_in_dim3A_374 = vector.broadcast %add3A_373 : i32 to vector<16xi32>
        %gather3A_375 = tpu.vector_load_idx %arg13[%broadcast_in_dim3A_374] : memref<10240xf32, #tpu.memory_space<vmem>>[vector<16xi32>], vector<16xf32>,
        %get3A_376 = arith.constant 2 : i32
        %get3A_377 = arith.index_cast %get3A_376 : i32 to index
        %get3A_378 = arith.constant 0 : index
        %get3A_379 = tpu.vector_load %arg18[%get3A_377, %get3A_378] {strides = array<i32>} : memref<8x128xf32, #tpu.memory_space<vmem>>, vector<16xf32>,
        %get3A_380 = arith.constant 2 : i32
        %get3A_381 = arith.index_cast %get3A_380 : i32 to index
        %get3A_382 = arith.constant 0 : index
        %get3A_383 = tpu.vector_load %arg19[%get3A_381, %get3A_382] {strides = array<i32>} : memref<8x128xf32, #tpu.memory_space<vmem>>, vector<16xf32>,
        %mul3A_384 = arith.mulf %gather3A_375, %get3A_383 : vector<16xf32>
        %add3A_385 = arith.addf %get3A_379, %mul3A_384 : vector<16xf32>
        %mul3A_386 = arith.mulf %gather3A_375, %add3A_385 : vector<16xf32>
        %get3A_387 = arith.constant 0 : index
        %get3A_388 = tpu.vector_load %arg14[%get3A_387] {strides = array<i32>} : memref<256xf32, #tpu.memory_space<vmem>>, vector<16xf32>,
        %add3A_389 = arith.addf %mul3A_386, %get3A_388 : vector<16xf32>
        %swap3A_390 = arith.constant 2 : i32
        %swap3A_391 = arith.index_cast %swap3A_390 : i32 to index
        %swap3A_392 = arith.constant 0 : index
        %swap3A_393 = tpu.vector_load %arg18[%swap3A_391, %swap3A_392] {strides = array<i32>} : memref<8x128xf32, #tpu.memory_space<vmem>>, vector<16xf32>,
        tpu.vector_store %arg18[%swap3A_391, %swap3A_392], %add3A_389 {strides = array<i32>} : memref<8x128xf32, #tpu.memory_space<vmem>>, vector<16xf32>,
        %get3A_394 = arith.constant 2 : i32
        %get3A_395 = arith.index_cast %get3A_394 : i32 to index
        %get3A_396 = arith.constant 16 : index
        %get3A_397 = tpu.vector_load %arg18[%get3A_395, %get3A_396] {strides = array<i32>} : memref<8x128xf32, #tpu.memory_space<vmem>>, vector<16xf32>,
        %get3A_398 = arith.constant 2 : i32
        %get3A_399 = arith.index_cast %get3A_398 : i32 to index
        %get3A_400 = arith.constant 16 : index
        %get3A_401 = tpu.vector_load %arg19[%get3A_399, %get3A_400] {strides = array<i32>} : memref<8x128xf32, #tpu.memory_space<vmem>>, vector<16xf32>,
        %mul3A_402 = arith.mulf %gather3A_375, %get3A_401 : vector<16xf32>
        %add3A_403 = arith.addf %get3A_397, %mul3A_402 : vector<16xf32>
        %mul3A_404 = arith.mulf %gather3A_375, %add3A_403 : vector<16xf32>
        %get3A_405 = arith.constant 16 : index
        %get3A_406 = tpu.vector_load %arg14[%get3A_405] {strides = array<i32>} : memref<256xf32, #tpu.memory_space<vmem>>, vector<16xf32>,
        %add3A_407 = arith.addf %mul3A_404, %get3A_406 : vector<16xf32>
        %swap3A_408 = arith.constant 2 : i32
        %swap3A_409 = arith.index_cast %swap3A_408 : i32 to index
        %swap3A_410 = arith.constant 16 : index
        %swap3A_411 = tpu.vector_load %arg18[%swap3A_409, %swap3A_410] {strides = array<i32>} : memref<8x128xf32, #tpu.memory_space<vmem>>, vector<16xf32>,
        tpu.vector_store %arg18[%swap3A_409, %swap3A_410], %add3A_407 {strides = array<i32>} : memref<8x128xf32, #tpu.memory_space<vmem>>, vector<16xf32>,
        %get3A_412 = arith.constant 2 : i32
        %get3A_413 = arith.index_cast %get3A_412 : i32 to index
        %get3A_414 = arith.constant 32 : index
        %get3A_415 = tpu.vector_load %arg18[%get3A_413, %get3A_414] {strides = array<i32>} : memref<8x128xf32, #tpu.memory_space<vmem>>, vector<16xf32>,
        %get3A_416 = arith.constant 2 : i32
        %get3A_417 = arith.index_cast %get3A_416 : i32 to index
        %get3A_418 = arith.constant 32 : index
        %get3A_419 = tpu.vector_load %arg19[%get3A_417, %get3A_418] {strides = array<i32>} : memref<8x128xf32, #tpu.memory_space<vmem>>, vector<16xf32>,
        %mul3A_420 = arith.mulf %gather3A_375, %get3A_419 : vector<16xf32>
        %add3A_421 = arith.addf %get3A_415, %mul3A_420 : vector<16xf32>
        %mul3A_422 = arith.mulf %gather3A_375, %add3A_421 : vector<16xf32>
        %get3A_423 = arith.constant 32 : index
        %get3A_424 = tpu.vector_load %arg14[%get3A_423] {strides = array<i32>} : memref<256xf32, #tpu.memory_space<vmem>>, vector<16xf32>,
        %add3A_425 = arith.addf %mul3A_422, %get3A_424 : vector<16xf32>
        %swap3A_426 = arith.constant 2 : i32
        %swap3A_427 = arith.index_cast %swap3A_426 : i32 to index
        %swap3A_428 = arith.constant 32 : index
        %swap3A_429 = tpu.vector_load %arg18[%swap3A_427, %swap3A_428] {strides = array<i32>} : memref<8x128xf32, #tpu.memory_space<vmem>>, vector<16xf32>,
        tpu.vector_store %arg18[%swap3A_427, %swap3A_428], %add3A_425 {strides = array<i32>} : memref<8x128xf32, #tpu.memory_space<vmem>>, vector<16xf32>,
        %get3A_430 = arith.constant 2 : i32
        %get3A_431 = arith.index_cast %get3A_430 : i32 to index
        %get3A_432 = arith.constant 48 : index
        %get3A_433 = tpu.vector_load %arg18[%get3A_431, %get3A_432] {strides = array<i32>} : memref<8x128xf32, #tpu.memory_space<vmem>>, vector<16xf32>,
        %get3A_434 = arith.constant 2 : i32
        %get3A_435 = arith.index_cast %get3A_434 : i32 to index
        %get3A_436 = arith.constant 48 : index
        %get3A_437 = tpu.vector_load %arg19[%get3A_435, %get3A_436] {strides = array<i32>} : memref<8x128xf32, #tpu.memory_space<vmem>>, vector<16xf32>,
        %mul3A_438 = arith.mulf %gather3A_375, %get3A_437 : vector<16xf32>
        %add3A_439 = arith.addf %get3A_433, %mul3A_438 : vector<16xf32>
        %mul3A_440 = arith.mulf %gather3A_375, %add3A_439 : vector<16xf32>
        %get3A_441 = arith.constant 48 : index
        %get3A_442 = tpu.vector_load %arg14[%get3A_441] {strides = array<i32>} : memref<256xf32, #tpu.memory_space<vmem>>, vector<16xf32>,
        %add3A_443 = arith.addf %mul3A_440, %get3A_442 : vector<16xf32>
        %swap3A_444 = arith.constant 2 : i32
        %swap3A_445 = arith.index_cast %swap3A_444 : i32 to index
        %swap3A_446 = arith.constant 48 : index
        %swap3A_447 = tpu.vector_load %arg18[%swap3A_445, %swap3A_446] {strides = array<i32>} : memref<8x128xf32, #tpu.memory_space<vmem>>, vector<16xf32>,
        tpu.vector_store %arg18[%swap3A_445, %swap3A_446], %add3A_443 {strides = array<i32>} : memref<8x128xf32, #tpu.memory_space<vmem>>, vector<16xf32>,
        %get3A_448 = arith.constant 2 : i32
        %get3A_449 = arith.index_cast %get3A_448 : i32 to index
        %get3A_450 = arith.constant 64 : index
        %get3A_451 = tpu.vector_load %arg18[%get3A_449, %get3A_450] {strides = array<i32>} : memref<8x128xf32, #tpu.memory_space<vmem>>, vector<16xf32>,
        %get3A_452 = arith.constant 2 : i32
        %get3A_453 = arith.index_cast %get3A_452 : i32 to index
        %get3A_454 = arith.constant 64 : index
        %get3A_455 = tpu.vector_load %arg19[%get3A_453, %get3A_454] {strides = array<i32>} : memref<8x128xf32, #tpu.memory_space<vmem>>, vector<16xf32>,
        %mul3A_456 = arith.mulf %gather3A_375, %get3A_455 : vector<16xf32>
        %add3A_457 = arith.addf %get3A_451, %mul3A_456 : vector<16xf32>
        %mul3A_458 = arith.mulf %gather3A_375, %add3A_457 : vector<16xf32>
        %get3A_459 = arith.constant 64 : index
        %get3A_460 = tpu.vector_load %arg14[%get3A_459] {strides = array<i32>} : memref<256xf32, #tpu.memory_space<vmem>>, vector<16xf32>,
        %add3A_461 = arith.addf %mul3A_458, %get3A_460 : vector<16xf32>
        %swap3A_462 = arith.constant 2 : i32
        %swap3A_463 = arith.index_cast %swap3A_462 : i32 to index
        %swap3A_464 = arith.constant 64 : index
        %swap3A_465 = tpu.vector_load %arg18[%swap3A_463, %swap3A_464] {strides = array<i32>} : memref<8x128xf32, #tpu.memory_space<vmem>>, vector<16xf32>,
        tpu.vector_store %arg18[%swap3A_463, %swap3A_464], %add3A_461 {strides = array<i32>} : memref<8x128xf32, #tpu.memory_space<vmem>>, vector<16xf32>,
        %get3A_466 = arith.constant 2 : i32
        %get3A_467 = arith.index_cast %get3A_466 : i32 to index
        %get3A_468 = arith.constant 80 : index
        %get3A_469 = tpu.vector_load %arg18[%get3A_467, %get3A_468] {strides = array<i32>} : memref<8x128xf32, #tpu.memory_space<vmem>>, vector<16xf32>,
        %get3A_470 = arith.constant 2 : i32
        %get3A_471 = arith.index_cast %get3A_470 : i32 to index
        %get3A_472 = arith.constant 80 : index
        %get3A_473 = tpu.vector_load %arg19[%get3A_471, %get3A_472] {strides = array<i32>} : memref<8x128xf32, #tpu.memory_space<vmem>>, vector<16xf32>,
        %mul3A_474 = arith.mulf %gather3A_375, %get3A_473 : vector<16xf32>
        %add3A_475 = arith.addf %get3A_469, %mul3A_474 : vector<16xf32>
        %mul3A_476 = arith.mulf %gather3A_375, %add3A_475 : vector<16xf32>
        %get3A_477 = arith.constant 80 : index
        %get3A_478 = tpu.vector_load %arg14[%get3A_477] {strides = array<i32>} : memref<256xf32, #tpu.memory_space<vmem>>, vector<16xf32>,
        %add3A_479 = arith.addf %mul3A_476, %get3A_478 : vector<16xf32>
        %swap3A_480 = arith.constant 2 : i32
        %swap3A_481 = arith.index_cast %swap3A_480 : i32 to index
        %swap3A_482 = arith.constant 80 : index
        %swap3A_483 = tpu.vector_load %arg18[%swap3A_481, %swap3A_482] {strides = array<i32>} : memref<8x128xf32, #tpu.memory_space<vmem>>, vector<16xf32>,
        tpu.vector_store %arg18[%swap3A_481, %swap3A_482], %add3A_479 {strides = array<i32>} : memref<8x128xf32, #tpu.memory_space<vmem>>, vector<16xf32>,
        %get3A_484 = arith.constant 2 : i32
        %get3A_485 = arith.index_cast %get3A_484 : i32 to index
        %get3A_486 = arith.constant 96 : index
        %get3A_487 = tpu.vector_load %arg18[%get3A_485, %get3A_486] {strides = array<i32>} : memref<8x128xf32, #tpu.memory_space<vmem>>, vector<16xf32>,
        %get3A_488 = arith.constant 2 : i32
        %get3A_489 = arith.index_cast %get3A_488 : i32 to index
        %get3A_490 = arith.constant 96 : index
        %get3A_491 = tpu.vector_load %arg19[%get3A_489, %get3A_490] {strides = array<i32>} : memref<8x128xf32, #tpu.memory_space<vmem>>, vector<16xf32>,
        %mul3A_492 = arith.mulf %gather3A_375, %get3A_491 : vector<16xf32>
        %add3A_493 = arith.addf %get3A_487, %mul3A_492 : vector<16xf32>
        %mul3A_494 = arith.mulf %gather3A_375, %add3A_493 : vector<16xf32>
        %get3A_495 = arith.constant 96 : index
        %get3A_496 = tpu.vector_load %arg14[%get3A_495] {strides = array<i32>} : memref<256xf32, #tpu.memory_space<vmem>>, vector<16xf32>,
        %add3A_497 = arith.addf %mul3A_494, %get3A_496 : vector<16xf32>
        %swap3A_498 = arith.constant 2 : i32
        %swap3A_499 = arith.index_cast %swap3A_498 : i32 to index
        %swap3A_500 = arith.constant 96 : index
        %swap3A_501 = tpu.vector_load %arg18[%swap3A_499, %swap3A_500] {strides = array<i32>} : memref<8x128xf32, #tpu.memory_space<vmem>>, vector<16xf32>,
        tpu.vector_store %arg18[%swap3A_499, %swap3A_500], %add3A_497 {strides = array<i32>} : memref<8x128xf32, #tpu.memory_space<vmem>>, vector<16xf32>,
        %get3A_502 = arith.constant 2 : i32
        %get3A_503 = arith.index_cast %get3A_502 : i32 to index
        %get3A_504 = arith.constant 112 : index
        %get3A_505 = tpu.vector_load %arg18[%get3A_503, %get3A_504] {strides = array<i32>} : memref<8x128xf32, #tpu.memory_space<vmem>>, vector<16xf32>,
        %get3A_506 = arith.constant 2 : i32
        %get3A_507 = arith.index_cast %get3A_506 : i32 to index
        %get3A_508 = arith.constant 112 : index
        %get3A_509 = tpu.vector_load %arg19[%get3A_507, %get3A_508] {strides = array<i32>} : memref<8x128xf32, #tpu.memory_space<vmem>>, vector<16xf32>,
        %mul3A_510 = arith.mulf %gather3A_375, %get3A_509 : vector<16xf32>
        %add3A_511 = arith.addf %get3A_505, %mul3A_510 : vector<16xf32>
        %mul3A_512 = arith.mulf %gather3A_375, %add3A_511 : vector<16xf32>
        %get3A_513 = arith.constant 112 : index
        %get3A_514 = tpu.vector_load %arg14[%get3A_513] {strides = array<i32>} : memref<256xf32, #tpu.memory_space<vmem>>, vector<16xf32>,
        %add3A_515 = arith.addf %mul3A_512, %get3A_514 : vector<16xf32>
        %swap3A_516 = arith.constant 2 : i32
        %swap3A_517 = arith.index_cast %swap3A_516 : i32 to index
        %swap3A_518 = arith.constant 112 : index
        %swap3A_519 = tpu.vector_load %arg18[%swap3A_517, %swap3A_518] {strides = array<i32>} : memref<8x128xf32, #tpu.memory_space<vmem>>, vector<16xf32>,
        tpu.vector_store %arg18[%swap3A_517, %swap3A_518], %add3A_515 {strides = array<i32>} : memref<8x128xf32, #tpu.memory_space<vmem>>, vector<16xf32>,
        %add3A_520 = arith.constant 3 : i32
        %add3A_521 = arith.addi %add3A_79, %add3A_520 : i32
        %broadcast_in_dim3A_522 = vector.broadcast %add3A_521 : i32 to vector<16xi32>
        %gather3A_523 = tpu.vector_load_idx %arg13[%broadcast_in_dim3A_522] : memref<10240xf32, #tpu.memory_space<vmem>>[vector<16xi32>], vector<16xf32>,
        %get3A_524 = arith.constant 3 : i32
        %get3A_525 = arith.index_cast %get3A_524 : i32 to index
        %get3A_526 = arith.constant 0 : index
        %get3A_527 = tpu.vector_load %arg18[%get3A_525, %get3A_526] {strides = array<i32>} : memref<8x128xf32, #tpu.memory_space<vmem>>, vector<16xf32>,
        %get3A_528 = arith.constant 3 : i32
        %get3A_529 = arith.index_cast %get3A_528 : i32 to index
        %get3A_530 = arith.constant 0 : index
        %get3A_531 = tpu.vector_load %arg19[%get3A_529, %get3A_530] {strides = array<i32>} : memref<8x128xf32, #tpu.memory_space<vmem>>, vector<16xf32>,
        %mul3A_532 = arith.mulf %gather3A_523, %get3A_531 : vector<16xf32>
        %add3A_533 = arith.addf %get3A_527, %mul3A_532 : vector<16xf32>
        %mul3A_534 = arith.mulf %gather3A_523, %add3A_533 : vector<16xf32>
        %get3A_535 = arith.constant 0 : index
        %get3A_536 = tpu.vector_load %arg14[%get3A_535] {strides = array<i32>} : memref<256xf32, #tpu.memory_space<vmem>>, vector<16xf32>,
        %add3A_537 = arith.addf %mul3A_534, %get3A_536 : vector<16xf32>
        %swap3A_538 = arith.constant 3 : i32
        %swap3A_539 = arith.index_cast %swap3A_538 : i32 to index
        %swap3A_540 = arith.constant 0 : index
        %swap3A_541 = tpu.vector_load %arg18[%swap3A_539, %swap3A_540] {strides = array<i32>} : memref<8x128xf32, #tpu.memory_space<vmem>>, vector<16xf32>,
        tpu.vector_store %arg18[%swap3A_539, %swap3A_540], %add3A_537 {strides = array<i32>} : memref<8x128xf32, #tpu.memory_space<vmem>>, vector<16xf32>,
        %get3A_542 = arith.constant 3 : i32
        %get3A_543 = arith.index_cast %get3A_542 : i32 to index
        %get3A_544 = arith.constant 16 : index
        %get3A_545 = tpu.vector_load %arg18[%get3A_543, %get3A_544] {strides = array<i32>} : memref<8x128xf32, #tpu.memory_space<vmem>>, vector<16xf32>,
        %get3A_546 = arith.constant 3 : i32
        %get3A_547 = arith.index_cast %get3A_546 : i32 to index
        %get3A_548 = arith.constant 16 : index
        %get3A_549 = tpu.vector_load %arg19[%get3A_547, %get3A_548] {strides = array<i32>} : memref<8x128xf32, #tpu.memory_space<vmem>>, vector<16xf32>,
        %mul3A_550 = arith.mulf %gather3A_523, %get3A_549 : vector<16xf32>
        %add3A_551 = arith.addf %get3A_545, %mul3A_550 : vector<16xf32>
        %mul3A_552 = arith.mulf %gather3A_523, %add3A_551 : vector<16xf32>
        %get3A_553 = arith.constant 16 : index
        %get3A_554 = tpu.vector_load %arg14[%get3A_553] {strides = array<i32>} : memref<256xf32, #tpu.memory_space<vmem>>, vector<16xf32>,
        %add3A_555 = arith.addf %mul3A_552, %get3A_554 : vector<16xf32>
        %swap3A_556 = arith.constant 3 : i32
        %swap3A_557 = arith.index_cast %swap3A_556 : i32 to index
        %swap3A_558 = arith.constant 16 : index
        %swap3A_559 = tpu.vector_load %arg18[%swap3A_557, %swap3A_558] {strides = array<i32>} : memref<8x128xf32, #tpu.memory_space<vmem>>, vector<16xf32>,
        tpu.vector_store %arg18[%swap3A_557, %swap3A_558], %add3A_555 {strides = array<i32>} : memref<8x128xf32, #tpu.memory_space<vmem>>, vector<16xf32>,
        %get3A_560 = arith.constant 3 : i32
        %get3A_561 = arith.index_cast %get3A_560 : i32 to index
        %get3A_562 = arith.constant 32 : index
        %get3A_563 = tpu.vector_load %arg18[%get3A_561, %get3A_562] {strides = array<i32>} : memref<8x128xf32, #tpu.memory_space<vmem>>, vector<16xf32>,
        %get3A_564 = arith.constant 3 : i32
        %get3A_565 = arith.index_cast %get3A_564 : i32 to index
        %get3A_566 = arith.constant 32 : index
        %get3A_567 = tpu.vector_load %arg19[%get3A_565, %get3A_566] {strides = array<i32>} : memref<8x128xf32, #tpu.memory_space<vmem>>, vector<16xf32>,
        %mul3A_568 = arith.mulf %gather3A_523, %get3A_567 : vector<16xf32>
        %add3A_569 = arith.addf %get3A_563, %mul3A_568 : vector<16xf32>
        %mul3A_570 = arith.mulf %gather3A_523, %add3A_569 : vector<16xf32>
        %get3A_571 = arith.constant 32 : index
        %get3A_572 = tpu.vector_load %arg14[%get3A_571] {strides = array<i32>} : memref<256xf32, #tpu.memory_space<vmem>>, vector<16xf32>,
        %add3A_573 = arith.addf %mul3A_570, %get3A_572 : vector<16xf32>
        %swap3A_574 = arith.constant 3 : i32
        %swap3A_575 = arith.index_cast %swap3A_574 : i32 to index
        %swap3A_576 = arith.constant 32 : index
        %swap3A_577 = tpu.vector_load %arg18[%swap3A_575, %swap3A_576] {strides = array<i32>} : memref<8x128xf32, #tpu.memory_space<vmem>>, vector<16xf32>,
        tpu.vector_store %arg18[%swap3A_575, %swap3A_576], %add3A_573 {strides = array<i32>} : memref<8x128xf32, #tpu.memory_space<vmem>>, vector<16xf32>,
        %get3A_578 = arith.constant 3 : i32
        %get3A_579 = arith.index_cast %get3A_578 : i32 to index
        %get3A_580 = arith.constant 48 : index
        %get3A_581 = tpu.vector_load %arg18[%get3A_579, %get3A_580] {strides = array<i32>} : memref<8x128xf32, #tpu.memory_space<vmem>>, vector<16xf32>,
        %get3A_582 = arith.constant 3 : i32
        %get3A_583 = arith.index_cast %get3A_582 : i32 to index
        %get3A_584 = arith.constant 48 : index
        %get3A_585 = tpu.vector_load %arg19[%get3A_583, %get3A_584] {strides = array<i32>} : memref<8x128xf32, #tpu.memory_space<vmem>>, vector<16xf32>,
        %mul3A_586 = arith.mulf %gather3A_523, %get3A_585 : vector<16xf32>
        %add3A_587 = arith.addf %get3A_581, %mul3A_586 : vector<16xf32>
        %mul3A_588 = arith.mulf %gather3A_523, %add3A_587 : vector<16xf32>
        %get3A_589 = arith.constant 48 : index
        %get3A_590 = tpu.vector_load %arg14[%get3A_589] {strides = array<i32>} : memref<256xf32, #tpu.memory_space<vmem>>, vector<16xf32>,
        %add3A_591 = arith.addf %mul3A_588, %get3A_590 : vector<16xf32>
        %swap3A_592 = arith.constant 3 : i32
        %swap3A_593 = arith.index_cast %swap3A_592 : i32 to index
        %swap3A_594 = arith.constant 48 : index
        %swap3A_595 = tpu.vector_load %arg18[%swap3A_593, %swap3A_594] {strides = array<i32>} : memref<8x128xf32, #tpu.memory_space<vmem>>, vector<16xf32>,
        tpu.vector_store %arg18[%swap3A_593, %swap3A_594], %add3A_591 {strides = array<i32>} : memref<8x128xf32, #tpu.memory_space<vmem>>, vector<16xf32>,
        %get3A_596 = arith.constant 3 : i32
        %get3A_597 = arith.index_cast %get3A_596 : i32 to index
        %get3A_598 = arith.constant 64 : index
        %get3A_599 = tpu.vector_load %arg18[%get3A_597, %get3A_598] {strides = array<i32>} : memref<8x128xf32, #tpu.memory_space<vmem>>, vector<16xf32>,
        %get3A_600 = arith.constant 3 : i32
        %get3A_601 = arith.index_cast %get3A_600 : i32 to index
        %get3A_602 = arith.constant 64 : index
        %get3A_603 = tpu.vector_load %arg19[%get3A_601, %get3A_602] {strides = array<i32>} : memref<8x128xf32, #tpu.memory_space<vmem>>, vector<16xf32>,
        %mul3A_604 = arith.mulf %gather3A_523, %get3A_603 : vector<16xf32>
        %add3A_605 = arith.addf %get3A_599, %mul3A_604 : vector<16xf32>
        %mul3A_606 = arith.mulf %gather3A_523, %add3A_605 : vector<16xf32>
        %get3A_607 = arith.constant 64 : index
        %get3A_608 = tpu.vector_load %arg14[%get3A_607] {strides = array<i32>} : memref<256xf32, #tpu.memory_space<vmem>>, vector<16xf32>,
        %add3A_609 = arith.addf %mul3A_606, %get3A_608 : vector<16xf32>
        %swap3A_610 = arith.constant 3 : i32
        %swap3A_611 = arith.index_cast %swap3A_610 : i32 to index
        %swap3A_612 = arith.constant 64 : index
        %swap3A_613 = tpu.vector_load %arg18[%swap3A_611, %swap3A_612] {strides = array<i32>} : memref<8x128xf32, #tpu.memory_space<vmem>>, vector<16xf32>,
        tpu.vector_store %arg18[%swap3A_611, %swap3A_612], %add3A_609 {strides = array<i32>} : memref<8x128xf32, #tpu.memory_space<vmem>>, vector<16xf32>,
        %get3A_614 = arith.constant 3 : i32
        %get3A_615 = arith.index_cast %get3A_614 : i32 to index
        %get3A_616 = arith.constant 80 : index
        %get3A_617 = tpu.vector_load %arg18[%get3A_615, %get3A_616] {strides = array<i32>} : memref<8x128xf32, #tpu.memory_space<vmem>>, vector<16xf32>,
        %get3A_618 = arith.constant 3 : i32
        %get3A_619 = arith.index_cast %get3A_618 : i32 to index
        %get3A_620 = arith.constant 80 : index
        %get3A_621 = tpu.vector_load %arg19[%get3A_619, %get3A_620] {strides = array<i32>} : memref<8x128xf32, #tpu.memory_space<vmem>>, vector<16xf32>,
        %mul3A_622 = arith.mulf %gather3A_523, %get3A_621 : vector<16xf32>
        %add3A_623 = arith.addf %get3A_617, %mul3A_622 : vector<16xf32>
        %mul3A_624 = arith.mulf %gather3A_523, %add3A_623 : vector<16xf32>
        %get3A_625 = arith.constant 80 : index
        %get3A_626 = tpu.vector_load %arg14[%get3A_625] {strides = array<i32>} : memref<256xf32, #tpu.memory_space<vmem>>, vector<16xf32>,
        %add3A_627 = arith.addf %mul3A_624, %get3A_626 : vector<16xf32>
        %swap3A_628 = arith.constant 3 : i32
        %swap3A_629 = arith.index_cast %swap3A_628 : i32 to index
        %swap3A_630 = arith.constant 80 : index
        %swap3A_631 = tpu.vector_load %arg18[%swap3A_629, %swap3A_630] {strides = array<i32>} : memref<8x128xf32, #tpu.memory_space<vmem>>, vector<16xf32>,
        tpu.vector_store %arg18[%swap3A_629, %swap3A_630], %add3A_627 {strides = array<i32>} : memref<8x128xf32, #tpu.memory_space<vmem>>, vector<16xf32>,
        %get3A_632 = arith.constant 3 : i32
        %get3A_633 = arith.index_cast %get3A_632 : i32 to index
        %get3A_634 = arith.constant 96 : index
        %get3A_635 = tpu.vector_load %arg18[%get3A_633, %get3A_634] {strides = array<i32>} : memref<8x128xf32, #tpu.memory_space<vmem>>, vector<16xf32>,
        %get3A_636 = arith.constant 3 : i32
        %get3A_637 = arith.index_cast %get3A_636 : i32 to index
        %get3A_638 = arith.constant 96 : index
        %get3A_639 = tpu.vector_load %arg19[%get3A_637, %get3A_638] {strides = array<i32>} : memref<8x128xf32, #tpu.memory_space<vmem>>, vector<16xf32>,
        %mul3A_640 = arith.mulf %gather3A_523, %get3A_639 : vector<16xf32>
        %add3A_641 = arith.addf %get3A_635, %mul3A_640 : vector<16xf32>
        %mul3A_642 = arith.mulf %gather3A_523, %add3A_641 : vector<16xf32>
        %get3A_643 = arith.constant 96 : index
        %get3A_644 = tpu.vector_load %arg14[%get3A_643] {strides = array<i32>} : memref<256xf32, #tpu.memory_space<vmem>>, vector<16xf32>,
        %add3A_645 = arith.addf %mul3A_642, %get3A_644 : vector<16xf32>
        %swap3A_646 = arith.constant 3 : i32
        %swap3A_647 = arith.index_cast %swap3A_646 : i32 to index
        %swap3A_648 = arith.constant 96 : index
        %swap3A_649 = tpu.vector_load %arg18[%swap3A_647, %swap3A_648] {strides = array<i32>} : memref<8x128xf32, #tpu.memory_space<vmem>>, vector<16xf32>,
        tpu.vector_store %arg18[%swap3A_647, %swap3A_648], %add3A_645 {strides = array<i32>} : memref<8x128xf32, #tpu.memory_space<vmem>>, vector<16xf32>,
        %get3A_650 = arith.constant 3 : i32
        %get3A_651 = arith.index_cast %get3A_650 : i32 to index
        %get3A_652 = arith.constant 112 : index
        %get3A_653 = tpu.vector_load %arg18[%get3A_651, %get3A_652] {strides = array<i32>} : memref<8x128xf32, #tpu.memory_space<vmem>>, vector<16xf32>,
        %get3A_654 = arith.constant 3 : i32
        %get3A_655 = arith.index_cast %get3A_654 : i32 to index
        %get3A_656 = arith.constant 112 : index
        %get3A_657 = tpu.vector_load %arg19[%get3A_655, %get3A_656] {strides = array<i32>} : memref<8x128xf32, #tpu.memory_space<vmem>>, vector<16xf32>,
        %mul3A_658 = arith.mulf %gather3A_523, %get3A_657 : vector<16xf32>
        %add3A_659 = arith.addf %get3A_653, %mul3A_658 : vector<16xf32>
        %mul3A_660 = arith.mulf %gather3A_523, %add3A_659 : vector<16xf32>
        %get3A_661 = arith.constant 112 : index
        %get3A_662 = tpu.vector_load %arg14[%get3A_661] {strides = array<i32>} : memref<256xf32, #tpu.memory_space<vmem>>, vector<16xf32>,
        %add3A_663 = arith.addf %mul3A_660, %get3A_662 : vector<16xf32>
        %swap3A_664 = arith.constant 3 : i32
        %swap3A_665 = arith.index_cast %swap3A_664 : i32 to index
        %swap3A_666 = arith.constant 112 : index
        %swap3A_667 = tpu.vector_load %arg18[%swap3A_665, %swap3A_666] {strides = array<i32>} : memref<8x128xf32, #tpu.memory_space<vmem>>, vector<16xf32>,
        tpu.vector_store %arg18[%swap3A_665, %swap3A_666], %add3A_663 {strides = array<i32>} : memref<8x128xf32, #tpu.memory_space<vmem>>, vector<16xf32>,
        %add3A_668 = arith.constant 4 : i32
        %add3A_669 = arith.addi %add3A_79, %add3A_668 : i32
        %broadcast_in_dim3A_670 = vector.broadcast %add3A_669 : i32 to vector<16xi32>
        %gather3A_671 = tpu.vector_load_idx %arg13[%broadcast_in_dim3A_670] : memref<10240xf32, #tpu.memory_space<vmem>>[vector<16xi32>], vector<16xf32>,
        %get3A_672 = arith.constant 4 : i32
        %get3A_673 = arith.index_cast %get3A_672 : i32 to index
        %get3A_674 = arith.constant 0 : index
        %get3A_675 = tpu.vector_load %arg18[%get3A_673, %get3A_674] {strides = array<i32>} : memref<8x128xf32, #tpu.memory_space<vmem>>, vector<16xf32>,
        %get3A_676 = arith.constant 4 : i32
        %get3A_677 = arith.index_cast %get3A_676 : i32 to index
        %get3A_678 = arith.constant 0 : index
        %get3A_679 = tpu.vector_load %arg19[%get3A_677, %get3A_678] {strides = array<i32>} : memref<8x128xf32, #tpu.memory_space<vmem>>, vector<16xf32>,
        %mul3A_680 = arith.mulf %gather3A_671, %get3A_679 : vector<16xf32>
        %add3A_681 = arith.addf %get3A_675, %mul3A_680 : vector<16xf32>
        %mul3A_682 = arith.mulf %gather3A_671, %add3A_681 : vector<16xf32>
        %get3A_683 = arith.constant 0 : index
        %get3A_684 = tpu.vector_load %arg14[%get3A_683] {strides = array<i32>} : memref<256xf32, #tpu.memory_space<vmem>>, vector<16xf32>,
        %add3A_685 = arith.addf %mul3A_682, %get3A_684 : vector<16xf32>
        %swap3A_686 = arith.constant 4 : i32
        %swap3A_687 = arith.index_cast %swap3A_686 : i32 to index
        %swap3A_688 = arith.constant 0 : index
        %swap3A_689 = tpu.vector_load %arg18[%swap3A_687, %swap3A_688] {strides = array<i32>} : memref<8x128xf32, #tpu.memory_space<vmem>>, vector<16xf32>,
        tpu.vector_store %arg18[%swap3A_687, %swap3A_688], %add3A_685 {strides = array<i32>} : memref<8x128xf32, #tpu.memory_space<vmem>>, vector<16xf32>,
        %get3A_690 = arith.constant 4 : i32
        %get3A_691 = arith.index_cast %get3A_690 : i32 to index
        %get3A_692 = arith.constant 16 : index
        %get3A_693 = tpu.vector_load %arg18[%get3A_691, %get3A_692] {strides = array<i32>} : memref<8x128xf32, #tpu.memory_space<vmem>>, vector<16xf32>,
        %get3A_694 = arith.constant 4 : i32
        %get3A_695 = arith.index_cast %get3A_694 : i32 to index
        %get3A_696 = arith.constant 16 : index
        %get3A_697 = tpu.vector_load %arg19[%get3A_695, %get3A_696] {strides = array<i32>} : memref<8x128xf32, #tpu.memory_space<vmem>>, vector<16xf32>,
        %mul3A_698 = arith.mulf %gather3A_671, %get3A_697 : vector<16xf32>
        %add3A_699 = arith.addf %get3A_693, %mul3A_698 : vector<16xf32>
        %mul3A_700 = arith.mulf %gather3A_671, %add3A_699 : vector<16xf32>
        %get3A_701 = arith.constant 16 : index
        %get3A_702 = tpu.vector_load %arg14[%get3A_701] {strides = array<i32>} : memref<256xf32, #tpu.memory_space<vmem>>, vector<16xf32>,
        %add3A_703 = arith.addf %mul3A_700, %get3A_702 : vector<16xf32>
        %swap3A_704 = arith.constant 4 : i32
        %swap3A_705 = arith.index_cast %swap3A_704 : i32 to index
        %swap3A_706 = arith.constant 16 : index
        %swap3A_707 = tpu.vector_load %arg18[%swap3A_705, %swap3A_706] {strides = array<i32>} : memref<8x128xf32, #tpu.memory_space<vmem>>, vector<16xf32>,
        tpu.vector_store %arg18[%swap3A_705, %swap3A_706], %add3A_703 {strides = array<i32>} : memref<8x128xf32, #tpu.memory_space<vmem>>, vector<16xf32>,
        %get3A_708 = arith.constant 4 : i32
        %get3A_709 = arith.index_cast %get3A_708 : i32 to index
        %get3A_710 = arith.constant 32 : index
        %get3A_711 = tpu.vector_load %arg18[%get3A_709, %get3A_710] {strides = array<i32>} : memref<8x128xf32, #tpu.memory_space<vmem>>, vector<16xf32>,
        %get3A_712 = arith.constant 4 : i32
        %get3A_713 = arith.index_cast %get3A_712 : i32 to index
        %get3A_714 = arith.constant 32 : index
        %get3A_715 = tpu.vector_load %arg19[%get3A_713, %get3A_714] {strides = array<i32>} : memref<8x128xf32, #tpu.memory_space<vmem>>, vector<16xf32>,
        %mul3A_716 = arith.mulf %gather3A_671, %get3A_715 : vector<16xf32>
        %add3A_717 = arith.addf %get3A_711, %mul3A_716 : vector<16xf32>
        %mul3A_718 = arith.mulf %gather3A_671, %add3A_717 : vector<16xf32>
        %get3A_719 = arith.constant 32 : index
        %get3A_720 = tpu.vector_load %arg14[%get3A_719] {strides = array<i32>} : memref<256xf32, #tpu.memory_space<vmem>>, vector<16xf32>,
        %add3A_721 = arith.addf %mul3A_718, %get3A_720 : vector<16xf32>
        %swap3A_722 = arith.constant 4 : i32
        %swap3A_723 = arith.index_cast %swap3A_722 : i32 to index
        %swap3A_724 = arith.constant 32 : index
        %swap3A_725 = tpu.vector_load %arg18[%swap3A_723, %swap3A_724] {strides = array<i32>} : memref<8x128xf32, #tpu.memory_space<vmem>>, vector<16xf32>,
        tpu.vector_store %arg18[%swap3A_723, %swap3A_724], %add3A_721 {strides = array<i32>} : memref<8x128xf32, #tpu.memory_space<vmem>>, vector<16xf32>,
        %get3A_726 = arith.constant 4 : i32
        %get3A_727 = arith.index_cast %get3A_726 : i32 to index
        %get3A_728 = arith.constant 48 : index
        %get3A_729 = tpu.vector_load %arg18[%get3A_727, %get3A_728] {strides = array<i32>} : memref<8x128xf32, #tpu.memory_space<vmem>>, vector<16xf32>,
        %get3A_730 = arith.constant 4 : i32
        %get3A_731 = arith.index_cast %get3A_730 : i32 to index
        %get3A_732 = arith.constant 48 : index
        %get3A_733 = tpu.vector_load %arg19[%get3A_731, %get3A_732] {strides = array<i32>} : memref<8x128xf32, #tpu.memory_space<vmem>>, vector<16xf32>,
        %mul3A_734 = arith.mulf %gather3A_671, %get3A_733 : vector<16xf32>
        %add3A_735 = arith.addf %get3A_729, %mul3A_734 : vector<16xf32>
        %mul3A_736 = arith.mulf %gather3A_671, %add3A_735 : vector<16xf32>
        %get3A_737 = arith.constant 48 : index
        %get3A_738 = tpu.vector_load %arg14[%get3A_737] {strides = array<i32>} : memref<256xf32, #tpu.memory_space<vmem>>, vector<16xf32>,
        %add3A_739 = arith.addf %mul3A_736, %get3A_738 : vector<16xf32>
        %swap3A_740 = arith.constant 4 : i32
        %swap3A_741 = arith.index_cast %swap3A_740 : i32 to index
        %swap3A_742 = arith.constant 48 : index
        %swap3A_743 = tpu.vector_load %arg18[%swap3A_741, %swap3A_742] {strides = array<i32>} : memref<8x128xf32, #tpu.memory_space<vmem>>, vector<16xf32>,
        tpu.vector_store %arg18[%swap3A_741, %swap3A_742], %add3A_739 {strides = array<i32>} : memref<8x128xf32, #tpu.memory_space<vmem>>, vector<16xf32>,
        %get3A_744 = arith.constant 4 : i32
        %get3A_745 = arith.index_cast %get3A_744 : i32 to index
        %get3A_746 = arith.constant 64 : index
        %get3A_747 = tpu.vector_load %arg18[%get3A_745, %get3A_746] {strides = array<i32>} : memref<8x128xf32, #tpu.memory_space<vmem>>, vector<16xf32>,
        %get3A_748 = arith.constant 4 : i32
        %get3A_749 = arith.index_cast %get3A_748 : i32 to index
        %get3A_750 = arith.constant 64 : index
        %get3A_751 = tpu.vector_load %arg19[%get3A_749, %get3A_750] {strides = array<i32>} : memref<8x128xf32, #tpu.memory_space<vmem>>, vector<16xf32>,
        %mul3A_752 = arith.mulf %gather3A_671, %get3A_751 : vector<16xf32>
        %add3A_753 = arith.addf %get3A_747, %mul3A_752 : vector<16xf32>
        %mul3A_754 = arith.mulf %gather3A_671, %add3A_753 : vector<16xf32>
        %get3A_755 = arith.constant 64 : index
        %get3A_756 = tpu.vector_load %arg14[%get3A_755] {strides = array<i32>} : memref<256xf32, #tpu.memory_space<vmem>>, vector<16xf32>,
        %add3A_757 = arith.addf %mul3A_754, %get3A_756 : vector<16xf32>
        %swap3A_758 = arith.constant 4 : i32
        %swap3A_759 = arith.index_cast %swap3A_758 : i32 to index
        %swap3A_760 = arith.constant 64 : index
        %swap3A_761 = tpu.vector_load %arg18[%swap3A_759, %swap3A_760] {strides = array<i32>} : memref<8x128xf32, #tpu.memory_space<vmem>>, vector<16xf32>,
        tpu.vector_store %arg18[%swap3A_759, %swap3A_760], %add3A_757 {strides = array<i32>} : memref<8x128xf32, #tpu.memory_space<vmem>>, vector<16xf32>,
        %get3A_762 = arith.constant 4 : i32
        %get3A_763 = arith.index_cast %get3A_762 : i32 to index
        %get3A_764 = arith.constant 80 : index
        %get3A_765 = tpu.vector_load %arg18[%get3A_763, %get3A_764] {strides = array<i32>} : memref<8x128xf32, #tpu.memory_space<vmem>>, vector<16xf32>,
        %get3A_766 = arith.constant 4 : i32
        %get3A_767 = arith.index_cast %get3A_766 : i32 to index
        %get3A_768 = arith.constant 80 : index
        %get3A_769 = tpu.vector_load %arg19[%get3A_767, %get3A_768] {strides = array<i32>} : memref<8x128xf32, #tpu.memory_space<vmem>>, vector<16xf32>,
        %mul3A_770 = arith.mulf %gather3A_671, %get3A_769 : vector<16xf32>
        %add3A_771 = arith.addf %get3A_765, %mul3A_770 : vector<16xf32>
        %mul3A_772 = arith.mulf %gather3A_671, %add3A_771 : vector<16xf32>
        %get3A_773 = arith.constant 80 : index
        %get3A_774 = tpu.vector_load %arg14[%get3A_773] {strides = array<i32>} : memref<256xf32, #tpu.memory_space<vmem>>, vector<16xf32>,
        %add3A_775 = arith.addf %mul3A_772, %get3A_774 : vector<16xf32>
        %swap3A_776 = arith.constant 4 : i32
        %swap3A_777 = arith.index_cast %swap3A_776 : i32 to index
        %swap3A_778 = arith.constant 80 : index
        %swap3A_779 = tpu.vector_load %arg18[%swap3A_777, %swap3A_778] {strides = array<i32>} : memref<8x128xf32, #tpu.memory_space<vmem>>, vector<16xf32>,
        tpu.vector_store %arg18[%swap3A_777, %swap3A_778], %add3A_775 {strides = array<i32>} : memref<8x128xf32, #tpu.memory_space<vmem>>, vector<16xf32>,
        %get3A_780 = arith.constant 4 : i32
        %get3A_781 = arith.index_cast %get3A_780 : i32 to index
        %get3A_782 = arith.constant 96 : index
        %get3A_783 = tpu.vector_load %arg18[%get3A_781, %get3A_782] {strides = array<i32>} : memref<8x128xf32, #tpu.memory_space<vmem>>, vector<16xf32>,
        %get3A_784 = arith.constant 4 : i32
        %get3A_785 = arith.index_cast %get3A_784 : i32 to index
        %get3A_786 = arith.constant 96 : index
        %get3A_787 = tpu.vector_load %arg19[%get3A_785, %get3A_786] {strides = array<i32>} : memref<8x128xf32, #tpu.memory_space<vmem>>, vector<16xf32>,
        %mul3A_788 = arith.mulf %gather3A_671, %get3A_787 : vector<16xf32>
        %add3A_789 = arith.addf %get3A_783, %mul3A_788 : vector<16xf32>
        %mul3A_790 = arith.mulf %gather3A_671, %add3A_789 : vector<16xf32>
        %get3A_791 = arith.constant 96 : index
        %get3A_792 = tpu.vector_load %arg14[%get3A_791] {strides = array<i32>} : memref<256xf32, #tpu.memory_space<vmem>>, vector<16xf32>,
        %add3A_793 = arith.addf %mul3A_790, %get3A_792 : vector<16xf32>
        %swap3A_794 = arith.constant 4 : i32
        %swap3A_795 = arith.index_cast %swap3A_794 : i32 to index
        %swap3A_796 = arith.constant 96 : index
        %swap3A_797 = tpu.vector_load %arg18[%swap3A_795, %swap3A_796] {strides = array<i32>} : memref<8x128xf32, #tpu.memory_space<vmem>>, vector<16xf32>,
        tpu.vector_store %arg18[%swap3A_795, %swap3A_796], %add3A_793 {strides = array<i32>} : memref<8x128xf32, #tpu.memory_space<vmem>>, vector<16xf32>,
        %get3A_798 = arith.constant 4 : i32
        %get3A_799 = arith.index_cast %get3A_798 : i32 to index
        %get3A_800 = arith.constant 112 : index
        %get3A_801 = tpu.vector_load %arg18[%get3A_799, %get3A_800] {strides = array<i32>} : memref<8x128xf32, #tpu.memory_space<vmem>>, vector<16xf32>,
        %get3A_802 = arith.constant 4 : i32
        %get3A_803 = arith.index_cast %get3A_802 : i32 to index
        %get3A_804 = arith.constant 112 : index
        %get3A_805 = tpu.vector_load %arg19[%get3A_803, %get3A_804] {strides = array<i32>} : memref<8x128xf32, #tpu.memory_space<vmem>>, vector<16xf32>,
        %mul3A_806 = arith.mulf %gather3A_671, %get3A_805 : vector<16xf32>
        %add3A_807 = arith.addf %get3A_801, %mul3A_806 : vector<16xf32>
        %mul3A_808 = arith.mulf %gather3A_671, %add3A_807 : vector<16xf32>
        %get3A_809 = arith.constant 112 : index
        %get3A_810 = tpu.vector_load %arg14[%get3A_809] {strides = array<i32>} : memref<256xf32, #tpu.memory_space<vmem>>, vector<16xf32>,
        %add3A_811 = arith.addf %mul3A_808, %get3A_810 : vector<16xf32>
        %swap3A_812 = arith.constant 4 : i32
        %swap3A_813 = arith.index_cast %swap3A_812 : i32 to index
        %swap3A_814 = arith.constant 112 : index
        %swap3A_815 = tpu.vector_load %arg18[%swap3A_813, %swap3A_814] {strides = array<i32>} : memref<8x128xf32, #tpu.memory_space<vmem>>, vector<16xf32>,
        tpu.vector_store %arg18[%swap3A_813, %swap3A_814], %add3A_811 {strides = array<i32>} : memref<8x128xf32, #tpu.memory_space<vmem>>, vector<16xf32>,
        %add3A_816 = arith.constant 5 : i32
        %add3A_817 = arith.addi %add3A_79, %add3A_816 : i32
        %broadcast_in_dim3A_818 = vector.broadcast %add3A_817 : i32 to vector<16xi32>
        %gather3A_819 = tpu.vector_load_idx %arg13[%broadcast_in_dim3A_818] : memref<10240xf32, #tpu.memory_space<vmem>>[vector<16xi32>], vector<16xf32>,
        %get3A_820 = arith.constant 5 : i32
        %get3A_821 = arith.index_cast %get3A_820 : i32 to index
        %get3A_822 = arith.constant 0 : index
        %get3A_823 = tpu.vector_load %arg18[%get3A_821, %get3A_822] {strides = array<i32>} : memref<8x128xf32, #tpu.memory_space<vmem>>, vector<16xf32>,
        %get3A_824 = arith.constant 5 : i32
        %get3A_825 = arith.index_cast %get3A_824 : i32 to index
        %get3A_826 = arith.constant 0 : index
        %get3A_827 = tpu.vector_load %arg19[%get3A_825, %get3A_826] {strides = array<i32>} : memref<8x128xf32, #tpu.memory_space<vmem>>, vector<16xf32>,
        %mul3A_828 = arith.mulf %gather3A_819, %get3A_827 : vector<16xf32>
        %add3A_829 = arith.addf %get3A_823, %mul3A_828 : vector<16xf32>
        %mul3A_830 = arith.mulf %gather3A_819, %add3A_829 : vector<16xf32>
        %get3A_831 = arith.constant 0 : index
        %get3A_832 = tpu.vector_load %arg14[%get3A_831] {strides = array<i32>} : memref<256xf32, #tpu.memory_space<vmem>>, vector<16xf32>,
        %add3A_833 = arith.addf %mul3A_830, %get3A_832 : vector<16xf32>
        %swap3A_834 = arith.constant 5 : i32
        %swap3A_835 = arith.index_cast %swap3A_834 : i32 to index
        %swap3A_836 = arith.constant 0 : index
        %swap3A_837 = tpu.vector_load %arg18[%swap3A_835, %swap3A_836] {strides = array<i32>} : memref<8x128xf32, #tpu.memory_space<vmem>>, vector<16xf32>,
        tpu.vector_store %arg18[%swap3A_835, %swap3A_836], %add3A_833 {strides = array<i32>} : memref<8x128xf32, #tpu.memory_space<vmem>>, vector<16xf32>,
        %get3A_838 = arith.constant 5 : i32
        %get3A_839 = arith.index_cast %get3A_838 : i32 to index
        %get3A_840 = arith.constant 16 : index
        %get3A_841 = tpu.vector_load %arg18[%get3A_839, %get3A_840] {strides = array<i32>} : memref<8x128xf32, #tpu.memory_space<vmem>>, vector<16xf32>,
        %get3A_842 = arith.constant 5 : i32
        %get3A_843 = arith.index_cast %get3A_842 : i32 to index
        %get3A_844 = arith.constant 16 : index
        %get3A_845 = tpu.vector_load %arg19[%get3A_843, %get3A_844] {strides = array<i32>} : memref<8x128xf32, #tpu.memory_space<vmem>>, vector<16xf32>,
        %mul3A_846 = arith.mulf %gather3A_819, %get3A_845 : vector<16xf32>
        %add3A_847 = arith.addf %get3A_841, %mul3A_846 : vector<16xf32>
        %mul3A_848 = arith.mulf %gather3A_819, %add3A_847 : vector<16xf32>
        %get3A_849 = arith.constant 16 : index
        %get3A_850 = tpu.vector_load %arg14[%get3A_849] {strides = array<i32>} : memref<256xf32, #tpu.memory_space<vmem>>, vector<16xf32>,
        %add3A_851 = arith.addf %mul3A_848, %get3A_850 : vector<16xf32>
        %swap3A_852 = arith.constant 5 : i32
        %swap3A_853 = arith.index_cast %swap3A_852 : i32 to index
        %swap3A_854 = arith.constant 16 : index
        %swap3A_855 = tpu.vector_load %arg18[%swap3A_853, %swap3A_854] {strides = array<i32>} : memref<8x128xf32, #tpu.memory_space<vmem>>, vector<16xf32>,
        tpu.vector_store %arg18[%swap3A_853, %swap3A_854], %add3A_851 {strides = array<i32>} : memref<8x128xf32, #tpu.memory_space<vmem>>, vector<16xf32>,
        %get3A_856 = arith.constant 5 : i32
        %get3A_857 = arith.index_cast %get3A_856 : i32 to index
        %get3A_858 = arith.constant 32 : index
        %get3A_859 = tpu.vector_load %arg18[%get3A_857, %get3A_858] {strides = array<i32>} : memref<8x128xf32, #tpu.memory_space<vmem>>, vector<16xf32>,
        %get3A_860 = arith.constant 5 : i32
        %get3A_861 = arith.index_cast %get3A_860 : i32 to index
        %get3A_862 = arith.constant 32 : index
        %get3A_863 = tpu.vector_load %arg19[%get3A_861, %get3A_862] {strides = array<i32>} : memref<8x128xf32, #tpu.memory_space<vmem>>, vector<16xf32>,
        %mul3A_864 = arith.mulf %gather3A_819, %get3A_863 : vector<16xf32>
        %add3A_865 = arith.addf %get3A_859, %mul3A_864 : vector<16xf32>
        %mul3A_866 = arith.mulf %gather3A_819, %add3A_865 : vector<16xf32>
        %get3A_867 = arith.constant 32 : index
        %get3A_868 = tpu.vector_load %arg14[%get3A_867] {strides = array<i32>} : memref<256xf32, #tpu.memory_space<vmem>>, vector<16xf32>,
        %add3A_869 = arith.addf %mul3A_866, %get3A_868 : vector<16xf32>
        %swap3A_870 = arith.constant 5 : i32
        %swap3A_871 = arith.index_cast %swap3A_870 : i32 to index
        %swap3A_872 = arith.constant 32 : index
        %swap3A_873 = tpu.vector_load %arg18[%swap3A_871, %swap3A_872] {strides = array<i32>} : memref<8x128xf32, #tpu.memory_space<vmem>>, vector<16xf32>,
        tpu.vector_store %arg18[%swap3A_871, %swap3A_872], %add3A_869 {strides = array<i32>} : memref<8x128xf32, #tpu.memory_space<vmem>>, vector<16xf32>,
        %get3A_874 = arith.constant 5 : i32
        %get3A_875 = arith.index_cast %get3A_874 : i32 to index
        %get3A_876 = arith.constant 48 : index
        %get3A_877 = tpu.vector_load %arg18[%get3A_875, %get3A_876] {strides = array<i32>} : memref<8x128xf32, #tpu.memory_space<vmem>>, vector<16xf32>,
        %get3A_878 = arith.constant 5 : i32
        %get3A_879 = arith.index_cast %get3A_878 : i32 to index
        %get3A_880 = arith.constant 48 : index
        %get3A_881 = tpu.vector_load %arg19[%get3A_879, %get3A_880] {strides = array<i32>} : memref<8x128xf32, #tpu.memory_space<vmem>>, vector<16xf32>,
        %mul3A_882 = arith.mulf %gather3A_819, %get3A_881 : vector<16xf32>
        %add3A_883 = arith.addf %get3A_877, %mul3A_882 : vector<16xf32>
        %mul3A_884 = arith.mulf %gather3A_819, %add3A_883 : vector<16xf32>
        %get3A_885 = arith.constant 48 : index
        %get3A_886 = tpu.vector_load %arg14[%get3A_885] {strides = array<i32>} : memref<256xf32, #tpu.memory_space<vmem>>, vector<16xf32>,
        %add3A_887 = arith.addf %mul3A_884, %get3A_886 : vector<16xf32>
        %swap3A_888 = arith.constant 5 : i32
        %swap3A_889 = arith.index_cast %swap3A_888 : i32 to index
        %swap3A_890 = arith.constant 48 : index
        %swap3A_891 = tpu.vector_load %arg18[%swap3A_889, %swap3A_890] {strides = array<i32>} : memref<8x128xf32, #tpu.memory_space<vmem>>, vector<16xf32>,
        tpu.vector_store %arg18[%swap3A_889, %swap3A_890], %add3A_887 {strides = array<i32>} : memref<8x128xf32, #tpu.memory_space<vmem>>, vector<16xf32>,
        %get3A_892 = arith.constant 5 : i32
        %get3A_893 = arith.index_cast %get3A_892 : i32 to index
        %get3A_894 = arith.constant 64 : index
        %get3A_895 = tpu.vector_load %arg18[%get3A_893, %get3A_894] {strides = array<i32>} : memref<8x128xf32, #tpu.memory_space<vmem>>, vector<16xf32>,
        %get3A_896 = arith.constant 5 : i32
        %get3A_897 = arith.index_cast %get3A_896 : i32 to index
        %get3A_898 = arith.constant 64 : index
        %get3A_899 = tpu.vector_load %arg19[%get3A_897, %get3A_898] {strides = array<i32>} : memref<8x128xf32, #tpu.memory_space<vmem>>, vector<16xf32>,
        %mul3A_900 = arith.mulf %gather3A_819, %get3A_899 : vector<16xf32>
        %add3A_901 = arith.addf %get3A_895, %mul3A_900 : vector<16xf32>
        %mul3A_902 = arith.mulf %gather3A_819, %add3A_901 : vector<16xf32>
        %get3A_903 = arith.constant 64 : index
        %get3A_904 = tpu.vector_load %arg14[%get3A_903] {strides = array<i32>} : memref<256xf32, #tpu.memory_space<vmem>>, vector<16xf32>,
        %add3A_905 = arith.addf %mul3A_902, %get3A_904 : vector<16xf32>
        %swap3A_906 = arith.constant 5 : i32
        %swap3A_907 = arith.index_cast %swap3A_906 : i32 to index
        %swap3A_908 = arith.constant 64 : index
        %swap3A_909 = tpu.vector_load %arg18[%swap3A_907, %swap3A_908] {strides = array<i32>} : memref<8x128xf32, #tpu.memory_space<vmem>>, vector<16xf32>,
        tpu.vector_store %arg18[%swap3A_907, %swap3A_908], %add3A_905 {strides = array<i32>} : memref<8x128xf32, #tpu.memory_space<vmem>>, vector<16xf32>,
        %get3A_910 = arith.constant 5 : i32
        %get3A_911 = arith.index_cast %get3A_910 : i32 to index
        %get3A_912 = arith.constant 80 : index
        %get3A_913 = tpu.vector_load %arg18[%get3A_911, %get3A_912] {strides = array<i32>} : memref<8x128xf32, #tpu.memory_space<vmem>>, vector<16xf32>,
        %get3A_914 = arith.constant 5 : i32
        %get3A_915 = arith.index_cast %get3A_914 : i32 to index
        %get3A_916 = arith.constant 80 : index
        %get3A_917 = tpu.vector_load %arg19[%get3A_915, %get3A_916] {strides = array<i32>} : memref<8x128xf32, #tpu.memory_space<vmem>>, vector<16xf32>,
        %mul3A_918 = arith.mulf %gather3A_819, %get3A_917 : vector<16xf32>
        %add3A_919 = arith.addf %get3A_913, %mul3A_918 : vector<16xf32>
        %mul3A_920 = arith.mulf %gather3A_819, %add3A_919 : vector<16xf32>
        %get3A_921 = arith.constant 80 : index
        %get3A_922 = tpu.vector_load %arg14[%get3A_921] {strides = array<i32>} : memref<256xf32, #tpu.memory_space<vmem>>, vector<16xf32>,
        %add3A_923 = arith.addf %mul3A_920, %get3A_922 : vector<16xf32>
        %swap3A_924 = arith.constant 5 : i32
        %swap3A_925 = arith.index_cast %swap3A_924 : i32 to index
        %swap3A_926 = arith.constant 80 : index
        %swap3A_927 = tpu.vector_load %arg18[%swap3A_925, %swap3A_926] {strides = array<i32>} : memref<8x128xf32, #tpu.memory_space<vmem>>, vector<16xf32>,
        tpu.vector_store %arg18[%swap3A_925, %swap3A_926], %add3A_923 {strides = array<i32>} : memref<8x128xf32, #tpu.memory_space<vmem>>, vector<16xf32>,
        %get3A_928 = arith.constant 5 : i32
        %get3A_929 = arith.index_cast %get3A_928 : i32 to index
        %get3A_930 = arith.constant 96 : index
        %get3A_931 = tpu.vector_load %arg18[%get3A_929, %get3A_930] {strides = array<i32>} : memref<8x128xf32, #tpu.memory_space<vmem>>, vector<16xf32>,
        %get3A_932 = arith.constant 5 : i32
        %get3A_933 = arith.index_cast %get3A_932 : i32 to index
        %get3A_934 = arith.constant 96 : index
        %get3A_935 = tpu.vector_load %arg19[%get3A_933, %get3A_934] {strides = array<i32>} : memref<8x128xf32, #tpu.memory_space<vmem>>, vector<16xf32>,
        %mul3A_936 = arith.mulf %gather3A_819, %get3A_935 : vector<16xf32>
        %add3A_937 = arith.addf %get3A_931, %mul3A_936 : vector<16xf32>
        %mul3A_938 = arith.mulf %gather3A_819, %add3A_937 : vector<16xf32>
        %get3A_939 = arith.constant 96 : index
        %get3A_940 = tpu.vector_load %arg14[%get3A_939] {strides = array<i32>} : memref<256xf32, #tpu.memory_space<vmem>>, vector<16xf32>,
        %add3A_941 = arith.addf %mul3A_938, %get3A_940 : vector<16xf32>
        %swap3A_942 = arith.constant 5 : i32
        %swap3A_943 = arith.index_cast %swap3A_942 : i32 to index
        %swap3A_944 = arith.constant 96 : index
        %swap3A_945 = tpu.vector_load %arg18[%swap3A_943, %swap3A_944] {strides = array<i32>} : memref<8x128xf32, #tpu.memory_space<vmem>>, vector<16xf32>,
        tpu.vector_store %arg18[%swap3A_943, %swap3A_944], %add3A_941 {strides = array<i32>} : memref<8x128xf32, #tpu.memory_space<vmem>>, vector<16xf32>,
        %get3A_946 = arith.constant 5 : i32
        %get3A_947 = arith.index_cast %get3A_946 : i32 to index
        %get3A_948 = arith.constant 112 : index
        %get3A_949 = tpu.vector_load %arg18[%get3A_947, %get3A_948] {strides = array<i32>} : memref<8x128xf32, #tpu.memory_space<vmem>>, vector<16xf32>,
        %get3A_950 = arith.constant 5 : i32
        %get3A_951 = arith.index_cast %get3A_950 : i32 to index
        %get3A_952 = arith.constant 112 : index
        %get3A_953 = tpu.vector_load %arg19[%get3A_951, %get3A_952] {strides = array<i32>} : memref<8x128xf32, #tpu.memory_space<vmem>>, vector<16xf32>,
        %mul3A_954 = arith.mulf %gather3A_819, %get3A_953 : vector<16xf32>
        %add3A_955 = arith.addf %get3A_949, %mul3A_954 : vector<16xf32>
        %mul3A_956 = arith.mulf %gather3A_819, %add3A_955 : vector<16xf32>
        %get3A_957 = arith.constant 112 : index
        %get3A_958 = tpu.vector_load %arg14[%get3A_957] {strides = array<i32>} : memref<256xf32, #tpu.memory_space<vmem>>, vector<16xf32>,
        %add3A_959 = arith.addf %mul3A_956, %get3A_958 : vector<16xf32>
        %swap3A_960 = arith.constant 5 : i32
        %swap3A_961 = arith.index_cast %swap3A_960 : i32 to index
        %swap3A_962 = arith.constant 112 : index
        %swap3A_963 = tpu.vector_load %arg18[%swap3A_961, %swap3A_962] {strides = array<i32>} : memref<8x128xf32, #tpu.memory_space<vmem>>, vector<16xf32>,
        tpu.vector_store %arg18[%swap3A_961, %swap3A_962], %add3A_959 {strides = array<i32>} : memref<8x128xf32, #tpu.memory_space<vmem>>, vector<16xf32>,
        %add3A_964 = arith.constant 6 : i32
        %add3A_965 = arith.addi %add3A_79, %add3A_964 : i32
        %broadcast_in_dim3A_966 = vector.broadcast %add3A_965 : i32 to vector<16xi32>
        %gather3A_967 = tpu.vector_load_idx %arg13[%broadcast_in_dim3A_966] : memref<10240xf32, #tpu.memory_space<vmem>>[vector<16xi32>], vector<16xf32>,
        %get3A_968 = arith.constant 6 : i32
        %get3A_969 = arith.index_cast %get3A_968 : i32 to index
        %get3A_970 = arith.constant 0 : index
        %get3A_971 = tpu.vector_load %arg18[%get3A_969, %get3A_970] {strides = array<i32>} : memref<8x128xf32, #tpu.memory_space<vmem>>, vector<16xf32>,
        %get3A_972 = arith.constant 6 : i32
        %get3A_973 = arith.index_cast %get3A_972 : i32 to index
        %get3A_974 = arith.constant 0 : index
        %get3A_975 = tpu.vector_load %arg19[%get3A_973, %get3A_974] {strides = array<i32>} : memref<8x128xf32, #tpu.memory_space<vmem>>, vector<16xf32>,
        %mul3A_976 = arith.mulf %gather3A_967, %get3A_975 : vector<16xf32>
        %add3A_977 = arith.addf %get3A_971, %mul3A_976 : vector<16xf32>
        %mul3A_978 = arith.mulf %gather3A_967, %add3A_977 : vector<16xf32>
        %get3A_979 = arith.constant 0 : index
        %get3A_980 = tpu.vector_load %arg14[%get3A_979] {strides = array<i32>} : memref<256xf32, #tpu.memory_space<vmem>>, vector<16xf32>,
        %add3A_981 = arith.addf %mul3A_978, %get3A_980 : vector<16xf32>
        %swap3A_982 = arith.constant 6 : i32
        %swap3A_983 = arith.index_cast %swap3A_982 : i32 to index
        %swap3A_984 = arith.constant 0 : index
        %swap3A_985 = tpu.vector_load %arg18[%swap3A_983, %swap3A_984] {strides = array<i32>} : memref<8x128xf32, #tpu.memory_space<vmem>>, vector<16xf32>,
        tpu.vector_store %arg18[%swap3A_983, %swap3A_984], %add3A_981 {strides = array<i32>} : memref<8x128xf32, #tpu.memory_space<vmem>>, vector<16xf32>,
        %get3A_986 = arith.constant 6 : i32
        %get3A_987 = arith.index_cast %get3A_986 : i32 to index
        %get3A_988 = arith.constant 16 : index
        %get3A_989 = tpu.vector_load %arg18[%get3A_987, %get3A_988] {strides = array<i32>} : memref<8x128xf32, #tpu.memory_space<vmem>>, vector<16xf32>,
        %get3A_990 = arith.constant 6 : i32
        %get3A_991 = arith.index_cast %get3A_990 : i32 to index
        %get3A_992 = arith.constant 16 : index
        %get3A_993 = tpu.vector_load %arg19[%get3A_991, %get3A_992] {strides = array<i32>} : memref<8x128xf32, #tpu.memory_space<vmem>>, vector<16xf32>,
        %mul3A_994 = arith.mulf %gather3A_967, %get3A_993 : vector<16xf32>
        %add3A_995 = arith.addf %get3A_989, %mul3A_994 : vector<16xf32>
        %mul3A_996 = arith.mulf %gather3A_967, %add3A_995 : vector<16xf32>
        %get3A_997 = arith.constant 16 : index
        %get3A_998 = tpu.vector_load %arg14[%get3A_997] {strides = array<i32>} : memref<256xf32, #tpu.memory_space<vmem>>, vector<16xf32>,
        %add3A_999 = arith.addf %mul3A_996, %get3A_998 : vector<16xf32>
        %swap3A_1000 = arith.constant 6 : i32
        %swap3A_1001 = arith.index_cast %swap3A_1000 : i32 to index
        %swap3A_1002 = arith.constant 16 : index
        %swap3A_1003 = tpu.vector_load %arg18[%swap3A_1001, %swap3A_1002] {strides = array<i32>} : memref<8x128xf32, #tpu.memory_space<vmem>>, vector<16xf32>,
        tpu.vector_store %arg18[%swap3A_1001, %swap3A_1002], %add3A_999 {strides = array<i32>} : memref<8x128xf32, #tpu.memory_space<vmem>>, vector<16xf32>,
        %get3A_1004 = arith.constant 6 : i32
        %get3A_1005 = arith.index_cast %get3A_1004 : i32 to index
        %get3A_1006 = arith.constant 32 : index
        %get3A_1007 = tpu.vector_load %arg18[%get3A_1005, %get3A_1006] {strides = array<i32>} : memref<8x128xf32, #tpu.memory_space<vmem>>, vector<16xf32>,
        %get3A_1008 = arith.constant 6 : i32
        %get3A_1009 = arith.index_cast %get3A_1008 : i32 to index
        %get3A_1010 = arith.constant 32 : index
        %get3A_1011 = tpu.vector_load %arg19[%get3A_1009, %get3A_1010] {strides = array<i32>} : memref<8x128xf32, #tpu.memory_space<vmem>>, vector<16xf32>,
        %mul3A_1012 = arith.mulf %gather3A_967, %get3A_1011 : vector<16xf32>
        %add3A_1013 = arith.addf %get3A_1007, %mul3A_1012 : vector<16xf32>
        %mul3A_1014 = arith.mulf %gather3A_967, %add3A_1013 : vector<16xf32>
        %get3A_1015 = arith.constant 32 : index
        %get3A_1016 = tpu.vector_load %arg14[%get3A_1015] {strides = array<i32>} : memref<256xf32, #tpu.memory_space<vmem>>, vector<16xf32>,
        %add3A_1017 = arith.addf %mul3A_1014, %get3A_1016 : vector<16xf32>
        %swap3A_1018 = arith.constant 6 : i32
        %swap3A_1019 = arith.index_cast %swap3A_1018 : i32 to index
        %swap3A_1020 = arith.constant 32 : index
        %swap3A_1021 = tpu.vector_load %arg18[%swap3A_1019, %swap3A_1020] {strides = array<i32>} : memref<8x128xf32, #tpu.memory_space<vmem>>, vector<16xf32>,
        tpu.vector_store %arg18[%swap3A_1019, %swap3A_1020], %add3A_1017 {strides = array<i32>} : memref<8x128xf32, #tpu.memory_space<vmem>>, vector<16xf32>,
        %get3A_1022 = arith.constant 6 : i32
        %get3A_1023 = arith.index_cast %get3A_1022 : i32 to index
        %get3A_1024 = arith.constant 48 : index
        %get3A_1025 = tpu.vector_load %arg18[%get3A_1023, %get3A_1024] {strides = array<i32>} : memref<8x128xf32, #tpu.memory_space<vmem>>, vector<16xf32>,
        %get3A_1026 = arith.constant 6 : i32
        %get3A_1027 = arith.index_cast %get3A_1026 : i32 to index
        %get3A_1028 = arith.constant 48 : index
        %get3A_1029 = tpu.vector_load %arg19[%get3A_1027, %get3A_1028] {strides = array<i32>} : memref<8x128xf32, #tpu.memory_space<vmem>>, vector<16xf32>,
        %mul3A_1030 = arith.mulf %gather3A_967, %get3A_1029 : vector<16xf32>
        %add3A_1031 = arith.addf %get3A_1025, %mul3A_1030 : vector<16xf32>
        %mul3A_1032 = arith.mulf %gather3A_967, %add3A_1031 : vector<16xf32>
        %get3A_1033 = arith.constant 48 : index
        %get3A_1034 = tpu.vector_load %arg14[%get3A_1033] {strides = array<i32>} : memref<256xf32, #tpu.memory_space<vmem>>, vector<16xf32>,
        %add3A_1035 = arith.addf %mul3A_1032, %get3A_1034 : vector<16xf32>
        %swap3A_1036 = arith.constant 6 : i32
        %swap3A_1037 = arith.index_cast %swap3A_1036 : i32 to index
        %swap3A_1038 = arith.constant 48 : index
        %swap3A_1039 = tpu.vector_load %arg18[%swap3A_1037, %swap3A_1038] {strides = array<i32>} : memref<8x128xf32, #tpu.memory_space<vmem>>, vector<16xf32>,
        tpu.vector_store %arg18[%swap3A_1037, %swap3A_1038], %add3A_1035 {strides = array<i32>} : memref<8x128xf32, #tpu.memory_space<vmem>>, vector<16xf32>,
        %get3A_1040 = arith.constant 6 : i32
        %get3A_1041 = arith.index_cast %get3A_1040 : i32 to index
        %get3A_1042 = arith.constant 64 : index
        %get3A_1043 = tpu.vector_load %arg18[%get3A_1041, %get3A_1042] {strides = array<i32>} : memref<8x128xf32, #tpu.memory_space<vmem>>, vector<16xf32>,
        %get3A_1044 = arith.constant 6 : i32
        %get3A_1045 = arith.index_cast %get3A_1044 : i32 to index
        %get3A_1046 = arith.constant 64 : index
        %get3A_1047 = tpu.vector_load %arg19[%get3A_1045, %get3A_1046] {strides = array<i32>} : memref<8x128xf32, #tpu.memory_space<vmem>>, vector<16xf32>,
        %mul3A_1048 = arith.mulf %gather3A_967, %get3A_1047 : vector<16xf32>
        %add3A_1049 = arith.addf %get3A_1043, %mul3A_1048 : vector<16xf32>
        %mul3A_1050 = arith.mulf %gather3A_967, %add3A_1049 : vector<16xf32>
        %get3A_1051 = arith.constant 64 : index
        %get3A_1052 = tpu.vector_load %arg14[%get3A_1051] {strides = array<i32>} : memref<256xf32, #tpu.memory_space<vmem>>, vector<16xf32>,
        %add3A_1053 = arith.addf %mul3A_1050, %get3A_1052 : vector<16xf32>
        %swap3A_1054 = arith.constant 6 : i32
        %swap3A_1055 = arith.index_cast %swap3A_1054 : i32 to index
        %swap3A_1056 = arith.constant 64 : index
        %swap3A_1057 = tpu.vector_load %arg18[%swap3A_1055, %swap3A_1056] {strides = array<i32>} : memref<8x128xf32, #tpu.memory_space<vmem>>, vector<16xf32>,
        tpu.vector_store %arg18[%swap3A_1055, %swap3A_1056], %add3A_1053 {strides = array<i32>} : memref<8x128xf32, #tpu.memory_space<vmem>>, vector<16xf32>,
        %get3A_1058 = arith.constant 6 : i32
        %get3A_1059 = arith.index_cast %get3A_1058 : i32 to index
        %get3A_1060 = arith.constant 80 : index
        %get3A_1061 = tpu.vector_load %arg18[%get3A_1059, %get3A_1060] {strides = array<i32>} : memref<8x128xf32, #tpu.memory_space<vmem>>, vector<16xf32>,
        %get3A_1062 = arith.constant 6 : i32
        %get3A_1063 = arith.index_cast %get3A_1062 : i32 to index
        %get3A_1064 = arith.constant 80 : index
        %get3A_1065 = tpu.vector_load %arg19[%get3A_1063, %get3A_1064] {strides = array<i32>} : memref<8x128xf32, #tpu.memory_space<vmem>>, vector<16xf32>,
        %mul3A_1066 = arith.mulf %gather3A_967, %get3A_1065 : vector<16xf32>
        %add3A_1067 = arith.addf %get3A_1061, %mul3A_1066 : vector<16xf32>
        %mul3A_1068 = arith.mulf %gather3A_967, %add3A_1067 : vector<16xf32>
        %get3A_1069 = arith.constant 80 : index
        %get3A_1070 = tpu.vector_load %arg14[%get3A_1069] {strides = array<i32>} : memref<256xf32, #tpu.memory_space<vmem>>, vector<16xf32>,
        %add3A_1071 = arith.addf %mul3A_1068, %get3A_1070 : vector<16xf32>
        %swap3A_1072 = arith.constant 6 : i32
        %swap3A_1073 = arith.index_cast %swap3A_1072 : i32 to index
        %swap3A_1074 = arith.constant 80 : index
        %swap3A_1075 = tpu.vector_load %arg18[%swap3A_1073, %swap3A_1074] {strides = array<i32>} : memref<8x128xf32, #tpu.memory_space<vmem>>, vector<16xf32>,
        tpu.vector_store %arg18[%swap3A_1073, %swap3A_1074], %add3A_1071 {strides = array<i32>} : memref<8x128xf32, #tpu.memory_space<vmem>>, vector<16xf32>,
        %get3A_1076 = arith.constant 6 : i32
        %get3A_1077 = arith.index_cast %get3A_1076 : i32 to index
        %get3A_1078 = arith.constant 96 : index
        %get3A_1079 = tpu.vector_load %arg18[%get3A_1077, %get3A_1078] {strides = array<i32>} : memref<8x128xf32, #tpu.memory_space<vmem>>, vector<16xf32>,
        %get3A_1080 = arith.constant 6 : i32
        %get3A_1081 = arith.index_cast %get3A_1080 : i32 to index
        %get3A_1082 = arith.constant 96 : index
        %get3A_1083 = tpu.vector_load %arg19[%get3A_1081, %get3A_1082] {strides = array<i32>} : memref<8x128xf32, #tpu.memory_space<vmem>>, vector<16xf32>,
        %mul3A_1084 = arith.mulf %gather3A_967, %get3A_1083 : vector<16xf32>
        %add3A_1085 = arith.addf %get3A_1079, %mul3A_1084 : vector<16xf32>
        %mul3A_1086 = arith.mulf %gather3A_967, %add3A_1085 : vector<16xf32>
        %get3A_1087 = arith.constant 96 : index
        %get3A_1088 = tpu.vector_load %arg14[%get3A_1087] {strides = array<i32>} : memref<256xf32, #tpu.memory_space<vmem>>, vector<16xf32>,
        %add3A_1089 = arith.addf %mul3A_1086, %get3A_1088 : vector<16xf32>
        %swap3A_1090 = arith.constant 6 : i32
        %swap3A_1091 = arith.index_cast %swap3A_1090 : i32 to index
        %swap3A_1092 = arith.constant 96 : index
        %swap3A_1093 = tpu.vector_load %arg18[%swap3A_1091, %swap3A_1092] {strides = array<i32>} : memref<8x128xf32, #tpu.memory_space<vmem>>, vector<16xf32>,
        tpu.vector_store %arg18[%swap3A_1091, %swap3A_1092], %add3A_1089 {strides = array<i32>} : memref<8x128xf32, #tpu.memory_space<vmem>>, vector<16xf32>,
        %get3A_1094 = arith.constant 6 : i32
        %get3A_1095 = arith.index_cast %get3A_1094 : i32 to index
        %get3A_1096 = arith.constant 112 : index
        %get3A_1097 = tpu.vector_load %arg18[%get3A_1095, %get3A_1096] {strides = array<i32>} : memref<8x128xf32, #tpu.memory_space<vmem>>, vector<16xf32>,
        %get3A_1098 = arith.constant 6 : i32
        %get3A_1099 = arith.index_cast %get3A_1098 : i32 to index
        %get3A_1100 = arith.constant 112 : index
        %get3A_1101 = tpu.vector_load %arg19[%get3A_1099, %get3A_1100] {strides = array<i32>} : memref<8x128xf32, #tpu.memory_space<vmem>>, vector<16xf32>,
        %mul3A_1102 = arith.mulf %gather3A_967, %get3A_1101 : vector<16xf32>
        %add3A_1103 = arith.addf %get3A_1097, %mul3A_1102 : vector<16xf32>
        %mul3A_1104 = arith.mulf %gather3A_967, %add3A_1103 : vector<16xf32>
        %get3A_1105 = arith.constant 112 : index
        %get3A_1106 = tpu.vector_load %arg14[%get3A_1105] {strides = array<i32>} : memref<256xf32, #tpu.memory_space<vmem>>, vector<16xf32>,
        %add3A_1107 = arith.addf %mul3A_1104, %get3A_1106 : vector<16xf32>
        %swap3A_1108 = arith.constant 6 : i32
        %swap3A_1109 = arith.index_cast %swap3A_1108 : i32 to index
        %swap3A_1110 = arith.constant 112 : index
        %swap3A_1111 = tpu.vector_load %arg18[%swap3A_1109, %swap3A_1110] {strides = array<i32>} : memref<8x128xf32, #tpu.memory_space<vmem>>, vector<16xf32>,
        tpu.vector_store %arg18[%swap3A_1109, %swap3A_1110], %add3A_1107 {strides = array<i32>} : memref<8x128xf32, #tpu.memory_space<vmem>>, vector<16xf32>,
        %add3A_1112 = arith.constant 7 : i32
        %add3A_1113 = arith.addi %add3A_79, %add3A_1112 : i32
        %broadcast_in_dim3A_1114 = vector.broadcast %add3A_1113 : i32 to vector<16xi32>
        %gather3A_1115 = tpu.vector_load_idx %arg13[%broadcast_in_dim3A_1114] : memref<10240xf32, #tpu.memory_space<vmem>>[vector<16xi32>], vector<16xf32>,
        %get3A_1116 = arith.constant 7 : i32
        %get3A_1117 = arith.index_cast %get3A_1116 : i32 to index
        %get3A_1118 = arith.constant 0 : index
        %get3A_1119 = tpu.vector_load %arg18[%get3A_1117, %get3A_1118] {strides = array<i32>} : memref<8x128xf32, #tpu.memory_space<vmem>>, vector<16xf32>,
        %get3A_1120 = arith.constant 7 : i32
        %get3A_1121 = arith.index_cast %get3A_1120 : i32 to index
        %get3A_1122 = arith.constant 0 : index
        %get3A_1123 = tpu.vector_load %arg19[%get3A_1121, %get3A_1122] {strides = array<i32>} : memref<8x128xf32, #tpu.memory_space<vmem>>, vector<16xf32>,
        %mul3A_1124 = arith.mulf %gather3A_1115, %get3A_1123 : vector<16xf32>
        %add3A_1125 = arith.addf %get3A_1119, %mul3A_1124 : vector<16xf32>
        %mul3A_1126 = arith.mulf %gather3A_1115, %add3A_1125 : vector<16xf32>
        %get3A_1127 = arith.constant 0 : index
        %get3A_1128 = tpu.vector_load %arg14[%get3A_1127] {strides = array<i32>} : memref<256xf32, #tpu.memory_space<vmem>>, vector<16xf32>,
        %add3A_1129 = arith.addf %mul3A_1126, %get3A_1128 : vector<16xf32>
        %swap3A_1130 = arith.constant 7 : i32
        %swap3A_1131 = arith.index_cast %swap3A_1130 : i32 to index
        %swap3A_1132 = arith.constant 0 : index
        %swap3A_1133 = tpu.vector_load %arg18[%swap3A_1131, %swap3A_1132] {strides = array<i32>} : memref<8x128xf32, #tpu.memory_space<vmem>>, vector<16xf32>,
        tpu.vector_store %arg18[%swap3A_1131, %swap3A_1132], %add3A_1129 {strides = array<i32>} : memref<8x128xf32, #tpu.memory_space<vmem>>, vector<16xf32>,
        %get3A_1134 = arith.constant 7 : i32
        %get3A_1135 = arith.index_cast %get3A_1134 : i32 to index
        %get3A_1136 = arith.constant 16 : index
        %get3A_1137 = tpu.vector_load %arg18[%get3A_1135, %get3A_1136] {strides = array<i32>} : memref<8x128xf32, #tpu.memory_space<vmem>>, vector<16xf32>,
        %get3A_1138 = arith.constant 7 : i32
        %get3A_1139 = arith.index_cast %get3A_1138 : i32 to index
        %get3A_1140 = arith.constant 16 : index
        %get3A_1141 = tpu.vector_load %arg19[%get3A_1139, %get3A_1140] {strides = array<i32>} : memref<8x128xf32, #tpu.memory_space<vmem>>, vector<16xf32>,
        %mul3A_1142 = arith.mulf %gather3A_1115, %get3A_1141 : vector<16xf32>
        %add3A_1143 = arith.addf %get3A_1137, %mul3A_1142 : vector<16xf32>
        %mul3A_1144 = arith.mulf %gather3A_1115, %add3A_1143 : vector<16xf32>
        %get3A_1145 = arith.constant 16 : index
        %get3A_1146 = tpu.vector_load %arg14[%get3A_1145] {strides = array<i32>} : memref<256xf32, #tpu.memory_space<vmem>>, vector<16xf32>,
        %add3A_1147 = arith.addf %mul3A_1144, %get3A_1146 : vector<16xf32>
        %swap3A_1148 = arith.constant 7 : i32
        %swap3A_1149 = arith.index_cast %swap3A_1148 : i32 to index
        %swap3A_1150 = arith.constant 16 : index
        %swap3A_1151 = tpu.vector_load %arg18[%swap3A_1149, %swap3A_1150] {strides = array<i32>} : memref<8x128xf32, #tpu.memory_space<vmem>>, vector<16xf32>,
        tpu.vector_store %arg18[%swap3A_1149, %swap3A_1150], %add3A_1147 {strides = array<i32>} : memref<8x128xf32, #tpu.memory_space<vmem>>, vector<16xf32>,
        %get3A_1152 = arith.constant 7 : i32
        %get3A_1153 = arith.index_cast %get3A_1152 : i32 to index
        %get3A_1154 = arith.constant 32 : index
        %get3A_1155 = tpu.vector_load %arg18[%get3A_1153, %get3A_1154] {strides = array<i32>} : memref<8x128xf32, #tpu.memory_space<vmem>>, vector<16xf32>,
        %get3A_1156 = arith.constant 7 : i32
        %get3A_1157 = arith.index_cast %get3A_1156 : i32 to index
        %get3A_1158 = arith.constant 32 : index
        %get3A_1159 = tpu.vector_load %arg19[%get3A_1157, %get3A_1158] {strides = array<i32>} : memref<8x128xf32, #tpu.memory_space<vmem>>, vector<16xf32>,
        %mul3A_1160 = arith.mulf %gather3A_1115, %get3A_1159 : vector<16xf32>
        %add3A_1161 = arith.addf %get3A_1155, %mul3A_1160 : vector<16xf32>
        %mul3A_1162 = arith.mulf %gather3A_1115, %add3A_1161 : vector<16xf32>
        %get3A_1163 = arith.constant 32 : index
        %get3A_1164 = tpu.vector_load %arg14[%get3A_1163] {strides = array<i32>} : memref<256xf32, #tpu.memory_space<vmem>>, vector<16xf32>,
        %add3A_1165 = arith.addf %mul3A_1162, %get3A_1164 : vector<16xf32>
        %swap3A_1166 = arith.constant 7 : i32
        %swap3A_1167 = arith.index_cast %swap3A_1166 : i32 to index
        %swap3A_1168 = arith.constant 32 : index
        %swap3A_1169 = tpu.vector_load %arg18[%swap3A_1167, %swap3A_1168] {strides = array<i32>} : memref<8x128xf32, #tpu.memory_space<vmem>>, vector<16xf32>,
        tpu.vector_store %arg18[%swap3A_1167, %swap3A_1168], %add3A_1165 {strides = array<i32>} : memref<8x128xf32, #tpu.memory_space<vmem>>, vector<16xf32>,
        %get3A_1170 = arith.constant 7 : i32
        %get3A_1171 = arith.index_cast %get3A_1170 : i32 to index
        %get3A_1172 = arith.constant 48 : index
        %get3A_1173 = tpu.vector_load %arg18[%get3A_1171, %get3A_1172] {strides = array<i32>} : memref<8x128xf32, #tpu.memory_space<vmem>>, vector<16xf32>,
        %get3A_1174 = arith.constant 7 : i32
        %get3A_1175 = arith.index_cast %get3A_1174 : i32 to index
        %get3A_1176 = arith.constant 48 : index
        %get3A_1177 = tpu.vector_load %arg19[%get3A_1175, %get3A_1176] {strides = array<i32>} : memref<8x128xf32, #tpu.memory_space<vmem>>, vector<16xf32>,
        %mul3A_1178 = arith.mulf %gather3A_1115, %get3A_1177 : vector<16xf32>
        %add3A_1179 = arith.addf %get3A_1173, %mul3A_1178 : vector<16xf32>
        %mul3A_1180 = arith.mulf %gather3A_1115, %add3A_1179 : vector<16xf32>
        %get3A_1181 = arith.constant 48 : index
        %get3A_1182 = tpu.vector_load %arg14[%get3A_1181] {strides = array<i32>} : memref<256xf32, #tpu.memory_space<vmem>>, vector<16xf32>,
        %add3A_1183 = arith.addf %mul3A_1180, %get3A_1182 : vector<16xf32>
        %swap3A_1184 = arith.constant 7 : i32
        %swap3A_1185 = arith.index_cast %swap3A_1184 : i32 to index
        %swap3A_1186 = arith.constant 48 : index
        %swap3A_1187 = tpu.vector_load %arg18[%swap3A_1185, %swap3A_1186] {strides = array<i32>} : memref<8x128xf32, #tpu.memory_space<vmem>>, vector<16xf32>,
        tpu.vector_store %arg18[%swap3A_1185, %swap3A_1186], %add3A_1183 {strides = array<i32>} : memref<8x128xf32, #tpu.memory_space<vmem>>, vector<16xf32>,
        %get3A_1188 = arith.constant 7 : i32
        %get3A_1189 = arith.index_cast %get3A_1188 : i32 to index
        %get3A_1190 = arith.constant 64 : index
        %get3A_1191 = tpu.vector_load %arg18[%get3A_1189, %get3A_1190] {strides = array<i32>} : memref<8x128xf32, #tpu.memory_space<vmem>>, vector<16xf32>,
        %get3A_1192 = arith.constant 7 : i32
        %get3A_1193 = arith.index_cast %get3A_1192 : i32 to index
        %get3A_1194 = arith.constant 64 : index
        %get3A_1195 = tpu.vector_load %arg19[%get3A_1193, %get3A_1194] {strides = array<i32>} : memref<8x128xf32, #tpu.memory_space<vmem>>, vector<16xf32>,
        %mul3A_1196 = arith.mulf %gather3A_1115, %get3A_1195 : vector<16xf32>
        %add3A_1197 = arith.addf %get3A_1191, %mul3A_1196 : vector<16xf32>
        %mul3A_1198 = arith.mulf %gather3A_1115, %add3A_1197 : vector<16xf32>
        %get3A_1199 = arith.constant 64 : index
        %get3A_1200 = tpu.vector_load %arg14[%get3A_1199] {strides = array<i32>} : memref<256xf32, #tpu.memory_space<vmem>>, vector<16xf32>,
        %add3A_1201 = arith.addf %mul3A_1198, %get3A_1200 : vector<16xf32>
        %swap3A_1202 = arith.constant 7 : i32
        %swap3A_1203 = arith.index_cast %swap3A_1202 : i32 to index
        %swap3A_1204 = arith.constant 64 : index
        %swap3A_1205 = tpu.vector_load %arg18[%swap3A_1203, %swap3A_1204] {strides = array<i32>} : memref<8x128xf32, #tpu.memory_space<vmem>>, vector<16xf32>,
        tpu.vector_store %arg18[%swap3A_1203, %swap3A_1204], %add3A_1201 {strides = array<i32>} : memref<8x128xf32, #tpu.memory_space<vmem>>, vector<16xf32>,
        %get3A_1206 = arith.constant 7 : i32
        %get3A_1207 = arith.index_cast %get3A_1206 : i32 to index
        %get3A_1208 = arith.constant 80 : index
        %get3A_1209 = tpu.vector_load %arg18[%get3A_1207, %get3A_1208] {strides = array<i32>} : memref<8x128xf32, #tpu.memory_space<vmem>>, vector<16xf32>,
        %get3A_1210 = arith.constant 7 : i32
        %get3A_1211 = arith.index_cast %get3A_1210 : i32 to index
        %get3A_1212 = arith.constant 80 : index
        %get3A_1213 = tpu.vector_load %arg19[%get3A_1211, %get3A_1212] {strides = array<i32>} : memref<8x128xf32, #tpu.memory_space<vmem>>, vector<16xf32>,
        %mul3A_1214 = arith.mulf %gather3A_1115, %get3A_1213 : vector<16xf32>
        %add3A_1215 = arith.addf %get3A_1209, %mul3A_1214 : vector<16xf32>
        %mul3A_1216 = arith.mulf %gather3A_1115, %add3A_1215 : vector<16xf32>
        %get3A_1217 = arith.constant 80 : index
        %get3A_1218 = tpu.vector_load %arg14[%get3A_1217] {strides = array<i32>} : memref<256xf32, #tpu.memory_space<vmem>>, vector<16xf32>,
        %add3A_1219 = arith.addf %mul3A_1216, %get3A_1218 : vector<16xf32>
        %swap3A_1220 = arith.constant 7 : i32
        %swap3A_1221 = arith.index_cast %swap3A_1220 : i32 to index
        %swap3A_1222 = arith.constant 80 : index
        %swap3A_1223 = tpu.vector_load %arg18[%swap3A_1221, %swap3A_1222] {strides = array<i32>} : memref<8x128xf32, #tpu.memory_space<vmem>>, vector<16xf32>,
        tpu.vector_store %arg18[%swap3A_1221, %swap3A_1222], %add3A_1219 {strides = array<i32>} : memref<8x128xf32, #tpu.memory_space<vmem>>, vector<16xf32>,
        %get3A_1224 = arith.constant 7 : i32
        %get3A_1225 = arith.index_cast %get3A_1224 : i32 to index
        %get3A_1226 = arith.constant 96 : index
        %get3A_1227 = tpu.vector_load %arg18[%get3A_1225, %get3A_1226] {strides = array<i32>} : memref<8x128xf32, #tpu.memory_space<vmem>>, vector<16xf32>,
        %get3A_1228 = arith.constant 7 : i32
        %get3A_1229 = arith.index_cast %get3A_1228 : i32 to index
        %get3A_1230 = arith.constant 96 : index
        %get3A_1231 = tpu.vector_load %arg19[%get3A_1229, %get3A_1230] {strides = array<i32>} : memref<8x128xf32, #tpu.memory_space<vmem>>, vector<16xf32>,
        %mul3A_1232 = arith.mulf %gather3A_1115, %get3A_1231 : vector<16xf32>
        %add3A_1233 = arith.addf %get3A_1227, %mul3A_1232 : vector<16xf32>
        %mul3A_1234 = arith.mulf %gather3A_1115, %add3A_1233 : vector<16xf32>
        %get3A_1235 = arith.constant 96 : index
        %get3A_1236 = tpu.vector_load %arg14[%get3A_1235] {strides = array<i32>} : memref<256xf32, #tpu.memory_space<vmem>>, vector<16xf32>,
        %add3A_1237 = arith.addf %mul3A_1234, %get3A_1236 : vector<16xf32>
        %swap3A_1238 = arith.constant 7 : i32
        %swap3A_1239 = arith.index_cast %swap3A_1238 : i32 to index
        %swap3A_1240 = arith.constant 96 : index
        %swap3A_1241 = tpu.vector_load %arg18[%swap3A_1239, %swap3A_1240] {strides = array<i32>} : memref<8x128xf32, #tpu.memory_space<vmem>>, vector<16xf32>,
        tpu.vector_store %arg18[%swap3A_1239, %swap3A_1240], %add3A_1237 {strides = array<i32>} : memref<8x128xf32, #tpu.memory_space<vmem>>, vector<16xf32>,
        %get3A_1242 = arith.constant 7 : i32
        %get3A_1243 = arith.index_cast %get3A_1242 : i32 to index
        %get3A_1244 = arith.constant 112 : index
        %get3A_1245 = tpu.vector_load %arg18[%get3A_1243, %get3A_1244] {strides = array<i32>} : memref<8x128xf32, #tpu.memory_space<vmem>>, vector<16xf32>,
        %get3A_1246 = arith.constant 7 : i32
        %get3A_1247 = arith.index_cast %get3A_1246 : i32 to index
        %get3A_1248 = arith.constant 112 : index
        %get3A_1249 = tpu.vector_load %arg19[%get3A_1247, %get3A_1248] {strides = array<i32>} : memref<8x128xf32, #tpu.memory_space<vmem>>, vector<16xf32>,
        %mul3A_1250 = arith.mulf %gather3A_1115, %get3A_1249 : vector<16xf32>
        %add3A_1251 = arith.addf %get3A_1245, %mul3A_1250 : vector<16xf32>
        %mul3A_1252 = arith.mulf %gather3A_1115, %add3A_1251 : vector<16xf32>
        %get3A_1253 = arith.constant 112 : index
        %get3A_1254 = tpu.vector_load %arg14[%get3A_1253] {strides = array<i32>} : memref<256xf32, #tpu.memory_space<vmem>>, vector<16xf32>,
        %add3A_1255 = arith.addf %mul3A_1252, %get3A_1254 : vector<16xf32>
        %swap3A_1256 = arith.constant 7 : i32
        %swap3A_1257 = arith.index_cast %swap3A_1256 : i32 to index
        %swap3A_1258 = arith.constant 112 : index
        %swap3A_1259 = tpu.vector_load %arg18[%swap3A_1257, %swap3A_1258] {strides = array<i32>} : memref<8x128xf32, #tpu.memory_space<vmem>>, vector<16xf32>,
        tpu.vector_store %arg18[%swap3A_1257, %swap3A_1258], %add3A_1255 {strides = array<i32>} : memref<8x128xf32, #tpu.memory_space<vmem>>, vector<16xf32>,
        "tpu.region"() ({
          %run_scoped3A = tpu.sem_alloc : memref<!tpu.dma_semaphore, #tpu.memory_space<semaphore_mem>>
          %dma_start3A = arith.constant 0 : i32
          %dma_start3A_1260 = tpu.memref_slice %arg9[%add3A_79, %dma_start3A] : memref<10000x256xf32, #tpu.memory_space<hbm>> -> memref<8x128xf32, #tpu.memory_space<hbm>>
          %dma_start3A_1261 = arith.constant 0 : i32
          %dma_start3A_1262 = tpu.memref_slice %arg9[%add3A_79, %dma_start3A_1261] : memref<10000x256xf32, #tpu.memory_space<hbm>> -> memref<8x128xf32, #tpu.memory_space<hbm>>
          tpu.enqueue_dma source(%arg18 : memref<8x128xf32, #tpu.memory_space<vmem>>) target(%dma_start3A_1262 : memref<8x128xf32, #tpu.memory_space<hbm>>) target_semaphore(%run_scoped3A : memref<!tpu.dma_semaphore, #tpu.memory_space<semaphore_mem>>)
          %dma_wait3A = arith.constant 0 : i32
          %dma_wait3A_1263 = tpu.memref_slice %arg9[%add3A_79, %dma_wait3A] : memref<10000x256xf32, #tpu.memory_space<hbm>> -> memref<8x128xf32, #tpu.memory_space<hbm>>
          %dma_wait3A_1264 = arith.constant 0 : i32
          %dma_wait3A_1265 = tpu.memref_slice %arg9[%add3A_79, %dma_wait3A_1264] : memref<10000x256xf32, #tpu.memory_space<hbm>> -> memref<8x128xf32, #tpu.memory_space<hbm>>
          tpu.wait_dma2 semaphore(%run_scoped3A : memref<!tpu.dma_semaphore, #tpu.memory_space<semaphore_mem>>) src(%arg18 : memref<8x128xf32, #tpu.memory_space<vmem>>) dst(%dma_wait3A_1265 : memref<8x128xf32, #tpu.memory_space<hbm>>)
          tpu.yield
        }) : () -> ()
      } else {
      }
      %scan3A_76 = arith.constant 0 : i32
      scf.yield %scan3A_76 : i32
    }
    %scan3A_39 = arith.constant 41 : i32
    %barrier3A_40 = arith.constant 0 : index
    tpu.barrier barrier_id(%barrier3A_40)
    %scan3A_41 = arith.constant 0 : i32
    %scan3A_42 = arith.constant 0 : i32
    %scan3A_43 = arith.constant 128 : i32
    %scan3A_44 = arith.addi %scan3A_42, %scan3A_43 : i32
    %scan3A_45 = arith.constant 1 : i32
    %scan3A_46 = scf.for %scan3A_69 = %scan3A_42 to %scan3A_44 step %scan3A_45 iter_args(%scan3A_70 = %scan3A_41) -> (i32)  : i32 {
      %broadcast_in_dim3A = arith.constant 0.000000e+00 : f32
      %broadcast_in_dim3A_71 = vector.broadcast %broadcast_in_dim3A : f32 to vector<16xf32>
      %swap3A = arith.index_cast %scan3A_69 : i32 to index
      %swap3A_72 = arith.constant 0 : index
      %swap3A_73 = tpu.vector_load %arg17[%swap3A, %swap3A_72] {strides = array<i32>} : memref<128x128xf32, #tpu.memory_space<vmem>>, vector<16xf32>,
      tpu.vector_store %arg17[%swap3A, %swap3A_72], %broadcast_in_dim3A_71 {strides = array<i32>} : memref<128x128xf32, #tpu.memory_space<vmem>>, vector<16xf32>,
      %broadcast_in_dim3A_74 = arith.constant 0.000000e+00 : f32
      %broadcast_in_dim3A_75 = vector.broadcast %broadcast_in_dim3A_74 : f32 to vector<16xf32>
      %swap3A_76 = arith.index_cast %scan3A_69 : i32 to index
      %swap3A_77 = arith.constant 16 : index
      %swap3A_78 = tpu.vector_load %arg17[%swap3A_76, %swap3A_77] {strides = array<i32>} : memref<128x128xf32, #tpu.memory_space<vmem>>, vector<16xf32>,
      tpu.vector_store %arg17[%swap3A_76, %swap3A_77], %broadcast_in_dim3A_75 {strides = array<i32>} : memref<128x128xf32, #tpu.memory_space<vmem>>, vector<16xf32>,
      %broadcast_in_dim3A_79 = arith.constant 0.000000e+00 : f32
      %broadcast_in_dim3A_80 = vector.broadcast %broadcast_in_dim3A_79 : f32 to vector<16xf32>
      %swap3A_81 = arith.index_cast %scan3A_69 : i32 to index
      %swap3A_82 = arith.constant 32 : index
      %swap3A_83 = tpu.vector_load %arg17[%swap3A_81, %swap3A_82] {strides = array<i32>} : memref<128x128xf32, #tpu.memory_space<vmem>>, vector<16xf32>,
      tpu.vector_store %arg17[%swap3A_81, %swap3A_82], %broadcast_in_dim3A_80 {strides = array<i32>} : memref<128x128xf32, #tpu.memory_space<vmem>>, vector<16xf32>,
      %broadcast_in_dim3A_84 = arith.constant 0.000000e+00 : f32
      %broadcast_in_dim3A_85 = vector.broadcast %broadcast_in_dim3A_84 : f32 to vector<16xf32>
      %swap3A_86 = arith.index_cast %scan3A_69 : i32 to index
      %swap3A_87 = arith.constant 48 : index
      %swap3A_88 = tpu.vector_load %arg17[%swap3A_86, %swap3A_87] {strides = array<i32>} : memref<128x128xf32, #tpu.memory_space<vmem>>, vector<16xf32>,
      tpu.vector_store %arg17[%swap3A_86, %swap3A_87], %broadcast_in_dim3A_85 {strides = array<i32>} : memref<128x128xf32, #tpu.memory_space<vmem>>, vector<16xf32>,
      %broadcast_in_dim3A_89 = arith.constant 0.000000e+00 : f32
      %broadcast_in_dim3A_90 = vector.broadcast %broadcast_in_dim3A_89 : f32 to vector<16xf32>
      %swap3A_91 = arith.index_cast %scan3A_69 : i32 to index
      %swap3A_92 = arith.constant 64 : index
      %swap3A_93 = tpu.vector_load %arg17[%swap3A_91, %swap3A_92] {strides = array<i32>} : memref<128x128xf32, #tpu.memory_space<vmem>>, vector<16xf32>,
      tpu.vector_store %arg17[%swap3A_91, %swap3A_92], %broadcast_in_dim3A_90 {strides = array<i32>} : memref<128x128xf32, #tpu.memory_space<vmem>>, vector<16xf32>,
      %broadcast_in_dim3A_94 = arith.constant 0.000000e+00 : f32
      %broadcast_in_dim3A_95 = vector.broadcast %broadcast_in_dim3A_94 : f32 to vector<16xf32>
      %swap3A_96 = arith.index_cast %scan3A_69 : i32 to index
      %swap3A_97 = arith.constant 80 : index
      %swap3A_98 = tpu.vector_load %arg17[%swap3A_96, %swap3A_97] {strides = array<i32>} : memref<128x128xf32, #tpu.memory_space<vmem>>, vector<16xf32>,
      tpu.vector_store %arg17[%swap3A_96, %swap3A_97], %broadcast_in_dim3A_95 {strides = array<i32>} : memref<128x128xf32, #tpu.memory_space<vmem>>, vector<16xf32>,
      %broadcast_in_dim3A_99 = arith.constant 0.000000e+00 : f32
      %broadcast_in_dim3A_100 = vector.broadcast %broadcast_in_dim3A_99 : f32 to vector<16xf32>
      %swap3A_101 = arith.index_cast %scan3A_69 : i32 to index
      %swap3A_102 = arith.constant 96 : index
      %swap3A_103 = tpu.vector_load %arg17[%swap3A_101, %swap3A_102] {strides = array<i32>} : memref<128x128xf32, #tpu.memory_space<vmem>>, vector<16xf32>,
      tpu.vector_store %arg17[%swap3A_101, %swap3A_102], %broadcast_in_dim3A_100 {strides = array<i32>} : memref<128x128xf32, #tpu.memory_space<vmem>>, vector<16xf32>,
      %broadcast_in_dim3A_104 = arith.constant 0.000000e+00 : f32
      %broadcast_in_dim3A_105 = vector.broadcast %broadcast_in_dim3A_104 : f32 to vector<16xf32>
      %swap3A_106 = arith.index_cast %scan3A_69 : i32 to index
      %swap3A_107 = arith.constant 112 : index
      %swap3A_108 = tpu.vector_load %arg17[%swap3A_106, %swap3A_107] {strides = array<i32>} : memref<128x128xf32, #tpu.memory_space<vmem>>, vector<16xf32>,
      tpu.vector_store %arg17[%swap3A_106, %swap3A_107], %broadcast_in_dim3A_105 {strides = array<i32>} : memref<128x128xf32, #tpu.memory_space<vmem>>, vector<16xf32>,
      %scan3A_109 = arith.constant 0 : i32
      scf.yield %scan3A_109 : i32
    }
    %scan3A_47 = arith.constant 128 : i32
    "tpu.region"() ({
      %run_scoped3A = tpu.sem_alloc : memref<!tpu.dma_semaphore, #tpu.memory_space<semaphore_mem>>
      %dma_start3A = arith.constant 0 : i32
      %dma_start3A_69 = tpu.memref_slice %arg20[%mul3A_14, %dma_start3A] : memref<5120x128xf32, #tpu.memory_space<vmem_shared>> -> memref<128x128xf32, #tpu.memory_space<vmem_shared>>
      %dma_start3A_70 = arith.constant 0 : i32
      %dma_start3A_71 = tpu.memref_slice %arg20[%mul3A_14, %dma_start3A_70] : memref<5120x128xf32, #tpu.memory_space<vmem_shared>> -> memref<128x128xf32, #tpu.memory_space<vmem_shared>>
      tpu.enqueue_dma source(%arg17 : memref<128x128xf32, #tpu.memory_space<vmem>>) target(%dma_start3A_71 : memref<128x128xf32, #tpu.memory_space<vmem_shared>>) target_semaphore(%run_scoped3A : memref<!tpu.dma_semaphore, #tpu.memory_space<semaphore_mem>>)
      %dma_wait3A = arith.constant 0 : i32
      %dma_wait3A_72 = tpu.memref_slice %arg20[%mul3A_14, %dma_wait3A] : memref<5120x128xf32, #tpu.memory_space<vmem_shared>> -> memref<128x128xf32, #tpu.memory_space<vmem_shared>>
      %dma_wait3A_73 = arith.constant 0 : i32
      %dma_wait3A_74 = tpu.memref_slice %arg20[%mul3A_14, %dma_wait3A_73] : memref<5120x128xf32, #tpu.memory_space<vmem_shared>> -> memref<128x128xf32, #tpu.memory_space<vmem_shared>>
      tpu.wait_dma2 semaphore(%run_scoped3A : memref<!tpu.dma_semaphore, #tpu.memory_space<semaphore_mem>>) src(%arg17 : memref<128x128xf32, #tpu.memory_space<vmem>>) dst(%dma_wait3A_74 : memref<128x128xf32, #tpu.memory_space<vmem_shared>>)
      tpu.yield
    }) : () -> ()
    %add3A_48 = arith.constant 128 : i32
    %add3A_49 = arith.addi %mul3A_14, %add3A_48 : i32
    "tpu.region"() ({
      %run_scoped3A = tpu.sem_alloc : memref<!tpu.dma_semaphore, #tpu.memory_space<semaphore_mem>>
      %dma_start3A = arith.constant 0 : i32
      %dma_start3A_69 = tpu.memref_slice %arg20[%add3A_49, %dma_start3A] : memref<5120x128xf32, #tpu.memory_space<vmem_shared>> -> memref<128x128xf32, #tpu.memory_space<vmem_shared>>
      %dma_start3A_70 = arith.constant 0 : i32
      %dma_start3A_71 = tpu.memref_slice %arg20[%add3A_49, %dma_start3A_70] : memref<5120x128xf32, #tpu.memory_space<vmem_shared>> -> memref<128x128xf32, #tpu.memory_space<vmem_shared>>
      tpu.enqueue_dma source(%arg17 : memref<128x128xf32, #tpu.memory_space<vmem>>) target(%dma_start3A_71 : memref<128x128xf32, #tpu.memory_space<vmem_shared>>) target_semaphore(%run_scoped3A : memref<!tpu.dma_semaphore, #tpu.memory_space<semaphore_mem>>)
      %dma_wait3A = arith.constant 0 : i32
      %dma_wait3A_72 = tpu.memref_slice %arg20[%add3A_49, %dma_wait3A] : memref<5120x128xf32, #tpu.memory_space<vmem_shared>> -> memref<128x128xf32, #tpu.memory_space<vmem_shared>>
      %dma_wait3A_73 = arith.constant 0 : i32
      %dma_wait3A_74 = tpu.memref_slice %arg20[%add3A_49, %dma_wait3A_73] : memref<5120x128xf32, #tpu.memory_space<vmem_shared>> -> memref<128x128xf32, #tpu.memory_space<vmem_shared>>
      tpu.wait_dma2 semaphore(%run_scoped3A : memref<!tpu.dma_semaphore, #tpu.memory_space<semaphore_mem>>) src(%arg17 : memref<128x128xf32, #tpu.memory_space<vmem>>) dst(%dma_wait3A_74 : memref<128x128xf32, #tpu.memory_space<vmem_shared>>)
      tpu.yield
    }) : () -> ()
    %add3A_50 = arith.constant 256 : i32
    %add3A_51 = arith.addi %mul3A_14, %add3A_50 : i32
    "tpu.region"() ({
      %run_scoped3A = tpu.sem_alloc : memref<!tpu.dma_semaphore, #tpu.memory_space<semaphore_mem>>
      %dma_start3A = arith.constant 0 : i32
      %dma_start3A_69 = arith.constant 0 : i32
      %dma_start3A_70 = tpu.memref_slice %arg17[%dma_start3A, %dma_start3A_69] : memref<128x128xf32, #tpu.memory_space<vmem>> -> memref<64x128xf32, #tpu.memory_space<vmem>>
      %dma_start3A_71 = arith.constant 0 : i32
      %dma_start3A_72 = tpu.memref_slice %arg20[%add3A_51, %dma_start3A_71] : memref<5120x128xf32, #tpu.memory_space<vmem_shared>> -> memref<64x128xf32, #tpu.memory_space<vmem_shared>>
      %dma_start3A_73 = arith.constant 0 : i32
      %dma_start3A_74 = tpu.memref_slice %arg20[%add3A_51, %dma_start3A_73] : memref<5120x128xf32, #tpu.memory_space<vmem_shared>> -> memref<64x128xf32, #tpu.memory_space<vmem_shared>>
      %dma_start3A_75 = arith.constant 0 : i32
      %dma_start3A_76 = arith.constant 0 : i32
      %dma_start3A_77 = tpu.memref_slice %arg17[%dma_start3A_75, %dma_start3A_76] : memref<128x128xf32, #tpu.memory_space<vmem>> -> memref<64x128xf32, #tpu.memory_space<vmem>>
      tpu.enqueue_dma source(%dma_start3A_77 : memref<64x128xf32, #tpu.memory_space<vmem>>) target(%dma_start3A_74 : memref<64x128xf32, #tpu.memory_space<vmem_shared>>) target_semaphore(%run_scoped3A : memref<!tpu.dma_semaphore, #tpu.memory_space<semaphore_mem>>)
      %dma_wait3A = arith.constant 0 : i32
      %dma_wait3A_78 = arith.constant 0 : i32
      %dma_wait3A_79 = tpu.memref_slice %arg17[%dma_wait3A, %dma_wait3A_78] : memref<128x128xf32, #tpu.memory_space<vmem>> -> memref<64x128xf32, #tpu.memory_space<vmem>>
      %dma_wait3A_80 = arith.constant 0 : i32
      %dma_wait3A_81 = tpu.memref_slice %arg20[%add3A_51, %dma_wait3A_80] : memref<5120x128xf32, #tpu.memory_space<vmem_shared>> -> memref<64x128xf32, #tpu.memory_space<vmem_shared>>
      %dma_wait3A_82 = arith.constant 0 : i32
      %dma_wait3A_83 = tpu.memref_slice %arg20[%add3A_51, %dma_wait3A_82] : memref<5120x128xf32, #tpu.memory_space<vmem_shared>> -> memref<64x128xf32, #tpu.memory_space<vmem_shared>>
      %dma_wait3A_84 = arith.constant 0 : i32
      %dma_wait3A_85 = arith.constant 0 : i32
      %dma_wait3A_86 = tpu.memref_slice %arg17[%dma_wait3A_84, %dma_wait3A_85] : memref<128x128xf32, #tpu.memory_space<vmem>> -> memref<64x128xf32, #tpu.memory_space<vmem>>
      tpu.wait_dma2 semaphore(%run_scoped3A : memref<!tpu.dma_semaphore, #tpu.memory_space<semaphore_mem>>) src(%dma_wait3A_86 : memref<64x128xf32, #tpu.memory_space<vmem>>) dst(%dma_wait3A_83 : memref<64x128xf32, #tpu.memory_space<vmem_shared>>)
      tpu.yield
    }) : () -> ()
    %barrier3A_52 = arith.constant 0 : index
    tpu.barrier barrier_id(%barrier3A_52)
    %scan3A_53 = arith.constant 0 : i32
    %scan3A_54 = arith.constant 0 : i32
    %scan3A_55 = arith.constant 79 : i32
    %scan3A_56 = arith.addi %scan3A_54, %scan3A_55 : i32
    %scan3A_57 = arith.constant 1 : i32
    %scan3A_58 = scf.for %scan3A_69 = %scan3A_54 to %scan3A_56 step %scan3A_57 iter_args(%scan3A_70 = %scan3A_53) -> (i32)  : i32 {
      %mul3A_71 = arith.constant 128 : i32
      %mul3A_72 = arith.muli %scan3A_69, %mul3A_71 : i32
      "tpu.region"() ({
        %run_scoped3A = tpu.sem_alloc : memref<!tpu.dma_semaphore, #tpu.memory_space<semaphore_mem>>
        %dma_start3A = tpu.memref_slice %arg10[%mul3A_72] : memref<10112xi32, #tpu.memory_space<vmem>> -> memref<128xi32, #tpu.memory_space<vmem>>
        %dma_start3A_81 = arith.constant 0 : i32
        %dma_start3A_82 = arith.constant 0 : i32
        %dma_start3A_83 = tpu.memref_slice %arg7[%dma_start3A_81, %dma_start3A_82] : memref<10000x128xf32, #tpu.memory_space<hbm>> -> memref<10000x128xf32, #tpu.memory_space<hbm>>
        tpu.enqueue_indirect_dma source(%dma_start3A_83 : memref<10000x128xf32, #tpu.memory_space<hbm>>) target(%arg17 : memref<128x128xf32, #tpu.memory_space<vmem>>) offsets(%dma_start3A : memref<128xi32, #tpu.memory_space<vmem>>) semaphore(%run_scoped3A : memref<!tpu.dma_semaphore, #tpu.memory_space<semaphore_mem>>)
        %dma_wait3A = tpu.memref_slice %arg10[%mul3A_72] : memref<10112xi32, #tpu.memory_space<vmem>> -> memref<128xi32, #tpu.memory_space<vmem>>
        %dma_wait3A_84 = arith.constant 0 : i32
        %dma_wait3A_85 = arith.constant 0 : i32
        %dma_wait3A_86 = tpu.memref_slice %arg7[%dma_wait3A_84, %dma_wait3A_85] : memref<10000x128xf32, #tpu.memory_space<hbm>> -> memref<10000x128xf32, #tpu.memory_space<hbm>>
        tpu.wait_indirect_dma semaphore(%run_scoped3A : memref<!tpu.dma_semaphore, #tpu.memory_space<semaphore_mem>>) src(%dma_wait3A_86 : memref<10000x128xf32, #tpu.memory_space<hbm>>) dst(%arg17 : memref<128x128xf32, #tpu.memory_space<vmem>>)
        tpu.yield
      }) : () -> ()
      %scan3A_73 = arith.constant 0 : i32
      %scan3A_74 = arith.constant 0 : i32
      %scan3A_75 = arith.constant 128 : i32
      %scan3A_76 = arith.addi %scan3A_74, %scan3A_75 : i32
      %scan3A_77 = arith.constant 1 : i32
      %scan3A_78 = scf.for %scan3A_81 = %scan3A_74 to %scan3A_76 step %scan3A_77 iter_args(%scan3A_82 = %scan3A_73) -> (i32)  : i32 {
        %mul3A_83 = arith.constant 128 : i32
        %mul3A_84 = arith.muli %scan3A_69, %mul3A_83 : i32
        %add3A_85 = arith.addi %mul3A_84, %scan3A_81 : i32
        %broadcast_in_dim3A = vector.broadcast %add3A_85 : i32 to vector<16xi32>
        %gather3A = tpu.vector_load_idx %arg15[%broadcast_in_dim3A] : memref<10112xf32, #tpu.memory_space<vmem>>[vector<16xi32>], vector<16xf32>,
        %get3A = arith.index_cast %scan3A_81 : i32 to index
        %get3A_86 = arith.constant 0 : index
        %get3A_87 = tpu.vector_load %arg17[%get3A, %get3A_86] {strides = array<i32>} : memref<128x128xf32, #tpu.memory_space<vmem>>, vector<16xf32>,
        %mul3A_88 = arith.mulf %get3A_87, %gather3A : vector<16xf32>
        %swap3A = arith.index_cast %scan3A_81 : i32 to index
        %swap3A_89 = arith.constant 0 : index
        %swap3A_90 = tpu.vector_load %arg17[%swap3A, %swap3A_89] {strides = array<i32>} : memref<128x128xf32, #tpu.memory_space<vmem>>, vector<16xf32>,
        tpu.vector_store %arg17[%swap3A, %swap3A_89], %mul3A_88 {strides = array<i32>} : memref<128x128xf32, #tpu.memory_space<vmem>>, vector<16xf32>,
        %get3A_91 = arith.index_cast %scan3A_81 : i32 to index
        %get3A_92 = arith.constant 16 : index
        %get3A_93 = tpu.vector_load %arg17[%get3A_91, %get3A_92] {strides = array<i32>} : memref<128x128xf32, #tpu.memory_space<vmem>>, vector<16xf32>,
        %mul3A_94 = arith.mulf %get3A_93, %gather3A : vector<16xf32>
        %swap3A_95 = arith.index_cast %scan3A_81 : i32 to index
        %swap3A_96 = arith.constant 16 : index
        %swap3A_97 = tpu.vector_load %arg17[%swap3A_95, %swap3A_96] {strides = array<i32>} : memref<128x128xf32, #tpu.memory_space<vmem>>, vector<16xf32>,
        tpu.vector_store %arg17[%swap3A_95, %swap3A_96], %mul3A_94 {strides = array<i32>} : memref<128x128xf32, #tpu.memory_space<vmem>>, vector<16xf32>,
        %get3A_98 = arith.index_cast %scan3A_81 : i32 to index
        %get3A_99 = arith.constant 32 : index
        %get3A_100 = tpu.vector_load %arg17[%get3A_98, %get3A_99] {strides = array<i32>} : memref<128x128xf32, #tpu.memory_space<vmem>>, vector<16xf32>,
        %mul3A_101 = arith.mulf %get3A_100, %gather3A : vector<16xf32>
        %swap3A_102 = arith.index_cast %scan3A_81 : i32 to index
        %swap3A_103 = arith.constant 32 : index
        %swap3A_104 = tpu.vector_load %arg17[%swap3A_102, %swap3A_103] {strides = array<i32>} : memref<128x128xf32, #tpu.memory_space<vmem>>, vector<16xf32>,
        tpu.vector_store %arg17[%swap3A_102, %swap3A_103], %mul3A_101 {strides = array<i32>} : memref<128x128xf32, #tpu.memory_space<vmem>>, vector<16xf32>,
        %get3A_105 = arith.index_cast %scan3A_81 : i32 to index
        %get3A_106 = arith.constant 48 : index
        %get3A_107 = tpu.vector_load %arg17[%get3A_105, %get3A_106] {strides = array<i32>} : memref<128x128xf32, #tpu.memory_space<vmem>>, vector<16xf32>,
        %mul3A_108 = arith.mulf %get3A_107, %gather3A : vector<16xf32>
        %swap3A_109 = arith.index_cast %scan3A_81 : i32 to index
        %swap3A_110 = arith.constant 48 : index
        %swap3A_111 = tpu.vector_load %arg17[%swap3A_109, %swap3A_110] {strides = array<i32>} : memref<128x128xf32, #tpu.memory_space<vmem>>, vector<16xf32>,
        tpu.vector_store %arg17[%swap3A_109, %swap3A_110], %mul3A_108 {strides = array<i32>} : memref<128x128xf32, #tpu.memory_space<vmem>>, vector<16xf32>,
        %get3A_112 = arith.index_cast %scan3A_81 : i32 to index
        %get3A_113 = arith.constant 64 : index
        %get3A_114 = tpu.vector_load %arg17[%get3A_112, %get3A_113] {strides = array<i32>} : memref<128x128xf32, #tpu.memory_space<vmem>>, vector<16xf32>,
        %mul3A_115 = arith.mulf %get3A_114, %gather3A : vector<16xf32>
        %swap3A_116 = arith.index_cast %scan3A_81 : i32 to index
        %swap3A_117 = arith.constant 64 : index
        %swap3A_118 = tpu.vector_load %arg17[%swap3A_116, %swap3A_117] {strides = array<i32>} : memref<128x128xf32, #tpu.memory_space<vmem>>, vector<16xf32>,
        tpu.vector_store %arg17[%swap3A_116, %swap3A_117], %mul3A_115 {strides = array<i32>} : memref<128x128xf32, #tpu.memory_space<vmem>>, vector<16xf32>,
        %get3A_119 = arith.index_cast %scan3A_81 : i32 to index
        %get3A_120 = arith.constant 80 : index
        %get3A_121 = tpu.vector_load %arg17[%get3A_119, %get3A_120] {strides = array<i32>} : memref<128x128xf32, #tpu.memory_space<vmem>>, vector<16xf32>,
        %mul3A_122 = arith.mulf %get3A_121, %gather3A : vector<16xf32>
        %swap3A_123 = arith.index_cast %scan3A_81 : i32 to index
        %swap3A_124 = arith.constant 80 : index
        %swap3A_125 = tpu.vector_load %arg17[%swap3A_123, %swap3A_124] {strides = array<i32>} : memref<128x128xf32, #tpu.memory_space<vmem>>, vector<16xf32>,
        tpu.vector_store %arg17[%swap3A_123, %swap3A_124], %mul3A_122 {strides = array<i32>} : memref<128x128xf32, #tpu.memory_space<vmem>>, vector<16xf32>,
        %get3A_126 = arith.index_cast %scan3A_81 : i32 to index
        %get3A_127 = arith.constant 96 : index
        %get3A_128 = tpu.vector_load %arg17[%get3A_126, %get3A_127] {strides = array<i32>} : memref<128x128xf32, #tpu.memory_space<vmem>>, vector<16xf32>,
        %mul3A_129 = arith.mulf %get3A_128, %gather3A : vector<16xf32>
        %swap3A_130 = arith.index_cast %scan3A_81 : i32 to index
        %swap3A_131 = arith.constant 96 : index
        %swap3A_132 = tpu.vector_load %arg17[%swap3A_130, %swap3A_131] {strides = array<i32>} : memref<128x128xf32, #tpu.memory_space<vmem>>, vector<16xf32>,
        tpu.vector_store %arg17[%swap3A_130, %swap3A_131], %mul3A_129 {strides = array<i32>} : memref<128x128xf32, #tpu.memory_space<vmem>>, vector<16xf32>,
        %get3A_133 = arith.index_cast %scan3A_81 : i32 to index
        %get3A_134 = arith.constant 112 : index
        %get3A_135 = tpu.vector_load %arg17[%get3A_133, %get3A_134] {strides = array<i32>} : memref<128x128xf32, #tpu.memory_space<vmem>>, vector<16xf32>,
        %mul3A_136 = arith.mulf %get3A_135, %gather3A : vector<16xf32>
        %swap3A_137 = arith.index_cast %scan3A_81 : i32 to index
        %swap3A_138 = arith.constant 112 : index
        %swap3A_139 = tpu.vector_load %arg17[%swap3A_137, %swap3A_138] {strides = array<i32>} : memref<128x128xf32, #tpu.memory_space<vmem>>, vector<16xf32>,
        tpu.vector_store %arg17[%swap3A_137, %swap3A_138], %mul3A_136 {strides = array<i32>} : memref<128x128xf32, #tpu.memory_space<vmem>>, vector<16xf32>,
        %scan3A_140 = arith.constant 0 : i32
        scf.yield %scan3A_140 : i32
      }
      %scan3A_79 = arith.constant 128 : i32
      "tpu.region"() ({
        %run_scoped3A = tpu.sem_alloc : memref<!tpu.dma_semaphore, #tpu.memory_space<semaphore_mem>>
        %dma_start3A = arith.constant 0 : i32
        %dma_start3A_81 = tpu.memref_slice %arg16[%scan3A_69, %dma_start3A] : memref<79x128xi32, #tpu.memory_space<vmem>> -> memref<1x128xi32, #tpu.memory_space<vmem>>
        %dma_start3A_82 = tpu.memref_squeeze %dma_start3A_81 : memref<1x128xi32, #tpu.memory_space<vmem>> -> memref<128xi32, #tpu.memory_space<vmem>>
        %dma_start3A_83 = arith.constant 0 : i32
        %dma_start3A_84 = arith.constant 0 : i32
        %dma_start3A_85 = tpu.memref_slice %arg20[%dma_start3A_83, %dma_start3A_84] : memref<5120x128xf32, #tpu.memory_space<vmem_shared>> -> memref<5120x128xf32, #tpu.memory_space<vmem_shared>>
        tpu.enqueue_indirect_dma source(%arg17 : memref<128x128xf32, #tpu.memory_space<vmem>>) target(%dma_start3A_85 : memref<5120x128xf32, #tpu.memory_space<vmem_shared>>) offsets(%dma_start3A_82 : memref<128xi32, #tpu.memory_space<vmem>>) semaphore(%run_scoped3A : memref<!tpu.dma_semaphore, #tpu.memory_space<semaphore_mem>>) {add = true}
        %dma_wait3A = arith.constant 0 : i32
        %dma_wait3A_86 = tpu.memref_slice %arg16[%scan3A_69, %dma_wait3A] : memref<79x128xi32, #tpu.memory_space<vmem>> -> memref<1x128xi32, #tpu.memory_space<vmem>>
        %dma_wait3A_87 = tpu.memref_squeeze %dma_wait3A_86 : memref<1x128xi32, #tpu.memory_space<vmem>> -> memref<128xi32, #tpu.memory_space<vmem>>
        %dma_wait3A_88 = arith.constant 0 : i32
        %dma_wait3A_89 = arith.constant 0 : i32
        %dma_wait3A_90 = tpu.memref_slice %arg20[%dma_wait3A_88, %dma_wait3A_89] : memref<5120x128xf32, #tpu.memory_space<vmem_shared>> -> memref<5120x128xf32, #tpu.memory_space<vmem_shared>>
        tpu.wait_indirect_dma semaphore(%run_scoped3A : memref<!tpu.dma_semaphore, #tpu.memory_space<semaphore_mem>>) src(%arg17 : memref<128x128xf32, #tpu.memory_space<vmem>>) dst(%dma_wait3A_90 : memref<5120x128xf32, #tpu.memory_space<vmem_shared>>)
        tpu.yield
      }) : () -> ()
      %scan3A_80 = arith.constant 0 : i32
      scf.yield %scan3A_80 : i32
    }
    %scan3A_59 = arith.constant 79 : i32
    %barrier3A_60 = arith.constant 0 : index
    tpu.barrier barrier_id(%barrier3A_60)
    %scan3A_61 = arith.constant 0 : i32
    %scan3A_62 = arith.constant 0 : i32
    %scan3A_63 = arith.constant 41 : i32
    %scan3A_64 = arith.addi %scan3A_62, %scan3A_63 : i32
    %scan3A_65 = arith.constant 1 : i32
    %scan3A_66 = scf.for %scan3A_69 = %scan3A_62 to %scan3A_64 step %scan3A_65 iter_args(%scan3A_70 = %scan3A_61) -> (i32)  : i32 {
      %mul3A_71 = arith.constant 16 : i32
      %mul3A_72 = arith.muli %scan3A_69, %mul3A_71 : i32
      %add3A_73 = arith.addi %mul3A_72, %arg1 : i32
      %lt3A = arith.constant 625 : i32
      %lt3A_74 = arith.cmpi slt, %add3A_73, %lt3A : i32
      %convert_element_type3A = arith.extui %lt3A_74 : i1 to i32
      %cond3A = arith.constant 0 : i32
      %cond3A_75 = arith.cmpi ne, %convert_element_type3A, %cond3A : i32
      scf.if %cond3A_75 {
        %mul3A_77 = arith.constant 8 : i32
        %mul3A_78 = arith.muli %add3A_73, %mul3A_77 : i32
        %add3A_79 = arith.addi %mul3A_0, %mul3A_78 : i32
        "tpu.region"() ({
          %run_scoped3A = tpu.sem_alloc : memref<!tpu.dma_semaphore, #tpu.memory_space<semaphore_mem>>
          %dma_start3A = arith.constant 0 : i32
          %dma_start3A_1260 = tpu.memref_slice %arg20[%mul3A_78, %dma_start3A] : memref<5120x128xf32, #tpu.memory_space<vmem_shared>> -> memref<8x128xf32, #tpu.memory_space<vmem_shared>>
          %dma_start3A_1261 = arith.constant 0 : i32
          %dma_start3A_1262 = tpu.memref_slice %arg20[%mul3A_78, %dma_start3A_1261] : memref<5120x128xf32, #tpu.memory_space<vmem_shared>> -> memref<8x128xf32, #tpu.memory_space<vmem_shared>>
          tpu.enqueue_dma source(%dma_start3A_1262 : memref<8x128xf32, #tpu.memory_space<vmem_shared>>) target(%arg18 : memref<8x128xf32, #tpu.memory_space<vmem>>) target_semaphore(%run_scoped3A : memref<!tpu.dma_semaphore, #tpu.memory_space<semaphore_mem>>)
          %dma_wait3A = arith.constant 0 : i32
          %dma_wait3A_1263 = tpu.memref_slice %arg20[%mul3A_78, %dma_wait3A] : memref<5120x128xf32, #tpu.memory_space<vmem_shared>> -> memref<8x128xf32, #tpu.memory_space<vmem_shared>>
          %dma_wait3A_1264 = arith.constant 0 : i32
          %dma_wait3A_1265 = tpu.memref_slice %arg20[%mul3A_78, %dma_wait3A_1264] : memref<5120x128xf32, #tpu.memory_space<vmem_shared>> -> memref<8x128xf32, #tpu.memory_space<vmem_shared>>
          tpu.wait_dma2 semaphore(%run_scoped3A : memref<!tpu.dma_semaphore, #tpu.memory_space<semaphore_mem>>) src(%dma_wait3A_1265 : memref<8x128xf32, #tpu.memory_space<vmem_shared>>) dst(%arg18 : memref<8x128xf32, #tpu.memory_space<vmem>>)
          tpu.yield
        }) : () -> ()
        "tpu.region"() ({
          %run_scoped3A = tpu.sem_alloc : memref<!tpu.dma_semaphore, #tpu.memory_space<semaphore_mem>>
          %dma_start3A = arith.constant 0 : i32
          %dma_start3A_1260 = tpu.memref_slice %arg7[%add3A_79, %dma_start3A] : memref<10000x128xf32, #tpu.memory_space<hbm>> -> memref<8x128xf32, #tpu.memory_space<hbm>>
          %dma_start3A_1261 = arith.constant 0 : i32
          %dma_start3A_1262 = tpu.memref_slice %arg7[%add3A_79, %dma_start3A_1261] : memref<10000x128xf32, #tpu.memory_space<hbm>> -> memref<8x128xf32, #tpu.memory_space<hbm>>
          tpu.enqueue_dma source(%dma_start3A_1262 : memref<8x128xf32, #tpu.memory_space<hbm>>) target(%arg19 : memref<8x128xf32, #tpu.memory_space<vmem>>) target_semaphore(%run_scoped3A : memref<!tpu.dma_semaphore, #tpu.memory_space<semaphore_mem>>)
          %dma_wait3A = arith.constant 0 : i32
          %dma_wait3A_1263 = tpu.memref_slice %arg7[%add3A_79, %dma_wait3A] : memref<10000x128xf32, #tpu.memory_space<hbm>> -> memref<8x128xf32, #tpu.memory_space<hbm>>
          %dma_wait3A_1264 = arith.constant 0 : i32
          %dma_wait3A_1265 = tpu.memref_slice %arg7[%add3A_79, %dma_wait3A_1264] : memref<10000x128xf32, #tpu.memory_space<hbm>> -> memref<8x128xf32, #tpu.memory_space<hbm>>
          tpu.wait_dma2 semaphore(%run_scoped3A : memref<!tpu.dma_semaphore, #tpu.memory_space<semaphore_mem>>) src(%dma_wait3A_1265 : memref<8x128xf32, #tpu.memory_space<hbm>>) dst(%arg19 : memref<8x128xf32, #tpu.memory_space<vmem>>)
          tpu.yield
        }) : () -> ()
        %add3A_80 = arith.constant 0 : i32
        %add3A_81 = arith.addi %add3A_79, %add3A_80 : i32
        %broadcast_in_dim3A = vector.broadcast %add3A_81 : i32 to vector<16xi32>
        %gather3A = tpu.vector_load_idx %arg13[%broadcast_in_dim3A] : memref<10240xf32, #tpu.memory_space<vmem>>[vector<16xi32>], vector<16xf32>,
        %get3A = arith.constant 0 : i32
        %get3A_82 = arith.index_cast %get3A : i32 to index
        %get3A_83 = arith.constant 0 : index
        %get3A_84 = tpu.vector_load %arg18[%get3A_82, %get3A_83] {strides = array<i32>} : memref<8x128xf32, #tpu.memory_space<vmem>>, vector<16xf32>,
        %get3A_85 = arith.constant 0 : i32
        %get3A_86 = arith.index_cast %get3A_85 : i32 to index
        %get3A_87 = arith.constant 0 : index
        %get3A_88 = tpu.vector_load %arg19[%get3A_86, %get3A_87] {strides = array<i32>} : memref<8x128xf32, #tpu.memory_space<vmem>>, vector<16xf32>,
        %mul3A_89 = arith.mulf %gather3A, %get3A_88 : vector<16xf32>
        %add3A_90 = arith.addf %get3A_84, %mul3A_89 : vector<16xf32>
        %mul3A_91 = arith.mulf %gather3A, %add3A_90 : vector<16xf32>
        %get3A_92 = arith.constant 128 : index
        %get3A_93 = tpu.vector_load %arg14[%get3A_92] {strides = array<i32>} : memref<256xf32, #tpu.memory_space<vmem>>, vector<16xf32>,
        %add3A_94 = arith.addf %mul3A_91, %get3A_93 : vector<16xf32>
        %swap3A = arith.constant 0 : i32
        %swap3A_95 = arith.index_cast %swap3A : i32 to index
        %swap3A_96 = arith.constant 0 : index
        %swap3A_97 = tpu.vector_load %arg18[%swap3A_95, %swap3A_96] {strides = array<i32>} : memref<8x128xf32, #tpu.memory_space<vmem>>, vector<16xf32>,
        tpu.vector_store %arg18[%swap3A_95, %swap3A_96], %add3A_94 {strides = array<i32>} : memref<8x128xf32, #tpu.memory_space<vmem>>, vector<16xf32>,
        %get3A_98 = arith.constant 0 : i32
        %get3A_99 = arith.index_cast %get3A_98 : i32 to index
        %get3A_100 = arith.constant 16 : index
        %get3A_101 = tpu.vector_load %arg18[%get3A_99, %get3A_100] {strides = array<i32>} : memref<8x128xf32, #tpu.memory_space<vmem>>, vector<16xf32>,
        %get3A_102 = arith.constant 0 : i32
        %get3A_103 = arith.index_cast %get3A_102 : i32 to index
        %get3A_104 = arith.constant 16 : index
        %get3A_105 = tpu.vector_load %arg19[%get3A_103, %get3A_104] {strides = array<i32>} : memref<8x128xf32, #tpu.memory_space<vmem>>, vector<16xf32>,
        %mul3A_106 = arith.mulf %gather3A, %get3A_105 : vector<16xf32>
        %add3A_107 = arith.addf %get3A_101, %mul3A_106 : vector<16xf32>
        %mul3A_108 = arith.mulf %gather3A, %add3A_107 : vector<16xf32>
        %get3A_109 = arith.constant 144 : index
        %get3A_110 = tpu.vector_load %arg14[%get3A_109] {strides = array<i32>} : memref<256xf32, #tpu.memory_space<vmem>>, vector<16xf32>,
        %add3A_111 = arith.addf %mul3A_108, %get3A_110 : vector<16xf32>
        %swap3A_112 = arith.constant 0 : i32
        %swap3A_113 = arith.index_cast %swap3A_112 : i32 to index
        %swap3A_114 = arith.constant 16 : index
        %swap3A_115 = tpu.vector_load %arg18[%swap3A_113, %swap3A_114] {strides = array<i32>} : memref<8x128xf32, #tpu.memory_space<vmem>>, vector<16xf32>,
        tpu.vector_store %arg18[%swap3A_113, %swap3A_114], %add3A_111 {strides = array<i32>} : memref<8x128xf32, #tpu.memory_space<vmem>>, vector<16xf32>,
        %get3A_116 = arith.constant 0 : i32
        %get3A_117 = arith.index_cast %get3A_116 : i32 to index
        %get3A_118 = arith.constant 32 : index
        %get3A_119 = tpu.vector_load %arg18[%get3A_117, %get3A_118] {strides = array<i32>} : memref<8x128xf32, #tpu.memory_space<vmem>>, vector<16xf32>,
        %get3A_120 = arith.constant 0 : i32
        %get3A_121 = arith.index_cast %get3A_120 : i32 to index
        %get3A_122 = arith.constant 32 : index
        %get3A_123 = tpu.vector_load %arg19[%get3A_121, %get3A_122] {strides = array<i32>} : memref<8x128xf32, #tpu.memory_space<vmem>>, vector<16xf32>,
        %mul3A_124 = arith.mulf %gather3A, %get3A_123 : vector<16xf32>
        %add3A_125 = arith.addf %get3A_119, %mul3A_124 : vector<16xf32>
        %mul3A_126 = arith.mulf %gather3A, %add3A_125 : vector<16xf32>
        %get3A_127 = arith.constant 160 : index
        %get3A_128 = tpu.vector_load %arg14[%get3A_127] {strides = array<i32>} : memref<256xf32, #tpu.memory_space<vmem>>, vector<16xf32>,
        %add3A_129 = arith.addf %mul3A_126, %get3A_128 : vector<16xf32>
        %swap3A_130 = arith.constant 0 : i32
        %swap3A_131 = arith.index_cast %swap3A_130 : i32 to index
        %swap3A_132 = arith.constant 32 : index
        %swap3A_133 = tpu.vector_load %arg18[%swap3A_131, %swap3A_132] {strides = array<i32>} : memref<8x128xf32, #tpu.memory_space<vmem>>, vector<16xf32>,
        tpu.vector_store %arg18[%swap3A_131, %swap3A_132], %add3A_129 {strides = array<i32>} : memref<8x128xf32, #tpu.memory_space<vmem>>, vector<16xf32>,
        %get3A_134 = arith.constant 0 : i32
        %get3A_135 = arith.index_cast %get3A_134 : i32 to index
        %get3A_136 = arith.constant 48 : index
        %get3A_137 = tpu.vector_load %arg18[%get3A_135, %get3A_136] {strides = array<i32>} : memref<8x128xf32, #tpu.memory_space<vmem>>, vector<16xf32>,
        %get3A_138 = arith.constant 0 : i32
        %get3A_139 = arith.index_cast %get3A_138 : i32 to index
        %get3A_140 = arith.constant 48 : index
        %get3A_141 = tpu.vector_load %arg19[%get3A_139, %get3A_140] {strides = array<i32>} : memref<8x128xf32, #tpu.memory_space<vmem>>, vector<16xf32>,
        %mul3A_142 = arith.mulf %gather3A, %get3A_141 : vector<16xf32>
        %add3A_143 = arith.addf %get3A_137, %mul3A_142 : vector<16xf32>
        %mul3A_144 = arith.mulf %gather3A, %add3A_143 : vector<16xf32>
        %get3A_145 = arith.constant 176 : index
        %get3A_146 = tpu.vector_load %arg14[%get3A_145] {strides = array<i32>} : memref<256xf32, #tpu.memory_space<vmem>>, vector<16xf32>,
        %add3A_147 = arith.addf %mul3A_144, %get3A_146 : vector<16xf32>
        %swap3A_148 = arith.constant 0 : i32
        %swap3A_149 = arith.index_cast %swap3A_148 : i32 to index
        %swap3A_150 = arith.constant 48 : index
        %swap3A_151 = tpu.vector_load %arg18[%swap3A_149, %swap3A_150] {strides = array<i32>} : memref<8x128xf32, #tpu.memory_space<vmem>>, vector<16xf32>,
        tpu.vector_store %arg18[%swap3A_149, %swap3A_150], %add3A_147 {strides = array<i32>} : memref<8x128xf32, #tpu.memory_space<vmem>>, vector<16xf32>,
        %get3A_152 = arith.constant 0 : i32
        %get3A_153 = arith.index_cast %get3A_152 : i32 to index
        %get3A_154 = arith.constant 64 : index
        %get3A_155 = tpu.vector_load %arg18[%get3A_153, %get3A_154] {strides = array<i32>} : memref<8x128xf32, #tpu.memory_space<vmem>>, vector<16xf32>,
        %get3A_156 = arith.constant 0 : i32
        %get3A_157 = arith.index_cast %get3A_156 : i32 to index
        %get3A_158 = arith.constant 64 : index
        %get3A_159 = tpu.vector_load %arg19[%get3A_157, %get3A_158] {strides = array<i32>} : memref<8x128xf32, #tpu.memory_space<vmem>>, vector<16xf32>,
        %mul3A_160 = arith.mulf %gather3A, %get3A_159 : vector<16xf32>
        %add3A_161 = arith.addf %get3A_155, %mul3A_160 : vector<16xf32>
        %mul3A_162 = arith.mulf %gather3A, %add3A_161 : vector<16xf32>
        %get3A_163 = arith.constant 192 : index
        %get3A_164 = tpu.vector_load %arg14[%get3A_163] {strides = array<i32>} : memref<256xf32, #tpu.memory_space<vmem>>, vector<16xf32>,
        %add3A_165 = arith.addf %mul3A_162, %get3A_164 : vector<16xf32>
        %swap3A_166 = arith.constant 0 : i32
        %swap3A_167 = arith.index_cast %swap3A_166 : i32 to index
        %swap3A_168 = arith.constant 64 : index
        %swap3A_169 = tpu.vector_load %arg18[%swap3A_167, %swap3A_168] {strides = array<i32>} : memref<8x128xf32, #tpu.memory_space<vmem>>, vector<16xf32>,
        tpu.vector_store %arg18[%swap3A_167, %swap3A_168], %add3A_165 {strides = array<i32>} : memref<8x128xf32, #tpu.memory_space<vmem>>, vector<16xf32>,
        %get3A_170 = arith.constant 0 : i32
        %get3A_171 = arith.index_cast %get3A_170 : i32 to index
        %get3A_172 = arith.constant 80 : index
        %get3A_173 = tpu.vector_load %arg18[%get3A_171, %get3A_172] {strides = array<i32>} : memref<8x128xf32, #tpu.memory_space<vmem>>, vector<16xf32>,
        %get3A_174 = arith.constant 0 : i32
        %get3A_175 = arith.index_cast %get3A_174 : i32 to index
        %get3A_176 = arith.constant 80 : index
        %get3A_177 = tpu.vector_load %arg19[%get3A_175, %get3A_176] {strides = array<i32>} : memref<8x128xf32, #tpu.memory_space<vmem>>, vector<16xf32>,
        %mul3A_178 = arith.mulf %gather3A, %get3A_177 : vector<16xf32>
        %add3A_179 = arith.addf %get3A_173, %mul3A_178 : vector<16xf32>
        %mul3A_180 = arith.mulf %gather3A, %add3A_179 : vector<16xf32>
        %get3A_181 = arith.constant 208 : index
        %get3A_182 = tpu.vector_load %arg14[%get3A_181] {strides = array<i32>} : memref<256xf32, #tpu.memory_space<vmem>>, vector<16xf32>,
        %add3A_183 = arith.addf %mul3A_180, %get3A_182 : vector<16xf32>
        %swap3A_184 = arith.constant 0 : i32
        %swap3A_185 = arith.index_cast %swap3A_184 : i32 to index
        %swap3A_186 = arith.constant 80 : index
        %swap3A_187 = tpu.vector_load %arg18[%swap3A_185, %swap3A_186] {strides = array<i32>} : memref<8x128xf32, #tpu.memory_space<vmem>>, vector<16xf32>,
        tpu.vector_store %arg18[%swap3A_185, %swap3A_186], %add3A_183 {strides = array<i32>} : memref<8x128xf32, #tpu.memory_space<vmem>>, vector<16xf32>,
        %get3A_188 = arith.constant 0 : i32
        %get3A_189 = arith.index_cast %get3A_188 : i32 to index
        %get3A_190 = arith.constant 96 : index
        %get3A_191 = tpu.vector_load %arg18[%get3A_189, %get3A_190] {strides = array<i32>} : memref<8x128xf32, #tpu.memory_space<vmem>>, vector<16xf32>,
        %get3A_192 = arith.constant 0 : i32
        %get3A_193 = arith.index_cast %get3A_192 : i32 to index
        %get3A_194 = arith.constant 96 : index
        %get3A_195 = tpu.vector_load %arg19[%get3A_193, %get3A_194] {strides = array<i32>} : memref<8x128xf32, #tpu.memory_space<vmem>>, vector<16xf32>,
        %mul3A_196 = arith.mulf %gather3A, %get3A_195 : vector<16xf32>
        %add3A_197 = arith.addf %get3A_191, %mul3A_196 : vector<16xf32>
        %mul3A_198 = arith.mulf %gather3A, %add3A_197 : vector<16xf32>
        %get3A_199 = arith.constant 224 : index
        %get3A_200 = tpu.vector_load %arg14[%get3A_199] {strides = array<i32>} : memref<256xf32, #tpu.memory_space<vmem>>, vector<16xf32>,
        %add3A_201 = arith.addf %mul3A_198, %get3A_200 : vector<16xf32>
        %swap3A_202 = arith.constant 0 : i32
        %swap3A_203 = arith.index_cast %swap3A_202 : i32 to index
        %swap3A_204 = arith.constant 96 : index
        %swap3A_205 = tpu.vector_load %arg18[%swap3A_203, %swap3A_204] {strides = array<i32>} : memref<8x128xf32, #tpu.memory_space<vmem>>, vector<16xf32>,
        tpu.vector_store %arg18[%swap3A_203, %swap3A_204], %add3A_201 {strides = array<i32>} : memref<8x128xf32, #tpu.memory_space<vmem>>, vector<16xf32>,
        %get3A_206 = arith.constant 0 : i32
        %get3A_207 = arith.index_cast %get3A_206 : i32 to index
        %get3A_208 = arith.constant 112 : index
        %get3A_209 = tpu.vector_load %arg18[%get3A_207, %get3A_208] {strides = array<i32>} : memref<8x128xf32, #tpu.memory_space<vmem>>, vector<16xf32>,
        %get3A_210 = arith.constant 0 : i32
        %get3A_211 = arith.index_cast %get3A_210 : i32 to index
        %get3A_212 = arith.constant 112 : index
        %get3A_213 = tpu.vector_load %arg19[%get3A_211, %get3A_212] {strides = array<i32>} : memref<8x128xf32, #tpu.memory_space<vmem>>, vector<16xf32>,
        %mul3A_214 = arith.mulf %gather3A, %get3A_213 : vector<16xf32>
        %add3A_215 = arith.addf %get3A_209, %mul3A_214 : vector<16xf32>
        %mul3A_216 = arith.mulf %gather3A, %add3A_215 : vector<16xf32>
        %get3A_217 = arith.constant 240 : index
        %get3A_218 = tpu.vector_load %arg14[%get3A_217] {strides = array<i32>} : memref<256xf32, #tpu.memory_space<vmem>>, vector<16xf32>,
        %add3A_219 = arith.addf %mul3A_216, %get3A_218 : vector<16xf32>
        %swap3A_220 = arith.constant 0 : i32
        %swap3A_221 = arith.index_cast %swap3A_220 : i32 to index
        %swap3A_222 = arith.constant 112 : index
        %swap3A_223 = tpu.vector_load %arg18[%swap3A_221, %swap3A_222] {strides = array<i32>} : memref<8x128xf32, #tpu.memory_space<vmem>>, vector<16xf32>,
        tpu.vector_store %arg18[%swap3A_221, %swap3A_222], %add3A_219 {strides = array<i32>} : memref<8x128xf32, #tpu.memory_space<vmem>>, vector<16xf32>,
        %add3A_224 = arith.constant 1 : i32
        %add3A_225 = arith.addi %add3A_79, %add3A_224 : i32
        %broadcast_in_dim3A_226 = vector.broadcast %add3A_225 : i32 to vector<16xi32>
        %gather3A_227 = tpu.vector_load_idx %arg13[%broadcast_in_dim3A_226] : memref<10240xf32, #tpu.memory_space<vmem>>[vector<16xi32>], vector<16xf32>,
        %get3A_228 = arith.constant 1 : i32
        %get3A_229 = arith.index_cast %get3A_228 : i32 to index
        %get3A_230 = arith.constant 0 : index
        %get3A_231 = tpu.vector_load %arg18[%get3A_229, %get3A_230] {strides = array<i32>} : memref<8x128xf32, #tpu.memory_space<vmem>>, vector<16xf32>,
        %get3A_232 = arith.constant 1 : i32
        %get3A_233 = arith.index_cast %get3A_232 : i32 to index
        %get3A_234 = arith.constant 0 : index
        %get3A_235 = tpu.vector_load %arg19[%get3A_233, %get3A_234] {strides = array<i32>} : memref<8x128xf32, #tpu.memory_space<vmem>>, vector<16xf32>,
        %mul3A_236 = arith.mulf %gather3A_227, %get3A_235 : vector<16xf32>
        %add3A_237 = arith.addf %get3A_231, %mul3A_236 : vector<16xf32>
        %mul3A_238 = arith.mulf %gather3A_227, %add3A_237 : vector<16xf32>
        %get3A_239 = arith.constant 128 : index
        %get3A_240 = tpu.vector_load %arg14[%get3A_239] {strides = array<i32>} : memref<256xf32, #tpu.memory_space<vmem>>, vector<16xf32>,
        %add3A_241 = arith.addf %mul3A_238, %get3A_240 : vector<16xf32>
        %swap3A_242 = arith.constant 1 : i32
        %swap3A_243 = arith.index_cast %swap3A_242 : i32 to index
        %swap3A_244 = arith.constant 0 : index
        %swap3A_245 = tpu.vector_load %arg18[%swap3A_243, %swap3A_244] {strides = array<i32>} : memref<8x128xf32, #tpu.memory_space<vmem>>, vector<16xf32>,
        tpu.vector_store %arg18[%swap3A_243, %swap3A_244], %add3A_241 {strides = array<i32>} : memref<8x128xf32, #tpu.memory_space<vmem>>, vector<16xf32>,
        %get3A_246 = arith.constant 1 : i32
        %get3A_247 = arith.index_cast %get3A_246 : i32 to index
        %get3A_248 = arith.constant 16 : index
        %get3A_249 = tpu.vector_load %arg18[%get3A_247, %get3A_248] {strides = array<i32>} : memref<8x128xf32, #tpu.memory_space<vmem>>, vector<16xf32>,
        %get3A_250 = arith.constant 1 : i32
        %get3A_251 = arith.index_cast %get3A_250 : i32 to index
        %get3A_252 = arith.constant 16 : index
        %get3A_253 = tpu.vector_load %arg19[%get3A_251, %get3A_252] {strides = array<i32>} : memref<8x128xf32, #tpu.memory_space<vmem>>, vector<16xf32>,
        %mul3A_254 = arith.mulf %gather3A_227, %get3A_253 : vector<16xf32>
        %add3A_255 = arith.addf %get3A_249, %mul3A_254 : vector<16xf32>
        %mul3A_256 = arith.mulf %gather3A_227, %add3A_255 : vector<16xf32>
        %get3A_257 = arith.constant 144 : index
        %get3A_258 = tpu.vector_load %arg14[%get3A_257] {strides = array<i32>} : memref<256xf32, #tpu.memory_space<vmem>>, vector<16xf32>,
        %add3A_259 = arith.addf %mul3A_256, %get3A_258 : vector<16xf32>
        %swap3A_260 = arith.constant 1 : i32
        %swap3A_261 = arith.index_cast %swap3A_260 : i32 to index
        %swap3A_262 = arith.constant 16 : index
        %swap3A_263 = tpu.vector_load %arg18[%swap3A_261, %swap3A_262] {strides = array<i32>} : memref<8x128xf32, #tpu.memory_space<vmem>>, vector<16xf32>,
        tpu.vector_store %arg18[%swap3A_261, %swap3A_262], %add3A_259 {strides = array<i32>} : memref<8x128xf32, #tpu.memory_space<vmem>>, vector<16xf32>,
        %get3A_264 = arith.constant 1 : i32
        %get3A_265 = arith.index_cast %get3A_264 : i32 to index
        %get3A_266 = arith.constant 32 : index
        %get3A_267 = tpu.vector_load %arg18[%get3A_265, %get3A_266] {strides = array<i32>} : memref<8x128xf32, #tpu.memory_space<vmem>>, vector<16xf32>,
        %get3A_268 = arith.constant 1 : i32
        %get3A_269 = arith.index_cast %get3A_268 : i32 to index
        %get3A_270 = arith.constant 32 : index
        %get3A_271 = tpu.vector_load %arg19[%get3A_269, %get3A_270] {strides = array<i32>} : memref<8x128xf32, #tpu.memory_space<vmem>>, vector<16xf32>,
        %mul3A_272 = arith.mulf %gather3A_227, %get3A_271 : vector<16xf32>
        %add3A_273 = arith.addf %get3A_267, %mul3A_272 : vector<16xf32>
        %mul3A_274 = arith.mulf %gather3A_227, %add3A_273 : vector<16xf32>
        %get3A_275 = arith.constant 160 : index
        %get3A_276 = tpu.vector_load %arg14[%get3A_275] {strides = array<i32>} : memref<256xf32, #tpu.memory_space<vmem>>, vector<16xf32>,
        %add3A_277 = arith.addf %mul3A_274, %get3A_276 : vector<16xf32>
        %swap3A_278 = arith.constant 1 : i32
        %swap3A_279 = arith.index_cast %swap3A_278 : i32 to index
        %swap3A_280 = arith.constant 32 : index
        %swap3A_281 = tpu.vector_load %arg18[%swap3A_279, %swap3A_280] {strides = array<i32>} : memref<8x128xf32, #tpu.memory_space<vmem>>, vector<16xf32>,
        tpu.vector_store %arg18[%swap3A_279, %swap3A_280], %add3A_277 {strides = array<i32>} : memref<8x128xf32, #tpu.memory_space<vmem>>, vector<16xf32>,
        %get3A_282 = arith.constant 1 : i32
        %get3A_283 = arith.index_cast %get3A_282 : i32 to index
        %get3A_284 = arith.constant 48 : index
        %get3A_285 = tpu.vector_load %arg18[%get3A_283, %get3A_284] {strides = array<i32>} : memref<8x128xf32, #tpu.memory_space<vmem>>, vector<16xf32>,
        %get3A_286 = arith.constant 1 : i32
        %get3A_287 = arith.index_cast %get3A_286 : i32 to index
        %get3A_288 = arith.constant 48 : index
        %get3A_289 = tpu.vector_load %arg19[%get3A_287, %get3A_288] {strides = array<i32>} : memref<8x128xf32, #tpu.memory_space<vmem>>, vector<16xf32>,
        %mul3A_290 = arith.mulf %gather3A_227, %get3A_289 : vector<16xf32>
        %add3A_291 = arith.addf %get3A_285, %mul3A_290 : vector<16xf32>
        %mul3A_292 = arith.mulf %gather3A_227, %add3A_291 : vector<16xf32>
        %get3A_293 = arith.constant 176 : index
        %get3A_294 = tpu.vector_load %arg14[%get3A_293] {strides = array<i32>} : memref<256xf32, #tpu.memory_space<vmem>>, vector<16xf32>,
        %add3A_295 = arith.addf %mul3A_292, %get3A_294 : vector<16xf32>
        %swap3A_296 = arith.constant 1 : i32
        %swap3A_297 = arith.index_cast %swap3A_296 : i32 to index
        %swap3A_298 = arith.constant 48 : index
        %swap3A_299 = tpu.vector_load %arg18[%swap3A_297, %swap3A_298] {strides = array<i32>} : memref<8x128xf32, #tpu.memory_space<vmem>>, vector<16xf32>,
        tpu.vector_store %arg18[%swap3A_297, %swap3A_298], %add3A_295 {strides = array<i32>} : memref<8x128xf32, #tpu.memory_space<vmem>>, vector<16xf32>,
        %get3A_300 = arith.constant 1 : i32
        %get3A_301 = arith.index_cast %get3A_300 : i32 to index
        %get3A_302 = arith.constant 64 : index
        %get3A_303 = tpu.vector_load %arg18[%get3A_301, %get3A_302] {strides = array<i32>} : memref<8x128xf32, #tpu.memory_space<vmem>>, vector<16xf32>,
        %get3A_304 = arith.constant 1 : i32
        %get3A_305 = arith.index_cast %get3A_304 : i32 to index
        %get3A_306 = arith.constant 64 : index
        %get3A_307 = tpu.vector_load %arg19[%get3A_305, %get3A_306] {strides = array<i32>} : memref<8x128xf32, #tpu.memory_space<vmem>>, vector<16xf32>,
        %mul3A_308 = arith.mulf %gather3A_227, %get3A_307 : vector<16xf32>
        %add3A_309 = arith.addf %get3A_303, %mul3A_308 : vector<16xf32>
        %mul3A_310 = arith.mulf %gather3A_227, %add3A_309 : vector<16xf32>
        %get3A_311 = arith.constant 192 : index
        %get3A_312 = tpu.vector_load %arg14[%get3A_311] {strides = array<i32>} : memref<256xf32, #tpu.memory_space<vmem>>, vector<16xf32>,
        %add3A_313 = arith.addf %mul3A_310, %get3A_312 : vector<16xf32>
        %swap3A_314 = arith.constant 1 : i32
        %swap3A_315 = arith.index_cast %swap3A_314 : i32 to index
        %swap3A_316 = arith.constant 64 : index
        %swap3A_317 = tpu.vector_load %arg18[%swap3A_315, %swap3A_316] {strides = array<i32>} : memref<8x128xf32, #tpu.memory_space<vmem>>, vector<16xf32>,
        tpu.vector_store %arg18[%swap3A_315, %swap3A_316], %add3A_313 {strides = array<i32>} : memref<8x128xf32, #tpu.memory_space<vmem>>, vector<16xf32>,
        %get3A_318 = arith.constant 1 : i32
        %get3A_319 = arith.index_cast %get3A_318 : i32 to index
        %get3A_320 = arith.constant 80 : index
        %get3A_321 = tpu.vector_load %arg18[%get3A_319, %get3A_320] {strides = array<i32>} : memref<8x128xf32, #tpu.memory_space<vmem>>, vector<16xf32>,
        %get3A_322 = arith.constant 1 : i32
        %get3A_323 = arith.index_cast %get3A_322 : i32 to index
        %get3A_324 = arith.constant 80 : index
        %get3A_325 = tpu.vector_load %arg19[%get3A_323, %get3A_324] {strides = array<i32>} : memref<8x128xf32, #tpu.memory_space<vmem>>, vector<16xf32>,
        %mul3A_326 = arith.mulf %gather3A_227, %get3A_325 : vector<16xf32>
        %add3A_327 = arith.addf %get3A_321, %mul3A_326 : vector<16xf32>
        %mul3A_328 = arith.mulf %gather3A_227, %add3A_327 : vector<16xf32>
        %get3A_329 = arith.constant 208 : index
        %get3A_330 = tpu.vector_load %arg14[%get3A_329] {strides = array<i32>} : memref<256xf32, #tpu.memory_space<vmem>>, vector<16xf32>,
        %add3A_331 = arith.addf %mul3A_328, %get3A_330 : vector<16xf32>
        %swap3A_332 = arith.constant 1 : i32
        %swap3A_333 = arith.index_cast %swap3A_332 : i32 to index
        %swap3A_334 = arith.constant 80 : index
        %swap3A_335 = tpu.vector_load %arg18[%swap3A_333, %swap3A_334] {strides = array<i32>} : memref<8x128xf32, #tpu.memory_space<vmem>>, vector<16xf32>,
        tpu.vector_store %arg18[%swap3A_333, %swap3A_334], %add3A_331 {strides = array<i32>} : memref<8x128xf32, #tpu.memory_space<vmem>>, vector<16xf32>,
        %get3A_336 = arith.constant 1 : i32
        %get3A_337 = arith.index_cast %get3A_336 : i32 to index
        %get3A_338 = arith.constant 96 : index
        %get3A_339 = tpu.vector_load %arg18[%get3A_337, %get3A_338] {strides = array<i32>} : memref<8x128xf32, #tpu.memory_space<vmem>>, vector<16xf32>,
        %get3A_340 = arith.constant 1 : i32
        %get3A_341 = arith.index_cast %get3A_340 : i32 to index
        %get3A_342 = arith.constant 96 : index
        %get3A_343 = tpu.vector_load %arg19[%get3A_341, %get3A_342] {strides = array<i32>} : memref<8x128xf32, #tpu.memory_space<vmem>>, vector<16xf32>,
        %mul3A_344 = arith.mulf %gather3A_227, %get3A_343 : vector<16xf32>
        %add3A_345 = arith.addf %get3A_339, %mul3A_344 : vector<16xf32>
        %mul3A_346 = arith.mulf %gather3A_227, %add3A_345 : vector<16xf32>
        %get3A_347 = arith.constant 224 : index
        %get3A_348 = tpu.vector_load %arg14[%get3A_347] {strides = array<i32>} : memref<256xf32, #tpu.memory_space<vmem>>, vector<16xf32>,
        %add3A_349 = arith.addf %mul3A_346, %get3A_348 : vector<16xf32>
        %swap3A_350 = arith.constant 1 : i32
        %swap3A_351 = arith.index_cast %swap3A_350 : i32 to index
        %swap3A_352 = arith.constant 96 : index
        %swap3A_353 = tpu.vector_load %arg18[%swap3A_351, %swap3A_352] {strides = array<i32>} : memref<8x128xf32, #tpu.memory_space<vmem>>, vector<16xf32>,
        tpu.vector_store %arg18[%swap3A_351, %swap3A_352], %add3A_349 {strides = array<i32>} : memref<8x128xf32, #tpu.memory_space<vmem>>, vector<16xf32>,
        %get3A_354 = arith.constant 1 : i32
        %get3A_355 = arith.index_cast %get3A_354 : i32 to index
        %get3A_356 = arith.constant 112 : index
        %get3A_357 = tpu.vector_load %arg18[%get3A_355, %get3A_356] {strides = array<i32>} : memref<8x128xf32, #tpu.memory_space<vmem>>, vector<16xf32>,
        %get3A_358 = arith.constant 1 : i32
        %get3A_359 = arith.index_cast %get3A_358 : i32 to index
        %get3A_360 = arith.constant 112 : index
        %get3A_361 = tpu.vector_load %arg19[%get3A_359, %get3A_360] {strides = array<i32>} : memref<8x128xf32, #tpu.memory_space<vmem>>, vector<16xf32>,
        %mul3A_362 = arith.mulf %gather3A_227, %get3A_361 : vector<16xf32>
        %add3A_363 = arith.addf %get3A_357, %mul3A_362 : vector<16xf32>
        %mul3A_364 = arith.mulf %gather3A_227, %add3A_363 : vector<16xf32>
        %get3A_365 = arith.constant 240 : index
        %get3A_366 = tpu.vector_load %arg14[%get3A_365] {strides = array<i32>} : memref<256xf32, #tpu.memory_space<vmem>>, vector<16xf32>,
        %add3A_367 = arith.addf %mul3A_364, %get3A_366 : vector<16xf32>
        %swap3A_368 = arith.constant 1 : i32
        %swap3A_369 = arith.index_cast %swap3A_368 : i32 to index
        %swap3A_370 = arith.constant 112 : index
        %swap3A_371 = tpu.vector_load %arg18[%swap3A_369, %swap3A_370] {strides = array<i32>} : memref<8x128xf32, #tpu.memory_space<vmem>>, vector<16xf32>,
        tpu.vector_store %arg18[%swap3A_369, %swap3A_370], %add3A_367 {strides = array<i32>} : memref<8x128xf32, #tpu.memory_space<vmem>>, vector<16xf32>,
        %add3A_372 = arith.constant 2 : i32
        %add3A_373 = arith.addi %add3A_79, %add3A_372 : i32
        %broadcast_in_dim3A_374 = vector.broadcast %add3A_373 : i32 to vector<16xi32>
        %gather3A_375 = tpu.vector_load_idx %arg13[%broadcast_in_dim3A_374] : memref<10240xf32, #tpu.memory_space<vmem>>[vector<16xi32>], vector<16xf32>,
        %get3A_376 = arith.constant 2 : i32
        %get3A_377 = arith.index_cast %get3A_376 : i32 to index
        %get3A_378 = arith.constant 0 : index
        %get3A_379 = tpu.vector_load %arg18[%get3A_377, %get3A_378] {strides = array<i32>} : memref<8x128xf32, #tpu.memory_space<vmem>>, vector<16xf32>,
        %get3A_380 = arith.constant 2 : i32
        %get3A_381 = arith.index_cast %get3A_380 : i32 to index
        %get3A_382 = arith.constant 0 : index
        %get3A_383 = tpu.vector_load %arg19[%get3A_381, %get3A_382] {strides = array<i32>} : memref<8x128xf32, #tpu.memory_space<vmem>>, vector<16xf32>,
        %mul3A_384 = arith.mulf %gather3A_375, %get3A_383 : vector<16xf32>
        %add3A_385 = arith.addf %get3A_379, %mul3A_384 : vector<16xf32>
        %mul3A_386 = arith.mulf %gather3A_375, %add3A_385 : vector<16xf32>
        %get3A_387 = arith.constant 128 : index
        %get3A_388 = tpu.vector_load %arg14[%get3A_387] {strides = array<i32>} : memref<256xf32, #tpu.memory_space<vmem>>, vector<16xf32>,
        %add3A_389 = arith.addf %mul3A_386, %get3A_388 : vector<16xf32>
        %swap3A_390 = arith.constant 2 : i32
        %swap3A_391 = arith.index_cast %swap3A_390 : i32 to index
        %swap3A_392 = arith.constant 0 : index
        %swap3A_393 = tpu.vector_load %arg18[%swap3A_391, %swap3A_392] {strides = array<i32>} : memref<8x128xf32, #tpu.memory_space<vmem>>, vector<16xf32>,
        tpu.vector_store %arg18[%swap3A_391, %swap3A_392], %add3A_389 {strides = array<i32>} : memref<8x128xf32, #tpu.memory_space<vmem>>, vector<16xf32>,
        %get3A_394 = arith.constant 2 : i32
        %get3A_395 = arith.index_cast %get3A_394 : i32 to index
        %get3A_396 = arith.constant 16 : index
        %get3A_397 = tpu.vector_load %arg18[%get3A_395, %get3A_396] {strides = array<i32>} : memref<8x128xf32, #tpu.memory_space<vmem>>, vector<16xf32>,
        %get3A_398 = arith.constant 2 : i32
        %get3A_399 = arith.index_cast %get3A_398 : i32 to index
        %get3A_400 = arith.constant 16 : index
        %get3A_401 = tpu.vector_load %arg19[%get3A_399, %get3A_400] {strides = array<i32>} : memref<8x128xf32, #tpu.memory_space<vmem>>, vector<16xf32>,
        %mul3A_402 = arith.mulf %gather3A_375, %get3A_401 : vector<16xf32>
        %add3A_403 = arith.addf %get3A_397, %mul3A_402 : vector<16xf32>
        %mul3A_404 = arith.mulf %gather3A_375, %add3A_403 : vector<16xf32>
        %get3A_405 = arith.constant 144 : index
        %get3A_406 = tpu.vector_load %arg14[%get3A_405] {strides = array<i32>} : memref<256xf32, #tpu.memory_space<vmem>>, vector<16xf32>,
        %add3A_407 = arith.addf %mul3A_404, %get3A_406 : vector<16xf32>
        %swap3A_408 = arith.constant 2 : i32
        %swap3A_409 = arith.index_cast %swap3A_408 : i32 to index
        %swap3A_410 = arith.constant 16 : index
        %swap3A_411 = tpu.vector_load %arg18[%swap3A_409, %swap3A_410] {strides = array<i32>} : memref<8x128xf32, #tpu.memory_space<vmem>>, vector<16xf32>,
        tpu.vector_store %arg18[%swap3A_409, %swap3A_410], %add3A_407 {strides = array<i32>} : memref<8x128xf32, #tpu.memory_space<vmem>>, vector<16xf32>,
        %get3A_412 = arith.constant 2 : i32
        %get3A_413 = arith.index_cast %get3A_412 : i32 to index
        %get3A_414 = arith.constant 32 : index
        %get3A_415 = tpu.vector_load %arg18[%get3A_413, %get3A_414] {strides = array<i32>} : memref<8x128xf32, #tpu.memory_space<vmem>>, vector<16xf32>,
        %get3A_416 = arith.constant 2 : i32
        %get3A_417 = arith.index_cast %get3A_416 : i32 to index
        %get3A_418 = arith.constant 32 : index
        %get3A_419 = tpu.vector_load %arg19[%get3A_417, %get3A_418] {strides = array<i32>} : memref<8x128xf32, #tpu.memory_space<vmem>>, vector<16xf32>,
        %mul3A_420 = arith.mulf %gather3A_375, %get3A_419 : vector<16xf32>
        %add3A_421 = arith.addf %get3A_415, %mul3A_420 : vector<16xf32>
        %mul3A_422 = arith.mulf %gather3A_375, %add3A_421 : vector<16xf32>
        %get3A_423 = arith.constant 160 : index
        %get3A_424 = tpu.vector_load %arg14[%get3A_423] {strides = array<i32>} : memref<256xf32, #tpu.memory_space<vmem>>, vector<16xf32>,
        %add3A_425 = arith.addf %mul3A_422, %get3A_424 : vector<16xf32>
        %swap3A_426 = arith.constant 2 : i32
        %swap3A_427 = arith.index_cast %swap3A_426 : i32 to index
        %swap3A_428 = arith.constant 32 : index
        %swap3A_429 = tpu.vector_load %arg18[%swap3A_427, %swap3A_428] {strides = array<i32>} : memref<8x128xf32, #tpu.memory_space<vmem>>, vector<16xf32>,
        tpu.vector_store %arg18[%swap3A_427, %swap3A_428], %add3A_425 {strides = array<i32>} : memref<8x128xf32, #tpu.memory_space<vmem>>, vector<16xf32>,
        %get3A_430 = arith.constant 2 : i32
        %get3A_431 = arith.index_cast %get3A_430 : i32 to index
        %get3A_432 = arith.constant 48 : index
        %get3A_433 = tpu.vector_load %arg18[%get3A_431, %get3A_432] {strides = array<i32>} : memref<8x128xf32, #tpu.memory_space<vmem>>, vector<16xf32>,
        %get3A_434 = arith.constant 2 : i32
        %get3A_435 = arith.index_cast %get3A_434 : i32 to index
        %get3A_436 = arith.constant 48 : index
        %get3A_437 = tpu.vector_load %arg19[%get3A_435, %get3A_436] {strides = array<i32>} : memref<8x128xf32, #tpu.memory_space<vmem>>, vector<16xf32>,
        %mul3A_438 = arith.mulf %gather3A_375, %get3A_437 : vector<16xf32>
        %add3A_439 = arith.addf %get3A_433, %mul3A_438 : vector<16xf32>
        %mul3A_440 = arith.mulf %gather3A_375, %add3A_439 : vector<16xf32>
        %get3A_441 = arith.constant 176 : index
        %get3A_442 = tpu.vector_load %arg14[%get3A_441] {strides = array<i32>} : memref<256xf32, #tpu.memory_space<vmem>>, vector<16xf32>,
        %add3A_443 = arith.addf %mul3A_440, %get3A_442 : vector<16xf32>
        %swap3A_444 = arith.constant 2 : i32
        %swap3A_445 = arith.index_cast %swap3A_444 : i32 to index
        %swap3A_446 = arith.constant 48 : index
        %swap3A_447 = tpu.vector_load %arg18[%swap3A_445, %swap3A_446] {strides = array<i32>} : memref<8x128xf32, #tpu.memory_space<vmem>>, vector<16xf32>,
        tpu.vector_store %arg18[%swap3A_445, %swap3A_446], %add3A_443 {strides = array<i32>} : memref<8x128xf32, #tpu.memory_space<vmem>>, vector<16xf32>,
        %get3A_448 = arith.constant 2 : i32
        %get3A_449 = arith.index_cast %get3A_448 : i32 to index
        %get3A_450 = arith.constant 64 : index
        %get3A_451 = tpu.vector_load %arg18[%get3A_449, %get3A_450] {strides = array<i32>} : memref<8x128xf32, #tpu.memory_space<vmem>>, vector<16xf32>,
        %get3A_452 = arith.constant 2 : i32
        %get3A_453 = arith.index_cast %get3A_452 : i32 to index
        %get3A_454 = arith.constant 64 : index
        %get3A_455 = tpu.vector_load %arg19[%get3A_453, %get3A_454] {strides = array<i32>} : memref<8x128xf32, #tpu.memory_space<vmem>>, vector<16xf32>,
        %mul3A_456 = arith.mulf %gather3A_375, %get3A_455 : vector<16xf32>
        %add3A_457 = arith.addf %get3A_451, %mul3A_456 : vector<16xf32>
        %mul3A_458 = arith.mulf %gather3A_375, %add3A_457 : vector<16xf32>
        %get3A_459 = arith.constant 192 : index
        %get3A_460 = tpu.vector_load %arg14[%get3A_459] {strides = array<i32>} : memref<256xf32, #tpu.memory_space<vmem>>, vector<16xf32>,
        %add3A_461 = arith.addf %mul3A_458, %get3A_460 : vector<16xf32>
        %swap3A_462 = arith.constant 2 : i32
        %swap3A_463 = arith.index_cast %swap3A_462 : i32 to index
        %swap3A_464 = arith.constant 64 : index
        %swap3A_465 = tpu.vector_load %arg18[%swap3A_463, %swap3A_464] {strides = array<i32>} : memref<8x128xf32, #tpu.memory_space<vmem>>, vector<16xf32>,
        tpu.vector_store %arg18[%swap3A_463, %swap3A_464], %add3A_461 {strides = array<i32>} : memref<8x128xf32, #tpu.memory_space<vmem>>, vector<16xf32>,
        %get3A_466 = arith.constant 2 : i32
        %get3A_467 = arith.index_cast %get3A_466 : i32 to index
        %get3A_468 = arith.constant 80 : index
        %get3A_469 = tpu.vector_load %arg18[%get3A_467, %get3A_468] {strides = array<i32>} : memref<8x128xf32, #tpu.memory_space<vmem>>, vector<16xf32>,
        %get3A_470 = arith.constant 2 : i32
        %get3A_471 = arith.index_cast %get3A_470 : i32 to index
        %get3A_472 = arith.constant 80 : index
        %get3A_473 = tpu.vector_load %arg19[%get3A_471, %get3A_472] {strides = array<i32>} : memref<8x128xf32, #tpu.memory_space<vmem>>, vector<16xf32>,
        %mul3A_474 = arith.mulf %gather3A_375, %get3A_473 : vector<16xf32>
        %add3A_475 = arith.addf %get3A_469, %mul3A_474 : vector<16xf32>
        %mul3A_476 = arith.mulf %gather3A_375, %add3A_475 : vector<16xf32>
        %get3A_477 = arith.constant 208 : index
        %get3A_478 = tpu.vector_load %arg14[%get3A_477] {strides = array<i32>} : memref<256xf32, #tpu.memory_space<vmem>>, vector<16xf32>,
        %add3A_479 = arith.addf %mul3A_476, %get3A_478 : vector<16xf32>
        %swap3A_480 = arith.constant 2 : i32
        %swap3A_481 = arith.index_cast %swap3A_480 : i32 to index
        %swap3A_482 = arith.constant 80 : index
        %swap3A_483 = tpu.vector_load %arg18[%swap3A_481, %swap3A_482] {strides = array<i32>} : memref<8x128xf32, #tpu.memory_space<vmem>>, vector<16xf32>,
        tpu.vector_store %arg18[%swap3A_481, %swap3A_482], %add3A_479 {strides = array<i32>} : memref<8x128xf32, #tpu.memory_space<vmem>>, vector<16xf32>,
        %get3A_484 = arith.constant 2 : i32
        %get3A_485 = arith.index_cast %get3A_484 : i32 to index
        %get3A_486 = arith.constant 96 : index
        %get3A_487 = tpu.vector_load %arg18[%get3A_485, %get3A_486] {strides = array<i32>} : memref<8x128xf32, #tpu.memory_space<vmem>>, vector<16xf32>,
        %get3A_488 = arith.constant 2 : i32
        %get3A_489 = arith.index_cast %get3A_488 : i32 to index
        %get3A_490 = arith.constant 96 : index
        %get3A_491 = tpu.vector_load %arg19[%get3A_489, %get3A_490] {strides = array<i32>} : memref<8x128xf32, #tpu.memory_space<vmem>>, vector<16xf32>,
        %mul3A_492 = arith.mulf %gather3A_375, %get3A_491 : vector<16xf32>
        %add3A_493 = arith.addf %get3A_487, %mul3A_492 : vector<16xf32>
        %mul3A_494 = arith.mulf %gather3A_375, %add3A_493 : vector<16xf32>
        %get3A_495 = arith.constant 224 : index
        %get3A_496 = tpu.vector_load %arg14[%get3A_495] {strides = array<i32>} : memref<256xf32, #tpu.memory_space<vmem>>, vector<16xf32>,
        %add3A_497 = arith.addf %mul3A_494, %get3A_496 : vector<16xf32>
        %swap3A_498 = arith.constant 2 : i32
        %swap3A_499 = arith.index_cast %swap3A_498 : i32 to index
        %swap3A_500 = arith.constant 96 : index
        %swap3A_501 = tpu.vector_load %arg18[%swap3A_499, %swap3A_500] {strides = array<i32>} : memref<8x128xf32, #tpu.memory_space<vmem>>, vector<16xf32>,
        tpu.vector_store %arg18[%swap3A_499, %swap3A_500], %add3A_497 {strides = array<i32>} : memref<8x128xf32, #tpu.memory_space<vmem>>, vector<16xf32>,
        %get3A_502 = arith.constant 2 : i32
        %get3A_503 = arith.index_cast %get3A_502 : i32 to index
        %get3A_504 = arith.constant 112 : index
        %get3A_505 = tpu.vector_load %arg18[%get3A_503, %get3A_504] {strides = array<i32>} : memref<8x128xf32, #tpu.memory_space<vmem>>, vector<16xf32>,
        %get3A_506 = arith.constant 2 : i32
        %get3A_507 = arith.index_cast %get3A_506 : i32 to index
        %get3A_508 = arith.constant 112 : index
        %get3A_509 = tpu.vector_load %arg19[%get3A_507, %get3A_508] {strides = array<i32>} : memref<8x128xf32, #tpu.memory_space<vmem>>, vector<16xf32>,
        %mul3A_510 = arith.mulf %gather3A_375, %get3A_509 : vector<16xf32>
        %add3A_511 = arith.addf %get3A_505, %mul3A_510 : vector<16xf32>
        %mul3A_512 = arith.mulf %gather3A_375, %add3A_511 : vector<16xf32>
        %get3A_513 = arith.constant 240 : index
        %get3A_514 = tpu.vector_load %arg14[%get3A_513] {strides = array<i32>} : memref<256xf32, #tpu.memory_space<vmem>>, vector<16xf32>,
        %add3A_515 = arith.addf %mul3A_512, %get3A_514 : vector<16xf32>
        %swap3A_516 = arith.constant 2 : i32
        %swap3A_517 = arith.index_cast %swap3A_516 : i32 to index
        %swap3A_518 = arith.constant 112 : index
        %swap3A_519 = tpu.vector_load %arg18[%swap3A_517, %swap3A_518] {strides = array<i32>} : memref<8x128xf32, #tpu.memory_space<vmem>>, vector<16xf32>,
        tpu.vector_store %arg18[%swap3A_517, %swap3A_518], %add3A_515 {strides = array<i32>} : memref<8x128xf32, #tpu.memory_space<vmem>>, vector<16xf32>,
        %add3A_520 = arith.constant 3 : i32
        %add3A_521 = arith.addi %add3A_79, %add3A_520 : i32
        %broadcast_in_dim3A_522 = vector.broadcast %add3A_521 : i32 to vector<16xi32>
        %gather3A_523 = tpu.vector_load_idx %arg13[%broadcast_in_dim3A_522] : memref<10240xf32, #tpu.memory_space<vmem>>[vector<16xi32>], vector<16xf32>,
        %get3A_524 = arith.constant 3 : i32
        %get3A_525 = arith.index_cast %get3A_524 : i32 to index
        %get3A_526 = arith.constant 0 : index
        %get3A_527 = tpu.vector_load %arg18[%get3A_525, %get3A_526] {strides = array<i32>} : memref<8x128xf32, #tpu.memory_space<vmem>>, vector<16xf32>,
        %get3A_528 = arith.constant 3 : i32
        %get3A_529 = arith.index_cast %get3A_528 : i32 to index
        %get3A_530 = arith.constant 0 : index
        %get3A_531 = tpu.vector_load %arg19[%get3A_529, %get3A_530] {strides = array<i32>} : memref<8x128xf32, #tpu.memory_space<vmem>>, vector<16xf32>,
        %mul3A_532 = arith.mulf %gather3A_523, %get3A_531 : vector<16xf32>
        %add3A_533 = arith.addf %get3A_527, %mul3A_532 : vector<16xf32>
        %mul3A_534 = arith.mulf %gather3A_523, %add3A_533 : vector<16xf32>
        %get3A_535 = arith.constant 128 : index
        %get3A_536 = tpu.vector_load %arg14[%get3A_535] {strides = array<i32>} : memref<256xf32, #tpu.memory_space<vmem>>, vector<16xf32>,
        %add3A_537 = arith.addf %mul3A_534, %get3A_536 : vector<16xf32>
        %swap3A_538 = arith.constant 3 : i32
        %swap3A_539 = arith.index_cast %swap3A_538 : i32 to index
        %swap3A_540 = arith.constant 0 : index
        %swap3A_541 = tpu.vector_load %arg18[%swap3A_539, %swap3A_540] {strides = array<i32>} : memref<8x128xf32, #tpu.memory_space<vmem>>, vector<16xf32>,
        tpu.vector_store %arg18[%swap3A_539, %swap3A_540], %add3A_537 {strides = array<i32>} : memref<8x128xf32, #tpu.memory_space<vmem>>, vector<16xf32>,
        %get3A_542 = arith.constant 3 : i32
        %get3A_543 = arith.index_cast %get3A_542 : i32 to index
        %get3A_544 = arith.constant 16 : index
        %get3A_545 = tpu.vector_load %arg18[%get3A_543, %get3A_544] {strides = array<i32>} : memref<8x128xf32, #tpu.memory_space<vmem>>, vector<16xf32>,
        %get3A_546 = arith.constant 3 : i32
        %get3A_547 = arith.index_cast %get3A_546 : i32 to index
        %get3A_548 = arith.constant 16 : index
        %get3A_549 = tpu.vector_load %arg19[%get3A_547, %get3A_548] {strides = array<i32>} : memref<8x128xf32, #tpu.memory_space<vmem>>, vector<16xf32>,
        %mul3A_550 = arith.mulf %gather3A_523, %get3A_549 : vector<16xf32>
        %add3A_551 = arith.addf %get3A_545, %mul3A_550 : vector<16xf32>
        %mul3A_552 = arith.mulf %gather3A_523, %add3A_551 : vector<16xf32>
        %get3A_553 = arith.constant 144 : index
        %get3A_554 = tpu.vector_load %arg14[%get3A_553] {strides = array<i32>} : memref<256xf32, #tpu.memory_space<vmem>>, vector<16xf32>,
        %add3A_555 = arith.addf %mul3A_552, %get3A_554 : vector<16xf32>
        %swap3A_556 = arith.constant 3 : i32
        %swap3A_557 = arith.index_cast %swap3A_556 : i32 to index
        %swap3A_558 = arith.constant 16 : index
        %swap3A_559 = tpu.vector_load %arg18[%swap3A_557, %swap3A_558] {strides = array<i32>} : memref<8x128xf32, #tpu.memory_space<vmem>>, vector<16xf32>,
        tpu.vector_store %arg18[%swap3A_557, %swap3A_558], %add3A_555 {strides = array<i32>} : memref<8x128xf32, #tpu.memory_space<vmem>>, vector<16xf32>,
        %get3A_560 = arith.constant 3 : i32
        %get3A_561 = arith.index_cast %get3A_560 : i32 to index
        %get3A_562 = arith.constant 32 : index
        %get3A_563 = tpu.vector_load %arg18[%get3A_561, %get3A_562] {strides = array<i32>} : memref<8x128xf32, #tpu.memory_space<vmem>>, vector<16xf32>,
        %get3A_564 = arith.constant 3 : i32
        %get3A_565 = arith.index_cast %get3A_564 : i32 to index
        %get3A_566 = arith.constant 32 : index
        %get3A_567 = tpu.vector_load %arg19[%get3A_565, %get3A_566] {strides = array<i32>} : memref<8x128xf32, #tpu.memory_space<vmem>>, vector<16xf32>,
        %mul3A_568 = arith.mulf %gather3A_523, %get3A_567 : vector<16xf32>
        %add3A_569 = arith.addf %get3A_563, %mul3A_568 : vector<16xf32>
        %mul3A_570 = arith.mulf %gather3A_523, %add3A_569 : vector<16xf32>
        %get3A_571 = arith.constant 160 : index
        %get3A_572 = tpu.vector_load %arg14[%get3A_571] {strides = array<i32>} : memref<256xf32, #tpu.memory_space<vmem>>, vector<16xf32>,
        %add3A_573 = arith.addf %mul3A_570, %get3A_572 : vector<16xf32>
        %swap3A_574 = arith.constant 3 : i32
        %swap3A_575 = arith.index_cast %swap3A_574 : i32 to index
        %swap3A_576 = arith.constant 32 : index
        %swap3A_577 = tpu.vector_load %arg18[%swap3A_575, %swap3A_576] {strides = array<i32>} : memref<8x128xf32, #tpu.memory_space<vmem>>, vector<16xf32>,
        tpu.vector_store %arg18[%swap3A_575, %swap3A_576], %add3A_573 {strides = array<i32>} : memref<8x128xf32, #tpu.memory_space<vmem>>, vector<16xf32>,
        %get3A_578 = arith.constant 3 : i32
        %get3A_579 = arith.index_cast %get3A_578 : i32 to index
        %get3A_580 = arith.constant 48 : index
        %get3A_581 = tpu.vector_load %arg18[%get3A_579, %get3A_580] {strides = array<i32>} : memref<8x128xf32, #tpu.memory_space<vmem>>, vector<16xf32>,
        %get3A_582 = arith.constant 3 : i32
        %get3A_583 = arith.index_cast %get3A_582 : i32 to index
        %get3A_584 = arith.constant 48 : index
        %get3A_585 = tpu.vector_load %arg19[%get3A_583, %get3A_584] {strides = array<i32>} : memref<8x128xf32, #tpu.memory_space<vmem>>, vector<16xf32>,
        %mul3A_586 = arith.mulf %gather3A_523, %get3A_585 : vector<16xf32>
        %add3A_587 = arith.addf %get3A_581, %mul3A_586 : vector<16xf32>
        %mul3A_588 = arith.mulf %gather3A_523, %add3A_587 : vector<16xf32>
        %get3A_589 = arith.constant 176 : index
        %get3A_590 = tpu.vector_load %arg14[%get3A_589] {strides = array<i32>} : memref<256xf32, #tpu.memory_space<vmem>>, vector<16xf32>,
        %add3A_591 = arith.addf %mul3A_588, %get3A_590 : vector<16xf32>
        %swap3A_592 = arith.constant 3 : i32
        %swap3A_593 = arith.index_cast %swap3A_592 : i32 to index
        %swap3A_594 = arith.constant 48 : index
        %swap3A_595 = tpu.vector_load %arg18[%swap3A_593, %swap3A_594] {strides = array<i32>} : memref<8x128xf32, #tpu.memory_space<vmem>>, vector<16xf32>,
        tpu.vector_store %arg18[%swap3A_593, %swap3A_594], %add3A_591 {strides = array<i32>} : memref<8x128xf32, #tpu.memory_space<vmem>>, vector<16xf32>,
        %get3A_596 = arith.constant 3 : i32
        %get3A_597 = arith.index_cast %get3A_596 : i32 to index
        %get3A_598 = arith.constant 64 : index
        %get3A_599 = tpu.vector_load %arg18[%get3A_597, %get3A_598] {strides = array<i32>} : memref<8x128xf32, #tpu.memory_space<vmem>>, vector<16xf32>,
        %get3A_600 = arith.constant 3 : i32
        %get3A_601 = arith.index_cast %get3A_600 : i32 to index
        %get3A_602 = arith.constant 64 : index
        %get3A_603 = tpu.vector_load %arg19[%get3A_601, %get3A_602] {strides = array<i32>} : memref<8x128xf32, #tpu.memory_space<vmem>>, vector<16xf32>,
        %mul3A_604 = arith.mulf %gather3A_523, %get3A_603 : vector<16xf32>
        %add3A_605 = arith.addf %get3A_599, %mul3A_604 : vector<16xf32>
        %mul3A_606 = arith.mulf %gather3A_523, %add3A_605 : vector<16xf32>
        %get3A_607 = arith.constant 192 : index
        %get3A_608 = tpu.vector_load %arg14[%get3A_607] {strides = array<i32>} : memref<256xf32, #tpu.memory_space<vmem>>, vector<16xf32>,
        %add3A_609 = arith.addf %mul3A_606, %get3A_608 : vector<16xf32>
        %swap3A_610 = arith.constant 3 : i32
        %swap3A_611 = arith.index_cast %swap3A_610 : i32 to index
        %swap3A_612 = arith.constant 64 : index
        %swap3A_613 = tpu.vector_load %arg18[%swap3A_611, %swap3A_612] {strides = array<i32>} : memref<8x128xf32, #tpu.memory_space<vmem>>, vector<16xf32>,
        tpu.vector_store %arg18[%swap3A_611, %swap3A_612], %add3A_609 {strides = array<i32>} : memref<8x128xf32, #tpu.memory_space<vmem>>, vector<16xf32>,
        %get3A_614 = arith.constant 3 : i32
        %get3A_615 = arith.index_cast %get3A_614 : i32 to index
        %get3A_616 = arith.constant 80 : index
        %get3A_617 = tpu.vector_load %arg18[%get3A_615, %get3A_616] {strides = array<i32>} : memref<8x128xf32, #tpu.memory_space<vmem>>, vector<16xf32>,
        %get3A_618 = arith.constant 3 : i32
        %get3A_619 = arith.index_cast %get3A_618 : i32 to index
        %get3A_620 = arith.constant 80 : index
        %get3A_621 = tpu.vector_load %arg19[%get3A_619, %get3A_620] {strides = array<i32>} : memref<8x128xf32, #tpu.memory_space<vmem>>, vector<16xf32>,
        %mul3A_622 = arith.mulf %gather3A_523, %get3A_621 : vector<16xf32>
        %add3A_623 = arith.addf %get3A_617, %mul3A_622 : vector<16xf32>
        %mul3A_624 = arith.mulf %gather3A_523, %add3A_623 : vector<16xf32>
        %get3A_625 = arith.constant 208 : index
        %get3A_626 = tpu.vector_load %arg14[%get3A_625] {strides = array<i32>} : memref<256xf32, #tpu.memory_space<vmem>>, vector<16xf32>,
        %add3A_627 = arith.addf %mul3A_624, %get3A_626 : vector<16xf32>
        %swap3A_628 = arith.constant 3 : i32
        %swap3A_629 = arith.index_cast %swap3A_628 : i32 to index
        %swap3A_630 = arith.constant 80 : index
        %swap3A_631 = tpu.vector_load %arg18[%swap3A_629, %swap3A_630] {strides = array<i32>} : memref<8x128xf32, #tpu.memory_space<vmem>>, vector<16xf32>,
        tpu.vector_store %arg18[%swap3A_629, %swap3A_630], %add3A_627 {strides = array<i32>} : memref<8x128xf32, #tpu.memory_space<vmem>>, vector<16xf32>,
        %get3A_632 = arith.constant 3 : i32
        %get3A_633 = arith.index_cast %get3A_632 : i32 to index
        %get3A_634 = arith.constant 96 : index
        %get3A_635 = tpu.vector_load %arg18[%get3A_633, %get3A_634] {strides = array<i32>} : memref<8x128xf32, #tpu.memory_space<vmem>>, vector<16xf32>,
        %get3A_636 = arith.constant 3 : i32
        %get3A_637 = arith.index_cast %get3A_636 : i32 to index
        %get3A_638 = arith.constant 96 : index
        %get3A_639 = tpu.vector_load %arg19[%get3A_637, %get3A_638] {strides = array<i32>} : memref<8x128xf32, #tpu.memory_space<vmem>>, vector<16xf32>,
        %mul3A_640 = arith.mulf %gather3A_523, %get3A_639 : vector<16xf32>
        %add3A_641 = arith.addf %get3A_635, %mul3A_640 : vector<16xf32>
        %mul3A_642 = arith.mulf %gather3A_523, %add3A_641 : vector<16xf32>
        %get3A_643 = arith.constant 224 : index
        %get3A_644 = tpu.vector_load %arg14[%get3A_643] {strides = array<i32>} : memref<256xf32, #tpu.memory_space<vmem>>, vector<16xf32>,
        %add3A_645 = arith.addf %mul3A_642, %get3A_644 : vector<16xf32>
        %swap3A_646 = arith.constant 3 : i32
        %swap3A_647 = arith.index_cast %swap3A_646 : i32 to index
        %swap3A_648 = arith.constant 96 : index
        %swap3A_649 = tpu.vector_load %arg18[%swap3A_647, %swap3A_648] {strides = array<i32>} : memref<8x128xf32, #tpu.memory_space<vmem>>, vector<16xf32>,
        tpu.vector_store %arg18[%swap3A_647, %swap3A_648], %add3A_645 {strides = array<i32>} : memref<8x128xf32, #tpu.memory_space<vmem>>, vector<16xf32>,
        %get3A_650 = arith.constant 3 : i32
        %get3A_651 = arith.index_cast %get3A_650 : i32 to index
        %get3A_652 = arith.constant 112 : index
        %get3A_653 = tpu.vector_load %arg18[%get3A_651, %get3A_652] {strides = array<i32>} : memref<8x128xf32, #tpu.memory_space<vmem>>, vector<16xf32>,
        %get3A_654 = arith.constant 3 : i32
        %get3A_655 = arith.index_cast %get3A_654 : i32 to index
        %get3A_656 = arith.constant 112 : index
        %get3A_657 = tpu.vector_load %arg19[%get3A_655, %get3A_656] {strides = array<i32>} : memref<8x128xf32, #tpu.memory_space<vmem>>, vector<16xf32>,
        %mul3A_658 = arith.mulf %gather3A_523, %get3A_657 : vector<16xf32>
        %add3A_659 = arith.addf %get3A_653, %mul3A_658 : vector<16xf32>
        %mul3A_660 = arith.mulf %gather3A_523, %add3A_659 : vector<16xf32>
        %get3A_661 = arith.constant 240 : index
        %get3A_662 = tpu.vector_load %arg14[%get3A_661] {strides = array<i32>} : memref<256xf32, #tpu.memory_space<vmem>>, vector<16xf32>,
        %add3A_663 = arith.addf %mul3A_660, %get3A_662 : vector<16xf32>
        %swap3A_664 = arith.constant 3 : i32
        %swap3A_665 = arith.index_cast %swap3A_664 : i32 to index
        %swap3A_666 = arith.constant 112 : index
        %swap3A_667 = tpu.vector_load %arg18[%swap3A_665, %swap3A_666] {strides = array<i32>} : memref<8x128xf32, #tpu.memory_space<vmem>>, vector<16xf32>,
        tpu.vector_store %arg18[%swap3A_665, %swap3A_666], %add3A_663 {strides = array<i32>} : memref<8x128xf32, #tpu.memory_space<vmem>>, vector<16xf32>,
        %add3A_668 = arith.constant 4 : i32
        %add3A_669 = arith.addi %add3A_79, %add3A_668 : i32
        %broadcast_in_dim3A_670 = vector.broadcast %add3A_669 : i32 to vector<16xi32>
        %gather3A_671 = tpu.vector_load_idx %arg13[%broadcast_in_dim3A_670] : memref<10240xf32, #tpu.memory_space<vmem>>[vector<16xi32>], vector<16xf32>,
        %get3A_672 = arith.constant 4 : i32
        %get3A_673 = arith.index_cast %get3A_672 : i32 to index
        %get3A_674 = arith.constant 0 : index
        %get3A_675 = tpu.vector_load %arg18[%get3A_673, %get3A_674] {strides = array<i32>} : memref<8x128xf32, #tpu.memory_space<vmem>>, vector<16xf32>,
        %get3A_676 = arith.constant 4 : i32
        %get3A_677 = arith.index_cast %get3A_676 : i32 to index
        %get3A_678 = arith.constant 0 : index
        %get3A_679 = tpu.vector_load %arg19[%get3A_677, %get3A_678] {strides = array<i32>} : memref<8x128xf32, #tpu.memory_space<vmem>>, vector<16xf32>,
        %mul3A_680 = arith.mulf %gather3A_671, %get3A_679 : vector<16xf32>
        %add3A_681 = arith.addf %get3A_675, %mul3A_680 : vector<16xf32>
        %mul3A_682 = arith.mulf %gather3A_671, %add3A_681 : vector<16xf32>
        %get3A_683 = arith.constant 128 : index
        %get3A_684 = tpu.vector_load %arg14[%get3A_683] {strides = array<i32>} : memref<256xf32, #tpu.memory_space<vmem>>, vector<16xf32>,
        %add3A_685 = arith.addf %mul3A_682, %get3A_684 : vector<16xf32>
        %swap3A_686 = arith.constant 4 : i32
        %swap3A_687 = arith.index_cast %swap3A_686 : i32 to index
        %swap3A_688 = arith.constant 0 : index
        %swap3A_689 = tpu.vector_load %arg18[%swap3A_687, %swap3A_688] {strides = array<i32>} : memref<8x128xf32, #tpu.memory_space<vmem>>, vector<16xf32>,
        tpu.vector_store %arg18[%swap3A_687, %swap3A_688], %add3A_685 {strides = array<i32>} : memref<8x128xf32, #tpu.memory_space<vmem>>, vector<16xf32>,
        %get3A_690 = arith.constant 4 : i32
        %get3A_691 = arith.index_cast %get3A_690 : i32 to index
        %get3A_692 = arith.constant 16 : index
        %get3A_693 = tpu.vector_load %arg18[%get3A_691, %get3A_692] {strides = array<i32>} : memref<8x128xf32, #tpu.memory_space<vmem>>, vector<16xf32>,
        %get3A_694 = arith.constant 4 : i32
        %get3A_695 = arith.index_cast %get3A_694 : i32 to index
        %get3A_696 = arith.constant 16 : index
        %get3A_697 = tpu.vector_load %arg19[%get3A_695, %get3A_696] {strides = array<i32>} : memref<8x128xf32, #tpu.memory_space<vmem>>, vector<16xf32>,
        %mul3A_698 = arith.mulf %gather3A_671, %get3A_697 : vector<16xf32>
        %add3A_699 = arith.addf %get3A_693, %mul3A_698 : vector<16xf32>
        %mul3A_700 = arith.mulf %gather3A_671, %add3A_699 : vector<16xf32>
        %get3A_701 = arith.constant 144 : index
        %get3A_702 = tpu.vector_load %arg14[%get3A_701] {strides = array<i32>} : memref<256xf32, #tpu.memory_space<vmem>>, vector<16xf32>,
        %add3A_703 = arith.addf %mul3A_700, %get3A_702 : vector<16xf32>
        %swap3A_704 = arith.constant 4 : i32
        %swap3A_705 = arith.index_cast %swap3A_704 : i32 to index
        %swap3A_706 = arith.constant 16 : index
        %swap3A_707 = tpu.vector_load %arg18[%swap3A_705, %swap3A_706] {strides = array<i32>} : memref<8x128xf32, #tpu.memory_space<vmem>>, vector<16xf32>,
        tpu.vector_store %arg18[%swap3A_705, %swap3A_706], %add3A_703 {strides = array<i32>} : memref<8x128xf32, #tpu.memory_space<vmem>>, vector<16xf32>,
        %get3A_708 = arith.constant 4 : i32
        %get3A_709 = arith.index_cast %get3A_708 : i32 to index
        %get3A_710 = arith.constant 32 : index
        %get3A_711 = tpu.vector_load %arg18[%get3A_709, %get3A_710] {strides = array<i32>} : memref<8x128xf32, #tpu.memory_space<vmem>>, vector<16xf32>,
        %get3A_712 = arith.constant 4 : i32
        %get3A_713 = arith.index_cast %get3A_712 : i32 to index
        %get3A_714 = arith.constant 32 : index
        %get3A_715 = tpu.vector_load %arg19[%get3A_713, %get3A_714] {strides = array<i32>} : memref<8x128xf32, #tpu.memory_space<vmem>>, vector<16xf32>,
        %mul3A_716 = arith.mulf %gather3A_671, %get3A_715 : vector<16xf32>
        %add3A_717 = arith.addf %get3A_711, %mul3A_716 : vector<16xf32>
        %mul3A_718 = arith.mulf %gather3A_671, %add3A_717 : vector<16xf32>
        %get3A_719 = arith.constant 160 : index
        %get3A_720 = tpu.vector_load %arg14[%get3A_719] {strides = array<i32>} : memref<256xf32, #tpu.memory_space<vmem>>, vector<16xf32>,
        %add3A_721 = arith.addf %mul3A_718, %get3A_720 : vector<16xf32>
        %swap3A_722 = arith.constant 4 : i32
        %swap3A_723 = arith.index_cast %swap3A_722 : i32 to index
        %swap3A_724 = arith.constant 32 : index
        %swap3A_725 = tpu.vector_load %arg18[%swap3A_723, %swap3A_724] {strides = array<i32>} : memref<8x128xf32, #tpu.memory_space<vmem>>, vector<16xf32>,
        tpu.vector_store %arg18[%swap3A_723, %swap3A_724], %add3A_721 {strides = array<i32>} : memref<8x128xf32, #tpu.memory_space<vmem>>, vector<16xf32>,
        %get3A_726 = arith.constant 4 : i32
        %get3A_727 = arith.index_cast %get3A_726 : i32 to index
        %get3A_728 = arith.constant 48 : index
        %get3A_729 = tpu.vector_load %arg18[%get3A_727, %get3A_728] {strides = array<i32>} : memref<8x128xf32, #tpu.memory_space<vmem>>, vector<16xf32>,
        %get3A_730 = arith.constant 4 : i32
        %get3A_731 = arith.index_cast %get3A_730 : i32 to index
        %get3A_732 = arith.constant 48 : index
        %get3A_733 = tpu.vector_load %arg19[%get3A_731, %get3A_732] {strides = array<i32>} : memref<8x128xf32, #tpu.memory_space<vmem>>, vector<16xf32>,
        %mul3A_734 = arith.mulf %gather3A_671, %get3A_733 : vector<16xf32>
        %add3A_735 = arith.addf %get3A_729, %mul3A_734 : vector<16xf32>
        %mul3A_736 = arith.mulf %gather3A_671, %add3A_735 : vector<16xf32>
        %get3A_737 = arith.constant 176 : index
        %get3A_738 = tpu.vector_load %arg14[%get3A_737] {strides = array<i32>} : memref<256xf32, #tpu.memory_space<vmem>>, vector<16xf32>,
        %add3A_739 = arith.addf %mul3A_736, %get3A_738 : vector<16xf32>
        %swap3A_740 = arith.constant 4 : i32
        %swap3A_741 = arith.index_cast %swap3A_740 : i32 to index
        %swap3A_742 = arith.constant 48 : index
        %swap3A_743 = tpu.vector_load %arg18[%swap3A_741, %swap3A_742] {strides = array<i32>} : memref<8x128xf32, #tpu.memory_space<vmem>>, vector<16xf32>,
        tpu.vector_store %arg18[%swap3A_741, %swap3A_742], %add3A_739 {strides = array<i32>} : memref<8x128xf32, #tpu.memory_space<vmem>>, vector<16xf32>,
        %get3A_744 = arith.constant 4 : i32
        %get3A_745 = arith.index_cast %get3A_744 : i32 to index
        %get3A_746 = arith.constant 64 : index
        %get3A_747 = tpu.vector_load %arg18[%get3A_745, %get3A_746] {strides = array<i32>} : memref<8x128xf32, #tpu.memory_space<vmem>>, vector<16xf32>,
        %get3A_748 = arith.constant 4 : i32
        %get3A_749 = arith.index_cast %get3A_748 : i32 to index
        %get3A_750 = arith.constant 64 : index
        %get3A_751 = tpu.vector_load %arg19[%get3A_749, %get3A_750] {strides = array<i32>} : memref<8x128xf32, #tpu.memory_space<vmem>>, vector<16xf32>,
        %mul3A_752 = arith.mulf %gather3A_671, %get3A_751 : vector<16xf32>
        %add3A_753 = arith.addf %get3A_747, %mul3A_752 : vector<16xf32>
        %mul3A_754 = arith.mulf %gather3A_671, %add3A_753 : vector<16xf32>
        %get3A_755 = arith.constant 192 : index
        %get3A_756 = tpu.vector_load %arg14[%get3A_755] {strides = array<i32>} : memref<256xf32, #tpu.memory_space<vmem>>, vector<16xf32>,
        %add3A_757 = arith.addf %mul3A_754, %get3A_756 : vector<16xf32>
        %swap3A_758 = arith.constant 4 : i32
        %swap3A_759 = arith.index_cast %swap3A_758 : i32 to index
        %swap3A_760 = arith.constant 64 : index
        %swap3A_761 = tpu.vector_load %arg18[%swap3A_759, %swap3A_760] {strides = array<i32>} : memref<8x128xf32, #tpu.memory_space<vmem>>, vector<16xf32>,
        tpu.vector_store %arg18[%swap3A_759, %swap3A_760], %add3A_757 {strides = array<i32>} : memref<8x128xf32, #tpu.memory_space<vmem>>, vector<16xf32>,
        %get3A_762 = arith.constant 4 : i32
        %get3A_763 = arith.index_cast %get3A_762 : i32 to index
        %get3A_764 = arith.constant 80 : index
        %get3A_765 = tpu.vector_load %arg18[%get3A_763, %get3A_764] {strides = array<i32>} : memref<8x128xf32, #tpu.memory_space<vmem>>, vector<16xf32>,
        %get3A_766 = arith.constant 4 : i32
        %get3A_767 = arith.index_cast %get3A_766 : i32 to index
        %get3A_768 = arith.constant 80 : index
        %get3A_769 = tpu.vector_load %arg19[%get3A_767, %get3A_768] {strides = array<i32>} : memref<8x128xf32, #tpu.memory_space<vmem>>, vector<16xf32>,
        %mul3A_770 = arith.mulf %gather3A_671, %get3A_769 : vector<16xf32>
        %add3A_771 = arith.addf %get3A_765, %mul3A_770 : vector<16xf32>
        %mul3A_772 = arith.mulf %gather3A_671, %add3A_771 : vector<16xf32>
        %get3A_773 = arith.constant 208 : index
        %get3A_774 = tpu.vector_load %arg14[%get3A_773] {strides = array<i32>} : memref<256xf32, #tpu.memory_space<vmem>>, vector<16xf32>,
        %add3A_775 = arith.addf %mul3A_772, %get3A_774 : vector<16xf32>
        %swap3A_776 = arith.constant 4 : i32
        %swap3A_777 = arith.index_cast %swap3A_776 : i32 to index
        %swap3A_778 = arith.constant 80 : index
        %swap3A_779 = tpu.vector_load %arg18[%swap3A_777, %swap3A_778] {strides = array<i32>} : memref<8x128xf32, #tpu.memory_space<vmem>>, vector<16xf32>,
        tpu.vector_store %arg18[%swap3A_777, %swap3A_778], %add3A_775 {strides = array<i32>} : memref<8x128xf32, #tpu.memory_space<vmem>>, vector<16xf32>,
        %get3A_780 = arith.constant 4 : i32
        %get3A_781 = arith.index_cast %get3A_780 : i32 to index
        %get3A_782 = arith.constant 96 : index
        %get3A_783 = tpu.vector_load %arg18[%get3A_781, %get3A_782] {strides = array<i32>} : memref<8x128xf32, #tpu.memory_space<vmem>>, vector<16xf32>,
        %get3A_784 = arith.constant 4 : i32
        %get3A_785 = arith.index_cast %get3A_784 : i32 to index
        %get3A_786 = arith.constant 96 : index
        %get3A_787 = tpu.vector_load %arg19[%get3A_785, %get3A_786] {strides = array<i32>} : memref<8x128xf32, #tpu.memory_space<vmem>>, vector<16xf32>,
        %mul3A_788 = arith.mulf %gather3A_671, %get3A_787 : vector<16xf32>
        %add3A_789 = arith.addf %get3A_783, %mul3A_788 : vector<16xf32>
        %mul3A_790 = arith.mulf %gather3A_671, %add3A_789 : vector<16xf32>
        %get3A_791 = arith.constant 224 : index
        %get3A_792 = tpu.vector_load %arg14[%get3A_791] {strides = array<i32>} : memref<256xf32, #tpu.memory_space<vmem>>, vector<16xf32>,
        %add3A_793 = arith.addf %mul3A_790, %get3A_792 : vector<16xf32>
        %swap3A_794 = arith.constant 4 : i32
        %swap3A_795 = arith.index_cast %swap3A_794 : i32 to index
        %swap3A_796 = arith.constant 96 : index
        %swap3A_797 = tpu.vector_load %arg18[%swap3A_795, %swap3A_796] {strides = array<i32>} : memref<8x128xf32, #tpu.memory_space<vmem>>, vector<16xf32>,
        tpu.vector_store %arg18[%swap3A_795, %swap3A_796], %add3A_793 {strides = array<i32>} : memref<8x128xf32, #tpu.memory_space<vmem>>, vector<16xf32>,
        %get3A_798 = arith.constant 4 : i32
        %get3A_799 = arith.index_cast %get3A_798 : i32 to index
        %get3A_800 = arith.constant 112 : index
        %get3A_801 = tpu.vector_load %arg18[%get3A_799, %get3A_800] {strides = array<i32>} : memref<8x128xf32, #tpu.memory_space<vmem>>, vector<16xf32>,
        %get3A_802 = arith.constant 4 : i32
        %get3A_803 = arith.index_cast %get3A_802 : i32 to index
        %get3A_804 = arith.constant 112 : index
        %get3A_805 = tpu.vector_load %arg19[%get3A_803, %get3A_804] {strides = array<i32>} : memref<8x128xf32, #tpu.memory_space<vmem>>, vector<16xf32>,
        %mul3A_806 = arith.mulf %gather3A_671, %get3A_805 : vector<16xf32>
        %add3A_807 = arith.addf %get3A_801, %mul3A_806 : vector<16xf32>
        %mul3A_808 = arith.mulf %gather3A_671, %add3A_807 : vector<16xf32>
        %get3A_809 = arith.constant 240 : index
        %get3A_810 = tpu.vector_load %arg14[%get3A_809] {strides = array<i32>} : memref<256xf32, #tpu.memory_space<vmem>>, vector<16xf32>,
        %add3A_811 = arith.addf %mul3A_808, %get3A_810 : vector<16xf32>
        %swap3A_812 = arith.constant 4 : i32
        %swap3A_813 = arith.index_cast %swap3A_812 : i32 to index
        %swap3A_814 = arith.constant 112 : index
        %swap3A_815 = tpu.vector_load %arg18[%swap3A_813, %swap3A_814] {strides = array<i32>} : memref<8x128xf32, #tpu.memory_space<vmem>>, vector<16xf32>,
        tpu.vector_store %arg18[%swap3A_813, %swap3A_814], %add3A_811 {strides = array<i32>} : memref<8x128xf32, #tpu.memory_space<vmem>>, vector<16xf32>,
        %add3A_816 = arith.constant 5 : i32
        %add3A_817 = arith.addi %add3A_79, %add3A_816 : i32
        %broadcast_in_dim3A_818 = vector.broadcast %add3A_817 : i32 to vector<16xi32>
        %gather3A_819 = tpu.vector_load_idx %arg13[%broadcast_in_dim3A_818] : memref<10240xf32, #tpu.memory_space<vmem>>[vector<16xi32>], vector<16xf32>,
        %get3A_820 = arith.constant 5 : i32
        %get3A_821 = arith.index_cast %get3A_820 : i32 to index
        %get3A_822 = arith.constant 0 : index
        %get3A_823 = tpu.vector_load %arg18[%get3A_821, %get3A_822] {strides = array<i32>} : memref<8x128xf32, #tpu.memory_space<vmem>>, vector<16xf32>,
        %get3A_824 = arith.constant 5 : i32
        %get3A_825 = arith.index_cast %get3A_824 : i32 to index
        %get3A_826 = arith.constant 0 : index
        %get3A_827 = tpu.vector_load %arg19[%get3A_825, %get3A_826] {strides = array<i32>} : memref<8x128xf32, #tpu.memory_space<vmem>>, vector<16xf32>,
        %mul3A_828 = arith.mulf %gather3A_819, %get3A_827 : vector<16xf32>
        %add3A_829 = arith.addf %get3A_823, %mul3A_828 : vector<16xf32>
        %mul3A_830 = arith.mulf %gather3A_819, %add3A_829 : vector<16xf32>
        %get3A_831 = arith.constant 128 : index
        %get3A_832 = tpu.vector_load %arg14[%get3A_831] {strides = array<i32>} : memref<256xf32, #tpu.memory_space<vmem>>, vector<16xf32>,
        %add3A_833 = arith.addf %mul3A_830, %get3A_832 : vector<16xf32>
        %swap3A_834 = arith.constant 5 : i32
        %swap3A_835 = arith.index_cast %swap3A_834 : i32 to index
        %swap3A_836 = arith.constant 0 : index
        %swap3A_837 = tpu.vector_load %arg18[%swap3A_835, %swap3A_836] {strides = array<i32>} : memref<8x128xf32, #tpu.memory_space<vmem>>, vector<16xf32>,
        tpu.vector_store %arg18[%swap3A_835, %swap3A_836], %add3A_833 {strides = array<i32>} : memref<8x128xf32, #tpu.memory_space<vmem>>, vector<16xf32>,
        %get3A_838 = arith.constant 5 : i32
        %get3A_839 = arith.index_cast %get3A_838 : i32 to index
        %get3A_840 = arith.constant 16 : index
        %get3A_841 = tpu.vector_load %arg18[%get3A_839, %get3A_840] {strides = array<i32>} : memref<8x128xf32, #tpu.memory_space<vmem>>, vector<16xf32>,
        %get3A_842 = arith.constant 5 : i32
        %get3A_843 = arith.index_cast %get3A_842 : i32 to index
        %get3A_844 = arith.constant 16 : index
        %get3A_845 = tpu.vector_load %arg19[%get3A_843, %get3A_844] {strides = array<i32>} : memref<8x128xf32, #tpu.memory_space<vmem>>, vector<16xf32>,
        %mul3A_846 = arith.mulf %gather3A_819, %get3A_845 : vector<16xf32>
        %add3A_847 = arith.addf %get3A_841, %mul3A_846 : vector<16xf32>
        %mul3A_848 = arith.mulf %gather3A_819, %add3A_847 : vector<16xf32>
        %get3A_849 = arith.constant 144 : index
        %get3A_850 = tpu.vector_load %arg14[%get3A_849] {strides = array<i32>} : memref<256xf32, #tpu.memory_space<vmem>>, vector<16xf32>,
        %add3A_851 = arith.addf %mul3A_848, %get3A_850 : vector<16xf32>
        %swap3A_852 = arith.constant 5 : i32
        %swap3A_853 = arith.index_cast %swap3A_852 : i32 to index
        %swap3A_854 = arith.constant 16 : index
        %swap3A_855 = tpu.vector_load %arg18[%swap3A_853, %swap3A_854] {strides = array<i32>} : memref<8x128xf32, #tpu.memory_space<vmem>>, vector<16xf32>,
        tpu.vector_store %arg18[%swap3A_853, %swap3A_854], %add3A_851 {strides = array<i32>} : memref<8x128xf32, #tpu.memory_space<vmem>>, vector<16xf32>,
        %get3A_856 = arith.constant 5 : i32
        %get3A_857 = arith.index_cast %get3A_856 : i32 to index
        %get3A_858 = arith.constant 32 : index
        %get3A_859 = tpu.vector_load %arg18[%get3A_857, %get3A_858] {strides = array<i32>} : memref<8x128xf32, #tpu.memory_space<vmem>>, vector<16xf32>,
        %get3A_860 = arith.constant 5 : i32
        %get3A_861 = arith.index_cast %get3A_860 : i32 to index
        %get3A_862 = arith.constant 32 : index
        %get3A_863 = tpu.vector_load %arg19[%get3A_861, %get3A_862] {strides = array<i32>} : memref<8x128xf32, #tpu.memory_space<vmem>>, vector<16xf32>,
        %mul3A_864 = arith.mulf %gather3A_819, %get3A_863 : vector<16xf32>
        %add3A_865 = arith.addf %get3A_859, %mul3A_864 : vector<16xf32>
        %mul3A_866 = arith.mulf %gather3A_819, %add3A_865 : vector<16xf32>
        %get3A_867 = arith.constant 160 : index
        %get3A_868 = tpu.vector_load %arg14[%get3A_867] {strides = array<i32>} : memref<256xf32, #tpu.memory_space<vmem>>, vector<16xf32>,
        %add3A_869 = arith.addf %mul3A_866, %get3A_868 : vector<16xf32>
        %swap3A_870 = arith.constant 5 : i32
        %swap3A_871 = arith.index_cast %swap3A_870 : i32 to index
        %swap3A_872 = arith.constant 32 : index
        %swap3A_873 = tpu.vector_load %arg18[%swap3A_871, %swap3A_872] {strides = array<i32>} : memref<8x128xf32, #tpu.memory_space<vmem>>, vector<16xf32>,
        tpu.vector_store %arg18[%swap3A_871, %swap3A_872], %add3A_869 {strides = array<i32>} : memref<8x128xf32, #tpu.memory_space<vmem>>, vector<16xf32>,
        %get3A_874 = arith.constant 5 : i32
        %get3A_875 = arith.index_cast %get3A_874 : i32 to index
        %get3A_876 = arith.constant 48 : index
        %get3A_877 = tpu.vector_load %arg18[%get3A_875, %get3A_876] {strides = array<i32>} : memref<8x128xf32, #tpu.memory_space<vmem>>, vector<16xf32>,
        %get3A_878 = arith.constant 5 : i32
        %get3A_879 = arith.index_cast %get3A_878 : i32 to index
        %get3A_880 = arith.constant 48 : index
        %get3A_881 = tpu.vector_load %arg19[%get3A_879, %get3A_880] {strides = array<i32>} : memref<8x128xf32, #tpu.memory_space<vmem>>, vector<16xf32>,
        %mul3A_882 = arith.mulf %gather3A_819, %get3A_881 : vector<16xf32>
        %add3A_883 = arith.addf %get3A_877, %mul3A_882 : vector<16xf32>
        %mul3A_884 = arith.mulf %gather3A_819, %add3A_883 : vector<16xf32>
        %get3A_885 = arith.constant 176 : index
        %get3A_886 = tpu.vector_load %arg14[%get3A_885] {strides = array<i32>} : memref<256xf32, #tpu.memory_space<vmem>>, vector<16xf32>,
        %add3A_887 = arith.addf %mul3A_884, %get3A_886 : vector<16xf32>
        %swap3A_888 = arith.constant 5 : i32
        %swap3A_889 = arith.index_cast %swap3A_888 : i32 to index
        %swap3A_890 = arith.constant 48 : index
        %swap3A_891 = tpu.vector_load %arg18[%swap3A_889, %swap3A_890] {strides = array<i32>} : memref<8x128xf32, #tpu.memory_space<vmem>>, vector<16xf32>,
        tpu.vector_store %arg18[%swap3A_889, %swap3A_890], %add3A_887 {strides = array<i32>} : memref<8x128xf32, #tpu.memory_space<vmem>>, vector<16xf32>,
        %get3A_892 = arith.constant 5 : i32
        %get3A_893 = arith.index_cast %get3A_892 : i32 to index
        %get3A_894 = arith.constant 64 : index
        %get3A_895 = tpu.vector_load %arg18[%get3A_893, %get3A_894] {strides = array<i32>} : memref<8x128xf32, #tpu.memory_space<vmem>>, vector<16xf32>,
        %get3A_896 = arith.constant 5 : i32
        %get3A_897 = arith.index_cast %get3A_896 : i32 to index
        %get3A_898 = arith.constant 64 : index
        %get3A_899 = tpu.vector_load %arg19[%get3A_897, %get3A_898] {strides = array<i32>} : memref<8x128xf32, #tpu.memory_space<vmem>>, vector<16xf32>,
        %mul3A_900 = arith.mulf %gather3A_819, %get3A_899 : vector<16xf32>
        %add3A_901 = arith.addf %get3A_895, %mul3A_900 : vector<16xf32>
        %mul3A_902 = arith.mulf %gather3A_819, %add3A_901 : vector<16xf32>
        %get3A_903 = arith.constant 192 : index
        %get3A_904 = tpu.vector_load %arg14[%get3A_903] {strides = array<i32>} : memref<256xf32, #tpu.memory_space<vmem>>, vector<16xf32>,
        %add3A_905 = arith.addf %mul3A_902, %get3A_904 : vector<16xf32>
        %swap3A_906 = arith.constant 5 : i32
        %swap3A_907 = arith.index_cast %swap3A_906 : i32 to index
        %swap3A_908 = arith.constant 64 : index
        %swap3A_909 = tpu.vector_load %arg18[%swap3A_907, %swap3A_908] {strides = array<i32>} : memref<8x128xf32, #tpu.memory_space<vmem>>, vector<16xf32>,
        tpu.vector_store %arg18[%swap3A_907, %swap3A_908], %add3A_905 {strides = array<i32>} : memref<8x128xf32, #tpu.memory_space<vmem>>, vector<16xf32>,
        %get3A_910 = arith.constant 5 : i32
        %get3A_911 = arith.index_cast %get3A_910 : i32 to index
        %get3A_912 = arith.constant 80 : index
        %get3A_913 = tpu.vector_load %arg18[%get3A_911, %get3A_912] {strides = array<i32>} : memref<8x128xf32, #tpu.memory_space<vmem>>, vector<16xf32>,
        %get3A_914 = arith.constant 5 : i32
        %get3A_915 = arith.index_cast %get3A_914 : i32 to index
        %get3A_916 = arith.constant 80 : index
        %get3A_917 = tpu.vector_load %arg19[%get3A_915, %get3A_916] {strides = array<i32>} : memref<8x128xf32, #tpu.memory_space<vmem>>, vector<16xf32>,
        %mul3A_918 = arith.mulf %gather3A_819, %get3A_917 : vector<16xf32>
        %add3A_919 = arith.addf %get3A_913, %mul3A_918 : vector<16xf32>
        %mul3A_920 = arith.mulf %gather3A_819, %add3A_919 : vector<16xf32>
        %get3A_921 = arith.constant 208 : index
        %get3A_922 = tpu.vector_load %arg14[%get3A_921] {strides = array<i32>} : memref<256xf32, #tpu.memory_space<vmem>>, vector<16xf32>,
        %add3A_923 = arith.addf %mul3A_920, %get3A_922 : vector<16xf32>
        %swap3A_924 = arith.constant 5 : i32
        %swap3A_925 = arith.index_cast %swap3A_924 : i32 to index
        %swap3A_926 = arith.constant 80 : index
        %swap3A_927 = tpu.vector_load %arg18[%swap3A_925, %swap3A_926] {strides = array<i32>} : memref<8x128xf32, #tpu.memory_space<vmem>>, vector<16xf32>,
        tpu.vector_store %arg18[%swap3A_925, %swap3A_926], %add3A_923 {strides = array<i32>} : memref<8x128xf32, #tpu.memory_space<vmem>>, vector<16xf32>,
        %get3A_928 = arith.constant 5 : i32
        %get3A_929 = arith.index_cast %get3A_928 : i32 to index
        %get3A_930 = arith.constant 96 : index
        %get3A_931 = tpu.vector_load %arg18[%get3A_929, %get3A_930] {strides = array<i32>} : memref<8x128xf32, #tpu.memory_space<vmem>>, vector<16xf32>,
        %get3A_932 = arith.constant 5 : i32
        %get3A_933 = arith.index_cast %get3A_932 : i32 to index
        %get3A_934 = arith.constant 96 : index
        %get3A_935 = tpu.vector_load %arg19[%get3A_933, %get3A_934] {strides = array<i32>} : memref<8x128xf32, #tpu.memory_space<vmem>>, vector<16xf32>,
        %mul3A_936 = arith.mulf %gather3A_819, %get3A_935 : vector<16xf32>
        %add3A_937 = arith.addf %get3A_931, %mul3A_936 : vector<16xf32>
        %mul3A_938 = arith.mulf %gather3A_819, %add3A_937 : vector<16xf32>
        %get3A_939 = arith.constant 224 : index
        %get3A_940 = tpu.vector_load %arg14[%get3A_939] {strides = array<i32>} : memref<256xf32, #tpu.memory_space<vmem>>, vector<16xf32>,
        %add3A_941 = arith.addf %mul3A_938, %get3A_940 : vector<16xf32>
        %swap3A_942 = arith.constant 5 : i32
        %swap3A_943 = arith.index_cast %swap3A_942 : i32 to index
        %swap3A_944 = arith.constant 96 : index
        %swap3A_945 = tpu.vector_load %arg18[%swap3A_943, %swap3A_944] {strides = array<i32>} : memref<8x128xf32, #tpu.memory_space<vmem>>, vector<16xf32>,
        tpu.vector_store %arg18[%swap3A_943, %swap3A_944], %add3A_941 {strides = array<i32>} : memref<8x128xf32, #tpu.memory_space<vmem>>, vector<16xf32>,
        %get3A_946 = arith.constant 5 : i32
        %get3A_947 = arith.index_cast %get3A_946 : i32 to index
        %get3A_948 = arith.constant 112 : index
        %get3A_949 = tpu.vector_load %arg18[%get3A_947, %get3A_948] {strides = array<i32>} : memref<8x128xf32, #tpu.memory_space<vmem>>, vector<16xf32>,
        %get3A_950 = arith.constant 5 : i32
        %get3A_951 = arith.index_cast %get3A_950 : i32 to index
        %get3A_952 = arith.constant 112 : index
        %get3A_953 = tpu.vector_load %arg19[%get3A_951, %get3A_952] {strides = array<i32>} : memref<8x128xf32, #tpu.memory_space<vmem>>, vector<16xf32>,
        %mul3A_954 = arith.mulf %gather3A_819, %get3A_953 : vector<16xf32>
        %add3A_955 = arith.addf %get3A_949, %mul3A_954 : vector<16xf32>
        %mul3A_956 = arith.mulf %gather3A_819, %add3A_955 : vector<16xf32>
        %get3A_957 = arith.constant 240 : index
        %get3A_958 = tpu.vector_load %arg14[%get3A_957] {strides = array<i32>} : memref<256xf32, #tpu.memory_space<vmem>>, vector<16xf32>,
        %add3A_959 = arith.addf %mul3A_956, %get3A_958 : vector<16xf32>
        %swap3A_960 = arith.constant 5 : i32
        %swap3A_961 = arith.index_cast %swap3A_960 : i32 to index
        %swap3A_962 = arith.constant 112 : index
        %swap3A_963 = tpu.vector_load %arg18[%swap3A_961, %swap3A_962] {strides = array<i32>} : memref<8x128xf32, #tpu.memory_space<vmem>>, vector<16xf32>,
        tpu.vector_store %arg18[%swap3A_961, %swap3A_962], %add3A_959 {strides = array<i32>} : memref<8x128xf32, #tpu.memory_space<vmem>>, vector<16xf32>,
        %add3A_964 = arith.constant 6 : i32
        %add3A_965 = arith.addi %add3A_79, %add3A_964 : i32
        %broadcast_in_dim3A_966 = vector.broadcast %add3A_965 : i32 to vector<16xi32>
        %gather3A_967 = tpu.vector_load_idx %arg13[%broadcast_in_dim3A_966] : memref<10240xf32, #tpu.memory_space<vmem>>[vector<16xi32>], vector<16xf32>,
        %get3A_968 = arith.constant 6 : i32
        %get3A_969 = arith.index_cast %get3A_968 : i32 to index
        %get3A_970 = arith.constant 0 : index
        %get3A_971 = tpu.vector_load %arg18[%get3A_969, %get3A_970] {strides = array<i32>} : memref<8x128xf32, #tpu.memory_space<vmem>>, vector<16xf32>,
        %get3A_972 = arith.constant 6 : i32
        %get3A_973 = arith.index_cast %get3A_972 : i32 to index
        %get3A_974 = arith.constant 0 : index
        %get3A_975 = tpu.vector_load %arg19[%get3A_973, %get3A_974] {strides = array<i32>} : memref<8x128xf32, #tpu.memory_space<vmem>>, vector<16xf32>,
        %mul3A_976 = arith.mulf %gather3A_967, %get3A_975 : vector<16xf32>
        %add3A_977 = arith.addf %get3A_971, %mul3A_976 : vector<16xf32>
        %mul3A_978 = arith.mulf %gather3A_967, %add3A_977 : vector<16xf32>
        %get3A_979 = arith.constant 128 : index
        %get3A_980 = tpu.vector_load %arg14[%get3A_979] {strides = array<i32>} : memref<256xf32, #tpu.memory_space<vmem>>, vector<16xf32>,
        %add3A_981 = arith.addf %mul3A_978, %get3A_980 : vector<16xf32>
        %swap3A_982 = arith.constant 6 : i32
        %swap3A_983 = arith.index_cast %swap3A_982 : i32 to index
        %swap3A_984 = arith.constant 0 : index
        %swap3A_985 = tpu.vector_load %arg18[%swap3A_983, %swap3A_984] {strides = array<i32>} : memref<8x128xf32, #tpu.memory_space<vmem>>, vector<16xf32>,
        tpu.vector_store %arg18[%swap3A_983, %swap3A_984], %add3A_981 {strides = array<i32>} : memref<8x128xf32, #tpu.memory_space<vmem>>, vector<16xf32>,
        %get3A_986 = arith.constant 6 : i32
        %get3A_987 = arith.index_cast %get3A_986 : i32 to index
        %get3A_988 = arith.constant 16 : index
        %get3A_989 = tpu.vector_load %arg18[%get3A_987, %get3A_988] {strides = array<i32>} : memref<8x128xf32, #tpu.memory_space<vmem>>, vector<16xf32>,
        %get3A_990 = arith.constant 6 : i32
        %get3A_991 = arith.index_cast %get3A_990 : i32 to index
        %get3A_992 = arith.constant 16 : index
        %get3A_993 = tpu.vector_load %arg19[%get3A_991, %get3A_992] {strides = array<i32>} : memref<8x128xf32, #tpu.memory_space<vmem>>, vector<16xf32>,
        %mul3A_994 = arith.mulf %gather3A_967, %get3A_993 : vector<16xf32>
        %add3A_995 = arith.addf %get3A_989, %mul3A_994 : vector<16xf32>
        %mul3A_996 = arith.mulf %gather3A_967, %add3A_995 : vector<16xf32>
        %get3A_997 = arith.constant 144 : index
        %get3A_998 = tpu.vector_load %arg14[%get3A_997] {strides = array<i32>} : memref<256xf32, #tpu.memory_space<vmem>>, vector<16xf32>,
        %add3A_999 = arith.addf %mul3A_996, %get3A_998 : vector<16xf32>
        %swap3A_1000 = arith.constant 6 : i32
        %swap3A_1001 = arith.index_cast %swap3A_1000 : i32 to index
        %swap3A_1002 = arith.constant 16 : index
        %swap3A_1003 = tpu.vector_load %arg18[%swap3A_1001, %swap3A_1002] {strides = array<i32>} : memref<8x128xf32, #tpu.memory_space<vmem>>, vector<16xf32>,
        tpu.vector_store %arg18[%swap3A_1001, %swap3A_1002], %add3A_999 {strides = array<i32>} : memref<8x128xf32, #tpu.memory_space<vmem>>, vector<16xf32>,
        %get3A_1004 = arith.constant 6 : i32
        %get3A_1005 = arith.index_cast %get3A_1004 : i32 to index
        %get3A_1006 = arith.constant 32 : index
        %get3A_1007 = tpu.vector_load %arg18[%get3A_1005, %get3A_1006] {strides = array<i32>} : memref<8x128xf32, #tpu.memory_space<vmem>>, vector<16xf32>,
        %get3A_1008 = arith.constant 6 : i32
        %get3A_1009 = arith.index_cast %get3A_1008 : i32 to index
        %get3A_1010 = arith.constant 32 : index
        %get3A_1011 = tpu.vector_load %arg19[%get3A_1009, %get3A_1010] {strides = array<i32>} : memref<8x128xf32, #tpu.memory_space<vmem>>, vector<16xf32>,
        %mul3A_1012 = arith.mulf %gather3A_967, %get3A_1011 : vector<16xf32>
        %add3A_1013 = arith.addf %get3A_1007, %mul3A_1012 : vector<16xf32>
        %mul3A_1014 = arith.mulf %gather3A_967, %add3A_1013 : vector<16xf32>
        %get3A_1015 = arith.constant 160 : index
        %get3A_1016 = tpu.vector_load %arg14[%get3A_1015] {strides = array<i32>} : memref<256xf32, #tpu.memory_space<vmem>>, vector<16xf32>,
        %add3A_1017 = arith.addf %mul3A_1014, %get3A_1016 : vector<16xf32>
        %swap3A_1018 = arith.constant 6 : i32
        %swap3A_1019 = arith.index_cast %swap3A_1018 : i32 to index
        %swap3A_1020 = arith.constant 32 : index
        %swap3A_1021 = tpu.vector_load %arg18[%swap3A_1019, %swap3A_1020] {strides = array<i32>} : memref<8x128xf32, #tpu.memory_space<vmem>>, vector<16xf32>,
        tpu.vector_store %arg18[%swap3A_1019, %swap3A_1020], %add3A_1017 {strides = array<i32>} : memref<8x128xf32, #tpu.memory_space<vmem>>, vector<16xf32>,
        %get3A_1022 = arith.constant 6 : i32
        %get3A_1023 = arith.index_cast %get3A_1022 : i32 to index
        %get3A_1024 = arith.constant 48 : index
        %get3A_1025 = tpu.vector_load %arg18[%get3A_1023, %get3A_1024] {strides = array<i32>} : memref<8x128xf32, #tpu.memory_space<vmem>>, vector<16xf32>,
        %get3A_1026 = arith.constant 6 : i32
        %get3A_1027 = arith.index_cast %get3A_1026 : i32 to index
        %get3A_1028 = arith.constant 48 : index
        %get3A_1029 = tpu.vector_load %arg19[%get3A_1027, %get3A_1028] {strides = array<i32>} : memref<8x128xf32, #tpu.memory_space<vmem>>, vector<16xf32>,
        %mul3A_1030 = arith.mulf %gather3A_967, %get3A_1029 : vector<16xf32>
        %add3A_1031 = arith.addf %get3A_1025, %mul3A_1030 : vector<16xf32>
        %mul3A_1032 = arith.mulf %gather3A_967, %add3A_1031 : vector<16xf32>
        %get3A_1033 = arith.constant 176 : index
        %get3A_1034 = tpu.vector_load %arg14[%get3A_1033] {strides = array<i32>} : memref<256xf32, #tpu.memory_space<vmem>>, vector<16xf32>,
        %add3A_1035 = arith.addf %mul3A_1032, %get3A_1034 : vector<16xf32>
        %swap3A_1036 = arith.constant 6 : i32
        %swap3A_1037 = arith.index_cast %swap3A_1036 : i32 to index
        %swap3A_1038 = arith.constant 48 : index
        %swap3A_1039 = tpu.vector_load %arg18[%swap3A_1037, %swap3A_1038] {strides = array<i32>} : memref<8x128xf32, #tpu.memory_space<vmem>>, vector<16xf32>,
        tpu.vector_store %arg18[%swap3A_1037, %swap3A_1038], %add3A_1035 {strides = array<i32>} : memref<8x128xf32, #tpu.memory_space<vmem>>, vector<16xf32>,
        %get3A_1040 = arith.constant 6 : i32
        %get3A_1041 = arith.index_cast %get3A_1040 : i32 to index
        %get3A_1042 = arith.constant 64 : index
        %get3A_1043 = tpu.vector_load %arg18[%get3A_1041, %get3A_1042] {strides = array<i32>} : memref<8x128xf32, #tpu.memory_space<vmem>>, vector<16xf32>,
        %get3A_1044 = arith.constant 6 : i32
        %get3A_1045 = arith.index_cast %get3A_1044 : i32 to index
        %get3A_1046 = arith.constant 64 : index
        %get3A_1047 = tpu.vector_load %arg19[%get3A_1045, %get3A_1046] {strides = array<i32>} : memref<8x128xf32, #tpu.memory_space<vmem>>, vector<16xf32>,
        %mul3A_1048 = arith.mulf %gather3A_967, %get3A_1047 : vector<16xf32>
        %add3A_1049 = arith.addf %get3A_1043, %mul3A_1048 : vector<16xf32>
        %mul3A_1050 = arith.mulf %gather3A_967, %add3A_1049 : vector<16xf32>
        %get3A_1051 = arith.constant 192 : index
        %get3A_1052 = tpu.vector_load %arg14[%get3A_1051] {strides = array<i32>} : memref<256xf32, #tpu.memory_space<vmem>>, vector<16xf32>,
        %add3A_1053 = arith.addf %mul3A_1050, %get3A_1052 : vector<16xf32>
        %swap3A_1054 = arith.constant 6 : i32
        %swap3A_1055 = arith.index_cast %swap3A_1054 : i32 to index
        %swap3A_1056 = arith.constant 64 : index
        %swap3A_1057 = tpu.vector_load %arg18[%swap3A_1055, %swap3A_1056] {strides = array<i32>} : memref<8x128xf32, #tpu.memory_space<vmem>>, vector<16xf32>,
        tpu.vector_store %arg18[%swap3A_1055, %swap3A_1056], %add3A_1053 {strides = array<i32>} : memref<8x128xf32, #tpu.memory_space<vmem>>, vector<16xf32>,
        %get3A_1058 = arith.constant 6 : i32
        %get3A_1059 = arith.index_cast %get3A_1058 : i32 to index
        %get3A_1060 = arith.constant 80 : index
        %get3A_1061 = tpu.vector_load %arg18[%get3A_1059, %get3A_1060] {strides = array<i32>} : memref<8x128xf32, #tpu.memory_space<vmem>>, vector<16xf32>,
        %get3A_1062 = arith.constant 6 : i32
        %get3A_1063 = arith.index_cast %get3A_1062 : i32 to index
        %get3A_1064 = arith.constant 80 : index
        %get3A_1065 = tpu.vector_load %arg19[%get3A_1063, %get3A_1064] {strides = array<i32>} : memref<8x128xf32, #tpu.memory_space<vmem>>, vector<16xf32>,
        %mul3A_1066 = arith.mulf %gather3A_967, %get3A_1065 : vector<16xf32>
        %add3A_1067 = arith.addf %get3A_1061, %mul3A_1066 : vector<16xf32>
        %mul3A_1068 = arith.mulf %gather3A_967, %add3A_1067 : vector<16xf32>
        %get3A_1069 = arith.constant 208 : index
        %get3A_1070 = tpu.vector_load %arg14[%get3A_1069] {strides = array<i32>} : memref<256xf32, #tpu.memory_space<vmem>>, vector<16xf32>,
        %add3A_1071 = arith.addf %mul3A_1068, %get3A_1070 : vector<16xf32>
        %swap3A_1072 = arith.constant 6 : i32
        %swap3A_1073 = arith.index_cast %swap3A_1072 : i32 to index
        %swap3A_1074 = arith.constant 80 : index
        %swap3A_1075 = tpu.vector_load %arg18[%swap3A_1073, %swap3A_1074] {strides = array<i32>} : memref<8x128xf32, #tpu.memory_space<vmem>>, vector<16xf32>,
        tpu.vector_store %arg18[%swap3A_1073, %swap3A_1074], %add3A_1071 {strides = array<i32>} : memref<8x128xf32, #tpu.memory_space<vmem>>, vector<16xf32>,
        %get3A_1076 = arith.constant 6 : i32
        %get3A_1077 = arith.index_cast %get3A_1076 : i32 to index
        %get3A_1078 = arith.constant 96 : index
        %get3A_1079 = tpu.vector_load %arg18[%get3A_1077, %get3A_1078] {strides = array<i32>} : memref<8x128xf32, #tpu.memory_space<vmem>>, vector<16xf32>,
        %get3A_1080 = arith.constant 6 : i32
        %get3A_1081 = arith.index_cast %get3A_1080 : i32 to index
        %get3A_1082 = arith.constant 96 : index
        %get3A_1083 = tpu.vector_load %arg19[%get3A_1081, %get3A_1082] {strides = array<i32>} : memref<8x128xf32, #tpu.memory_space<vmem>>, vector<16xf32>,
        %mul3A_1084 = arith.mulf %gather3A_967, %get3A_1083 : vector<16xf32>
        %add3A_1085 = arith.addf %get3A_1079, %mul3A_1084 : vector<16xf32>
        %mul3A_1086 = arith.mulf %gather3A_967, %add3A_1085 : vector<16xf32>
        %get3A_1087 = arith.constant 224 : index
        %get3A_1088 = tpu.vector_load %arg14[%get3A_1087] {strides = array<i32>} : memref<256xf32, #tpu.memory_space<vmem>>, vector<16xf32>,
        %add3A_1089 = arith.addf %mul3A_1086, %get3A_1088 : vector<16xf32>
        %swap3A_1090 = arith.constant 6 : i32
        %swap3A_1091 = arith.index_cast %swap3A_1090 : i32 to index
        %swap3A_1092 = arith.constant 96 : index
        %swap3A_1093 = tpu.vector_load %arg18[%swap3A_1091, %swap3A_1092] {strides = array<i32>} : memref<8x128xf32, #tpu.memory_space<vmem>>, vector<16xf32>,
        tpu.vector_store %arg18[%swap3A_1091, %swap3A_1092], %add3A_1089 {strides = array<i32>} : memref<8x128xf32, #tpu.memory_space<vmem>>, vector<16xf32>,
        %get3A_1094 = arith.constant 6 : i32
        %get3A_1095 = arith.index_cast %get3A_1094 : i32 to index
        %get3A_1096 = arith.constant 112 : index
        %get3A_1097 = tpu.vector_load %arg18[%get3A_1095, %get3A_1096] {strides = array<i32>} : memref<8x128xf32, #tpu.memory_space<vmem>>, vector<16xf32>,
        %get3A_1098 = arith.constant 6 : i32
        %get3A_1099 = arith.index_cast %get3A_1098 : i32 to index
        %get3A_1100 = arith.constant 112 : index
        %get3A_1101 = tpu.vector_load %arg19[%get3A_1099, %get3A_1100] {strides = array<i32>} : memref<8x128xf32, #tpu.memory_space<vmem>>, vector<16xf32>,
        %mul3A_1102 = arith.mulf %gather3A_967, %get3A_1101 : vector<16xf32>
        %add3A_1103 = arith.addf %get3A_1097, %mul3A_1102 : vector<16xf32>
        %mul3A_1104 = arith.mulf %gather3A_967, %add3A_1103 : vector<16xf32>
        %get3A_1105 = arith.constant 240 : index
        %get3A_1106 = tpu.vector_load %arg14[%get3A_1105] {strides = array<i32>} : memref<256xf32, #tpu.memory_space<vmem>>, vector<16xf32>,
        %add3A_1107 = arith.addf %mul3A_1104, %get3A_1106 : vector<16xf32>
        %swap3A_1108 = arith.constant 6 : i32
        %swap3A_1109 = arith.index_cast %swap3A_1108 : i32 to index
        %swap3A_1110 = arith.constant 112 : index
        %swap3A_1111 = tpu.vector_load %arg18[%swap3A_1109, %swap3A_1110] {strides = array<i32>} : memref<8x128xf32, #tpu.memory_space<vmem>>, vector<16xf32>,
        tpu.vector_store %arg18[%swap3A_1109, %swap3A_1110], %add3A_1107 {strides = array<i32>} : memref<8x128xf32, #tpu.memory_space<vmem>>, vector<16xf32>,
        %add3A_1112 = arith.constant 7 : i32
        %add3A_1113 = arith.addi %add3A_79, %add3A_1112 : i32
        %broadcast_in_dim3A_1114 = vector.broadcast %add3A_1113 : i32 to vector<16xi32>
        %gather3A_1115 = tpu.vector_load_idx %arg13[%broadcast_in_dim3A_1114] : memref<10240xf32, #tpu.memory_space<vmem>>[vector<16xi32>], vector<16xf32>,
        %get3A_1116 = arith.constant 7 : i32
        %get3A_1117 = arith.index_cast %get3A_1116 : i32 to index
        %get3A_1118 = arith.constant 0 : index
        %get3A_1119 = tpu.vector_load %arg18[%get3A_1117, %get3A_1118] {strides = array<i32>} : memref<8x128xf32, #tpu.memory_space<vmem>>, vector<16xf32>,
        %get3A_1120 = arith.constant 7 : i32
        %get3A_1121 = arith.index_cast %get3A_1120 : i32 to index
        %get3A_1122 = arith.constant 0 : index
        %get3A_1123 = tpu.vector_load %arg19[%get3A_1121, %get3A_1122] {strides = array<i32>} : memref<8x128xf32, #tpu.memory_space<vmem>>, vector<16xf32>,
        %mul3A_1124 = arith.mulf %gather3A_1115, %get3A_1123 : vector<16xf32>
        %add3A_1125 = arith.addf %get3A_1119, %mul3A_1124 : vector<16xf32>
        %mul3A_1126 = arith.mulf %gather3A_1115, %add3A_1125 : vector<16xf32>
        %get3A_1127 = arith.constant 128 : index
        %get3A_1128 = tpu.vector_load %arg14[%get3A_1127] {strides = array<i32>} : memref<256xf32, #tpu.memory_space<vmem>>, vector<16xf32>,
        %add3A_1129 = arith.addf %mul3A_1126, %get3A_1128 : vector<16xf32>
        %swap3A_1130 = arith.constant 7 : i32
        %swap3A_1131 = arith.index_cast %swap3A_1130 : i32 to index
        %swap3A_1132 = arith.constant 0 : index
        %swap3A_1133 = tpu.vector_load %arg18[%swap3A_1131, %swap3A_1132] {strides = array<i32>} : memref<8x128xf32, #tpu.memory_space<vmem>>, vector<16xf32>,
        tpu.vector_store %arg18[%swap3A_1131, %swap3A_1132], %add3A_1129 {strides = array<i32>} : memref<8x128xf32, #tpu.memory_space<vmem>>, vector<16xf32>,
        %get3A_1134 = arith.constant 7 : i32
        %get3A_1135 = arith.index_cast %get3A_1134 : i32 to index
        %get3A_1136 = arith.constant 16 : index
        %get3A_1137 = tpu.vector_load %arg18[%get3A_1135, %get3A_1136] {strides = array<i32>} : memref<8x128xf32, #tpu.memory_space<vmem>>, vector<16xf32>,
        %get3A_1138 = arith.constant 7 : i32
        %get3A_1139 = arith.index_cast %get3A_1138 : i32 to index
        %get3A_1140 = arith.constant 16 : index
        %get3A_1141 = tpu.vector_load %arg19[%get3A_1139, %get3A_1140] {strides = array<i32>} : memref<8x128xf32, #tpu.memory_space<vmem>>, vector<16xf32>,
        %mul3A_1142 = arith.mulf %gather3A_1115, %get3A_1141 : vector<16xf32>
        %add3A_1143 = arith.addf %get3A_1137, %mul3A_1142 : vector<16xf32>
        %mul3A_1144 = arith.mulf %gather3A_1115, %add3A_1143 : vector<16xf32>
        %get3A_1145 = arith.constant 144 : index
        %get3A_1146 = tpu.vector_load %arg14[%get3A_1145] {strides = array<i32>} : memref<256xf32, #tpu.memory_space<vmem>>, vector<16xf32>,
        %add3A_1147 = arith.addf %mul3A_1144, %get3A_1146 : vector<16xf32>
        %swap3A_1148 = arith.constant 7 : i32
        %swap3A_1149 = arith.index_cast %swap3A_1148 : i32 to index
        %swap3A_1150 = arith.constant 16 : index
        %swap3A_1151 = tpu.vector_load %arg18[%swap3A_1149, %swap3A_1150] {strides = array<i32>} : memref<8x128xf32, #tpu.memory_space<vmem>>, vector<16xf32>,
        tpu.vector_store %arg18[%swap3A_1149, %swap3A_1150], %add3A_1147 {strides = array<i32>} : memref<8x128xf32, #tpu.memory_space<vmem>>, vector<16xf32>,
        %get3A_1152 = arith.constant 7 : i32
        %get3A_1153 = arith.index_cast %get3A_1152 : i32 to index
        %get3A_1154 = arith.constant 32 : index
        %get3A_1155 = tpu.vector_load %arg18[%get3A_1153, %get3A_1154] {strides = array<i32>} : memref<8x128xf32, #tpu.memory_space<vmem>>, vector<16xf32>,
        %get3A_1156 = arith.constant 7 : i32
        %get3A_1157 = arith.index_cast %get3A_1156 : i32 to index
        %get3A_1158 = arith.constant 32 : index
        %get3A_1159 = tpu.vector_load %arg19[%get3A_1157, %get3A_1158] {strides = array<i32>} : memref<8x128xf32, #tpu.memory_space<vmem>>, vector<16xf32>,
        %mul3A_1160 = arith.mulf %gather3A_1115, %get3A_1159 : vector<16xf32>
        %add3A_1161 = arith.addf %get3A_1155, %mul3A_1160 : vector<16xf32>
        %mul3A_1162 = arith.mulf %gather3A_1115, %add3A_1161 : vector<16xf32>
        %get3A_1163 = arith.constant 160 : index
        %get3A_1164 = tpu.vector_load %arg14[%get3A_1163] {strides = array<i32>} : memref<256xf32, #tpu.memory_space<vmem>>, vector<16xf32>,
        %add3A_1165 = arith.addf %mul3A_1162, %get3A_1164 : vector<16xf32>
        %swap3A_1166 = arith.constant 7 : i32
        %swap3A_1167 = arith.index_cast %swap3A_1166 : i32 to index
        %swap3A_1168 = arith.constant 32 : index
        %swap3A_1169 = tpu.vector_load %arg18[%swap3A_1167, %swap3A_1168] {strides = array<i32>} : memref<8x128xf32, #tpu.memory_space<vmem>>, vector<16xf32>,
        tpu.vector_store %arg18[%swap3A_1167, %swap3A_1168], %add3A_1165 {strides = array<i32>} : memref<8x128xf32, #tpu.memory_space<vmem>>, vector<16xf32>,
        %get3A_1170 = arith.constant 7 : i32
        %get3A_1171 = arith.index_cast %get3A_1170 : i32 to index
        %get3A_1172 = arith.constant 48 : index
        %get3A_1173 = tpu.vector_load %arg18[%get3A_1171, %get3A_1172] {strides = array<i32>} : memref<8x128xf32, #tpu.memory_space<vmem>>, vector<16xf32>,
        %get3A_1174 = arith.constant 7 : i32
        %get3A_1175 = arith.index_cast %get3A_1174 : i32 to index
        %get3A_1176 = arith.constant 48 : index
        %get3A_1177 = tpu.vector_load %arg19[%get3A_1175, %get3A_1176] {strides = array<i32>} : memref<8x128xf32, #tpu.memory_space<vmem>>, vector<16xf32>,
        %mul3A_1178 = arith.mulf %gather3A_1115, %get3A_1177 : vector<16xf32>
        %add3A_1179 = arith.addf %get3A_1173, %mul3A_1178 : vector<16xf32>
        %mul3A_1180 = arith.mulf %gather3A_1115, %add3A_1179 : vector<16xf32>
        %get3A_1181 = arith.constant 176 : index
        %get3A_1182 = tpu.vector_load %arg14[%get3A_1181] {strides = array<i32>} : memref<256xf32, #tpu.memory_space<vmem>>, vector<16xf32>,
        %add3A_1183 = arith.addf %mul3A_1180, %get3A_1182 : vector<16xf32>
        %swap3A_1184 = arith.constant 7 : i32
        %swap3A_1185 = arith.index_cast %swap3A_1184 : i32 to index
        %swap3A_1186 = arith.constant 48 : index
        %swap3A_1187 = tpu.vector_load %arg18[%swap3A_1185, %swap3A_1186] {strides = array<i32>} : memref<8x128xf32, #tpu.memory_space<vmem>>, vector<16xf32>,
        tpu.vector_store %arg18[%swap3A_1185, %swap3A_1186], %add3A_1183 {strides = array<i32>} : memref<8x128xf32, #tpu.memory_space<vmem>>, vector<16xf32>,
        %get3A_1188 = arith.constant 7 : i32
        %get3A_1189 = arith.index_cast %get3A_1188 : i32 to index
        %get3A_1190 = arith.constant 64 : index
        %get3A_1191 = tpu.vector_load %arg18[%get3A_1189, %get3A_1190] {strides = array<i32>} : memref<8x128xf32, #tpu.memory_space<vmem>>, vector<16xf32>,
        %get3A_1192 = arith.constant 7 : i32
        %get3A_1193 = arith.index_cast %get3A_1192 : i32 to index
        %get3A_1194 = arith.constant 64 : index
        %get3A_1195 = tpu.vector_load %arg19[%get3A_1193, %get3A_1194] {strides = array<i32>} : memref<8x128xf32, #tpu.memory_space<vmem>>, vector<16xf32>,
        %mul3A_1196 = arith.mulf %gather3A_1115, %get3A_1195 : vector<16xf32>
        %add3A_1197 = arith.addf %get3A_1191, %mul3A_1196 : vector<16xf32>
        %mul3A_1198 = arith.mulf %gather3A_1115, %add3A_1197 : vector<16xf32>
        %get3A_1199 = arith.constant 192 : index
        %get3A_1200 = tpu.vector_load %arg14[%get3A_1199] {strides = array<i32>} : memref<256xf32, #tpu.memory_space<vmem>>, vector<16xf32>,
        %add3A_1201 = arith.addf %mul3A_1198, %get3A_1200 : vector<16xf32>
        %swap3A_1202 = arith.constant 7 : i32
        %swap3A_1203 = arith.index_cast %swap3A_1202 : i32 to index
        %swap3A_1204 = arith.constant 64 : index
        %swap3A_1205 = tpu.vector_load %arg18[%swap3A_1203, %swap3A_1204] {strides = array<i32>} : memref<8x128xf32, #tpu.memory_space<vmem>>, vector<16xf32>,
        tpu.vector_store %arg18[%swap3A_1203, %swap3A_1204], %add3A_1201 {strides = array<i32>} : memref<8x128xf32, #tpu.memory_space<vmem>>, vector<16xf32>,
        %get3A_1206 = arith.constant 7 : i32
        %get3A_1207 = arith.index_cast %get3A_1206 : i32 to index
        %get3A_1208 = arith.constant 80 : index
        %get3A_1209 = tpu.vector_load %arg18[%get3A_1207, %get3A_1208] {strides = array<i32>} : memref<8x128xf32, #tpu.memory_space<vmem>>, vector<16xf32>,
        %get3A_1210 = arith.constant 7 : i32
        %get3A_1211 = arith.index_cast %get3A_1210 : i32 to index
        %get3A_1212 = arith.constant 80 : index
        %get3A_1213 = tpu.vector_load %arg19[%get3A_1211, %get3A_1212] {strides = array<i32>} : memref<8x128xf32, #tpu.memory_space<vmem>>, vector<16xf32>,
        %mul3A_1214 = arith.mulf %gather3A_1115, %get3A_1213 : vector<16xf32>
        %add3A_1215 = arith.addf %get3A_1209, %mul3A_1214 : vector<16xf32>
        %mul3A_1216 = arith.mulf %gather3A_1115, %add3A_1215 : vector<16xf32>
        %get3A_1217 = arith.constant 208 : index
        %get3A_1218 = tpu.vector_load %arg14[%get3A_1217] {strides = array<i32>} : memref<256xf32, #tpu.memory_space<vmem>>, vector<16xf32>,
        %add3A_1219 = arith.addf %mul3A_1216, %get3A_1218 : vector<16xf32>
        %swap3A_1220 = arith.constant 7 : i32
        %swap3A_1221 = arith.index_cast %swap3A_1220 : i32 to index
        %swap3A_1222 = arith.constant 80 : index
        %swap3A_1223 = tpu.vector_load %arg18[%swap3A_1221, %swap3A_1222] {strides = array<i32>} : memref<8x128xf32, #tpu.memory_space<vmem>>, vector<16xf32>,
        tpu.vector_store %arg18[%swap3A_1221, %swap3A_1222], %add3A_1219 {strides = array<i32>} : memref<8x128xf32, #tpu.memory_space<vmem>>, vector<16xf32>,
        %get3A_1224 = arith.constant 7 : i32
        %get3A_1225 = arith.index_cast %get3A_1224 : i32 to index
        %get3A_1226 = arith.constant 96 : index
        %get3A_1227 = tpu.vector_load %arg18[%get3A_1225, %get3A_1226] {strides = array<i32>} : memref<8x128xf32, #tpu.memory_space<vmem>>, vector<16xf32>,
        %get3A_1228 = arith.constant 7 : i32
        %get3A_1229 = arith.index_cast %get3A_1228 : i32 to index
        %get3A_1230 = arith.constant 96 : index
        %get3A_1231 = tpu.vector_load %arg19[%get3A_1229, %get3A_1230] {strides = array<i32>} : memref<8x128xf32, #tpu.memory_space<vmem>>, vector<16xf32>,
        %mul3A_1232 = arith.mulf %gather3A_1115, %get3A_1231 : vector<16xf32>
        %add3A_1233 = arith.addf %get3A_1227, %mul3A_1232 : vector<16xf32>
        %mul3A_1234 = arith.mulf %gather3A_1115, %add3A_1233 : vector<16xf32>
        %get3A_1235 = arith.constant 224 : index
        %get3A_1236 = tpu.vector_load %arg14[%get3A_1235] {strides = array<i32>} : memref<256xf32, #tpu.memory_space<vmem>>, vector<16xf32>,
        %add3A_1237 = arith.addf %mul3A_1234, %get3A_1236 : vector<16xf32>
        %swap3A_1238 = arith.constant 7 : i32
        %swap3A_1239 = arith.index_cast %swap3A_1238 : i32 to index
        %swap3A_1240 = arith.constant 96 : index
        %swap3A_1241 = tpu.vector_load %arg18[%swap3A_1239, %swap3A_1240] {strides = array<i32>} : memref<8x128xf32, #tpu.memory_space<vmem>>, vector<16xf32>,
        tpu.vector_store %arg18[%swap3A_1239, %swap3A_1240], %add3A_1237 {strides = array<i32>} : memref<8x128xf32, #tpu.memory_space<vmem>>, vector<16xf32>,
        %get3A_1242 = arith.constant 7 : i32
        %get3A_1243 = arith.index_cast %get3A_1242 : i32 to index
        %get3A_1244 = arith.constant 112 : index
        %get3A_1245 = tpu.vector_load %arg18[%get3A_1243, %get3A_1244] {strides = array<i32>} : memref<8x128xf32, #tpu.memory_space<vmem>>, vector<16xf32>,
        %get3A_1246 = arith.constant 7 : i32
        %get3A_1247 = arith.index_cast %get3A_1246 : i32 to index
        %get3A_1248 = arith.constant 112 : index
        %get3A_1249 = tpu.vector_load %arg19[%get3A_1247, %get3A_1248] {strides = array<i32>} : memref<8x128xf32, #tpu.memory_space<vmem>>, vector<16xf32>,
        %mul3A_1250 = arith.mulf %gather3A_1115, %get3A_1249 : vector<16xf32>
        %add3A_1251 = arith.addf %get3A_1245, %mul3A_1250 : vector<16xf32>
        %mul3A_1252 = arith.mulf %gather3A_1115, %add3A_1251 : vector<16xf32>
        %get3A_1253 = arith.constant 240 : index
        %get3A_1254 = tpu.vector_load %arg14[%get3A_1253] {strides = array<i32>} : memref<256xf32, #tpu.memory_space<vmem>>, vector<16xf32>,
        %add3A_1255 = arith.addf %mul3A_1252, %get3A_1254 : vector<16xf32>
        %swap3A_1256 = arith.constant 7 : i32
        %swap3A_1257 = arith.index_cast %swap3A_1256 : i32 to index
        %swap3A_1258 = arith.constant 112 : index
        %swap3A_1259 = tpu.vector_load %arg18[%swap3A_1257, %swap3A_1258] {strides = array<i32>} : memref<8x128xf32, #tpu.memory_space<vmem>>, vector<16xf32>,
        tpu.vector_store %arg18[%swap3A_1257, %swap3A_1258], %add3A_1255 {strides = array<i32>} : memref<8x128xf32, #tpu.memory_space<vmem>>, vector<16xf32>,
        "tpu.region"() ({
          %run_scoped3A = tpu.sem_alloc : memref<!tpu.dma_semaphore, #tpu.memory_space<semaphore_mem>>
          %dma_start3A = arith.constant 128 : i32
          %dma_start3A_1260 = tpu.memref_slice %arg9[%add3A_79, %dma_start3A] : memref<10000x256xf32, #tpu.memory_space<hbm>> -> memref<8x128xf32, #tpu.memory_space<hbm>>
          %dma_start3A_1261 = arith.constant 128 : i32
          %dma_start3A_1262 = tpu.memref_slice %arg9[%add3A_79, %dma_start3A_1261] : memref<10000x256xf32, #tpu.memory_space<hbm>> -> memref<8x128xf32, #tpu.memory_space<hbm>>
          tpu.enqueue_dma source(%arg18 : memref<8x128xf32, #tpu.memory_space<vmem>>) target(%dma_start3A_1262 : memref<8x128xf32, #tpu.memory_space<hbm>>) target_semaphore(%run_scoped3A : memref<!tpu.dma_semaphore, #tpu.memory_space<semaphore_mem>>)
          %dma_wait3A = arith.constant 128 : i32
          %dma_wait3A_1263 = tpu.memref_slice %arg9[%add3A_79, %dma_wait3A] : memref<10000x256xf32, #tpu.memory_space<hbm>> -> memref<8x128xf32, #tpu.memory_space<hbm>>
          %dma_wait3A_1264 = arith.constant 128 : i32
          %dma_wait3A_1265 = tpu.memref_slice %arg9[%add3A_79, %dma_wait3A_1264] : memref<10000x256xf32, #tpu.memory_space<hbm>> -> memref<8x128xf32, #tpu.memory_space<hbm>>
          tpu.wait_dma2 semaphore(%run_scoped3A : memref<!tpu.dma_semaphore, #tpu.memory_space<semaphore_mem>>) src(%arg18 : memref<8x128xf32, #tpu.memory_space<vmem>>) dst(%dma_wait3A_1265 : memref<8x128xf32, #tpu.memory_space<hbm>>)
          tpu.yield
        }) : () -> ()
      } else {
      }
      %scan3A_76 = arith.constant 0 : i32
      scf.yield %scan3A_76 : i32
    }
    %scan3A_67 = arith.constant 41 : i32
    %barrier3A_68 = arith.constant 0 : index
    tpu.barrier barrier_id(%barrier3A_68)
    return
  }
}

module attributes {stable_mosaic.version = 14 : i64} {
  func.func @_glu_mm_body(%arg0: i32, %arg1: memref<1000x256xf32, #tpu.memory_space<vmem>>, %arg2: memref<256x512xf32, #tpu.memory_space<vmem>>, %arg3: memref<512xf32, #tpu.memory_space<vmem>>, %arg4: memref<256x256xf32, #tpu.memory_space<vmem>>, %arg5: memref<1000x128xf32, #tpu.memory_space<vmem>>, %arg6: memref<1000x128xf32, #tpu.memory_space<vmem>>) attributes {dimension_semantics = [#tpu.dimension_semantics<arbitrary>], iteration_bounds = array<i64: 10>, scalar_prefetch = 0 : i64, scratch_operands = 0 : i64, tpu.core_type = #tpu.core_type<tc>, window_params = [{transform_indices = @transform_0, window_bounds = array<i64: 1000, 256>}, {pipeline_mode = #tpu.pipeline_mode<synchronous>, transform_indices = @transform_1, window_bounds = array<i64: 256, 512>}, {pipeline_mode = #tpu.pipeline_mode<synchronous>, transform_indices = @transform_2, window_bounds = array<i64: 512>}, {pipeline_mode = #tpu.pipeline_mode<synchronous>, transform_indices = @transform_3, window_bounds = array<i64: 256, 256>}, {transform_indices = @transform_4, window_bounds = array<i64: 1000, 128>}, {transform_indices = @transform_5, window_bounds = array<i64: 1000, 128>}]} {
    %get3A = arith.constant 0 : index
    %get3A_0 = arith.constant 0 : index
    %get3A_1 = vector.load %arg1[%get3A, %get3A_0] : memref<1000x256xf32, #tpu.memory_space<vmem>>, vector<1000x256xf32>
    %get3A_2 = arith.constant 0 : index
    %get3A_3 = arith.constant 0 : index
    %get3A_4 = vector.load %arg2[%get3A_2, %get3A_3] : memref<256x512xf32, #tpu.memory_space<vmem>>, vector<256x512xf32>
    %dot_general3A = arith.constant dense<0.000000e+00> : vector<1000x512xf32>
    %dot_general3A_5 = tpu.matmul %get3A_1, %get3A_4, %dot_general3A {dimension_numbers = #tpu.dot_dimension_numbers<[1], [0], [0], [1], [0, 0, 1, 1], [], []>, transpose_lhs_hint = false} : vector<1000x256xf32>, vector<256x512xf32>, vector<1000x512xf32> -> vector<1000x512xf32>
    %get3A_6 = arith.constant 0 : index
    %get3A_7 = vector.load %arg3[%get3A_6] : memref<512xf32, #tpu.memory_space<vmem>>, vector<512xf32>
    %broadcast_in_dim3A = vector.shape_cast %get3A_7 : vector<512xf32> to vector<1x512xf32>
    %add3A = vector.broadcast %broadcast_in_dim3A : vector<1x512xf32> to vector<1000x512xf32>
    %add3A_8 = arith.addf %dot_general3A_5, %add3A : vector<1000x512xf32>
    %slice3A = vector.extract_strided_slice %add3A_8 {offsets = [0, 0], sizes = [1000, 256], strides = [1, 1]} : vector<1000x512xf32> to vector<1000x256xf32>
    %slice3A_9 = vector.extract_strided_slice %add3A_8 {offsets = [0, 256], sizes = [1000, 256], strides = [1, 1]} : vector<1000x512xf32> to vector<1000x256xf32>
    %logistic3A = arith.negf %slice3A_9 : vector<1000x256xf32>
    %logistic3A_10 = math.exp %logistic3A : vector<1000x256xf32>
    %logistic3A_11 = arith.constant 1.000000e+00 : f32
    %logistic3A_12 = vector.broadcast %logistic3A_11 : f32 to vector<1000x256xf32>
    %logistic3A_13 = arith.addf %logistic3A_12, %logistic3A_10 : vector<1000x256xf32>
    %logistic3A_14 = arith.divf %logistic3A_12, %logistic3A_13 : vector<1000x256xf32>
    %mul3A = arith.mulf %slice3A, %logistic3A_14 : vector<1000x256xf32>
    %get3A_15 = arith.constant 0 : index
    %get3A_16 = arith.constant 0 : index
    %get3A_17 = vector.load %arg4[%get3A_15, %get3A_16] : memref<256x256xf32, #tpu.memory_space<vmem>>, vector<256x256xf32>
    %dot_general3A_18 = arith.constant dense<0.000000e+00> : vector<1000x256xf32>
    %dot_general3A_19 = tpu.matmul %mul3A, %get3A_17, %dot_general3A_18 {dimension_numbers = #tpu.dot_dimension_numbers<[1], [0], [0], [1], [0, 0, 1, 1], [], []>, transpose_lhs_hint = false} : vector<1000x256xf32>, vector<256x256xf32>, vector<1000x256xf32> -> vector<1000x256xf32>
    %slice3A_20 = vector.extract_strided_slice %dot_general3A_19 {offsets = [0, 0], sizes = [1000, 128], strides = [1, 1]} : vector<1000x256xf32> to vector<1000x128xf32>
    %swap3A = arith.constant 0 : index
    %swap3A_21 = arith.constant 0 : index
    %swap3A_22 = vector.load %arg5[%swap3A, %swap3A_21] : memref<1000x128xf32, #tpu.memory_space<vmem>>, vector<1000x128xf32>
    tpu.vector_store %arg5[%swap3A, %swap3A_21], %slice3A_20 {strides = array<i32>} : memref<1000x128xf32, #tpu.memory_space<vmem>>, vector<1000x128xf32>,
    %slice3A_23 = vector.extract_strided_slice %dot_general3A_19 {offsets = [0, 128], sizes = [1000, 128], strides = [1, 1]} : vector<1000x256xf32> to vector<1000x128xf32>
    %swap3A_24 = arith.constant 0 : index
    %swap3A_25 = arith.constant 0 : index
    %swap3A_26 = vector.load %arg6[%swap3A_24, %swap3A_25] : memref<1000x128xf32, #tpu.memory_space<vmem>>, vector<1000x128xf32>
    tpu.vector_store %arg6[%swap3A_24, %swap3A_25], %slice3A_23 {strides = array<i32>} : memref<1000x128xf32, #tpu.memory_space<vmem>>, vector<1000x128xf32>,
    return
  }
  func.func @transform_0(%arg0: i32) -> (i32, i32) {
    %c0_i32 = arith.constant 0 : i32
    %c0_i32_0 = arith.constant 0 : i32
    return %arg0, %c0_i32 : i32, i32
  }
  func.func @transform_1(%arg0: i32) -> (i32, i32) {
    %c0_i32 = arith.constant 0 : i32
    %c0_i32_0 = arith.constant 0 : i32
    %c0_i32_1 = arith.constant 0 : i32
    return %c0_i32, %c0_i32_0 : i32, i32
  }
  func.func @transform_2(%arg0: i32) -> i32 {
    %c0_i32 = arith.constant 0 : i32
    %c0_i32_0 = arith.constant 0 : i32
    return %c0_i32 : i32
  }
  func.func @transform_3(%arg0: i32) -> (i32, i32) {
    %c0_i32 = arith.constant 0 : i32
    %c0_i32_0 = arith.constant 0 : i32
    %c0_i32_1 = arith.constant 0 : i32
    return %c0_i32, %c0_i32_0 : i32, i32
  }
  func.func @transform_4(%arg0: i32) -> (i32, i32) {
    %c0_i32 = arith.constant 0 : i32
    %c0_i32_0 = arith.constant 0 : i32
    return %arg0, %c0_i32 : i32, i32
  }
  func.func @transform_5(%arg0: i32) -> (i32, i32) {
    %c0_i32 = arith.constant 0 : i32
    %c0_i32_0 = arith.constant 0 : i32
    return %arg0, %c0_i32 : i32, i32
  }
}

module attributes {stable_mosaic.version = 14 : i64} {
  func.func @_glu2_body(%arg0: i32, %arg1: memref<1000x256xf32, #tpu.memory_space<vmem>>, %arg2: memref<256x512xf32, #tpu.memory_space<vmem>>, %arg3: memref<512xf32, #tpu.memory_space<vmem>>, %arg4: memref<1000x256xf32, #tpu.memory_space<vmem>>) attributes {dimension_semantics = [#tpu.dimension_semantics<arbitrary>], iteration_bounds = array<i64: 10>, scalar_prefetch = 0 : i64, scratch_operands = 0 : i64, tpu.core_type = #tpu.core_type<tc>, window_params = [{transform_indices = @transform_0, window_bounds = array<i64: 1000, 256>}, {pipeline_mode = #tpu.pipeline_mode<synchronous>, transform_indices = @transform_1, window_bounds = array<i64: 256, 512>}, {pipeline_mode = #tpu.pipeline_mode<synchronous>, transform_indices = @transform_2, window_bounds = array<i64: 512>}, {transform_indices = @transform_3, window_bounds = array<i64: 1000, 256>}]} {
    %get3A = arith.constant 0 : index
    %get3A_0 = arith.constant 0 : index
    %get3A_1 = vector.load %arg1[%get3A, %get3A_0] : memref<1000x256xf32, #tpu.memory_space<vmem>>, vector<1000x256xf32>
    %get3A_2 = arith.constant 0 : index
    %get3A_3 = arith.constant 0 : index
    %get3A_4 = vector.load %arg2[%get3A_2, %get3A_3] : memref<256x512xf32, #tpu.memory_space<vmem>>, vector<256x512xf32>
    %dot_general3A = arith.constant dense<0.000000e+00> : vector<1000x512xf32>
    %dot_general3A_5 = tpu.matmul %get3A_1, %get3A_4, %dot_general3A {dimension_numbers = #tpu.dot_dimension_numbers<[1], [0], [0], [1], [0, 0, 1, 1], [], []>, transpose_lhs_hint = false} : vector<1000x256xf32>, vector<256x512xf32>, vector<1000x512xf32> -> vector<1000x512xf32>
    %get3A_6 = arith.constant 0 : index
    %get3A_7 = vector.load %arg3[%get3A_6] : memref<512xf32, #tpu.memory_space<vmem>>, vector<512xf32>
    %broadcast_in_dim3A = vector.shape_cast %get3A_7 : vector<512xf32> to vector<1x512xf32>
    %add3A = vector.broadcast %broadcast_in_dim3A : vector<1x512xf32> to vector<1000x512xf32>
    %add3A_8 = arith.addf %dot_general3A_5, %add3A : vector<1000x512xf32>
    %slice3A = vector.extract_strided_slice %add3A_8 {offsets = [0, 0], sizes = [1000, 256], strides = [1, 1]} : vector<1000x512xf32> to vector<1000x256xf32>
    %slice3A_9 = vector.extract_strided_slice %add3A_8 {offsets = [0, 256], sizes = [1000, 256], strides = [1, 1]} : vector<1000x512xf32> to vector<1000x256xf32>
    %logistic3A = arith.negf %slice3A_9 : vector<1000x256xf32>
    %logistic3A_10 = math.exp %logistic3A : vector<1000x256xf32>
    %logistic3A_11 = arith.constant 1.000000e+00 : f32
    %logistic3A_12 = vector.broadcast %logistic3A_11 : f32 to vector<1000x256xf32>
    %logistic3A_13 = arith.addf %logistic3A_12, %logistic3A_10 : vector<1000x256xf32>
    %logistic3A_14 = arith.divf %logistic3A_12, %logistic3A_13 : vector<1000x256xf32>
    %mul3A = arith.mulf %slice3A, %logistic3A_14 : vector<1000x256xf32>
    %swap3A = arith.constant 0 : index
    %swap3A_15 = arith.constant 0 : index
    %swap3A_16 = vector.load %arg4[%swap3A, %swap3A_15] : memref<1000x256xf32, #tpu.memory_space<vmem>>, vector<1000x256xf32>
    tpu.vector_store %arg4[%swap3A, %swap3A_15], %mul3A {strides = array<i32>} : memref<1000x256xf32, #tpu.memory_space<vmem>>, vector<1000x256xf32>,
    return
  }
  func.func @transform_0(%arg0: i32) -> (i32, i32) {
    %c0_i32 = arith.constant 0 : i32
    %c0_i32_0 = arith.constant 0 : i32
    return %arg0, %c0_i32 : i32, i32
  }
  func.func @transform_1(%arg0: i32) -> (i32, i32) {
    %c0_i32 = arith.constant 0 : i32
    %c0_i32_0 = arith.constant 0 : i32
    %c0_i32_1 = arith.constant 0 : i32
    return %c0_i32, %c0_i32_0 : i32, i32
  }
  func.func @transform_2(%arg0: i32) -> i32 {
    %c0_i32 = arith.constant 0 : i32
    %c0_i32_0 = arith.constant 0 : i32
    return %c0_i32 : i32
  }
  func.func @transform_3(%arg0: i32) -> (i32, i32) {
    %c0_i32 = arith.constant 0 : i32
    %c0_i32_0 = arith.constant 0 : i32
    return %arg0, %c0_i32 : i32, i32
  }
}

</mosaic_0001>

<sc_bundles>
// kernel: kernel.6.cloned.1.call-start
scs
__scs_entry_jumppad:
0x0: {  	(pc) =	sbr.rel $0x88, $3  }
0x1: {  	(tag) =	ssettag $0x0;
	lr =	simm.s32 $0x1  }
0x2: {  	[smem:$0x3F98] =	sst lr;
	_ =	strace $0xD0000000  }
0x3: {  	_ = 	snop  }
0x4: {  	_ = 	snop  }
0x5: {  	_ = 	snop  }
0x6: {  	_ = 	snop  }
0x7: {  	_ = 	snop  }
__scs_overlays_trampoline_lowered:
0x8: {  	[smem:$0x3FA7] =	sst s0  }
0x9: {  	[smem:$0x3FA8] =	sst s1  }
0xa: {  	[smem:$0x3FA9] =	sst s2  }
0xb: {  	[smem:$0x3FAA] =	sst s3  }
0xc: {  	[smem:$0x3FAB] =	sst s4  }
0xd: {  	[smem:$0x3FAC] =	sst s5  }
0xe: {  	[smem:$0x3FAD] =	sst s6  }
0xf: {  	[smem:$0x3FAE] =	sst s7  }
0x10: {  	[smem:$0x3FAF] =	sst s8  }
0x11: {  	[smem:$0x3FB0] =	sst s9;
	s0 =	simm.s32 @!p0 $0x0  }
0x12: {  	s1 =	sld [smem:$0x3F96];
	s0 =	simm.s32 @p0 $0x1  }
0x13: {  	[smem:$0x3FB1] =	sst s0;
	s0 =	simm.s32 @!p1 $0x0  }
0x14: {  	s2 =	sld [smem:$0x3F95];
	s0 =	simm.s32 @p1 $0x1  }
0x15: {  	[smem:$0x3FB2] =	sst s0;
	s0 =	simm.s32 @!p2 $0x0  }
0x16: {  	s3 =	sld [smem:$0x3FDB];
	s0 =	simm.s32 @p2 $0x1  }
0x17: {  	s4 =	simm.s32 $0x1BF5;
	[smem:$0x3FB4] =	sst s0  }
0x18: {  	s0 =	sld [smem:$0x3F97];
	_ =	swait.ge [sflag:s4], $0x0  }
0x19: {  	s7 =	sld [smem:$0x3F98]  }
0x1a: {  	s8 =	sadd.s32 $0xFFFFE003, lr  }
0x1b: {  	s9 =	sadd.s32 $0xFFFFFEF7, lr;
	s5 =	simm.s32 $0xFFFFFFFF;
	p2 =	slt.u32 s8, $0xFFFFF086  }
0x1c: {  	p1 =	slt.u32 s9, $0xF7A;
	s5 =	simm.s32 @!p2 $0x0  }
0x1d: {  	s5 =	simm.s32 @p1 $0x1;
	p0 =	seq.s32 s7, s2  }
0x1e: {  	s7 =	smul.u32 @!p0 $0xF7A, s2;
	p2 =	seq.s32 @!p0 s5, $0x0  }
0x1f: {  	s9 =	smul.u32 $0xF7A, s1;
	s8 =	simm.s32 @!p0 $0x1BF5;
	p2 =	por !p2, p0  }
0x20: {  	[sflag:s8] =	ssyncset.s32 @!p0 $0xFFFFF086;
	s6 =	sadd.s32 @!p0 s3, s7;
	s7 =	simm.s32 @!p0 $0x108  }
0x21: {  	s3 =	sadd.s32 s3, s9;
	s6 =	sadd.s32 @!p0 $0x88, s6;
	s7 =	simm.s32 @p2 $0x1082  }
0x22: {  	[simem:s7], [sflag:s8] =	dma.local @!p0 [hbm:s6], $0xF7A  }
0x23: {  	s9 =	sor.u32 $0xD0000000, s2;
	s6 =	simm.s32 $0x108;
	_ =	swait.ge @!p0 [sflag:s8], $0x0  }
0x24: {  	s3 =	sadd.s32 $0x88, s3;
	s6 =	simm.s32 @!p1 $0x1082;
	[sflag:s4] =	ssyncset.s32 $0xFFFFF086  }
0x25: {  	[simem:s6], [sflag:s4] =	dma.local [hbm:s3], $0xF7A  }
0x26: {  	[smem:$0x3F98] =	sst s1;
	(tag) =	ssettag s2;
	_ =	strace s9  }
0x27: {  	s1 =	sld [smem:$0x3FA8]  }
0x28: {  	s2 =	sld [smem:$0x3FA9]  }
0x29: {  	s4 =	sld [smem:$0x3FAB]  }
0x2a: {  	p0 =	seq.s32 s5, $0x0;
	s5 =	sld [smem:$0x3FAC]  }
0x2b: {  	s6 =	sld [smem:$0x3FAD]  }
0x2c: {  	s7 =	sld [smem:$0x3FAE]  }
0x2d: {  	s3 =	simm.s32 $0x108;
	s8 =	sld [smem:$0x3FAF]  }
0x2e: {  	s3 =	simm.s32 @!p0 $0x1082;
	s9 =	sld [smem:$0x3FB0]  }
0x2f: {  	lr =	sadd.s32 s0, s3;
	s0 =	sld [smem:$0x3FA7]  }
0x30: {  	s3 =	sld [smem:$0x3FAA]  }
0x31: {  	[smem:$0x3FB3] =	sst s10  }
0x32: {  	s10 =	sld [smem:$0x3FB1];
	_ =	sdelay $0x3  }
0x33: {  	p0 =	seq.s32 s10, $0x1;
	s10 =	sld [smem:$0x3FB3];
	_ =	sdelay $0x3  }
0x34: {  	[smem:$0x3FB3] =	sst s10  }
0x35: {  	s10 =	sld [smem:$0x3FB2];
	_ =	sdelay $0x3  }
0x36: {  	p1 =	seq.s32 s10, $0x1;
	s10 =	sld [smem:$0x3FB3];
	_ =	sdelay $0x3  }
0x37: {  	[smem:$0x3FB3] =	sst s10  }
0x38: {  	s10 =	sld [smem:$0x3FB4]  }
0x39: {  	_ = 	snop;
	(pc) =	sbr.ind lr, $3  }
0x3a: {  	_ = 	snop  }
0x3b: {  	_ = 	snop  }
0x3c: {  	p2 =	seq.s32 s10, $0x1;
	s10 =	sld [smem:$0x3FB3]  }
0x3d: {  	_ =	shalt  }
0x3e: {  	_ =	shalt  }
0x3f: {  	_ =	shalt  }
0x40: {  	_ =	shalt  }
0x41: {  	_ =	shalt  }
0x42: {  	_ =	shalt  }
0x43: {  	_ =	shalt  }
0x44: {  	_ =	shalt  }
0x45: {  	_ =	shalt  }
0x46: {  	_ =	shalt  }
0x47: {  	_ =	shalt  }
0x48: {  	_ =	shalt  }
0x49: {  	_ =	shalt  }
0x4a: {  	_ =	shalt  }
0x4b: {  	_ =	shalt  }
0x4c: {  	_ =	shalt  }
0x4d: {  	_ =	shalt  }
0x4e: {  	_ =	shalt  }
0x4f: {  	_ =	shalt  }
0x50: {  	_ =	shalt  }
0x51: {  	_ =	shalt  }
0x52: {  	_ =	shalt  }
0x53: {  	_ =	shalt  }
0x54: {  	_ =	shalt  }
0x55: {  	_ =	shalt  }
0x56: {  	_ =	shalt  }
0x57: {  	_ =	shalt  }
0x58: {  	_ =	shalt  }
0x59: {  	_ =	shalt  }
0x5a: {  	_ =	shalt  }
0x5b: {  	_ =	shalt  }
0x5c: {  	_ =	shalt  }
0x5d: {  	_ =	shalt  }
0x5e: {  	_ =	shalt  }
0x5f: {  	_ =	shalt  }
0x60: {  	_ =	shalt  }
0x61: {  	_ =	shalt  }
0x62: {  	_ =	shalt  }
0x63: {  	_ =	shalt  }
0x64: {  	_ =	shalt  }
0x65: {  	_ =	shalt  }
0x66: {  	_ =	shalt  }
0x67: {  	_ =	shalt  }
0x68: {  	_ =	shalt  }
0x69: {  	_ =	shalt  }
0x6a: {  	_ =	shalt  }
0x6b: {  	_ =	shalt  }
0x6c: {  	_ =	shalt  }
0x6d: {  	_ =	shalt  }
0x6e: {  	_ =	shalt  }
0x6f: {  	_ =	shalt  }
0x70: {  	_ =	shalt  }
0x71: {  	_ =	shalt  }
0x72: {  	_ =	shalt  }
0x73: {  	_ =	shalt  }
0x74: {  	_ =	shalt  }
0x75: {  	_ =	shalt  }
0x76: {  	_ =	shalt  }
0x77: {  	_ =	shalt  }
0x78: {  	_ =	shalt  }
0x79: {  	_ =	shalt  }
0x7a: {  	_ =	shalt  }
0x7b: {  	_ =	shalt  }
0x7c: {  	_ =	shalt  }
0x7d: {  	_ =	shalt  }
0x7e: {  	_ =	shalt  }
0x7f: {  	_ =	shalt  }
0x80: {  	_ =	shalt  }
0x81: {  	_ =	shalt  }
0x82: {  	_ =	shalt  }
0x83: {  	_ =	shalt  }
0x84: {  	_ =	shalt  }
0x85: {  	_ =	shalt  }
0x86: {  	_ =	shalt  }
0x87: {  	_ =	shalt  }
.Lfunc_end0:
.L_simem_size_0:
called_computation_lowered:
.L_overlay_start_0:
0x88: {  	s2 =	sld [smem:$0x3FD9]  }
0x89: {  	s3 =	sld [smem:$0x3FFE];
	_ =	sdelay $0x1  }
0x8a: {  	s1 =	srdreg.scid  }
0x8b: {  	s0 =	sand.u32 $0x1, s1  }
0x8c: {  	s16 =	sshll.u32 s0, $0xA;
	s2 =	sadd.s32 s3, s2  }
0x8d: {  	s2 =	sadd.s32 s2, s16  }
0x8e: {  	[smem:$0x3FBF] =	sst s2  }
0x8f: {  	_ = 	snop  }
0x90: {  	(tm) =	ssettm $0x1  }
0x91: {  	s17 =	sld [smem:$0x3FFB];
	_ =	sdelay $0x3  }
0x92: {  	_ =	strace s17  }
0x93: {  	s2 =	sld [smem:$0x3FFC];
	_ =	sdelay $0x3  }
0x94: {  	_ =	strace s2  }
0x95: {  	s2 =	sld [smem:$0x3FFD];
	_ =	sdelay $0x3  }
0x96: {  	_ =	strace s2  }
0x97: {  	_ =	strace $0x8FFFFFFF  }
0x98: {  	s18 =	sld [smem:$0x3FDB];
	_ =	sdelay $0x1  }
0x99: {  	s19 =	simm.s32 $_scs_section_size  }
0x9a: {  	s4 =	simm.s32 $_size__tile_overlayer_lowered;
	s5 =	simm.s32 $_tile_overlayer_lowered  }
0x9b: {  	s22 =	simm.s32 $0x1BFF;
	s21 =	sshll.u32 s5, $0x1;
	s2 =	sadd.s32 s19, s18  }
0x9c: {  	s6 =	simm.s32 $0x0;
	s20 =	sshll.u32 s4, $0x1;
	s4 =	sadd.s32 s21, s2  }
0x9d: {  	[timem:s6], [sflag:s22] =	dma.local [hbm:s4], s20  }
0x9e: {  	_ =	swait.ge [sflag:s22], s20  }
0x9f: {  	s3 =	ssub.s32 $0x0, s20;
	[sflag:s22] =	ssyncset.done $0x0  }
0xa0: {  	[sflag:s22] =	ssyncadd.s32 s3;
	_ =	sdelay $0x1  }
0xa1: {  	s23 =	simm.s32 $0x1B8B  }
0xa2: {  	_ =	swait.ge [sflag:s23], $0x1  }
0xa3: {  	[sflag:s23] =	ssyncset.done $0x0  }
0xa4: {  	s25 =	simm.s32 $0x1B8E;
	s24 =	sld [smem:$0x3FFE];
	[sflag:s23] =	ssyncadd.s32 $0xFFFFFFFF  }
0xa5: {  	s26 =	simm.s32 $execute0_lowered;
	[smem:$0x3FD2] =	sst s25  }
0xa6: {  	s4 =	sshll.u32 s26, $0x1;
	_ =	strace $0x80000046;
	[dreg:$0x1] =	wrdreg $0xFFFFFFFF  }
0xa7: {  	s28 =	simm.s32 $_size_execute0_lowered;
	s2 =	sadd.s32 s2, s4;
	[dreg:$0x0] =	wrdreg $0x0  }
0xa8: {  	s4 =	sshll.u32 s28, $0x1;
	[dreg:$0x2] =	wrdreg s2  }
0xa9: {  	[dreg:$0x3] =	wrdreg s4  }
0xaa: {  	[dreg:$0x4] =	wrdreg $0xC0  }
0xab: {  	_ =	task [dreg:s6], $0x5FFFF  }
0xac: {  	[dreg:$0x1] =	wrdreg $0xFFFFFFFF  }
0xad: {  	[dreg:$0x0] =	wrdreg $0x60  }
0xae: {  	[dreg:$0x2] =	wrdreg s24  }
0xaf: {  	[dreg:$0x3] =	wrdreg $0xA1800  }
0xb0: {  	[dreg:$0x4] =	wrdreg $0x9  }
0xb1: {  	_ =	task.clear_ibuf [dreg:s6], $0x5FFFF;
	_ =	strace $0x90000046  }
0xb2: {  	s29 =	simm.s32 $0x9;
	_ =	strace $0x80000048  }
0xb3: {  	_ =	swait.ge [sflag:s29], $0x1  }
0xb4: {  	[sflag:s29] =	ssyncadd.s32 $0xFFFFFFFF  }
0xb5: {  	_ =	strace $0x90000048  }
0xb6: {  	_ =	sfence  }
0xb7: {  	s30 =	sld [smem:$0x0];
	_ =	sdelay $0x2  }
0xb8: {  	s31 =	sshll.u32 s1, $0xD;
	s1 =	sshrl.u32 s1, $0x2  }
0xb9: {  	s3 =	sand.u32 $0x4000, s31;
	s1 =	sadd.s32 s1, s30  }
0xba: {  	s0 =	sor.u32 s3, s0;
	s1 =	sshll.u32 s1, $0x11  }
0xbb: {  	s0 =	sor.u32 s1, s0  }
0xbc: {  	s0 =	sadd.s32 $0x8F2B, s0  }
0xbd: {  	[sflag:s0] =	ssyncadd.remote.s32 $0x1  }
0xbe: {  	_ =	sfence.sel $0xFFFF  }
0xbf: {  	[dreg:$0x0] =	wrdreg $0xFFFFFFFF;
	(pc) =	sbr.abs _section_cstart, $3  }
0xc0: {  	[dreg:$0x1] =	wrdreg $0xFFFFFFFF  }
0xc1: {  	_ =	task.clear_ibuf [dreg:s6], $0x2FFFF;
	_ =	strace $0x9FFFFFFF  }
0xc2: {  	(tm) =	ssettm $0x7FFFFFFF  }
0xc3: {  	_ =	shalt  }
tec
execute0_lowered:
.L_overlay_start_1:
0x0: {  	(tag) =	ssettag $0x1  }
0x1: {  	s0 =	rddreg [dreg:$0x0]  }
0x2: {  	s1 =	rddreg [dreg:$0x1]  }
0x3: {  	s2 =	simm.s32 $0x0;
	s8 =	stileid.u32;
	s3 =	srdreg.scid  }
0x4: {  	s24 =	simm.s32 $0x1;
	s26 =	simm.s32 $0x4F00;
	s4 =	smul.u32 $0x280, s8  }
0x5: {  	s28 =	simm.s32 $0x9C80;
	s29 =	simm.s32 $0x0;
	s30 =	smul.u32 $0x4F0, s8  }
0x6: {  	[smem:$0x7FF] =	sst s2;
	s25 =	sand.u32 $0x1, s3;
	s8 =	smul.u32 $0xA000, s8  }
0x7: {  	_ =	strace $0x80000047;
	s5 =	ssub.s32 $0x2, s25;
	p0 =	sne.s32 s25, $0x0  }
0x8: {  	s6 =	sshrl.u32 s4, $0x3;
	s7 =	sshrl.u32 s5, $0x1;
	s9 =	sadd.s32 s30, s0  }
0x9: {  	s31 =	sshrl.u32 s8, $0x2;
	s4 =	sadd.s32 s4, s1;
	s0 =	sadd.s32 s6, s0  }
0xa: {  	s23 =	ssub.s32 s5, s7;
	s3 =	sadd.s32 $0x6400, s9;
	s5 =	sadd.s32 $0x1400, s9  }
0xb: {  	s6 =	sadd.s32 s31, s1;
	s7 =	sadd.s32 $0x2800, s4;
	s8 =	sadd.s32 $0x5000, s4  }
0xc: {  	s9 =	sadd.s32 $0x7800, s4;
	s10 =	sadd.s32 $0xA000, s4;
	s11 =	sadd.s32 $0xC800, s4  }
0xd: {  	s12 =	sadd.s32 $0xF000, s4;
	s13 =	sadd.s32 $0x11800, s4;
	s14 =	sadd.s32 $0x14000, s4  }
0xe: {  	s15 =	sadd.s32 $0x16800, s4;
	s16 =	sadd.s32 $0x19000, s4;
	s17 =	sadd.s32 $0x1B800, s4  }
0xf: {  	s18 =	sadd.s32 $0x1E000, s4;
	s19 =	sadd.s32 $0x20800, s4;
	s20 =	sadd.s32 $0x23000, s4  }
0x10: {  	v0 =	vimm.f32 $0.0e+00;
	s21 =	sadd.s32 $0x25800, s4;
	s22 =	sadd.s32 $0xB400, s0;
	s23 =	smax.u32 s23, $0x1  }
.LBB2_1:
0x11: {  	[tilespmem:s2], [sflag:$0x1] =	stream.linear.gather [hbm4b:s3+s2], $0x2780, $0x38;
	[tilespmem:$0xC980] =	vst v63  }
0x12: {  	_ =	swait.ge [sflag:s24], $0x2780  }
0x13: {  	[sflag:s24] =	ssyncset.done $0x0  }
0x14: {  	s0 =	simm.s32 $0x2780;
	[sflag:s24] =	ssyncadd.s32 $0xFFFFD880  }
0x15: {  	[tilespmem:s0], [sflag:$0x1] =	stream.linear.gather [hbm4b:s5+s2], $0x2780, $0x38;
	[tilespmem:$0xC980] =	vst v63  }
0x16: {  	_ =	swait.ge [sflag:s24], $0x2780  }
0x17: {  	[sflag:s24] =	ssyncset.done $0x0  }
0x18: {  	s0 =	simm.s32 $0x0;
	[sflag:s24] =	ssyncadd.s32 $0xFFFFD880  }
.LBB2_2:
0x19: {  	p1 =	sne.s32 s0, $0x9FC0  }
.Ltmp0:
0x1a: {  	_ = 	snop;
	(pc) =	sbr.rel @p1 .LBB2_2-.Ltmp0, $3  }
0x1b: {  	_ =	sdelay $0x1  }
0x1c: {  	s1 =	sshra.s32 s0, $0x2  }
0x1d: {  	s0 =	sadd.s32 $0x40, s0;
	[tilespmem:s1+$0x4F00] =	vst v0  }
0x1e: {  	s1 =	simm.s32 $0x0;
	s0 =	simm.s32 $0x40  }
.LBB2_4:
0x1f: {  	p1 =	sne.s32 s0, $0x9DC0;
	v1 =	vld [tilespmem:s1+$0x0];
	_ =	sdelay $0x2  }
0x20: {  	v2 =	vld [tilespmem:s1+$0x2780]  }
.Ltmp1:
0x21: {  	(pc) =	sbr.rel @p1 .LBB2_4-.Ltmp1, $2  }
0x22: {  	_ =	sdelay $0x2  }
0x23: {  	s1 =	sshra.s32 s0, $0x2;
	s0 =	sadd.s32 $0x40, s0;
	[tilespmem:v1+s26+$0x0] =	vst.idx.add.f32.msk $0xffff, v2  }
0x24: {  	v1 =	vld [tilespmem:s1+$0x0];
	_ =	sdelay $0x2  }
0x25: {  	v2 =	vld [tilespmem:s1+$0x2780];
	_ =	sdelay $0x4  }
0x26: {  	[tilespmem:v1+s26+$0x0] =	vst.idx.add.f32.msk $0xffff, v2  }
0x27: {  	[spmem:s6] =	stream.linear.scatter [tilespmem:s26], [sflag:$0x1], $0x2800, $0x38;
	[tilespmem:$0xC980] =	vst v63  }
0x28: {  	_ =	swait.ge [sflag:s24], $0x2800  }
0x29: {  	[sflag:s24] =	ssyncset.done $0x0  }
0x2a: {  	[sflag:s24] =	ssyncadd.s32 $0xFFFFD800  }
0x2b: {  	s0 =	simm.s32 $0x7700;
	[bflag:$0x0] =	sbarrier.arrive $0xFFFF  }
0x2c: {  	[tilespmem:s0], [sflag:$0x1] =	stream.linear.gather [spmem:s4], $0x280, $0x38;
	[tilespmem:$0xC980] =	vst v63  }
0x2d: {  	_ =	swait.ge [sflag:s24], $0x280  }
0x2e: {  	[sflag:s24] =	ssyncset.done $0x0  }
0x2f: {  	s25 =	simm.s32 $0x7980;
	[sflag:s24] =	ssyncadd.s32 $0xFFFFFD80  }
0x30: {  	[tilespmem:s25], [sflag:$0x1] =	stream.linear.gather [spmem:s7], $0x280, $0x38;
	[tilespmem:$0xC980] =	vst v63  }
0x31: {  	_ =	swait.ge [sflag:s24], $0x280  }
0x32: {  	[sflag:s24] =	ssyncset.done $0x0  }
0x33: {  	s25 =	simm.s32 $0x7C00;
	[sflag:s24] =	ssyncadd.s32 $0xFFFFFD80  }
0x34: {  	[tilespmem:s25], [sflag:$0x1] =	stream.linear.gather [spmem:s8], $0x280, $0x38;
	[tilespmem:$0xC980] =	vst v63  }
0x35: {  	_ =	swait.ge [sflag:s24], $0x280  }
0x36: {  	[sflag:s24] =	ssyncset.done $0x0  }
0x37: {  	s25 =	simm.s32 $0x7E80;
	[sflag:s24] =	ssyncadd.s32 $0xFFFFFD80  }
0x38: {  	[tilespmem:s25], [sflag:$0x1] =	stream.linear.gather [spmem:s9], $0x280, $0x38;
	[tilespmem:$0xC980] =	vst v63  }
0x39: {  	_ =	swait.ge [sflag:s24], $0x280  }
0x3a: {  	[sflag:s24] =	ssyncset.done $0x0  }
0x3b: {  	s25 =	simm.s32 $0x8100;
	[sflag:s24] =	ssyncadd.s32 $0xFFFFFD80  }
0x3c: {  	[tilespmem:s25], [sflag:$0x1] =	stream.linear.gather [spmem:s10], $0x280, $0x38;
	[tilespmem:$0xC980] =	vst v63  }
0x3d: {  	_ =	swait.ge [sflag:s24], $0x280  }
0x3e: {  	[sflag:s24] =	ssyncset.done $0x0  }
0x3f: {  	s25 =	simm.s32 $0x8380;
	[sflag:s24] =	ssyncadd.s32 $0xFFFFFD80  }
0x40: {  	[tilespmem:s25], [sflag:$0x1] =	stream.linear.gather [spmem:s11], $0x280, $0x38;
	[tilespmem:$0xC980] =	vst v63  }
0x41: {  	_ =	swait.ge [sflag:s24], $0x280  }
0x42: {  	[sflag:s24] =	ssyncset.done $0x0  }
0x43: {  	s25 =	simm.s32 $0x8600;
	[sflag:s24] =	ssyncadd.s32 $0xFFFFFD80  }
0x44: {  	[tilespmem:s25], [sflag:$0x1] =	stream.linear.gather [spmem:s12], $0x280, $0x38;
	[tilespmem:$0xC980] =	vst v63  }
0x45: {  	_ =	swait.ge [sflag:s24], $0x280  }
0x46: {  	[sflag:s24] =	ssyncset.done $0x0  }
0x47: {  	s25 =	simm.s32 $0x8880;
	[sflag:s24] =	ssyncadd.s32 $0xFFFFFD80  }
0x48: {  	[tilespmem:s25], [sflag:$0x1] =	stream.linear.gather [spmem:s13], $0x280, $0x38;
	[tilespmem:$0xC980] =	vst v63  }
0x49: {  	_ =	swait.ge [sflag:s24], $0x280  }
0x4a: {  	[sflag:s24] =	ssyncset.done $0x0  }
0x4b: {  	s25 =	simm.s32 $0x8B00;
	[sflag:s24] =	ssyncadd.s32 $0xFFFFFD80  }
0x4c: {  	[tilespmem:s25], [sflag:$0x1] =	stream.linear.gather [spmem:s14], $0x280, $0x38;
	[tilespmem:$0xC980] =	vst v63  }
0x4d: {  	_ =	swait.ge [sflag:s24], $0x280  }
0x4e: {  	[sflag:s24] =	ssyncset.done $0x0  }
0x4f: {  	s25 =	simm.s32 $0x8D80;
	[sflag:s24] =	ssyncadd.s32 $0xFFFFFD80  }
0x50: {  	[tilespmem:s25], [sflag:$0x1] =	stream.linear.gather [spmem:s15], $0x280, $0x38;
	[tilespmem:$0xC980] =	vst v63  }
0x51: {  	_ =	swait.ge [sflag:s24], $0x280  }
0x52: {  	[sflag:s24] =	ssyncset.done $0x0  }
0x53: {  	s25 =	simm.s32 $0x9000;
	[sflag:s24] =	ssyncadd.s32 $0xFFFFFD80  }
0x54: {  	[tilespmem:s25], [sflag:$0x1] =	stream.linear.gather [spmem:s16], $0x280, $0x38;
	[tilespmem:$0xC980] =	vst v63  }
0x55: {  	_ =	swait.ge [sflag:s24], $0x280  }
0x56: {  	[sflag:s24] =	ssyncset.done $0x0  }
0x57: {  	s25 =	simm.s32 $0x9280;
	[sflag:s24] =	ssyncadd.s32 $0xFFFFFD80  }
0x58: {  	[tilespmem:s25], [sflag:$0x1] =	stream.linear.gather [spmem:s17], $0x280, $0x38;
	[tilespmem:$0xC980] =	vst v63  }
0x59: {  	_ =	swait.ge [sflag:s24], $0x280  }
0x5a: {  	[sflag:s24] =	ssyncset.done $0x0  }
0x5b: {  	s25 =	simm.s32 $0x9500;
	[sflag:s24] =	ssyncadd.s32 $0xFFFFFD80  }
0x5c: {  	[tilespmem:s25], [sflag:$0x1] =	stream.linear.gather [spmem:s18], $0x280, $0x38;
	[tilespmem:$0xC980] =	vst v63  }
0x5d: {  	_ =	swait.ge [sflag:s24], $0x280  }
0x5e: {  	[sflag:s24] =	ssyncset.done $0x0  }
0x5f: {  	s25 =	simm.s32 $0x9780;
	[sflag:s24] =	ssyncadd.s32 $0xFFFFFD80  }
0x60: {  	[tilespmem:s25], [sflag:$0x1] =	stream.linear.gather [spmem:s19], $0x280, $0x38;
	[tilespmem:$0xC980] =	vst v63  }
0x61: {  	_ =	swait.ge [sflag:s24], $0x280  }
0x62: {  	[sflag:s24] =	ssyncset.done $0x0  }
0x63: {  	s25 =	simm.s32 $0x9A00;
	[sflag:s24] =	ssyncadd.s32 $0xFFFFFD80  }
0x64: {  	[tilespmem:s25], [sflag:$0x1] =	stream.linear.gather [spmem:s20], $0x280, $0x38;
	[tilespmem:$0xC980] =	vst v63  }
0x65: {  	_ =	swait.ge [sflag:s24], $0x280  }
0x66: {  	[sflag:s24] =	ssyncset.done $0x0  }
0x67: {  	[sflag:s24] =	ssyncadd.s32 $0xFFFFFD80  }
0x68: {  	[tilespmem:s28], [sflag:$0x1] =	stream.linear.gather [spmem:s21], $0x280, $0x38;
	[tilespmem:$0xC980] =	vst v63  }
0x69: {  	_ =	swait.ge [sflag:s24], $0x280  }
0x6a: {  	[sflag:s24] =	ssyncset.done $0x0  }
0x6b: {  	[sflag:s24] =	ssyncadd.s32 $0xFFFFFD80  }
0x6c: {  	s25 =	simm.s32 $0x0;
	v1 =	vld [tilespmem:s0+$0x0]  }
0x6d: {  	s25 =	sand.u32 $0x3F0, s25  }
0x6e: {  	v2 =	vld [tilespmem:s25+$0x7980];
	_ =	sdelay $0x1  }
0x6f: {  	v3 =	vld [tilespmem:s25+$0x7C00]  }
0x70: {  	v1 =	vadd.f32 $1.000000000e+00, v1  }
0x71: {  	v4 =	vld [tilespmem:s25+$0x7E80]  }
0x72: {  	v1 =	vadd.f32 v2, v1  }
0x73: {  	v2 =	vld [tilespmem:s25+$0x8100]  }
0x74: {  	v1 =	vadd.f32 v3, v1  }
0x75: {  	v3 =	vld [tilespmem:s25+$0x8380]  }
0x76: {  	v1 =	vadd.f32 v4, v1  }
0x77: {  	v60 =	vld [tilespmem:s25+$0x8600]  }
0x78: {  	v1 =	vadd.f32 v2, v1  }
0x79: {  	v2 =	vld [tilespmem:s25+$0x8880]  }
0x7a: {  	v1 =	vadd.f32 v3, v1  }
0x7b: {  	v3 =	vld [tilespmem:s25+$0x8B00]  }
0x7c: {  	v1 =	vadd.f32 v60, v1  }
0x7d: {  	v61 =	vld [tilespmem:s25+$0x8D80]  }
0x7e: {  	v1 =	vadd.f32 v2, v1  }
0x7f: {  	v2 =	vld [tilespmem:s25+$0x9000]  }
0x80: {  	v1 =	vadd.f32 v3, v1  }
0x81: {  	v3 =	vld [tilespmem:s25+$0x9280]  }
0x82: {  	v1 =	vadd.f32 v61, v1  }
0x83: {  	v62 =	vld [tilespmem:s25+$0x9500]  }
0x84: {  	v1 =	vadd.f32 v2, v1  }
0x85: {  	v2 =	vld [tilespmem:s25+$0x9780]  }
0x86: {  	v1 =	vadd.f32 v3, v1  }
0x87: {  	v3 =	vld [tilespmem:s25+$0x9A00]  }
0x88: {  	v1 =	vadd.f32 v62, v1  }
0x89: {  	v63 =	vld [tilespmem:s25+$0x9C80]  }
0x8a: {  	v1 =	vadd.f32 v2, v1;
	_ =	sdelay $0x1  }
0x8b: {  	v1 =	vadd.f32 v3, v1;
	_ =	sdelay $0x1  }
0x8c: {  	v1 =	vadd.f32 v63, v1;
	_ =	sdelay $0x1  }
0x8d: {  	v2 =	vshra.s32 v1, $0x1;
	v1 =	vmul.f32 $5.000000000e-01, v1  }
0x8e: {  	v2 =	vsub.s32 $0x5F3759DF, v2  }
0x8f: {  	v3 =	vmul.f32 v2, v1;
	_ =	sdelay $0x1  }
0x90: {  	v3 =	vmul.f32 v2, v3;
	_ =	sdelay $0x1  }
0x91: {  	v3 =	vsub.f32 $1.500000000e+00, v3;
	_ =	sdelay $0x1  }
0x92: {  	v2 =	vmul.f32 v2, v3;
	_ =	sdelay $0x1  }
0x93: {  	v3 =	vmul.f32 v2, v1;
	_ =	sdelay $0x1  }
0x94: {  	v3 =	vmul.f32 v3, v2;
	_ =	sdelay $0x1  }
0x95: {  	v3 =	vsub.f32 $1.500000000e+00, v3;
	_ =	sdelay $0x1  }
0x96: {  	v2 =	vmul.f32 v3, v2;
	_ =	sdelay $0x1  }
0x97: {  	v1 =	vmul.f32 v2, v1;
	_ =	sdelay $0x1  }
0x98: {  	v1 =	vmul.f32 v1, v2;
	_ =	sdelay $0x1  }
0x99: {  	v1 =	vsub.f32 $1.500000000e+00, v1;
	_ =	sdelay $0x1  }
0x9a: {  	v1 =	vmul.f32 v1, v2  }
0x9b: {  	s30 =	simm.s32 $0x9F00  }
0x9c: {  	s31 =	simm.s32 $0x7710;
	[tilespmem:s30+$0x0] =	vst v1  }
0x9d: {  	s1 =	simm.s32 $0x20;
	s0 =	simm.s32 $0x10;
	v1 =	vld [tilespmem:s31+$0x0]  }
.LBB2_6:
0x9e: {  	p1 =	sne.s32 s1, $0x270;
	s25 =	sand.u32 $0x3F0, s0;
	s0 =	smov.u32 s1  }
0x9f: {  	v2 =	vld [tilespmem:s25+$0x7980];
	_ =	sdelay $0x1  }
0xa0: {  	v3 =	vld [tilespmem:s25+$0x7C00]  }
0xa1: {  	v1 =	vadd.f32 $1.000000000e+00, v1  }
0xa2: {  	v4 =	vld [tilespmem:s25+$0x7E80]  }
0xa3: {  	v1 =	vadd.f32 v2, v1  }
0xa4: {  	v2 =	vld [tilespmem:s25+$0x8100]  }
0xa5: {  	v1 =	vadd.f32 v3, v1  }
0xa6: {  	v3 =	vld [tilespmem:s25+$0x8380]  }
0xa7: {  	v1 =	vadd.f32 v4, v1  }
0xa8: {  	v4 =	vld [tilespmem:s25+$0x8600]  }
0xa9: {  	v1 =	vadd.f32 v2, v1  }
0xaa: {  	v2 =	vld [tilespmem:s25+$0x8880]  }
0xab: {  	v1 =	vadd.f32 v3, v1  }
0xac: {  	v3 =	vld [tilespmem:s25+$0x8B00]  }
0xad: {  	v1 =	vadd.f32 v4, v1  }
0xae: {  	v4 =	vld [tilespmem:s25+$0x8D80]  }
0xaf: {  	v1 =	vadd.f32 v2, v1  }
0xb0: {  	v2 =	vld [tilespmem:s25+$0x9000]  }
0xb1: {  	v1 =	vadd.f32 v3, v1  }
0xb2: {  	v3 =	vld [tilespmem:s25+$0x9280]  }
0xb3: {  	v1 =	vadd.f32 v4, v1  }
0xb4: {  	v4 =	vld [tilespmem:s25+$0x9500]  }
0xb5: {  	v1 =	vadd.f32 v2, v1  }
0xb6: {  	v2 =	vld [tilespmem:s25+$0x9780]  }
0xb7: {  	v1 =	vadd.f32 v3, v1  }
0xb8: {  	v3 =	vld [tilespmem:s25+$0x9A00]  }
0xb9: {  	v1 =	vadd.f32 v4, v1  }
0xba: {  	v4 =	vld [tilespmem:s25+$0x9C80]  }
0xbb: {  	v1 =	vadd.f32 v2, v1;
	_ =	sdelay $0x1  }
0xbc: {  	v1 =	vadd.f32 v3, v1;
	_ =	sdelay $0x1  }
0xbd: {  	v1 =	vadd.f32 v4, v1;
	_ =	sdelay $0x1  }
0xbe: {  	v2 =	vshra.s32 v1, $0x1;
	v1 =	vmul.f32 $5.000000000e-01, v1  }
0xbf: {  	v2 =	vsub.s32 $0x5F3759DF, v2  }
0xc0: {  	v3 =	vmul.f32 v2, v1;
	_ =	sdelay $0x1  }
0xc1: {  	v3 =	vmul.f32 v2, v3;
	_ =	sdelay $0x1  }
0xc2: {  	v3 =	vsub.f32 $1.500000000e+00, v3;
	_ =	sdelay $0x1  }
0xc3: {  	v2 =	vmul.f32 v2, v3;
	_ =	sdelay $0x1  }
0xc4: {  	v3 =	vmul.f32 v2, v1;
	_ =	sdelay $0x1  }
0xc5: {  	v3 =	vmul.f32 v3, v2;
	_ =	sdelay $0x1  }
0xc6: {  	v3 =	vsub.f32 $1.500000000e+00, v3;
	_ =	sdelay $0x1  }
0xc7: {  	v2 =	vmul.f32 v3, v2;
	_ =	sdelay $0x1  }
0xc8: {  	v1 =	vmul.f32 v2, v1;
	_ =	sdelay $0x1  }
0xc9: {  	v1 =	vmul.f32 v1, v2;
	_ =	sdelay $0x1  }
0xca: {  	v1 =	vsub.f32 $1.500000000e+00, v1  }
.Ltmp2:
0xcb: {  	(pc) =	sbr.rel @p1 .LBB2_6-.Ltmp2, $4  }
0xcc: {  	v1 =	vmul.f32 v1, v2  }
0xcd: {  	s30 =	sadd.s32 $0x10, s30  }
0xce: {  	s31 =	sadd.s32 $0x10, s31;
	[tilespmem:s30+$0x0] =	vst v1  }
0xcf: {  	s1 =	sadd.s32 $0x10, s1;
	v1 =	vld [tilespmem:s31+$0x0]  }
0xd0: {  	s0 =	sand.u32 $0x3F0, s0  }
0xd1: {  	v2 =	vld [tilespmem:s0+$0x7980];
	_ =	sdelay $0x1  }
0xd2: {  	v3 =	vld [tilespmem:s0+$0x7C00]  }
0xd3: {  	v1 =	vadd.f32 $1.000000000e+00, v1  }
0xd4: {  	v4 =	vld [tilespmem:s0+$0x7E80]  }
0xd5: {  	v1 =	vadd.f32 v2, v1  }
0xd6: {  	v2 =	vld [tilespmem:s0+$0x8100]  }
0xd7: {  	v1 =	vadd.f32 v3, v1  }
0xd8: {  	v3 =	vld [tilespmem:s0+$0x8380]  }
0xd9: {  	v1 =	vadd.f32 v4, v1  }
0xda: {  	v60 =	vld [tilespmem:s0+$0x8600]  }
0xdb: {  	v1 =	vadd.f32 v2, v1  }
0xdc: {  	v2 =	vld [tilespmem:s0+$0x8880]  }
0xdd: {  	v1 =	vadd.f32 v3, v1  }
0xde: {  	v3 =	vld [tilespmem:s0+$0x8B00]  }
0xdf: {  	v1 =	vadd.f32 v60, v1  }
0xe0: {  	v61 =	vld [tilespmem:s0+$0x8D80]  }
0xe1: {  	v1 =	vadd.f32 v2, v1  }
0xe2: {  	v2 =	vld [tilespmem:s0+$0x9000]  }
0xe3: {  	v1 =	vadd.f32 v3, v1  }
0xe4: {  	v3 =	vld [tilespmem:s0+$0x9280]  }
0xe5: {  	v1 =	vadd.f32 v61, v1  }
0xe6: {  	v62 =	vld [tilespmem:s0+$0x9500]  }
0xe7: {  	v1 =	vadd.f32 v2, v1  }
0xe8: {  	v2 =	vld [tilespmem:s0+$0x9780]  }
0xe9: {  	v1 =	vadd.f32 v3, v1  }
0xea: {  	v3 =	vld [tilespmem:s0+$0x9A00]  }
0xeb: {  	v1 =	vadd.f32 v62, v1  }
0xec: {  	v63 =	vld [tilespmem:s0+$0x9C80]  }
0xed: {  	v1 =	vadd.f32 v2, v1;
	_ =	sdelay $0x1  }
0xee: {  	v1 =	vadd.f32 v3, v1;
	_ =	sdelay $0x1  }
0xef: {  	v1 =	vadd.f32 v63, v1;
	_ =	sdelay $0x1  }
0xf0: {  	v2 =	vshra.s32 v1, $0x1;
	v1 =	vmul.f32 $5.000000000e-01, v1  }
0xf1: {  	v2 =	vsub.s32 $0x5F3759DF, v2  }
0xf2: {  	v3 =	vmul.f32 v2, v1;
	_ =	sdelay $0x1  }
0xf3: {  	v3 =	vmul.f32 v2, v3;
	_ =	sdelay $0x1  }
0xf4: {  	v3 =	vsub.f32 $1.500000000e+00, v3;
	_ =	sdelay $0x1  }
0xf5: {  	v2 =	vmul.f32 v2, v3;
	_ =	sdelay $0x1  }
0xf6: {  	v3 =	vmul.f32 v2, v1;
	_ =	sdelay $0x1  }
0xf7: {  	v3 =	vmul.f32 v3, v2;
	_ =	sdelay $0x1  }
0xf8: {  	v3 =	vsub.f32 $1.500000000e+00, v3;
	_ =	sdelay $0x1  }
0xf9: {  	v2 =	vmul.f32 v3, v2;
	_ =	sdelay $0x1  }
0xfa: {  	v1 =	vmul.f32 v2, v1;
	_ =	sdelay $0x1  }
0xfb: {  	v1 =	vmul.f32 v1, v2;
	_ =	sdelay $0x1  }
0xfc: {  	v1 =	vsub.f32 $1.500000000e+00, v1;
	_ =	sdelay $0x1  }
0xfd: {  	v1 =	vmul.f32 v1, v2  }
0xfe: {  	s31 =	sadd.s32 $0x10, s30;
	s29 =	sadd.s32 $0x1, s29  }
0xff: {  	s1 =	simm.s32 @!p0 $0x9F00;
	p1 =	sne.s32 s29, s23;
	s0 =	simm.s32 @!p0 $0x0;
	[tilespmem:s31+$0x0] =	vst v1  }
0x100: {  	[hbm4b:s22+s0] =	stream.linear.scatter @!p0 [tilespmem:s1], [sflag:$0x1], $0x280, $0x38;
	[tilespmem:$0xC980] =	vst v63  }
.Ltmp3:
0x101: {  	_ = 	snop;
	(pc) =	sbr.rel @p1 .LBB2_1-.Ltmp3, $4  }
0x102: {  	s0 =	simm.s32 @!p0 $0x1  }
0x103: {  	_ =	swait.ge @!p0 [sflag:s0], $0x280  }
0x104: {  	[sflag:s0] =	ssyncset.done @!p0 $0x0  }
0x105: {  	[sflag:s0] =	ssyncadd.s32 @!p0 $0xFFFFFD80  }
0x106: {  	_ =	sfence.sel $0x180000  }
0x107: {  	[bflag:$0x0] =	sbarrier.arrive $0xFFFF  }
0x108: {  	_ =	strace $0x90000047  }
0x109: {  	s0 =	stileid.u32;
	[bflag:$0x2] =	sbarrier.arrive $0xFFFF  }
0x10a: {  	p0 =	sne.s32 s0, $0x0;
	s0 =	rddreg [dreg:$0x2]  }
0x10b: {  	s0 =	sadd.s32 @!p0 $0x100000, s0  }
0x10c: {  	[sflag:s0] =	ssyncadd.tile.s32 @!p0 $0x1;
	_ =	shalt  }
.Lfunc_end2:
_tile_overlayer_lowered:
.L_overlay_start_2:
0x10d: {  	(tag) =	ssettag $0x2  }
0x10e: {  	s0 =	rddreg [dreg:$0x0];
	s2 =	stileid.u32  }
0x10f: {  	s1 =	rddreg [dreg:$0x1];
	p0 =	sne.s32 s2, $0x0  }
0x110: {  	s3 =	rddreg [dreg:$0x2];
	[bflag:$0x3] =	sbarrier.arrive $0xFFFF;
	s2 =	simm.s32 @!p0 $0x1C01  }
0x111: {  	[timem:s3], [sflag:s2] =	dma.local @!p0 [hbm:s0], s1  }
0x112: {  	s0 =	simm.s32 @!p0 $0x1  }
0x113: {  	_ =	swait.ge @!p0 [sflag:s0], s1  }
0x114: {  	s1 =	ssub.s32 @!p0 $0x0, s1;
	[sflag:s0] =	ssyncset.done @!p0 $0x0  }
0x115: {  	[sflag:s0] =	ssyncadd.s32 @!p0 s1  }
0x116: {  	[bflag:$0x3] =	sbarrier.arrive $0xFFFF  }
0x117: {  	_ =	shalt  }

// kernel: kernel.9.cloned.1.call-start
scs
__scs_entry_jumppad:
0x0: {  	(pc) =	sbr.rel $0x88, $3  }
0x1: {  	(tag) =	ssettag $0x0;
	lr =	simm.s32 $0x1  }
0x2: {  	[smem:$0x3F98] =	sst lr;
	_ =	strace $0xD0000000  }
0x3: {  	_ = 	snop  }
0x4: {  	_ = 	snop  }
0x5: {  	_ = 	snop  }
0x6: {  	_ = 	snop  }
0x7: {  	_ = 	snop  }
__scs_overlays_trampoline_lowered:
0x8: {  	[smem:$0x3FA7] =	sst s0  }
0x9: {  	[smem:$0x3FA8] =	sst s1  }
0xa: {  	[smem:$0x3FA9] =	sst s2  }
0xb: {  	[smem:$0x3FAA] =	sst s3  }
0xc: {  	[smem:$0x3FAB] =	sst s4  }
0xd: {  	[smem:$0x3FAC] =	sst s5  }
0xe: {  	[smem:$0x3FAD] =	sst s6  }
0xf: {  	[smem:$0x3FAE] =	sst s7  }
0x10: {  	[smem:$0x3FAF] =	sst s8  }
0x11: {  	[smem:$0x3FB0] =	sst s9;
	s0 =	simm.s32 @!p0 $0x0  }
0x12: {  	s1 =	sld [smem:$0x3F96];
	s0 =	simm.s32 @p0 $0x1  }
0x13: {  	[smem:$0x3FB1] =	sst s0;
	s0 =	simm.s32 @!p1 $0x0  }
0x14: {  	s2 =	sld [smem:$0x3F95];
	s0 =	simm.s32 @p1 $0x1  }
0x15: {  	[smem:$0x3FB2] =	sst s0;
	s0 =	simm.s32 @!p2 $0x0  }
0x16: {  	s3 =	sld [smem:$0x3FDB];
	s0 =	simm.s32 @p2 $0x1  }
0x17: {  	s4 =	simm.s32 $0x1BF5;
	[smem:$0x3FB4] =	sst s0  }
0x18: {  	s0 =	sld [smem:$0x3F97];
	_ =	swait.ge [sflag:s4], $0x0  }
0x19: {  	s7 =	sld [smem:$0x3F98]  }
0x1a: {  	s8 =	sadd.s32 $0xFFFFE003, lr  }
0x1b: {  	s9 =	sadd.s32 $0xFFFFFEF7, lr;
	s5 =	simm.s32 $0xFFFFFFFF;
	p2 =	slt.u32 s8, $0xFFFFF086  }
0x1c: {  	p1 =	slt.u32 s9, $0xF7A;
	s5 =	simm.s32 @!p2 $0x0  }
0x1d: {  	s5 =	simm.s32 @p1 $0x1;
	p0 =	seq.s32 s7, s2  }
0x1e: {  	s7 =	smul.u32 @!p0 $0xF7A, s2;
	p2 =	seq.s32 @!p0 s5, $0x0  }
0x1f: {  	s9 =	smul.u32 $0xF7A, s1;
	s8 =	simm.s32 @!p0 $0x1BF5;
	p2 =	por !p2, p0  }
0x20: {  	[sflag:s8] =	ssyncset.s32 @!p0 $0xFFFFF086;
	s6 =	sadd.s32 @!p0 s3, s7;
	s7 =	simm.s32 @!p0 $0x108  }
0x21: {  	s3 =	sadd.s32 s3, s9;
	s6 =	sadd.s32 @!p0 $0x88, s6;
	s7 =	simm.s32 @p2 $0x1082  }
0x22: {  	[simem:s7], [sflag:s8] =	dma.local @!p0 [hbm:s6], $0xF7A  }
0x23: {  	s9 =	sor.u32 $0xD0000000, s2;
	s6 =	simm.s32 $0x108;
	_ =	swait.ge @!p0 [sflag:s8], $0x0  }
0x24: {  	s3 =	sadd.s32 $0x88, s3;
	s6 =	simm.s32 @!p1 $0x1082;
	[sflag:s4] =	ssyncset.s32 $0xFFFFF086  }
0x25: {  	[simem:s6], [sflag:s4] =	dma.local [hbm:s3], $0xF7A  }
0x26: {  	[smem:$0x3F98] =	sst s1;
	(tag) =	ssettag s2;
	_ =	strace s9  }
0x27: {  	s1 =	sld [smem:$0x3FA8]  }
0x28: {  	s2 =	sld [smem:$0x3FA9]  }
0x29: {  	s4 =	sld [smem:$0x3FAB]  }
0x2a: {  	p0 =	seq.s32 s5, $0x0;
	s5 =	sld [smem:$0x3FAC]  }
0x2b: {  	s6 =	sld [smem:$0x3FAD]  }
0x2c: {  	s7 =	sld [smem:$0x3FAE]  }
0x2d: {  	s3 =	simm.s32 $0x108;
	s8 =	sld [smem:$0x3FAF]  }
0x2e: {  	s3 =	simm.s32 @!p0 $0x1082;
	s9 =	sld [smem:$0x3FB0]  }
0x2f: {  	lr =	sadd.s32 s0, s3;
	s0 =	sld [smem:$0x3FA7]  }
0x30: {  	s3 =	sld [smem:$0x3FAA]  }
0x31: {  	[smem:$0x3FB3] =	sst s10  }
0x32: {  	s10 =	sld [smem:$0x3FB1];
	_ =	sdelay $0x3  }
0x33: {  	p0 =	seq.s32 s10, $0x1;
	s10 =	sld [smem:$0x3FB3];
	_ =	sdelay $0x3  }
0x34: {  	[smem:$0x3FB3] =	sst s10  }
0x35: {  	s10 =	sld [smem:$0x3FB2];
	_ =	sdelay $0x3  }
0x36: {  	p1 =	seq.s32 s10, $0x1;
	s10 =	sld [smem:$0x3FB3];
	_ =	sdelay $0x3  }
0x37: {  	[smem:$0x3FB3] =	sst s10  }
0x38: {  	s10 =	sld [smem:$0x3FB4]  }
0x39: {  	_ = 	snop;
	(pc) =	sbr.ind lr, $3  }
0x3a: {  	_ = 	snop  }
0x3b: {  	_ = 	snop  }
0x3c: {  	p2 =	seq.s32 s10, $0x1;
	s10 =	sld [smem:$0x3FB3]  }
0x3d: {  	_ =	shalt  }
0x3e: {  	_ =	shalt  }
0x3f: {  	_ =	shalt  }
0x40: {  	_ =	shalt  }
0x41: {  	_ =	shalt  }
0x42: {  	_ =	shalt  }
0x43: {  	_ =	shalt  }
0x44: {  	_ =	shalt  }
0x45: {  	_ =	shalt  }
0x46: {  	_ =	shalt  }
0x47: {  	_ =	shalt  }
0x48: {  	_ =	shalt  }
0x49: {  	_ =	shalt  }
0x4a: {  	_ =	shalt  }
0x4b: {  	_ =	shalt  }
0x4c: {  	_ =	shalt  }
0x4d: {  	_ =	shalt  }
0x4e: {  	_ =	shalt  }
0x4f: {  	_ =	shalt  }
0x50: {  	_ =	shalt  }
0x51: {  	_ =	shalt  }
0x52: {  	_ =	shalt  }
0x53: {  	_ =	shalt  }
0x54: {  	_ =	shalt  }
0x55: {  	_ =	shalt  }
0x56: {  	_ =	shalt  }
0x57: {  	_ =	shalt  }
0x58: {  	_ =	shalt  }
0x59: {  	_ =	shalt  }
0x5a: {  	_ =	shalt  }
0x5b: {  	_ =	shalt  }
0x5c: {  	_ =	shalt  }
0x5d: {  	_ =	shalt  }
0x5e: {  	_ =	shalt  }
0x5f: {  	_ =	shalt  }
0x60: {  	_ =	shalt  }
0x61: {  	_ =	shalt  }
0x62: {  	_ =	shalt  }
0x63: {  	_ =	shalt  }
0x64: {  	_ =	shalt  }
0x65: {  	_ =	shalt  }
0x66: {  	_ =	shalt  }
0x67: {  	_ =	shalt  }
0x68: {  	_ =	shalt  }
0x69: {  	_ =	shalt  }
0x6a: {  	_ =	shalt  }
0x6b: {  	_ =	shalt  }
0x6c: {  	_ =	shalt  }
0x6d: {  	_ =	shalt  }
0x6e: {  	_ =	shalt  }
0x6f: {  	_ =	shalt  }
0x70: {  	_ =	shalt  }
0x71: {  	_ =	shalt  }
0x72: {  	_ =	shalt  }
0x73: {  	_ =	shalt  }
0x74: {  	_ =	shalt  }
0x75: {  	_ =	shalt  }
0x76: {  	_ =	shalt  }
0x77: {  	_ =	shalt  }
0x78: {  	_ =	shalt  }
0x79: {  	_ =	shalt  }
0x7a: {  	_ =	shalt  }
0x7b: {  	_ =	shalt  }
0x7c: {  	_ =	shalt  }
0x7d: {  	_ =	shalt  }
0x7e: {  	_ =	shalt  }
0x7f: {  	_ =	shalt  }
0x80: {  	_ =	shalt  }
0x81: {  	_ =	shalt  }
0x82: {  	_ =	shalt  }
0x83: {  	_ =	shalt  }
0x84: {  	_ =	shalt  }
0x85: {  	_ =	shalt  }
0x86: {  	_ =	shalt  }
0x87: {  	_ =	shalt  }
.Lfunc_end0:
.L_simem_size_0:
called_computation.1_lowered:
.L_overlay_start_0:
0x88: {  	s2 =	sld [smem:$0x3FD9]  }
0x89: {  	s3 =	sld [smem:$0x3FFE];
	_ =	sdelay $0x1  }
0x8a: {  	s1 =	srdreg.scid  }
0x8b: {  	s0 =	sand.u32 $0x1, s1  }
0x8c: {  	s17 =	sshll.u32 s0, $0xA;
	s2 =	sadd.s32 s3, s2  }
0x8d: {  	s2 =	sadd.s32 s2, s17  }
0x8e: {  	[smem:$0x3FBF] =	sst s2  }
0x8f: {  	_ = 	snop  }
0x90: {  	s2 =	sld [smem:$0x3FC3]  }
0x91: {  	s18 =	sld [smem:$0x3FD0];
	(tm) =	ssettm $0x1  }
0x92: {  	s4 =	sld [smem:$0x3FFB];
	_ =	sdelay $0x3  }
0x93: {  	_ =	strace s4  }
0x94: {  	s4 =	sld [smem:$0x3FFC];
	_ =	sdelay $0x3  }
0x95: {  	_ =	strace s4  }
0x96: {  	s4 =	sld [smem:$0x3FFD];
	_ =	sdelay $0x3  }
0x97: {  	_ =	strace s4  }
0x98: {  	_ =	strace $0x8FFFFFFF  }
0x99: {  	s19 =	sld [smem:$0x3FDB];
	_ =	sdelay $0x1  }
0x9a: {  	s5 =	simm.s32 $_scs_section_size  }
0x9b: {  	s6 =	simm.s32 $_size__tile_overlayer_lowered;
	s7 =	simm.s32 $_tile_overlayer_lowered  }
0x9c: {  	s22 =	simm.s32 $0x1BFF;
	s21 =	sshll.u32 s7, $0x1;
	s4 =	sadd.s32 s5, s19  }
0x9d: {  	s8 =	simm.s32 $0x0;
	s20 =	sshll.u32 s6, $0x1;
	s6 =	sadd.s32 s21, s4  }
0x9e: {  	[timem:s8], [sflag:s22] =	dma.local [hbm:s6], s20  }
0x9f: {  	_ =	swait.ge [sflag:s22], s20  }
0xa0: {  	s5 =	ssub.s32 $0x0, s20;
	[sflag:s22] =	ssyncset.done $0x0  }
0xa1: {  	[sflag:s22] =	ssyncadd.s32 s5;
	_ =	sdelay $0x1  }
0xa2: {  	s23 =	simm.s32 $0x1B8B  }
0xa3: {  	_ =	swait.ge [sflag:s23], $0x1  }
0xa4: {  	[sflag:s23] =	ssyncset.done $0x0  }
0xa5: {  	s25 =	simm.s32 $0x1B8E;
	s24 =	sld [smem:$0x3FFE];
	[sflag:s23] =	ssyncadd.s32 $0xFFFFFFFF  }
0xa6: {  	s26 =	simm.s32 $execute0_lowered;
	[smem:$0x3FD2] =	sst s25  }
0xa7: {  	s6 =	sshll.u32 s26, $0x1;
	_ =	strace $0x80000049;
	[dreg:$0x1] =	wrdreg $0xFFFFFFFF  }
0xa8: {  	s28 =	simm.s32 $_size_execute0_lowered;
	s4 =	sadd.s32 s4, s6;
	[dreg:$0x0] =	wrdreg $0x0  }
0xa9: {  	s6 =	sshll.u32 s28, $0x1;
	[dreg:$0x2] =	wrdreg s4  }
0xaa: {  	[dreg:$0x3] =	wrdreg s6  }
0xab: {  	[dreg:$0x4] =	wrdreg $0xC0  }
0xac: {  	_ =	task [dreg:s8], $0x5FFFF  }
0xad: {  	[dreg:$0x1] =	wrdreg $0xFFFFFFFF  }
0xae: {  	[dreg:$0x0] =	wrdreg $0x60  }
0xaf: {  	[dreg:$0x2] =	wrdreg s24  }
0xb0: {  	[dreg:$0x3] =	wrdreg s2  }
0xb1: {  	[dreg:$0x4] =	wrdreg s18  }
0xb2: {  	[dreg:$0x5] =	wrdreg $0x137000  }
0xb3: {  	[dreg:$0x6] =	wrdreg $0x9  }
0xb4: {  	_ =	task.clear_ibuf [dreg:s8], $0x7FFFF;
	_ =	strace $0x90000049  }
0xb5: {  	s29 =	simm.s32 $0x9;
	_ =	strace $0x8000004B  }
0xb6: {  	_ =	swait.ge [sflag:s29], $0x1  }
0xb7: {  	[sflag:s29] =	ssyncadd.s32 $0xFFFFFFFF  }
0xb8: {  	_ =	strace $0x9000004B  }
0xb9: {  	_ =	sfence  }
0xba: {  	s30 =	sld [smem:$0x0];
	_ =	sdelay $0x2  }
0xbb: {  	s31 =	sshll.u32 s1, $0xD;
	s1 =	sshrl.u32 s1, $0x2  }
0xbc: {  	s3 =	sand.u32 $0x4000, s31;
	s1 =	sadd.s32 s1, s30  }
0xbd: {  	s0 =	sor.u32 s3, s0;
	s1 =	sshll.u32 s1, $0x11  }
0xbe: {  	s0 =	sor.u32 s1, s0  }
0xbf: {  	s0 =	sadd.s32 $0x8F2B, s0  }
0xc0: {  	[sflag:s0] =	ssyncadd.remote.s32 $0x1  }
0xc1: {  	_ =	sfence.sel $0xFFFF  }
0xc2: {  	[dreg:$0x0] =	wrdreg $0xFFFFFFFF;
	(pc) =	sbr.abs _section_cstart, $3  }
0xc3: {  	[dreg:$0x1] =	wrdreg $0xFFFFFFFF  }
0xc4: {  	_ =	task.clear_ibuf [dreg:s8], $0x2FFFF;
	_ =	strace $0x9FFFFFFF  }
0xc5: {  	(tm) =	ssettm $0x7FFFFFFF  }
tec
execute0_lowered:
.L_overlay_start_1:
0x0: {  	(tag) =	ssettag $0x1  }
0x1: {  	s0 =	rddreg [dreg:$0x0]  }
0x2: {  	s1 =	rddreg [dreg:$0x2]  }
0x3: {  	s3 =	rddreg [dreg:$0x3];
	s4 =	simm.s32 $0x0;
	s19 =	stileid.u32  }
0x4: {  	s5 =	srdreg.scid;
	s28 =	simm.s32 $0x80;
	s29 =	simm.s32 $0x9F80  }
0x5: {  	s30 =	simm.s32 $0x12F00;
	s31 =	simm.s32 $0x2;
	[smem:$0x7FF] =	sst s4  }
0x6: {  	s2 =	smul.u32 $0x4F0, s19;
	s5 =	sand.u32 $0x1, s5;
	s6 =	sadd.s32 $0xB400, s0  }
0x7: {  	s10 =	smul.u32 $0x28000, s19;
	s7 =	sadd.s32 $0x37C00, s0;
	s15 =	sadd.s32 $0x1388, s19  }
0x8: {  	s21 =	sshll.u32 s19, $0x8;
	s23 =	sshll.u32 s19, $0x3;
	s24 =	sshll.u32 s19, $0xA  }
0x9: {  	_ =	strace $0x8000004A;
	[dreg:$0x5] =	wrdreg s6;
	s8 =	ssub.s32 $0x2, s5  }
0xa: {  	s6 =	sadd.s32 $0x10A00, s0;
	s18 =	smul.u32 $0x27100, s5;
	s2 =	sadd.s32 s2, s0  }
0xb: {  	s9 =	sshrl.u32 s8, $0x1;
	s11 =	sshrl.u32 s10, $0x2;
	s0 =	simm.s32 $0x13300  }
0xc: {  	s14 =	ssub.s32 s8, s9;
	s8 =	smul.u32 $0x1388, s5;
	s16 =	sadd.s32 $0xBA00, s2  }
0xd: {  	s17 =	sadd.s32 $0x6400, s2;
	s10 =	sadd.s32 $0x1400, s2;
	s11 =	sadd.s32 s11, s3  }
0xe: {  	s20 =	sadd.s32 s18, s1;
	s18 =	sshll.u32 s19, $0x7;
	[dreg:$0x6] =	wrdreg s16  }
0xf: {  	s2 =	simm.s32 $0x0;
	[dreg:$0x7] =	wrdreg s17;
	s16 =	smul.u32 $0x13880, s5  }
.Ltmp0:
0x10: {  	s12 =	sadd.s32 $0x4000, s11;
	s13 =	sadd.s32 $0x8000, s11;
	(pc) =	sbr.rel .LBB2_1-.Ltmp0, $4  }
0x11: {  	s14 =	smax.u32 s14, $0x1;
	s5 =	sadd.s32 s21, s20;
	s21 =	simm.s32 $0x1  }
0x12: {  	s17 =	sadd.s32 s23, s8;
	s23 =	sadd.s32 s24, s3;
	s20 =	sadd.s32 $0x80, s5  }
0x13: {  	s24 =	simm.s32 $0x7680;
	s22 =	sadd.s32 s16, s6;
	s26 =	sadd.s32 s16, s7  }
0x14: {  	v2 =	vimm.f32 $0.0e+00;
	v1 =	vmov s15;
	v0 =	vmov s8;
	s25 =	sadd.s32 s18, s22;
	s19 =	sadd.s32 s18, s26;
	s26 =	simm.s32 $0xEF00  }
.LBB2_23:
0x15: {  	s2 =	sadd.s32 $0x1, s2  }
0x16: {  	p0 =	sne.s32 s2, s14  }
.Ltmp1:
0x17: {  	_ = 	snop;
	(pc) =	sbr.rel @!p0 .LBB2_24-.Ltmp1, $2  }
0x18: {  	_ =	sdelay $0x1  }
0x19: {  	[bflag:$0x0] =	sbarrier.arrive $0xFFFF;
	_ =	sdelay $0x1  }
.LBB2_1:
0x1a: {  	s1 =	rddreg [dreg:$0x6]  }
0x1b: {  	[tilespmem:s4], [sflag:$0x1] =	stream.linear.gather [hbm4b:s1+s4], $0x2780, $0x38;
	[tilespmem:$0x1D700] =	vst v63  }
0x1c: {  	_ =	swait.ge [sflag:s21], $0x2780  }
0x1d: {  	[sflag:s21] =	ssyncset.done $0x0  }
0x1e: {  	s8 =	simm.s32 $0x2780;
	s9 =	rddreg [dreg:$0x7];
	[sflag:s21] =	ssyncadd.s32 $0xFFFFD880  }
0x1f: {  	[tilespmem:s8], [sflag:$0x1] =	stream.linear.gather [hbm4b:s9+s4], $0x2780, $0x38;
	[tilespmem:$0x1D700] =	vst v63  }
0x20: {  	_ =	swait.ge [sflag:s21], $0x2780  }
0x21: {  	[sflag:s21] =	ssyncset.done $0x0  }
0x22: {  	s15 =	simm.s32 $0x4F00;
	[sflag:s21] =	ssyncadd.s32 $0xFFFFD880  }
0x23: {  	[tilespmem:s15], [sflag:$0x1] =	stream.linear.gather [hbm4b:s10+s4], $0x2780, $0x38;
	[tilespmem:$0x1D700] =	vst v63  }
0x24: {  	_ =	swait.ge [sflag:s21], $0x2780  }
0x25: {  	[sflag:s21] =	ssyncset.done $0x0  }
0x26: {  	s16 =	rddreg [dreg:$0x5];
	[sflag:s21] =	ssyncadd.s32 $0xFFFFD880  }
0x27: {  	[tilespmem:s24], [sflag:$0x1] =	stream.linear.gather [hbm4b:s16+s4], $0x2800, $0x38;
	[tilespmem:$0x1D700] =	vst v63  }
0x28: {  	_ =	swait.ge [sflag:s21], $0x2800  }
0x29: {  	[sflag:s21] =	ssyncset.done $0x0  }
0x2a: {  	[sflag:s21] =	ssyncadd.s32 $0xFFFFD800  }
0x2b: {  	s22 =	simm.s32 $0x9E80;
	s18 =	rddreg [dreg:$0x1]  }
0x2c: {  	[tilespmem:s22], [sflag:$0x1] =	stream.linear.gather [hbm4b:s18+s4], $0x100, $0x38;
	[tilespmem:$0x1D700] =	vst v63  }
0x2d: {  	_ =	swait.ge [sflag:s21], $0x100  }
0x2e: {  	[sflag:s21] =	ssyncset.done $0x0  }
0x2f: {  	s1 =	simm.s32 $0x0;
	[sflag:s21] =	ssyncadd.s32 $0xFFFFFF00  }
0x30: {  	v3 =	vld [tilespmem:s1+$0x0]  }
0x31: {  	v4 =	vld [tilespmem:s1+$0x2780];
	_ =	sdelay $0x4  }
0x32: {  	v4 =	vsub.s32 v4, v0  }
0x33: {  	v6 =	vld [tilespmem:s1+$0x4F00];
	vm0 =	vlt.u32 v4, $0x1388  }
0x34: {  	v4 =	vsel vm0, v4, v1;
	v3 =	vld.idx.msk [tilespmem:v3+s24+$0x0], $0xffff  }
0x35: {  	[tilespmem:s1+$0xC700] =	vst v4;
	v4 =	vld [tilespmem:s1+$0x10]  }
0x36: {  	v5 =	vld [tilespmem:s1+$0x2790];
	_ =	sdelay $0x2  }
0x37: {  	v3 =	vmul.f32 v6, v3;
	_ =	sdelay $0x1  }
0x38: {  	[tilespmem:s1+$0x9F80] =	vst v3;
	v3 =	vsub.s32 v5, v0  }
0x39: {  	v5 =	vld [tilespmem:s1+$0x4F10];
	vm11 =	vlt.u32 v3, $0x1388  }
0x3a: {  	v4 =	vld.idx.msk [tilespmem:v4+s24+$0x0], $0xffff;
	v3 =	vsel vm11, v3, v1  }
0x3b: {  	[tilespmem:s1+$0xC710] =	vst v3;
	v3 =	vld [tilespmem:s1+$0x20];
	_ =	sdelay $0x3  }
0x3c: {  	v4 =	vmul.f32 v5, v4  }
0x3d: {  	v6 =	vld [tilespmem:s1+$0x30]  }
0x3e: {  	[tilespmem:s1+$0x9F90] =	vst v4;
	v4 =	vld [tilespmem:s1+$0x27A0]  }
0x3f: {  	v5 =	vld [tilespmem:s1+$0x4F20]  }
0x40: {  	v3 =	vld.idx.msk [tilespmem:v3+s24+$0x0], $0xffff;
	_ =	sdelay $0x2  }
0x41: {  	v4 =	vsub.s32 v4, v0  }
0x42: {  	vm12 =	vlt.u32 v4, $0x1388  }
0x43: {  	v4 =	vsel vm12, v4, v1;
	v3 =	vmul.f32 v5, v3  }
0x44: {  	[tilespmem:s1+$0xC720] =	vst v4;
	v4 =	vld [tilespmem:s1+$0x4F30]  }
0x45: {  	[tilespmem:s1+$0x9FA0] =	vst v3;
	v3 =	vld [tilespmem:s1+$0x27B0]  }
0x46: {  	v5 =	vld.idx.msk [tilespmem:v6+s24+$0x0], $0xffff  }
0x47: {  	v6 =	vld [tilespmem:s1+$0x40];
	_ =	sdelay $0x2  }
0x48: {  	v3 =	vsub.s32 v3, v0  }
0x49: {  	vm13 =	vlt.u32 v3, $0x1388  }
0x4a: {  	v4 =	vmul.f32 v4, v5;
	v3 =	vsel vm13, v3, v1  }
0x4b: {  	[tilespmem:s1+$0xC730] =	vst v3;
	v3 =	vld [tilespmem:s1+$0x4F40]  }
0x4c: {  	[tilespmem:s1+$0x9FB0] =	vst v4;
	v4 =	vld [tilespmem:s1+$0x27C0]  }
0x4d: {  	v5 =	vld.idx.msk [tilespmem:v6+s24+$0x0], $0xffff  }
0x4e: {  	v6 =	vld [tilespmem:s1+$0x50];
	_ =	sdelay $0x2  }
0x4f: {  	v4 =	vsub.s32 v4, v0  }
0x50: {  	vm14 =	vlt.u32 v4, $0x1388  }
0x51: {  	v3 =	vmul.f32 v3, v5;
	v4 =	vsel vm14, v4, v1  }
0x52: {  	[tilespmem:s1+$0xC740] =	vst v4;
	v4 =	vld [tilespmem:s1+$0x4F50]  }
0x53: {  	[tilespmem:s1+$0x9FC0] =	vst v3;
	v3 =	vld [tilespmem:s1+$0x27D0]  }
0x54: {  	v5 =	vld.idx.msk [tilespmem:v6+s24+$0x0], $0xffff  }
0x55: {  	v6 =	vld [tilespmem:s1+$0x60];
	_ =	sdelay $0x2  }
0x56: {  	v3 =	vsub.s32 v3, v0  }
0x57: {  	vm15 =	vlt.u32 v3, $0x1388;
	v4 =	vmul.f32 v4, v5;
	v5 =	vld [tilespmem:s1+$0x4F60]  }
0x58: {  	v7 =	vsel vm15, v3, v1;
	v3 =	vld [tilespmem:s1+$0x27F0]  }
0x59: {  	[tilespmem:s1+$0xC750] =	vst v7;
	v7 =	vld [tilespmem:s1+$0x27E0]  }
0x5a: {  	[tilespmem:s1+$0x9FD0] =	vst v4;
	v4 =	vld [tilespmem:s1+$0x70]  }
0x5b: {  	s8 =	simm.s32 $0x200;
	s15 =	simm.s32 $0x400;
	v6 =	vld.idx.msk [tilespmem:v6+s24+$0x0], $0xffff  }
.LBB2_2:
0x5c: {  	p0 =	sne.s32 s15, $0x9C00;
	_ =	sdelay $0x1  }
0x5d: {  	v7 =	vsub.s32 v7, v0  }
0x5e: {  	vm0 =	vlt.u32 v7, $0x1388  }
0x5f: {  	v3 =	vsub.s32 v3, v0;
	v5 =	vmul.f32 v5, v6;
	v6 =	vsel vm0, v7, v1  }
0x60: {  	s16 =	sshra.s32 s8, $0x2;
	s8 =	smov.u32 s15;
	vm0 =	vlt.u32 v3, $0x1388;
	[tilespmem:s1+$0xC760] =	vst v6;
	v6 =	vld [tilespmem:s1+$0x4F70]  }
0x61: {  	v3 =	vsel vm0, v3, v1;
	v7 =	vld [tilespmem:s16+$0x2780];
	[tilespmem:s1+$0x9FE0] =	vst v5  }
0x62: {  	v4 =	vld.idx.msk [tilespmem:v4+s24+$0x0], $0xffff;
	[tilespmem:s1+$0xC770] =	vst v3  }
0x63: {  	v3 =	vld [tilespmem:s16+$0x0];
	_ =	sdelay $0x4  }
0x64: {  	v5 =	vsub.s32 v7, v0;
	v4 =	vmul.f32 v6, v4  }
0x65: {  	vm0 =	vlt.u32 v5, $0x1388;
	v6 =	vld [tilespmem:s16+$0x2790]  }
0x66: {  	v5 =	vsel vm0, v5, v1;
	v7 =	vld [tilespmem:s16+$0x4F00];
	[tilespmem:s1+$0x9FF0] =	vst v4;
	s1 =	smov.u32 s16  }
0x67: {  	v3 =	vld.idx.msk [tilespmem:v3+s24+$0x0], $0xffff;
	[tilespmem:s1+$0xC700] =	vst v5  }
0x68: {  	v4 =	vld [tilespmem:s1+$0x10];
	_ =	sdelay $0x4  }
0x69: {  	v5 =	vsub.s32 v6, v0;
	v3 =	vmul.f32 v7, v3  }
0x6a: {  	vm0 =	vlt.u32 v5, $0x1388  }
0x6b: {  	v5 =	vsel vm0, v5, v1;
	[tilespmem:s1+$0x9F80] =	vst v3;
	v3 =	vld [tilespmem:s1+$0x4F10]  }
0x6c: {  	v4 =	vld.idx.msk [tilespmem:v4+s24+$0x0], $0xffff;
	[tilespmem:s1+$0xC710] =	vst v5  }
0x6d: {  	v5 =	vld [tilespmem:s1+$0x20];
	_ =	sdelay $0x4  }
0x6e: {  	v3 =	vmul.f32 v3, v4  }
0x6f: {  	v4 =	vld [tilespmem:s1+$0x4F20]  }
0x70: {  	[tilespmem:s1+$0x9F90] =	vst v3;
	v3 =	vld [tilespmem:s1+$0x27A0]  }
0x71: {  	v5 =	vld.idx.msk [tilespmem:v5+s24+$0x0], $0xffff  }
0x72: {  	v6 =	vld [tilespmem:s1+$0x30];
	_ =	sdelay $0x2  }
0x73: {  	v3 =	vsub.s32 v3, v0  }
0x74: {  	vm0 =	vlt.u32 v3, $0x1388  }
0x75: {  	v4 =	vmul.f32 v4, v5;
	v3 =	vsel vm0, v3, v1  }
0x76: {  	[tilespmem:s1+$0xC720] =	vst v3;
	v3 =	vld [tilespmem:s1+$0x4F30]  }
0x77: {  	[tilespmem:s1+$0x9FA0] =	vst v4;
	v4 =	vld [tilespmem:s1+$0x27B0]  }
0x78: {  	v5 =	vld.idx.msk [tilespmem:v6+s24+$0x0], $0xffff  }
0x79: {  	v6 =	vld [tilespmem:s1+$0x40];
	_ =	sdelay $0x2  }
0x7a: {  	v4 =	vsub.s32 v4, v0  }
0x7b: {  	vm0 =	vlt.u32 v4, $0x1388  }
0x7c: {  	v3 =	vmul.f32 v3, v5;
	v4 =	vsel vm0, v4, v1  }
0x7d: {  	[tilespmem:s1+$0xC730] =	vst v4;
	v4 =	vld [tilespmem:s1+$0x4F40]  }
0x7e: {  	[tilespmem:s1+$0x9FB0] =	vst v3;
	v3 =	vld [tilespmem:s1+$0x27C0]  }
0x7f: {  	v5 =	vld.idx.msk [tilespmem:v6+s24+$0x0], $0xffff  }
0x80: {  	v6 =	vld [tilespmem:s1+$0x50];
	_ =	sdelay $0x2  }
0x81: {  	v3 =	vsub.s32 v3, v0  }
0x82: {  	vm0 =	vlt.u32 v3, $0x1388  }
0x83: {  	v4 =	vmul.f32 v4, v5;
	v3 =	vsel vm0, v3, v1  }
0x84: {  	[tilespmem:s1+$0xC740] =	vst v3;
	v3 =	vld [tilespmem:s1+$0x4F50]  }
0x85: {  	[tilespmem:s1+$0x9FC0] =	vst v4;
	v4 =	vld [tilespmem:s1+$0x27D0]  }
0x86: {  	v5 =	vld.idx.msk [tilespmem:v6+s24+$0x0], $0xffff  }
0x87: {  	v6 =	vld [tilespmem:s1+$0x60];
	_ =	sdelay $0x2  }
0x88: {  	v4 =	vsub.s32 v4, v0  }
0x89: {  	vm0 =	vlt.u32 v4, $0x1388  }
.Ltmp2:
0x8a: {  	v7 =	vmul.f32 v3, v5;
	v4 =	vsel vm0, v4, v1;
	v3 =	vld [tilespmem:s1+$0x27F0];
	(pc) =	sbr.rel @p0 .LBB2_2-.Ltmp2, $4  }
0x8b: {  	[tilespmem:s1+$0xC750] =	vst v4;
	v5 =	vld [tilespmem:s1+$0x4F60]  }
0x8c: {  	[tilespmem:s1+$0x9FD0] =	vst v7;
	v7 =	vld [tilespmem:s1+$0x27E0]  }
0x8d: {  	v6 =	vld.idx.msk [tilespmem:v6+s24+$0x0], $0xffff  }
0x8e: {  	s15 =	sadd.s32 $0x200, s15;
	v4 =	vld [tilespmem:s1+$0x70]  }
0x8f: {  	_ =	sdelay $0x2  }
0x90: {  	v7 =	vsub.s32 v7, v0  }
0x91: {  	vm0 =	vlt.u32 v7, $0x1388  }
0x92: {  	v3 =	vsub.s32 v3, v0;
	v5 =	vmul.f32 v5, v6;
	v7 =	vsel vm0, v7, v1  }
0x93: {  	s8 =	sshra.s32 s8, $0x2;
	v46 =	vld [tilespmem:s1+$0x4F70];
	vm7 =	vlt.u32 v3, $0x1388;
	[tilespmem:s1+$0xC760] =	vst v7  }
0x94: {  	v3 =	vsel vm7, v3, v1;
	v7 =	vld [tilespmem:s8+$0x2780];
	[tilespmem:s1+$0x9FE0] =	vst v5  }
0x95: {  	v4 =	vld.idx.msk [tilespmem:v4+s24+$0x0], $0xffff;
	[tilespmem:s1+$0xC770] =	vst v3  }
0x96: {  	v3 =	vld [tilespmem:s8+$0x0];
	_ =	sdelay $0x3  }
0x97: {  	v4 =	vmul.f32 v46, v4  }
0x98: {  	v5 =	vld [tilespmem:s8+$0x2790]  }
0x99: {  	v47 =	vld [tilespmem:s8+$0x4F00];
	[tilespmem:s1+$0x9FF0] =	vst v4  }
0x9a: {  	v4 =	vld [tilespmem:s8+$0x10]  }
0x9b: {  	v3 =	vld.idx.msk [tilespmem:v3+s24+$0x0], $0xffff;
	_ =	sdelay $0x2  }
0x9c: {  	v7 =	vsub.s32 v7, v0  }
0x9d: {  	vm8 =	vlt.u32 v7, $0x1388  }
0x9e: {  	v7 =	vsel vm8, v7, v1;
	v3 =	vmul.f32 v47, v3  }
0x9f: {  	[tilespmem:s8+$0xC700] =	vst v7  }
0xa0: {  	[tilespmem:s8+$0x9F80] =	vst v3;
	v3 =	vld [tilespmem:s8+$0x4F10]  }
0xa1: {  	v4 =	vld.idx.msk [tilespmem:v4+s24+$0x0], $0xffff  }
0xa2: {  	v48 =	vld [tilespmem:s8+$0x20];
	_ =	sdelay $0x3  }
0xa3: {  	v5 =	vsub.s32 v5, v0;
	v3 =	vmul.f32 v3, v4  }
0xa4: {  	vm9 =	vlt.u32 v5, $0x1388;
	v49 =	vld [tilespmem:s8+$0x4F20]  }
0xa5: {  	v5 =	vsel vm9, v5, v1;
	[tilespmem:s8+$0x9F90] =	vst v3;
	v3 =	vld [tilespmem:s8+$0x27A0]  }
0xa6: {  	v50 =	vld [tilespmem:s8+$0x30];
	[tilespmem:s8+$0xC710] =	vst v5  }
0xa7: {  	v5 =	vld.idx.msk [tilespmem:v48+s24+$0x0], $0xffff;
	_ =	sdelay $0x2  }
0xa8: {  	v3 =	vsub.s32 v3, v0  }
0xa9: {  	vm10 =	vlt.u32 v3, $0x1388  }
0xaa: {  	v4 =	vmul.f32 v49, v5;
	v3 =	vsel vm10, v3, v1  }
0xab: {  	v51 =	vld [tilespmem:s8+$0x27B0];
	[tilespmem:s8+$0xC720] =	vst v3  }
0xac: {  	v3 =	vld [tilespmem:s8+$0x4F30];
	[tilespmem:s8+$0x9FA0] =	vst v4  }
0xad: {  	v52 =	vld.idx.msk [tilespmem:v50+s24+$0x0], $0xffff  }
0xae: {  	v53 =	vld [tilespmem:s8+$0x40];
	_ =	sdelay $0x3  }
0xaf: {  	v4 =	vsub.s32 v51, v0;
	v3 =	vmul.f32 v3, v52  }
0xb0: {  	v54 =	vld [tilespmem:s8+$0x4F40];
	vm11 =	vlt.u32 v4, $0x1388  }
0xb1: {  	v4 =	vsel vm11, v4, v1;
	[tilespmem:s8+$0x9FB0] =	vst v3;
	v3 =	vld [tilespmem:s8+$0x27C0]  }
0xb2: {  	v56 =	vld [tilespmem:s8+$0x50];
	[tilespmem:s8+$0xC730] =	vst v4  }
0xb3: {  	v55 =	vld.idx.msk [tilespmem:v53+s24+$0x0], $0xffff;
	_ =	sdelay $0x2  }
0xb4: {  	v3 =	vsub.s32 v3, v0  }
0xb5: {  	vm12 =	vlt.u32 v3, $0x1388  }
0xb6: {  	v4 =	vmul.f32 v54, v55;
	v3 =	vsel vm12, v3, v1  }
0xb7: {  	v57 =	vld [tilespmem:s8+$0x27D0];
	[tilespmem:s8+$0xC740] =	vst v3  }
0xb8: {  	v3 =	vld [tilespmem:s8+$0x4F50];
	[tilespmem:s8+$0x9FC0] =	vst v4  }
0xb9: {  	v58 =	vld.idx.msk [tilespmem:v56+s24+$0x0], $0xffff  }
0xba: {  	v59 =	vld [tilespmem:s8+$0x60];
	_ =	sdelay $0x3  }
0xbb: {  	v4 =	vsub.s32 v57, v0;
	v3 =	vmul.f32 v3, v58  }
0xbc: {  	v60 =	vld [tilespmem:s8+$0x4F60];
	vm13 =	vlt.u32 v4, $0x1388  }
0xbd: {  	v4 =	vsel vm13, v4, v1;
	[tilespmem:s8+$0x9FD0] =	vst v3;
	v3 =	vld [tilespmem:s8+$0x27E0]  }
0xbe: {  	v62 =	vld [tilespmem:s8+$0x70];
	[tilespmem:s8+$0xC750] =	vst v4  }
0xbf: {  	v61 =	vld.idx.msk [tilespmem:v59+s24+$0x0], $0xffff;
	_ =	sdelay $0x2  }
0xc0: {  	v3 =	vsub.s32 v3, v0  }
0xc1: {  	vm14 =	vlt.u32 v3, $0x1388  }
0xc2: {  	v4 =	vmul.f32 v60, v61;
	v3 =	vsel vm14, v3, v1  }
0xc3: {  	v63 =	vld [tilespmem:s8+$0x27F0];
	[tilespmem:s8+$0xC760] =	vst v3  }
0xc4: {  	v3 =	vld [tilespmem:s8+$0x4F70];
	[tilespmem:s8+$0x9FE0] =	vst v4  }
0xc5: {  	v4 =	vld.idx.msk [tilespmem:v62+s24+$0x0], $0xffff;
	_ =	sdelay $0x2  }
0xc6: {  	v5 =	vsub.s32 v63, v0  }
0xc7: {  	vm15 =	vlt.u32 v5, $0x1388  }
0xc8: {  	v5 =	vsel vm15, v5, v1;
	v3 =	vmul.f32 v3, v4  }
0xc9: {  	[tilespmem:s8+$0xC770] =	vst v5  }
0xca: {  	s1 =	simm.s32 $0x0;
	[tilespmem:s8+$0x9FF0] =	vst v3;
	s8 =	simm.s32 $0x200  }
.LBB2_4:
0xcb: {  	p0 =	sne.s32 s8, $0xFE00;
	[tilespmem:s1+$0xEF70] =	vst v2  }
0xcc: {  	[tilespmem:s1+$0xEF00] =	vst v2  }
0xcd: {  	[tilespmem:s1+$0xEF10] =	vst v2  }
.Ltmp3:
0xce: {  	[tilespmem:s1+$0xEF20] =	vst v2;
	(pc) =	sbr.rel @p0 .LBB2_4-.Ltmp3, $4  }
0xcf: {  	[tilespmem:s1+$0xEF30] =	vst v2  }
0xd0: {  	[tilespmem:s1+$0xEF40] =	vst v2  }
0xd1: {  	[tilespmem:s1+$0xEF50] =	vst v2  }
0xd2: {  	[tilespmem:s1+$0xEF60] =	vst v2;
	s1 =	sshra.s32 s8, $0x2;
	s8 =	sadd.s32 $0x200, s8  }
0xd3: {  	[tilespmem:s1+$0xEF70] =	vst v2  }
0xd4: {  	[tilespmem:s1+$0xEF00] =	vst v2  }
0xd5: {  	[tilespmem:s1+$0xEF10] =	vst v2  }
0xd6: {  	[tilespmem:s1+$0xEF20] =	vst v2  }
0xd7: {  	[tilespmem:s1+$0xEF30] =	vst v2  }
0xd8: {  	[tilespmem:s1+$0xEF40] =	vst v2  }
0xd9: {  	[tilespmem:s1+$0xEF50] =	vst v2  }
0xda: {  	[tilespmem:s1+$0xEF60] =	vst v2  }
0xdb: {  	[spmem:s11] =	stream.linear.scatter [tilespmem:s26], [sflag:$0x1], $0x4000, $0x38;
	[tilespmem:$0x1D700] =	vst v63  }
0xdc: {  	_ =	swait.ge [sflag:s21], $0x4000  }
0xdd: {  	[sflag:s21] =	ssyncset.done $0x0  }
0xde: {  	[sflag:s21] =	ssyncadd.s32 $0xFFFFC000  }
0xdf: {  	[spmem:s12] =	stream.linear.scatter [tilespmem:s26], [sflag:$0x1], $0x4000, $0x38;
	[tilespmem:$0x1D700] =	vst v63  }
0xe0: {  	_ =	swait.ge [sflag:s21], $0x4000  }
0xe1: {  	[sflag:s21] =	ssyncset.done $0x0  }
0xe2: {  	[sflag:s21] =	ssyncadd.s32 $0xFFFFC000  }
0xe3: {  	[spmem:s13] =	stream.linear.scatter [tilespmem:s26], [sflag:$0x1], $0x2000, $0x38;
	[tilespmem:$0x1D700] =	vst v63  }
0xe4: {  	_ =	swait.ge [sflag:s21], $0x2000  }
0xe5: {  	[sflag:s21] =	ssyncset.done $0x0  }
0xe6: {  	[sflag:s21] =	ssyncadd.s32 $0xFFFFE000  }
0xe7: {  	s1 =	simm.s32 $0x0;
	s8 =	simm.s32 $0x0;
	[bflag:$0x0] =	sbarrier.arrive $0xFFFF  }
.LBB2_6:
0xe8: {  	s15 =	sshll.u32 s8, $0x7  }
0xe9: {  	s16 =	sand.u32 $0x3FFFFF80, s15  }
0xea: {  	[tilespmem:s26], [sflag:$0x1] =	stream.indirect.gather [hbm4b:s6+s28], $0x80, s16, s28, $0xb8;
	[tilespmem:$0x1D700] =	vst v63  }
0xeb: {  	s22 =	sadd.s32 $0x0, s1;
	_ =	swait.ge [sflag:s21], $0x4000  }
0xec: {  	v3 =	vmov s22;
	[sflag:s21] =	ssyncset.done $0x0  }
0xed: {  	s16 =	simm.s32 $0xEF40;
	[sflag:s21] =	ssyncadd.s32 $0xFFFFC000  }
0xee: {  	v7 =	vld [tilespmem:s16+$0x30]  }
0xef: {  	v10 =	vld [tilespmem:s16+$0x10]  }
0xf0: {  	v8 =	vld [tilespmem:s16+$0xFFFFFFC0]  }
0xf1: {  	v4 =	vld.idx.msk [tilespmem:v3+s29+$0x0], $0xffff  }
0xf2: {  	v12 =	vld [tilespmem:s16+$0xFFFFFFE0]  }
0xf3: {  	v3 =	vld [tilespmem:s16+$0xFFFFFFF0]  }
0xf4: {  	v5 =	vld [tilespmem:s16+$0x20]  }
0xf5: {  	v6 =	vld [tilespmem:s16+$0xFFFFFFD0]  }
0xf6: {  	v11 =	vmul.f32 v7, v4;
	v7 =	vld [tilespmem:s16+$0x0]  }
0xf7: {  	v9 =	vmul.f32 v8, v4  }
0xf8: {  	s18 =	simm.s32 $0x1;
	s22 =	simm.s32 $0xEF40;
	v8 =	vmul.f32 v12, v4;
	v10 =	vmul.f32 v10, v4  }
.LBB2_7:
0xf9: {  	p0 =	sne.s32 s18, $0x7F  }
0xfa: {  	v6 =	vmul.f32 v6, v4;
	v5 =	vmul.f32 v5, v4;
	[tilespmem:s16+$0x30] =	vst v11;
	s22 =	sadd.s32 $0x80, s22;
	s9 =	smov.u32 s18;
	s18 =	sadd.s32 $0x1, s18  }
0xfb: {  	[tilespmem:s16+$0xFFFFFFC0] =	vst v9;
	v9 =	vmul.f32 v3, v4;
	v4 =	vmul.f32 v7, v4  }
0xfc: {  	s9 =	sadd.s32 s9, s1;
	[tilespmem:s16+$0x10] =	vst v10  }
0xfd: {  	v7 =	vmov s9;
	[tilespmem:s16+$0xFFFFFFE0] =	vst v8  }
0xfe: {  	v3 =	vld [tilespmem:s22+$0xFFFFFFF0];
	[tilespmem:s16+$0xFFFFFFF0] =	vst v9  }
0xff: {  	v8 =	vld [tilespmem:s22+$0x30];
	[tilespmem:s16+$0x0] =	vst v4  }
0x100: {  	v10 =	vld [tilespmem:s22+$0x10];
	[tilespmem:s16+$0x20] =	vst v5  }
0x101: {  	v9 =	vld [tilespmem:s22+$0xFFFFFFC0];
	[tilespmem:s16+$0xFFFFFFD0] =	vst v6;
	s16 =	smov.u32 s22  }
0x102: {  	v4 =	vld.idx.msk [tilespmem:v7+s29+$0x0], $0xffff  }
0x103: {  	v12 =	vld [tilespmem:s22+$0xFFFFFFE0]  }
0x104: {  	v5 =	vld [tilespmem:s22+$0x20]  }
.Ltmp4:
0x105: {  	v6 =	vld [tilespmem:s22+$0xFFFFFFD0];
	(pc) =	sbr.rel @p0 .LBB2_7-.Ltmp4, $3  }
0x106: {  	v7 =	vld [tilespmem:s22+$0x0];
	_ =	sdelay $0x1  }
0x107: {  	v9 =	vmul.f32 v9, v4;
	v11 =	vmul.f32 v8, v4  }
0x108: {  	v10 =	vmul.f32 v10, v4;
	v8 =	vmul.f32 v12, v4  }
0x109: {  	[tilespmem:s16+$0x30] =	vst v11  }
0x10a: {  	[tilespmem:s16+$0xFFFFFFC0] =	vst v9  }
0x10b: {  	v3 =	vmul.f32 v3, v4;
	[tilespmem:s16+$0x10] =	vst v10  }
0x10c: {  	v5 =	vmul.f32 v5, v4;
	[tilespmem:s16+$0xFFFFFFE0] =	vst v8  }
0x10d: {  	v7 =	vmul.f32 v7, v4;
	[tilespmem:s16+$0xFFFFFFF0] =	vst v3  }
0x10e: {  	s8 =	sadd.s32 $0x1, s8;
	v3 =	vmul.f32 v6, v4;
	[tilespmem:s16+$0x20] =	vst v5  }
0x10f: {  	p0 =	sne.s32 s8, $0x4F;
	[tilespmem:s16+$0x0] =	vst v7  }
.Ltmp5:
0x110: {  	s9 =	sadd.s32 $0xC700, s15;
	[tilespmem:s16+$0xFFFFFFD0] =	vst v3;
	(pc) =	sbr.rel @p0 .LBB2_6-.Ltmp5, $4  }
0x111: {  	[spmem:s3] =	stream.indirect.scatter.add.f32 [tilespmem:s26], [sflag:$0x1], $0x80, s9, s28, $0xb8;
	[tilespmem:$0x1D700] =	vst v63  }
0x112: {  	_ =	swait.ge [sflag:s21], $0x4000  }
0x113: {  	[sflag:s21] =	ssyncset.done $0x0  }
0x114: {  	s1 =	sadd.s32 $0x80, s1;
	[sflag:s21] =	ssyncadd.s32 $0xFFFFC000  }
.Ltmp6:
0x115: {  	(pc) =	sbr.rel .LBB2_10-.Ltmp6, $3  }
0x116: {  	_ =	sdelay $0x1  }
0x117: {  	[bflag:$0x0] =	sbarrier.arrive $0xFFFF;
	s1 =	simm.s32 $0x0;
	s22 =	stileid.u32  }
0x118: {  	s18 =	smov.u32 s23;
	s16 =	smov.u32 s25;
	s15 =	smov.u32 s5  }
.LBB2_12:
0x119: {  	s1 =	sadd.s32 $0x80, s1  }
0x11a: {  	p0 =	sne.s32 s1, $0x1480  }
.Ltmp7:
0x11b: {  	_ = 	snop;
	(pc) =	sbr.rel @!p0 .LBB2_13-.Ltmp7, $3  }
0x11c: {  	_ =	sdelay $0x1  }
0x11d: {  	s15 =	sadd.s32 $0x1000, s15  }
0x11e: {  	s16 =	sadd.s32 $0x800, s16;
	s18 =	sadd.s32 $0x4000, s18;
	s22 =	sadd.s32 $0x10, s22  }
.LBB2_10:
0x11f: {  	p0 =	sgt.u32 s22, $0x270  }
.Ltmp8:
0x120: {  	_ = 	snop;
	(pc) =	sbr.rel @p0 .LBB2_12-.Ltmp8, $1  }
0x121: {  	_ =	sdelay $0x3  }
0x122: {  	[tilespmem:s30], [sflag:$0x2] =	stream.linear.gather [spmem:s18], $0x400, $0x38;
	[tilespmem:$0x1D700] =	vst v63  }
0x123: {  	_ =	swait.ge [sflag:s31], $0x400  }
0x124: {  	[sflag:s31] =	ssyncset.done $0x0  }
0x125: {  	[sflag:s31] =	ssyncadd.s32 $0xFFFFFC00  }
0x126: {  	[tilespmem:s0], [sflag:$0x2] =	stream.linear.gather [hbm4b:s16+s4], $0x400, $0x38;
	[tilespmem:$0x1D700] =	vst v63  }
0x127: {  	_ =	swait.ge [sflag:s31], $0x400  }
0x128: {  	[sflag:s31] =	ssyncset.done $0x0  }
0x129: {  	[sflag:s31] =	ssyncadd.s32 $0xFFFFFC00  }
0x12a: {  	v4 =	vld [tilespmem:$0x12F00]  }
0x12b: {  	v5 =	vld [tilespmem:$0x13300]  }
0x12c: {  	v6 =	vld [tilespmem:$0x9E80]  }
0x12d: {  	v7 =	vld [tilespmem:$0x12F10]  }
0x12e: {  	v8 =	vld [tilespmem:$0x13310]  }
0x12f: {  	v9 =	vld [tilespmem:$0x9E90]  }
0x130: {  	v10 =	vld [tilespmem:$0x12F20]  }
0x131: {  	v11 =	vld [tilespmem:$0x13320]  }
0x132: {  	v12 =	vld [tilespmem:$0x9EA0]  }
0x133: {  	v13 =	vld [tilespmem:$0x12F30]  }
0x134: {  	v14 =	vld [tilespmem:$0x13330]  }
0x135: {  	v15 =	vld [tilespmem:$0x9EB0]  }
0x136: {  	v16 =	vld [tilespmem:$0x12F40]  }
0x137: {  	v17 =	vld [tilespmem:$0x13340]  }
0x138: {  	v18 =	vld [tilespmem:$0x12F50]  }
0x139: {  	v24 =	vld [tilespmem:$0x13350]  }
0x13a: {  	v26 =	vld [tilespmem:$0x13360]  }
0x13b: {  	v27 =	vld [tilespmem:$0x13370]  }
0x13c: {  	v28 =	vld [tilespmem:$0x12F60]  }
0x13d: {  	v30 =	vld [tilespmem:$0x12F70]  }
0x13e: {  	v31 =	vld [tilespmem:$0x9EC0]  }
0x13f: {  	v32 =	vld [tilespmem:$0x9ED0]  }
0x140: {  	v33 =	vld [tilespmem:$0x9EE0]  }
0x141: {  	v36 =	vld [tilespmem:$0x9EF0]  }
0x142: {  	v43 =	vld [tilespmem:$0x12F80]  }
0x143: {  	v44 =	vld [tilespmem:$0x13380]  }
0x144: {  	s8 =	sadd.s32 s1, s17;
	v45 =	vld [tilespmem:$0x9E80]  }
0x145: {  	v3 =	vmov s8;
	v46 =	vld [tilespmem:$0x12F90]  }
0x146: {  	v3 =	vand.u32 $0xFFFFFFF8, v3;
	v47 =	vld [tilespmem:$0x13390]  }
0x147: {  	v3 =	vbroadcast v3, $0x0;
	v48 =	vld [tilespmem:$0x9E90]  }
0x148: {  	v49 =	vld [tilespmem:$0x12FA0]  }
0x149: {  	v50 =	vld [tilespmem:$0x133A0]  }
0x14a: {  	v51 =	vld [tilespmem:$0x9EA0]  }
0x14b: {  	v52 =	vld [tilespmem:$0x12FB0]  }
0x14c: {  	v53 =	vld [tilespmem:$0x133B0]  }
0x14d: {  	v3 =	vld.idx.msk [tilespmem:v3+s24+$0x0], $0xffff  }
0x14e: {  	v54 =	vld [tilespmem:$0x9EB0]  }
0x14f: {  	v55 =	vld [tilespmem:$0x12FC0]  }
0x150: {  	s9 =	sadd.s32 $0x1, s8;
	v56 =	vld [tilespmem:$0x133C0]  }
0x151: {  	v37 =	vmov s9;
	v57 =	vld [tilespmem:$0x12FD0]  }
0x152: {  	v39 =	vand.u32 $0xFFFFFFF9, v37;
	v59 =	vld [tilespmem:$0x133D0];
	v5 =	vmul.f32 v5, v3  }
0x153: {  	v41 =	vbroadcast v39, $0x0;
	v61 =	vld [tilespmem:$0x133E0];
	v8 =	vmul.f32 v8, v3  }
0x154: {  	v62 =	vld [tilespmem:$0x133F0];
	v23 =	vmul.f32 v11, v3;
	v25 =	vmul.f32 v14, v3;
	v4 =	vadd.f32 v5, v4  }
0x155: {  	v63 =	vld [tilespmem:$0x12FE0];
	v29 =	vmul.f32 v17, v3;
	v11 =	vmul.f32 v24, v3;
	v7 =	vadd.f32 v8, v7  }
0x156: {  	v21 =	vld [tilespmem:$0x12FF0];
	v14 =	vmul.f32 v26, v3;
	v5 =	vadd.f32 v23, v10;
	v4 =	vmul.f32 v4, v3  }
0x157: {  	v22 =	vld [tilespmem:$0x9EC0];
	v8 =	vadd.f32 v25, v13;
	v11 =	vadd.f32 v11, v18;
	v7 =	vmul.f32 v7, v3  }
0x158: {  	v37 =	vld [tilespmem:$0x13010];
	v35 =	vadd.f32 v14, v28;
	v5 =	vmul.f32 v5, v3;
	v4 =	vadd.f32 v4, v6  }
0x159: {  	v39 =	vld [tilespmem:$0x9E90];
	v10 =	vmul.f32 v27, v3;
	v8 =	vmul.f32 v8, v3;
	v7 =	vadd.f32 v7, v9  }
0x15a: {  	v24 =	vld [tilespmem:$0x9EE0];
	v40 =	vmul.f32 v35, v3;
	v5 =	vadd.f32 v5, v12;
	v6 =	vadd.f32 v29, v16;
	[tilespmem:$0x12F00] =	vst v4  }
0x15b: {  	v23 =	vld [tilespmem:$0x9ED0];
	v38 =	vmul.f32 v11, v3;
	v10 =	vadd.f32 v10, v30;
	v8 =	vadd.f32 v8, v15;
	[tilespmem:$0x12F10] =	vst v7  }
0x15c: {  	s9 =	sadd.s32 $0x2, s8;
	v27 =	vld [tilespmem:$0x9EF0];
	v42 =	vadd.f32 v40, v33;
	v34 =	vmul.f32 v6, v3;
	[tilespmem:$0x12F20] =	vst v5  }
0x15d: {  	v28 =	vmov s9;
	v35 =	vld [tilespmem:$0x13400];
	[tilespmem:$0x12F30] =	vst v8;
	v7 =	vadd.f32 v38, v32;
	v3 =	vmul.f32 v10, v3  }
0x15e: {  	v30 =	vand.u32 $0xFFFFFFFA, v28;
	v28 =	vld [tilespmem:$0x130A0];
	[tilespmem:$0x12F60] =	vst v42;
	v4 =	vadd.f32 v34, v31  }
0x15f: {  	v40 =	vld [tilespmem:$0x13020];
	[tilespmem:$0x12F50] =	vst v7;
	v3 =	vadd.f32 v3, v36  }
0x160: {  	v38 =	vld [tilespmem:$0x13410];
	[tilespmem:$0x12F40] =	vst v4  }
0x161: {  	v42 =	vld [tilespmem:$0x9EA0];
	[tilespmem:$0x12F70] =	vst v3  }
0x162: {  	v3 =	vld.idx.msk [tilespmem:v41+s24+$0x0], $0xffff  }
0x163: {  	v32 =	vbroadcast v30, $0x0;
	v30 =	vld [tilespmem:$0x9EA0]  }
0x164: {  	v34 =	vld [tilespmem:$0x13000]  }
0x165: {  	v36 =	vld [tilespmem:$0x9E80]  }
0x166: {  	v41 =	vld [tilespmem:$0x13420]  }
0x167: {  	v5 =	vmul.f32 v44, v3;
	v44 =	vld [tilespmem:$0x13430]  }
0x168: {  	v8 =	vmul.f32 v47, v3;
	v47 =	vld [tilespmem:$0x13440]  }
0x169: {  	v58 =	vmul.f32 v50, v3;
	v50 =	vld [tilespmem:$0x13450]  }
0x16a: {  	v60 =	vmul.f32 v53, v3;
	v53 =	vld [tilespmem:$0x13470]  }
0x16b: {  	v20 =	vmul.f32 v56, v3;
	v56 =	vld [tilespmem:$0x13070]  }
0x16c: {  	v11 =	vmul.f32 v59, v3;
	v59 =	vld [tilespmem:$0x9EE0]  }
0x16d: {  	v10 =	vmul.f32 v62, v3;
	v62 =	vld [tilespmem:$0x9EF0];
	v4 =	vadd.f32 v5, v43;
	v7 =	vadd.f32 v8, v46  }
0x16e: {  	v14 =	vmul.f32 v61, v3;
	v5 =	vadd.f32 v58, v49;
	v8 =	vadd.f32 v60, v52;
	v43 =	vld [tilespmem:$0x13030]  }
0x16f: {  	v6 =	vadd.f32 v20, v55;
	v11 =	vadd.f32 v11, v57;
	v46 =	vld [tilespmem:$0x13040];
	v4 =	vmul.f32 v4, v3  }
0x170: {  	s9 =	sadd.s32 $0x3, s8;
	v26 =	vadd.f32 v14, v63;
	v10 =	vadd.f32 v10, v21;
	v52 =	vld [tilespmem:$0x13460];
	v7 =	vmul.f32 v7, v3  }
0x171: {  	v57 =	vld [tilespmem:$0x9EC0];
	v63 =	vmov s9;
	v5 =	vmul.f32 v5, v3;
	v4 =	vadd.f32 v4, v45  }
0x172: {  	v58 =	vld [tilespmem:$0x9ED0];
	v18 =	vand.u32 $0xFFFFFFFB, v63;
	v8 =	vmul.f32 v8, v3;
	v7 =	vadd.f32 v7, v48  }
0x173: {  	v63 =	vld [tilespmem:$0x13120];
	v25 =	vmul.f32 v6, v3;
	v31 =	vmul.f32 v26, v3;
	v5 =	vadd.f32 v5, v51;
	[tilespmem:$0x12F80] =	vst v4  }
0x174: {  	v29 =	vmul.f32 v11, v3;
	v3 =	vmul.f32 v10, v3;
	v26 =	vld [tilespmem:$0x13490];
	v8 =	vadd.f32 v8, v54;
	[tilespmem:$0x12F90] =	vst v7  }
0x175: {  	v33 =	vadd.f32 v31, v24;
	v45 =	vld [tilespmem:$0x9EB0];
	[tilespmem:$0x12FA0] =	vst v5  }
0x176: {  	v3 =	vadd.f32 v3, v27;
	v48 =	vld [tilespmem:$0x13050];
	[tilespmem:$0x12FB0] =	vst v8  }
0x177: {  	v54 =	vld [tilespmem:$0x13060];
	v4 =	vadd.f32 v25, v22;
	[tilespmem:$0x12FE0] =	vst v33  }
0x178: {  	v24 =	vld [tilespmem:$0x9E80];
	v7 =	vadd.f32 v29, v23;
	[tilespmem:$0x12FF0] =	vst v3  }
0x179: {  	v27 =	vld [tilespmem:$0x9E90];
	[tilespmem:$0x12FC0] =	vst v4  }
0x17a: {  	v31 =	vld [tilespmem:$0x130B0];
	[tilespmem:$0x12FD0] =	vst v7  }
0x17b: {  	v3 =	vld.idx.msk [tilespmem:v32+s24+$0x0], $0xffff  }
0x17c: {  	v22 =	vld [tilespmem:$0x13080]  }
0x17d: {  	v23 =	vld [tilespmem:$0x13480]  }
0x17e: {  	v25 =	vld [tilespmem:$0x13090]  }
0x17f: {  	v29 =	vld [tilespmem:$0x134A0]  }
0x180: {  	v33 =	vld [tilespmem:$0x9EB0];
	v5 =	vmul.f32 v35, v3;
	v8 =	vmul.f32 v38, v3  }
0x181: {  	v32 =	vld [tilespmem:$0x134B0];
	v49 =	vmul.f32 v41, v3;
	v51 =	vmul.f32 v44, v3  }
0x182: {  	v55 =	vmul.f32 v47, v3;
	v11 =	vmul.f32 v50, v3;
	v35 =	vld [tilespmem:$0x134C0];
	v4 =	vadd.f32 v5, v34  }
0x183: {  	v14 =	vmul.f32 v52, v3;
	v10 =	vmul.f32 v53, v3;
	v38 =	vld [tilespmem:$0x134D0];
	v7 =	vadd.f32 v8, v37  }
0x184: {  	v41 =	vld [tilespmem:$0x134F0];
	v5 =	vadd.f32 v49, v40;
	v8 =	vadd.f32 v51, v43;
	v4 =	vmul.f32 v4, v3  }
0x185: {  	v44 =	vld [tilespmem:$0x130F0];
	v6 =	vadd.f32 v55, v46;
	v11 =	vadd.f32 v11, v48;
	v7 =	vmul.f32 v7, v3  }
0x186: {  	v47 =	vld [tilespmem:$0x9EE0];
	v61 =	vadd.f32 v14, v54;
	v5 =	vmul.f32 v5, v3;
	v4 =	vadd.f32 v4, v36  }
0x187: {  	v50 =	vld [tilespmem:$0x9EF0];
	v10 =	vadd.f32 v10, v56;
	v8 =	vmul.f32 v8, v3;
	v7 =	vadd.f32 v7, v39  }
0x188: {  	v34 =	vld [tilespmem:$0x130C0];
	v60 =	vmul.f32 v6, v3;
	v19 =	vmul.f32 v61, v3;
	v5 =	vadd.f32 v5, v42;
	[tilespmem:$0x13000] =	vst v4  }
0x189: {  	s9 =	sadd.s32 $0x4, s8;
	v40 =	vld [tilespmem:$0x134E0];
	v16 =	vmul.f32 v11, v3;
	v3 =	vmul.f32 v10, v3;
	v8 =	vadd.f32 v8, v45;
	[tilespmem:$0x13010] =	vst v7  }
0x18a: {  	v20 =	vbroadcast v18, $0x0;
	v46 =	vld [tilespmem:$0x9ED0];
	v51 =	vmov s9;
	v21 =	vadd.f32 v19, v59;
	[tilespmem:$0x13020] =	vst v5  }
0x18b: {  	v53 =	vand.u32 $0xFFFFFFFC, v51;
	v51 =	vld [tilespmem:$0x9E80];
	v3 =	vadd.f32 v3, v62;
	[tilespmem:$0x13030] =	vst v8  }
0x18c: {  	v61 =	vld [tilespmem:$0x13510];
	v4 =	vadd.f32 v60, v57;
	[tilespmem:$0x13060] =	vst v21  }
0x18d: {  	v55 =	vbroadcast v53, $0x0;
	v53 =	vld [tilespmem:$0x13590];
	v7 =	vadd.f32 v16, v58;
	[tilespmem:$0x13070] =	vst v3  }
0x18e: {  	v36 =	vld [tilespmem:$0x130D0];
	[tilespmem:$0x13040] =	vst v4  }
0x18f: {  	v42 =	vld [tilespmem:$0x130E0];
	[tilespmem:$0x13050] =	vst v7  }
0x190: {  	v3 =	vld.idx.msk [tilespmem:v20+s24+$0x0], $0xffff  }
0x191: {  	v45 =	vld [tilespmem:$0x9EC0]  }
0x192: {  	v59 =	vld [tilespmem:$0x9E80]  }
0x193: {  	v62 =	vld [tilespmem:$0x9E90]  }
0x194: {  	v57 =	vld [tilespmem:$0x13100]  }
0x195: {  	v58 =	vld [tilespmem:$0x13500];
	v5 =	vmul.f32 v23, v3;
	v8 =	vmul.f32 v26, v3  }
0x196: {  	v60 =	vld [tilespmem:$0x13110];
	v37 =	vmul.f32 v29, v3;
	v39 =	vmul.f32 v32, v3  }
0x197: {  	v21 =	vld [tilespmem:$0x13520];
	v43 =	vmul.f32 v35, v3;
	v11 =	vmul.f32 v38, v3;
	v4 =	vadd.f32 v5, v22  }
0x198: {  	v20 =	vld [tilespmem:$0x135D0];
	v14 =	vmul.f32 v40, v3;
	v10 =	vmul.f32 v41, v3;
	v7 =	vadd.f32 v8, v25  }
0x199: {  	v23 =	vld [tilespmem:$0x13130];
	v5 =	vadd.f32 v37, v28;
	v8 =	vadd.f32 v39, v31;
	v4 =	vmul.f32 v4, v3  }
0x19a: {  	v26 =	vld [tilespmem:$0x13140];
	v6 =	vadd.f32 v43, v34;
	v11 =	vadd.f32 v11, v36;
	v7 =	vmul.f32 v7, v3  }
0x19b: {  	v32 =	vld [tilespmem:$0x13560];
	v49 =	vadd.f32 v14, v42;
	v5 =	vmul.f32 v5, v3;
	v4 =	vadd.f32 v4, v24  }
0x19c: {  	v38 =	vld [tilespmem:$0x9ED0];
	v10 =	vadd.f32 v10, v44;
	v8 =	vmul.f32 v8, v3;
	v7 =	vadd.f32 v7, v27  }
0x19d: {  	v22 =	vld [tilespmem:$0x9EA0];
	v48 =	vmul.f32 v6, v3;
	v54 =	vmul.f32 v49, v3;
	v5 =	vadd.f32 v5, v30;
	[tilespmem:$0x13080] =	vst v4  }
0x19e: {  	v25 =	vld [tilespmem:$0x9EB0];
	v52 =	vmul.f32 v11, v3;
	v3 =	vmul.f32 v10, v3;
	v8 =	vadd.f32 v8, v33;
	[tilespmem:$0x13090] =	vst v7  }
0x19f: {  	v28 =	vld [tilespmem:$0x13150];
	v56 =	vadd.f32 v54, v47;
	[tilespmem:$0x130A0] =	vst v5  }
0x1a0: {  	v34 =	vld [tilespmem:$0x13160];
	v3 =	vadd.f32 v3, v50;
	[tilespmem:$0x130B0] =	vst v8  }
0x1a1: {  	v36 =	vld [tilespmem:$0x13170];
	v4 =	vadd.f32 v48, v45;
	[tilespmem:$0x130E0] =	vst v56  }
0x1a2: {  	v37 =	vld [tilespmem:$0x9EC0];
	v7 =	vadd.f32 v52, v46;
	[tilespmem:$0x130F0] =	vst v3  }
0x1a3: {  	v39 =	vld [tilespmem:$0x9EE0];
	[tilespmem:$0x130C0] =	vst v4  }
0x1a4: {  	v24 =	vld [tilespmem:$0x13530];
	[tilespmem:$0x130D0] =	vst v7  }
0x1a5: {  	v3 =	vld.idx.msk [tilespmem:v55+s24+$0x0], $0xffff  }
0x1a6: {  	s9 =	sadd.s32 $0x5, s8;
	v27 =	vld [tilespmem:$0x13540]  }
0x1a7: {  	v43 =	vmov s9;
	v30 =	vld [tilespmem:$0x13550]  }
0x1a8: {  	v33 =	vld [tilespmem:$0x13570];
	v45 =	vand.u32 $0xFFFFFFFD, v43  }
0x1a9: {  	v42 =	vld [tilespmem:$0x9EF0];
	v47 =	vbroadcast v45, $0x0  }
0x1aa: {  	v49 =	vld [tilespmem:$0x13180];
	v5 =	vmul.f32 v58, v3;
	v8 =	vmul.f32 v61, v3  }
0x1ab: {  	v50 =	vld [tilespmem:$0x13580];
	v29 =	vmul.f32 v21, v3;
	v31 =	vmul.f32 v24, v3  }
0x1ac: {  	v54 =	vld [tilespmem:$0x9E90];
	v35 =	vmul.f32 v27, v3;
	v11 =	vmul.f32 v30, v3;
	v4 =	vadd.f32 v5, v57  }
0x1ad: {  	v52 =	vld [tilespmem:$0x13190];
	v14 =	vmul.f32 v32, v3;
	v10 =	vmul.f32 v33, v3;
	v7 =	vadd.f32 v8, v60  }
0x1ae: {  	v56 =	vld [tilespmem:$0x135A0];
	v5 =	vadd.f32 v29, v63;
	v8 =	vadd.f32 v31, v23;
	v4 =	vmul.f32 v4, v3  }
0x1af: {  	v43 =	vld [tilespmem:$0x13610];
	v6 =	vadd.f32 v35, v26;
	v11 =	vadd.f32 v11, v28;
	v7 =	vmul.f32 v7, v3  }
0x1b0: {  	v45 =	vld [tilespmem:$0x13220];
	v41 =	vadd.f32 v14, v34;
	v5 =	vmul.f32 v5, v3;
	v4 =	vadd.f32 v4, v59  }
0x1b1: {  	v55 =	vld [tilespmem:$0x131A0];
	v10 =	vadd.f32 v10, v36;
	v8 =	vmul.f32 v8, v3;
	v7 =	vadd.f32 v7, v62  }
0x1b2: {  	v58 =	vld [tilespmem:$0x131B0];
	v40 =	vmul.f32 v6, v3;
	v46 =	vmul.f32 v41, v3;
	v5 =	vadd.f32 v5, v22;
	[tilespmem:$0x13100] =	vst v4  }
0x1b3: {  	v61 =	vld [tilespmem:$0x131C0];
	v44 =	vmul.f32 v11, v3;
	v3 =	vmul.f32 v10, v3;
	v8 =	vadd.f32 v8, v25;
	[tilespmem:$0x13110] =	vst v7  }
0x1b4: {  	v24 =	vld [tilespmem:$0x131E0];
	v48 =	vadd.f32 v46, v39;
	[tilespmem:$0x13120] =	vst v5  }
0x1b5: {  	v27 =	vld [tilespmem:$0x9EC0];
	v3 =	vadd.f32 v3, v42;
	[tilespmem:$0x13130] =	vst v8  }
0x1b6: {  	v32 =	vld [tilespmem:$0x9EF0];
	v4 =	vadd.f32 v40, v37;
	[tilespmem:$0x13160] =	vst v48  }
0x1b7: {  	v57 =	vld [tilespmem:$0x9EA0];
	v7 =	vadd.f32 v44, v38;
	[tilespmem:$0x13170] =	vst v3  }
0x1b8: {  	v60 =	vld [tilespmem:$0x9EB0];
	[tilespmem:$0x13140] =	vst v4  }
0x1b9: {  	v23 =	vld [tilespmem:$0x135F0];
	[tilespmem:$0x13150] =	vst v7  }
0x1ba: {  	v3 =	vld.idx.msk [tilespmem:v47+s24+$0x0], $0xffff  }
0x1bb: {  	v59 =	vld [tilespmem:$0x135B0]  }
0x1bc: {  	v62 =	vld [tilespmem:$0x135C0]  }
0x1bd: {  	v22 =	vld [tilespmem:$0x135E0]  }
0x1be: {  	s9 =	sadd.s32 $0x6, s8;
	v63 =	vld [tilespmem:$0x131D0]  }
0x1bf: {  	v33 =	vmov s9;
	v26 =	vld [tilespmem:$0x131F0];
	v5 =	vmul.f32 v50, v3;
	v8 =	vmul.f32 v53, v3  }
0x1c0: {  	v28 =	vld [tilespmem:$0x9ED0];
	v35 =	vand.u32 $0xFFFFFFFE, v33;
	v19 =	vmul.f32 v56, v3;
	v21 =	vmul.f32 v59, v3  }
0x1c1: {  	v29 =	vld [tilespmem:$0x9EE0];
	v25 =	vmul.f32 v62, v3;
	v11 =	vmul.f32 v20, v3;
	v4 =	vadd.f32 v5, v49  }
0x1c2: {  	v33 =	vld [tilespmem:$0x13690];
	v14 =	vmul.f32 v22, v3;
	v10 =	vmul.f32 v23, v3;
	v7 =	vadd.f32 v8, v52  }
0x1c3: {  	v41 =	vld [tilespmem:$0x9E80];
	v5 =	vadd.f32 v19, v55;
	v8 =	vadd.f32 v21, v58;
	v4 =	vmul.f32 v4, v3  }
0x1c4: {  	v39 =	vld [tilespmem:$0x13200];
	v6 =	vadd.f32 v25, v61;
	v11 =	vadd.f32 v11, v63;
	v7 =	vmul.f32 v7, v3  }
0x1c5: {  	v42 =	vld [tilespmem:$0x13210];
	v31 =	vadd.f32 v14, v24;
	v5 =	vmul.f32 v5, v3;
	v4 =	vadd.f32 v4, v51  }
0x1c6: {  	v46 =	vld [tilespmem:$0x13620];
	v10 =	vadd.f32 v10, v26;
	v8 =	vmul.f32 v8, v3;
	v7 =	vadd.f32 v7, v54  }
0x1c7: {  	v40 =	vld [tilespmem:$0x13600];
	v30 =	vmul.f32 v6, v3;
	v36 =	vmul.f32 v31, v3;
	v5 =	vadd.f32 v5, v57;
	[tilespmem:$0x13180] =	vst v4  }
0x1c8: {  	v44 =	vld [tilespmem:$0x9E90];
	v34 =	vmul.f32 v11, v3;
	v3 =	vmul.f32 v10, v3;
	v8 =	vadd.f32 v8, v60;
	[tilespmem:$0x13190] =	vst v7  }
0x1c9: {  	v37 =	vbroadcast v35, $0x0;
	v48 =	vld [tilespmem:$0x13230];
	v38 =	vadd.f32 v36, v29;
	[tilespmem:$0x131A0] =	vst v5  }
0x1ca: {  	v35 =	vld [tilespmem:$0x132A0];
	v3 =	vadd.f32 v3, v32;
	[tilespmem:$0x131B0] =	vst v8  }
0x1cb: {  	v47 =	vld [tilespmem:$0x9EA0];
	v4 =	vadd.f32 v30, v27;
	[tilespmem:$0x131E0] =	vst v38  }
0x1cc: {  	v50 =	vld [tilespmem:$0x9EB0];
	v7 =	vadd.f32 v34, v28;
	[tilespmem:$0x131F0] =	vst v3  }
0x1cd: {  	v53 =	vld [tilespmem:$0x13250];
	[tilespmem:$0x131C0] =	vst v4  }
0x1ce: {  	v20 =	vld [tilespmem:$0x13260];
	[tilespmem:$0x131D0] =	vst v7  }
0x1cf: {  	v3 =	vld.idx.msk [tilespmem:v37+s24+$0x0], $0xffff  }
0x1d0: {  	v49 =	vld [tilespmem:$0x13630]  }
0x1d1: {  	v52 =	vld [tilespmem:$0x13640]  }
0x1d2: {  	v19 =	vld [tilespmem:$0x13670]  }
0x1d3: {  	v51 =	vld [tilespmem:$0x13240]  }
0x1d4: {  	v54 =	vld [tilespmem:$0x13650];
	v5 =	vmul.f32 v40, v3  }
0x1d5: {  	v55 =	vld [tilespmem:$0x13660];
	v8 =	vmul.f32 v43, v3  }
0x1d6: {  	v62 =	vld [tilespmem:$0x9EE0];
	v11 =	vmul.f32 v46, v3;
	v14 =	vmul.f32 v49, v3;
	v4 =	vadd.f32 v5, v39  }
0x1d7: {  	v22 =	vld [tilespmem:$0x9EF0];
	v57 =	vmul.f32 v52, v3;
	v63 =	vmul.f32 v19, v3;
	v7 =	vadd.f32 v8, v42  }
0x1d8: {  	v58 =	vld [tilespmem:$0x13270];
	v56 =	vadd.f32 v11, v45;
	v59 =	vadd.f32 v14, v48;
	v4 =	vmul.f32 v4, v3  }
0x1d9: {  	v60 =	vld [tilespmem:$0x9EC0];
	v5 =	vmul.f32 v54, v3;
	v10 =	vadd.f32 v57, v51;
	v7 =	vmul.f32 v7, v3  }
0x1da: {  	v61 =	vld [tilespmem:$0x9ED0];
	v8 =	vmul.f32 v55, v3;
	v6 =	vmul.f32 v56, v3;
	v4 =	vadd.f32 v4, v41  }
0x1db: {  	v31 =	vld [tilespmem:$0x9E80];
	v9 =	vmul.f32 v59, v3;
	v5 =	vadd.f32 v5, v53;
	v7 =	vadd.f32 v7, v44  }
0x1dc: {  	v29 =	vld [tilespmem:$0x13280];
	v21 =	vmul.f32 v10, v3;
	v8 =	vadd.f32 v8, v20;
	v19 =	vadd.f32 v6, v47;
	[tilespmem:$0x13200] =	vst v4  }
0x1dd: {  	v32 =	vld [tilespmem:$0x13290];
	v24 =	vadd.f32 v63, v58;
	v23 =	vadd.f32 v9, v50;
	v5 =	vmul.f32 v5, v3;
	[tilespmem:$0x13210] =	vst v7  }
0x1de: {  	s8 =	sadd.s32 $0x7, s8;
	v36 =	vld [tilespmem:$0x136A0];
	v25 =	vadd.f32 v21, v60;
	v26 =	vmul.f32 v8, v3;
	[tilespmem:$0x13220] =	vst v19  }
0x1df: {  	v27 =	vmov s8;
	v30 =	vld [tilespmem:$0x13680];
	v3 =	vmul.f32 v24, v3;
	[tilespmem:$0x13230] =	vst v23;
	v5 =	vadd.f32 v5, v61  }
0x1e0: {  	v34 =	vld [tilespmem:$0x9E90];
	[tilespmem:$0x13240] =	vst v25;
	v28 =	vadd.f32 v26, v62  }
0x1e1: {  	v38 =	vld [tilespmem:$0x132B0];
	v3 =	vadd.f32 v3, v22;
	[tilespmem:$0x13250] =	vst v5  }
0x1e2: {  	v37 =	vld [tilespmem:$0x9EA0];
	[tilespmem:$0x13260] =	vst v28  }
0x1e3: {  	v40 =	vld [tilespmem:$0x9EB0];
	[tilespmem:$0x13270] =	vst v3  }
0x1e4: {  	v3 =	vld.idx.msk [tilespmem:v27+s24+$0x0], $0xffff  }
0x1e5: {  	v46 =	vld [tilespmem:$0x136F0]  }
0x1e6: {  	v39 =	vld [tilespmem:$0x136B0]  }
0x1e7: {  	v42 =	vld [tilespmem:$0x136C0]  }
0x1e8: {  	v41 =	vld [tilespmem:$0x132C0]  }
0x1e9: {  	v44 =	vld [tilespmem:$0x136D0];
	v5 =	vmul.f32 v30, v3  }
0x1ea: {  	v45 =	vld [tilespmem:$0x136E0];
	v8 =	vmul.f32 v33, v3  }
0x1eb: {  	v43 =	vld [tilespmem:$0x132D0];
	v11 =	vmul.f32 v36, v3;
	v14 =	vmul.f32 v39, v3;
	v4 =	vadd.f32 v5, v29  }
0x1ec: {  	v47 =	vld [tilespmem:$0x132E0];
	v49 =	vmul.f32 v42, v3;
	v55 =	vmul.f32 v46, v3;
	v7 =	vadd.f32 v8, v32  }
0x1ed: {  	v50 =	vld [tilespmem:$0x132F0];
	v48 =	vadd.f32 v11, v35;
	v51 =	vadd.f32 v14, v38;
	v4 =	vmul.f32 v4, v3  }
0x1ee: {  	v52 =	vld [tilespmem:$0x9EC0];
	v5 =	vmul.f32 v44, v3;
	v10 =	vadd.f32 v49, v41;
	v7 =	vmul.f32 v7, v3  }
0x1ef: {  	v53 =	vld [tilespmem:$0x9ED0];
	v8 =	vmul.f32 v45, v3;
	v6 =	vmul.f32 v48, v3;
	v4 =	vadd.f32 v4, v31  }
0x1f0: {  	v54 =	vld [tilespmem:$0x9EE0];
	v9 =	vmul.f32 v51, v3;
	v5 =	vadd.f32 v5, v43;
	v7 =	vadd.f32 v7, v34  }
0x1f1: {  	v58 =	vld [tilespmem:$0x9EF0];
	v57 =	vmul.f32 v10, v3;
	v8 =	vadd.f32 v8, v47;
	v56 =	vadd.f32 v6, v37;
	[tilespmem:$0x13280] =	vst v4  }
0x1f2: {  	v60 =	vadd.f32 v55, v50;
	v59 =	vadd.f32 v9, v40;
	v5 =	vmul.f32 v5, v3;
	[tilespmem:$0x13290] =	vst v7  }
0x1f3: {  	v61 =	vadd.f32 v57, v52;
	v62 =	vmul.f32 v8, v3;
	[tilespmem:$0x132A0] =	vst v56  }
0x1f4: {  	v3 =	vmul.f32 v60, v3;
	[tilespmem:$0x132B0] =	vst v59;
	v5 =	vadd.f32 v5, v53  }
0x1f5: {  	[tilespmem:$0x132C0] =	vst v61;
	v63 =	vadd.f32 v62, v54  }
0x1f6: {  	v3 =	vadd.f32 v3, v58;
	[tilespmem:$0x132D0] =	vst v5  }
0x1f7: {  	[tilespmem:$0x132E0] =	vst v63  }
.Ltmp9:
0x1f8: {  	[tilespmem:$0x132F0] =	vst v3;
	(pc) =	sbr.rel .LBB2_12-.Ltmp9, $4  }
0x1f9: {  	[hbm4b:s15+s4] =	stream.linear.scatter [tilespmem:s30], [sflag:$0x1], $0x400, $0x38;
	[tilespmem:$0x1D700] =	vst v63  }
0x1fa: {  	_ =	swait.ge [sflag:s21], $0x400  }
0x1fb: {  	[sflag:s21] =	ssyncset.done $0x0  }
0x1fc: {  	[sflag:s21] =	ssyncadd.s32 $0xFFFFFC00  }
.LBB2_13:
0x1fd: {  	[bflag:$0x0] =	sbarrier.arrive $0xFFFF;
	s1 =	simm.s32 $0x0;
	s8 =	simm.s32 $0x200  }
.LBB2_14:
0x1fe: {  	p0 =	sne.s32 s8, $0xFE00;
	[tilespmem:s1+$0xEF70] =	vst v2  }
0x1ff: {  	[tilespmem:s1+$0xEF00] =	vst v2  }
0x200: {  	[tilespmem:s1+$0xEF10] =	vst v2  }
.Ltmp10:
0x201: {  	[tilespmem:s1+$0xEF20] =	vst v2;
	(pc) =	sbr.rel @p0 .LBB2_14-.Ltmp10, $4  }
0x202: {  	[tilespmem:s1+$0xEF30] =	vst v2  }
0x203: {  	[tilespmem:s1+$0xEF40] =	vst v2  }
0x204: {  	[tilespmem:s1+$0xEF50] =	vst v2  }
0x205: {  	[tilespmem:s1+$0xEF60] =	vst v2;
	s1 =	sshra.s32 s8, $0x2;
	s8 =	sadd.s32 $0x200, s8  }
0x206: {  	[tilespmem:s1+$0xEF70] =	vst v2  }
0x207: {  	[tilespmem:s1+$0xEF00] =	vst v2  }
0x208: {  	[tilespmem:s1+$0xEF10] =	vst v2  }
0x209: {  	[tilespmem:s1+$0xEF20] =	vst v2  }
0x20a: {  	[tilespmem:s1+$0xEF30] =	vst v2  }
0x20b: {  	[tilespmem:s1+$0xEF40] =	vst v2  }
0x20c: {  	[tilespmem:s1+$0xEF50] =	vst v2  }
0x20d: {  	[tilespmem:s1+$0xEF60] =	vst v2  }
0x20e: {  	[spmem:s11] =	stream.linear.scatter [tilespmem:s26], [sflag:$0x1], $0x4000, $0x38;
	[tilespmem:$0x1D700] =	vst v63  }
0x20f: {  	_ =	swait.ge [sflag:s21], $0x4000  }
0x210: {  	[sflag:s21] =	ssyncset.done $0x0  }
0x211: {  	[sflag:s21] =	ssyncadd.s32 $0xFFFFC000  }
0x212: {  	[spmem:s12] =	stream.linear.scatter [tilespmem:s26], [sflag:$0x1], $0x4000, $0x38;
	[tilespmem:$0x1D700] =	vst v63  }
0x213: {  	_ =	swait.ge [sflag:s21], $0x4000  }
0x214: {  	[sflag:s21] =	ssyncset.done $0x0  }
0x215: {  	[sflag:s21] =	ssyncadd.s32 $0xFFFFC000  }
0x216: {  	[spmem:s13] =	stream.linear.scatter [tilespmem:s26], [sflag:$0x1], $0x2000, $0x38;
	[tilespmem:$0x1D700] =	vst v63  }
0x217: {  	_ =	swait.ge [sflag:s21], $0x2000  }
0x218: {  	[sflag:s21] =	ssyncset.done $0x0  }
0x219: {  	[sflag:s21] =	ssyncadd.s32 $0xFFFFE000  }
0x21a: {  	s1 =	simm.s32 $0x0;
	s8 =	simm.s32 $0x0;
	[bflag:$0x0] =	sbarrier.arrive $0xFFFF  }
.LBB2_16:
0x21b: {  	s15 =	sshll.u32 s8, $0x7  }
0x21c: {  	s9 =	sand.u32 $0x3FFFFF80, s15  }
0x21d: {  	[tilespmem:s26], [sflag:$0x1] =	stream.indirect.gather [hbm4b:s7+s28], $0x80, s9, s28, $0xb8;
	[tilespmem:$0x1D700] =	vst v63  }
0x21e: {  	s22 =	sadd.s32 $0x0, s1;
	_ =	swait.ge [sflag:s21], $0x4000  }
0x21f: {  	v3 =	vmov s22;
	[sflag:s21] =	ssyncset.done $0x0  }
0x220: {  	s16 =	simm.s32 $0xEF40;
	[sflag:s21] =	ssyncadd.s32 $0xFFFFC000  }
0x221: {  	v7 =	vld [tilespmem:s16+$0x30]  }
0x222: {  	v10 =	vld [tilespmem:s16+$0x10]  }
0x223: {  	v8 =	vld [tilespmem:s16+$0xFFFFFFC0]  }
0x224: {  	v4 =	vld.idx.msk [tilespmem:v3+s29+$0x0], $0xffff  }
0x225: {  	v12 =	vld [tilespmem:s16+$0xFFFFFFE0]  }
0x226: {  	v3 =	vld [tilespmem:s16+$0xFFFFFFF0]  }
0x227: {  	v5 =	vld [tilespmem:s16+$0x20]  }
0x228: {  	v6 =	vld [tilespmem:s16+$0xFFFFFFD0]  }
0x229: {  	v11 =	vmul.f32 v7, v4;
	v7 =	vld [tilespmem:s16+$0x0]  }
0x22a: {  	v9 =	vmul.f32 v8, v4  }
0x22b: {  	s18 =	simm.s32 $0x1;
	s22 =	simm.s32 $0xEF40;
	v8 =	vmul.f32 v12, v4;
	v10 =	vmul.f32 v10, v4  }
.LBB2_17:
0x22c: {  	p0 =	sne.s32 s18, $0x7F  }
0x22d: {  	v6 =	vmul.f32 v6, v4;
	v5 =	vmul.f32 v5, v4;
	[tilespmem:s16+$0x30] =	vst v11;
	s22 =	sadd.s32 $0x80, s22;
	s9 =	smov.u32 s18;
	s18 =	sadd.s32 $0x1, s18  }
0x22e: {  	[tilespmem:s16+$0xFFFFFFC0] =	vst v9;
	v9 =	vmul.f32 v3, v4;
	v4 =	vmul.f32 v7, v4  }
0x22f: {  	s9 =	sadd.s32 s9, s1;
	[tilespmem:s16+$0x10] =	vst v10  }
0x230: {  	v7 =	vmov s9;
	[tilespmem:s16+$0xFFFFFFE0] =	vst v8  }
0x231: {  	v3 =	vld [tilespmem:s22+$0xFFFFFFF0];
	[tilespmem:s16+$0xFFFFFFF0] =	vst v9  }
0x232: {  	v8 =	vld [tilespmem:s22+$0x30];
	[tilespmem:s16+$0x0] =	vst v4  }
0x233: {  	v10 =	vld [tilespmem:s22+$0x10];
	[tilespmem:s16+$0x20] =	vst v5  }
0x234: {  	v9 =	vld [tilespmem:s22+$0xFFFFFFC0];
	[tilespmem:s16+$0xFFFFFFD0] =	vst v6;
	s16 =	smov.u32 s22  }
0x235: {  	v4 =	vld.idx.msk [tilespmem:v7+s29+$0x0], $0xffff  }
0x236: {  	v12 =	vld [tilespmem:s22+$0xFFFFFFE0]  }
0x237: {  	v5 =	vld [tilespmem:s22+$0x20]  }
.Ltmp11:
0x238: {  	v6 =	vld [tilespmem:s22+$0xFFFFFFD0];
	(pc) =	sbr.rel @p0 .LBB2_17-.Ltmp11, $3  }
0x239: {  	v7 =	vld [tilespmem:s22+$0x0];
	_ =	sdelay $0x1  }
0x23a: {  	v9 =	vmul.f32 v9, v4;
	v11 =	vmul.f32 v8, v4  }
0x23b: {  	v10 =	vmul.f32 v10, v4;
	v8 =	vmul.f32 v12, v4  }
0x23c: {  	[tilespmem:s16+$0x30] =	vst v11  }
0x23d: {  	[tilespmem:s16+$0xFFFFFFC0] =	vst v9  }
0x23e: {  	v3 =	vmul.f32 v3, v4;
	[tilespmem:s16+$0x10] =	vst v10  }
0x23f: {  	v5 =	vmul.f32 v5, v4;
	[tilespmem:s16+$0xFFFFFFE0] =	vst v8  }
0x240: {  	v7 =	vmul.f32 v7, v4;
	[tilespmem:s16+$0xFFFFFFF0] =	vst v3  }
0x241: {  	s8 =	sadd.s32 $0x1, s8;
	v3 =	vmul.f32 v6, v4;
	[tilespmem:s16+$0x20] =	vst v5  }
0x242: {  	p0 =	sne.s32 s8, $0x4F;
	[tilespmem:s16+$0x0] =	vst v7  }
.Ltmp12:
0x243: {  	s9 =	sadd.s32 $0xC700, s15;
	[tilespmem:s16+$0xFFFFFFD0] =	vst v3;
	(pc) =	sbr.rel @p0 .LBB2_16-.Ltmp12, $4  }
0x244: {  	[spmem:s3] =	stream.indirect.scatter.add.f32 [tilespmem:s26], [sflag:$0x1], $0x80, s9, s28, $0xb8;
	[tilespmem:$0x1D700] =	vst v63  }
0x245: {  	_ =	swait.ge [sflag:s21], $0x4000  }
0x246: {  	[sflag:s21] =	ssyncset.done $0x0  }
0x247: {  	s1 =	sadd.s32 $0x80, s1;
	[sflag:s21] =	ssyncadd.s32 $0xFFFFC000  }
.Ltmp13:
0x248: {  	(pc) =	sbr.rel .LBB2_20-.Ltmp13, $3  }
0x249: {  	_ =	sdelay $0x1  }
0x24a: {  	[bflag:$0x0] =	sbarrier.arrive $0xFFFF;
	s1 =	simm.s32 $0x0;
	s22 =	stileid.u32  }
0x24b: {  	s18 =	smov.u32 s23;
	s16 =	smov.u32 s20;
	s15 =	smov.u32 s19  }
.LBB2_22:
0x24c: {  	s1 =	sadd.s32 $0x80, s1  }
0x24d: {  	p0 =	sne.s32 s1, $0x1480  }
.Ltmp14:
0x24e: {  	_ = 	snop;
	(pc) =	sbr.rel @!p0 .LBB2_23-.Ltmp14, $3  }
0x24f: {  	_ =	sdelay $0x1  }
0x250: {  	s15 =	sadd.s32 $0x800, s15  }
0x251: {  	s16 =	sadd.s32 $0x1000, s16;
	s18 =	sadd.s32 $0x4000, s18;
	s22 =	sadd.s32 $0x10, s22  }
.LBB2_20:
0x252: {  	p0 =	sgt.u32 s22, $0x270  }
.Ltmp15:
0x253: {  	_ = 	snop;
	(pc) =	sbr.rel @p0 .LBB2_22-.Ltmp15, $1  }
0x254: {  	_ =	sdelay $0x3  }
0x255: {  	[tilespmem:s30], [sflag:$0x2] =	stream.linear.gather [spmem:s18], $0x400, $0x38;
	[tilespmem:$0x1D700] =	vst v63  }
0x256: {  	_ =	swait.ge [sflag:s31], $0x400  }
0x257: {  	[sflag:s31] =	ssyncset.done $0x0  }
0x258: {  	[sflag:s31] =	ssyncadd.s32 $0xFFFFFC00  }
0x259: {  	[tilespmem:s0], [sflag:$0x2] =	stream.linear.gather [hbm4b:s15+s4], $0x400, $0x38;
	[tilespmem:$0x1D700] =	vst v63  }
0x25a: {  	_ =	swait.ge [sflag:s31], $0x400  }
0x25b: {  	[sflag:s31] =	ssyncset.done $0x0  }
0x25c: {  	[sflag:s31] =	ssyncadd.s32 $0xFFFFFC00  }
0x25d: {  	v4 =	vld [tilespmem:$0x12F00]  }
0x25e: {  	v5 =	vld [tilespmem:$0x13300]  }
0x25f: {  	v6 =	vld [tilespmem:$0x9F00]  }
0x260: {  	v7 =	vld [tilespmem:$0x12F10]  }
0x261: {  	v8 =	vld [tilespmem:$0x13310]  }
0x262: {  	v9 =	vld [tilespmem:$0x9F10]  }
0x263: {  	v10 =	vld [tilespmem:$0x12F20]  }
0x264: {  	v11 =	vld [tilespmem:$0x13320]  }
0x265: {  	v12 =	vld [tilespmem:$0x9F20]  }
0x266: {  	v13 =	vld [tilespmem:$0x12F30]  }
0x267: {  	v14 =	vld [tilespmem:$0x13330]  }
0x268: {  	v15 =	vld [tilespmem:$0x9F30]  }
0x269: {  	v16 =	vld [tilespmem:$0x12F40]  }
0x26a: {  	v17 =	vld [tilespmem:$0x13340]  }
0x26b: {  	v18 =	vld [tilespmem:$0x12F50]  }
0x26c: {  	v24 =	vld [tilespmem:$0x13350]  }
0x26d: {  	v26 =	vld [tilespmem:$0x13360]  }
0x26e: {  	v27 =	vld [tilespmem:$0x13370]  }
0x26f: {  	v28 =	vld [tilespmem:$0x12F60]  }
0x270: {  	v30 =	vld [tilespmem:$0x12F70]  }
0x271: {  	v31 =	vld [tilespmem:$0x9F40]  }
0x272: {  	v32 =	vld [tilespmem:$0x9F50]  }
0x273: {  	v33 =	vld [tilespmem:$0x9F60]  }
0x274: {  	v36 =	vld [tilespmem:$0x9F70]  }
0x275: {  	v43 =	vld [tilespmem:$0x12F80]  }
0x276: {  	v44 =	vld [tilespmem:$0x13380]  }
0x277: {  	s8 =	sadd.s32 s1, s17;
	v45 =	vld [tilespmem:$0x9F00]  }
0x278: {  	v3 =	vmov s8;
	v46 =	vld [tilespmem:$0x12F90]  }
0x279: {  	v3 =	vand.u32 $0xFFFFFFF8, v3;
	v47 =	vld [tilespmem:$0x13390]  }
0x27a: {  	v3 =	vbroadcast v3, $0x0;
	v48 =	vld [tilespmem:$0x9F10]  }
0x27b: {  	v49 =	vld [tilespmem:$0x12FA0]  }
0x27c: {  	v50 =	vld [tilespmem:$0x133A0]  }
0x27d: {  	v51 =	vld [tilespmem:$0x9F20]  }
0x27e: {  	v52 =	vld [tilespmem:$0x12FB0]  }
0x27f: {  	v53 =	vld [tilespmem:$0x133B0]  }
0x280: {  	v3 =	vld.idx.msk [tilespmem:v3+s24+$0x0], $0xffff  }
0x281: {  	v54 =	vld [tilespmem:$0x9F30]  }
0x282: {  	v55 =	vld [tilespmem:$0x12FC0]  }
0x283: {  	s9 =	sadd.s32 $0x1, s8;
	v56 =	vld [tilespmem:$0x133C0]  }
0x284: {  	v37 =	vmov s9;
	v57 =	vld [tilespmem:$0x12FD0]  }
0x285: {  	v39 =	vand.u32 $0xFFFFFFF9, v37;
	v59 =	vld [tilespmem:$0x133D0];
	v5 =	vmul.f32 v5, v3  }
0x286: {  	v41 =	vbroadcast v39, $0x0;
	v61 =	vld [tilespmem:$0x133E0];
	v8 =	vmul.f32 v8, v3  }
0x287: {  	v62 =	vld [tilespmem:$0x133F0];
	v23 =	vmul.f32 v11, v3;
	v25 =	vmul.f32 v14, v3;
	v4 =	vadd.f32 v5, v4  }
0x288: {  	v63 =	vld [tilespmem:$0x12FE0];
	v29 =	vmul.f32 v17, v3;
	v11 =	vmul.f32 v24, v3;
	v7 =	vadd.f32 v8, v7  }
0x289: {  	v21 =	vld [tilespmem:$0x12FF0];
	v14 =	vmul.f32 v26, v3;
	v5 =	vadd.f32 v23, v10;
	v4 =	vmul.f32 v4, v3  }
0x28a: {  	v22 =	vld [tilespmem:$0x9F40];
	v8 =	vadd.f32 v25, v13;
	v11 =	vadd.f32 v11, v18;
	v7 =	vmul.f32 v7, v3  }
0x28b: {  	v37 =	vld [tilespmem:$0x13010];
	v35 =	vadd.f32 v14, v28;
	v5 =	vmul.f32 v5, v3;
	v4 =	vadd.f32 v4, v6  }
0x28c: {  	v39 =	vld [tilespmem:$0x9F10];
	v10 =	vmul.f32 v27, v3;
	v8 =	vmul.f32 v8, v3;
	v7 =	vadd.f32 v7, v9  }
0x28d: {  	v24 =	vld [tilespmem:$0x9F60];
	v40 =	vmul.f32 v35, v3;
	v5 =	vadd.f32 v5, v12;
	v6 =	vadd.f32 v29, v16;
	[tilespmem:$0x12F00] =	vst v4  }
0x28e: {  	v23 =	vld [tilespmem:$0x9F50];
	v38 =	vmul.f32 v11, v3;
	v10 =	vadd.f32 v10, v30;
	v8 =	vadd.f32 v8, v15;
	[tilespmem:$0x12F10] =	vst v7  }
0x28f: {  	s9 =	sadd.s32 $0x2, s8;
	v27 =	vld [tilespmem:$0x9F70];
	v42 =	vadd.f32 v40, v33;
	v34 =	vmul.f32 v6, v3;
	[tilespmem:$0x12F20] =	vst v5  }
0x290: {  	v28 =	vmov s9;
	v35 =	vld [tilespmem:$0x13400];
	[tilespmem:$0x12F30] =	vst v8;
	v7 =	vadd.f32 v38, v32;
	v3 =	vmul.f32 v10, v3  }
0x291: {  	v30 =	vand.u32 $0xFFFFFFFA, v28;
	v28 =	vld [tilespmem:$0x130A0];
	[tilespmem:$0x12F60] =	vst v42;
	v4 =	vadd.f32 v34, v31  }
0x292: {  	v40 =	vld [tilespmem:$0x13020];
	[tilespmem:$0x12F50] =	vst v7;
	v3 =	vadd.f32 v3, v36  }
0x293: {  	v38 =	vld [tilespmem:$0x13410];
	[tilespmem:$0x12F40] =	vst v4  }
0x294: {  	v42 =	vld [tilespmem:$0x9F20];
	[tilespmem:$0x12F70] =	vst v3  }
0x295: {  	v3 =	vld.idx.msk [tilespmem:v41+s24+$0x0], $0xffff  }
0x296: {  	v32 =	vbroadcast v30, $0x0;
	v30 =	vld [tilespmem:$0x9F20]  }
0x297: {  	v34 =	vld [tilespmem:$0x13000]  }
0x298: {  	v36 =	vld [tilespmem:$0x9F00]  }
0x299: {  	v41 =	vld [tilespmem:$0x13420]  }
0x29a: {  	v5 =	vmul.f32 v44, v3;
	v44 =	vld [tilespmem:$0x13430]  }
0x29b: {  	v8 =	vmul.f32 v47, v3;
	v47 =	vld [tilespmem:$0x13440]  }
0x29c: {  	v58 =	vmul.f32 v50, v3;
	v50 =	vld [tilespmem:$0x13450]  }
0x29d: {  	v60 =	vmul.f32 v53, v3;
	v53 =	vld [tilespmem:$0x13470]  }
0x29e: {  	v20 =	vmul.f32 v56, v3;
	v56 =	vld [tilespmem:$0x13070]  }
0x29f: {  	v11 =	vmul.f32 v59, v3;
	v59 =	vld [tilespmem:$0x9F60]  }
0x2a0: {  	v10 =	vmul.f32 v62, v3;
	v62 =	vld [tilespmem:$0x9F70];
	v4 =	vadd.f32 v5, v43;
	v7 =	vadd.f32 v8, v46  }
0x2a1: {  	v14 =	vmul.f32 v61, v3;
	v5 =	vadd.f32 v58, v49;
	v8 =	vadd.f32 v60, v52;
	v43 =	vld [tilespmem:$0x13030]  }
0x2a2: {  	v6 =	vadd.f32 v20, v55;
	v11 =	vadd.f32 v11, v57;
	v46 =	vld [tilespmem:$0x13040];
	v4 =	vmul.f32 v4, v3  }
0x2a3: {  	s9 =	sadd.s32 $0x3, s8;
	v26 =	vadd.f32 v14, v63;
	v10 =	vadd.f32 v10, v21;
	v52 =	vld [tilespmem:$0x13460];
	v7 =	vmul.f32 v7, v3  }
0x2a4: {  	v57 =	vld [tilespmem:$0x9F40];
	v63 =	vmov s9;
	v5 =	vmul.f32 v5, v3;
	v4 =	vadd.f32 v4, v45  }
0x2a5: {  	v58 =	vld [tilespmem:$0x9F50];
	v18 =	vand.u32 $0xFFFFFFFB, v63;
	v8 =	vmul.f32 v8, v3;
	v7 =	vadd.f32 v7, v48  }
0x2a6: {  	v63 =	vld [tilespmem:$0x13120];
	v25 =	vmul.f32 v6, v3;
	v31 =	vmul.f32 v26, v3;
	v5 =	vadd.f32 v5, v51;
	[tilespmem:$0x12F80] =	vst v4  }
0x2a7: {  	v29 =	vmul.f32 v11, v3;
	v3 =	vmul.f32 v10, v3;
	v26 =	vld [tilespmem:$0x13490];
	v8 =	vadd.f32 v8, v54;
	[tilespmem:$0x12F90] =	vst v7  }
0x2a8: {  	v33 =	vadd.f32 v31, v24;
	v45 =	vld [tilespmem:$0x9F30];
	[tilespmem:$0x12FA0] =	vst v5  }
0x2a9: {  	v3 =	vadd.f32 v3, v27;
	v48 =	vld [tilespmem:$0x13050];
	[tilespmem:$0x12FB0] =	vst v8  }
0x2aa: {  	v54 =	vld [tilespmem:$0x13060];
	v4 =	vadd.f32 v25, v22;
	[tilespmem:$0x12FE0] =	vst v33  }
0x2ab: {  	v24 =	vld [tilespmem:$0x9F00];
	v7 =	vadd.f32 v29, v23;
	[tilespmem:$0x12FF0] =	vst v3  }
0x2ac: {  	v27 =	vld [tilespmem:$0x9F10];
	[tilespmem:$0x12FC0] =	vst v4  }
0x2ad: {  	v31 =	vld [tilespmem:$0x130B0];
	[tilespmem:$0x12FD0] =	vst v7  }
0x2ae: {  	v3 =	vld.idx.msk [tilespmem:v32+s24+$0x0], $0xffff  }
0x2af: {  	v22 =	vld [tilespmem:$0x13080]  }
0x2b0: {  	v23 =	vld [tilespmem:$0x13480]  }
0x2b1: {  	v25 =	vld [tilespmem:$0x13090]  }
0x2b2: {  	v29 =	vld [tilespmem:$0x134A0]  }
0x2b3: {  	v33 =	vld [tilespmem:$0x9F30];
	v5 =	vmul.f32 v35, v3;
	v8 =	vmul.f32 v38, v3  }
0x2b4: {  	v32 =	vld [tilespmem:$0x134B0];
	v49 =	vmul.f32 v41, v3;
	v51 =	vmul.f32 v44, v3  }
0x2b5: {  	v55 =	vmul.f32 v47, v3;
	v11 =	vmul.f32 v50, v3;
	v35 =	vld [tilespmem:$0x134C0];
	v4 =	vadd.f32 v5, v34  }
0x2b6: {  	v14 =	vmul.f32 v52, v3;
	v10 =	vmul.f32 v53, v3;
	v38 =	vld [tilespmem:$0x134D0];
	v7 =	vadd.f32 v8, v37  }
0x2b7: {  	v41 =	vld [tilespmem:$0x134F0];
	v5 =	vadd.f32 v49, v40;
	v8 =	vadd.f32 v51, v43;
	v4 =	vmul.f32 v4, v3  }
0x2b8: {  	v44 =	vld [tilespmem:$0x130F0];
	v6 =	vadd.f32 v55, v46;
	v11 =	vadd.f32 v11, v48;
	v7 =	vmul.f32 v7, v3  }
0x2b9: {  	v47 =	vld [tilespmem:$0x9F60];
	v61 =	vadd.f32 v14, v54;
	v5 =	vmul.f32 v5, v3;
	v4 =	vadd.f32 v4, v36  }
0x2ba: {  	v50 =	vld [tilespmem:$0x9F70];
	v10 =	vadd.f32 v10, v56;
	v8 =	vmul.f32 v8, v3;
	v7 =	vadd.f32 v7, v39  }
0x2bb: {  	v34 =	vld [tilespmem:$0x130C0];
	v60 =	vmul.f32 v6, v3;
	v19 =	vmul.f32 v61, v3;
	v5 =	vadd.f32 v5, v42;
	[tilespmem:$0x13000] =	vst v4  }
0x2bc: {  	s9 =	sadd.s32 $0x4, s8;
	v40 =	vld [tilespmem:$0x134E0];
	v16 =	vmul.f32 v11, v3;
	v3 =	vmul.f32 v10, v3;
	v8 =	vadd.f32 v8, v45;
	[tilespmem:$0x13010] =	vst v7  }
0x2bd: {  	v20 =	vbroadcast v18, $0x0;
	v46 =	vld [tilespmem:$0x9F50];
	v51 =	vmov s9;
	v21 =	vadd.f32 v19, v59;
	[tilespmem:$0x13020] =	vst v5  }
0x2be: {  	v53 =	vand.u32 $0xFFFFFFFC, v51;
	v51 =	vld [tilespmem:$0x9F00];
	v3 =	vadd.f32 v3, v62;
	[tilespmem:$0x13030] =	vst v8  }
0x2bf: {  	v61 =	vld [tilespmem:$0x13510];
	v4 =	vadd.f32 v60, v57;
	[tilespmem:$0x13060] =	vst v21  }
0x2c0: {  	v55 =	vbroadcast v53, $0x0;
	v53 =	vld [tilespmem:$0x13590];
	v7 =	vadd.f32 v16, v58;
	[tilespmem:$0x13070] =	vst v3  }
0x2c1: {  	v36 =	vld [tilespmem:$0x130D0];
	[tilespmem:$0x13040] =	vst v4  }
0x2c2: {  	v42 =	vld [tilespmem:$0x130E0];
	[tilespmem:$0x13050] =	vst v7  }
0x2c3: {  	v3 =	vld.idx.msk [tilespmem:v20+s24+$0x0], $0xffff  }
0x2c4: {  	v45 =	vld [tilespmem:$0x9F40]  }
0x2c5: {  	v59 =	vld [tilespmem:$0x9F00]  }
0x2c6: {  	v62 =	vld [tilespmem:$0x9F10]  }
0x2c7: {  	v57 =	vld [tilespmem:$0x13100]  }
0x2c8: {  	v58 =	vld [tilespmem:$0x13500];
	v5 =	vmul.f32 v23, v3;
	v8 =	vmul.f32 v26, v3  }
0x2c9: {  	v60 =	vld [tilespmem:$0x13110];
	v37 =	vmul.f32 v29, v3;
	v39 =	vmul.f32 v32, v3  }
0x2ca: {  	v21 =	vld [tilespmem:$0x13520];
	v43 =	vmul.f32 v35, v3;
	v11 =	vmul.f32 v38, v3;
	v4 =	vadd.f32 v5, v22  }
0x2cb: {  	v20 =	vld [tilespmem:$0x135D0];
	v14 =	vmul.f32 v40, v3;
	v10 =	vmul.f32 v41, v3;
	v7 =	vadd.f32 v8, v25  }
0x2cc: {  	v23 =	vld [tilespmem:$0x13130];
	v5 =	vadd.f32 v37, v28;
	v8 =	vadd.f32 v39, v31;
	v4 =	vmul.f32 v4, v3  }
0x2cd: {  	v26 =	vld [tilespmem:$0x13140];
	v6 =	vadd.f32 v43, v34;
	v11 =	vadd.f32 v11, v36;
	v7 =	vmul.f32 v7, v3  }
0x2ce: {  	v32 =	vld [tilespmem:$0x13560];
	v49 =	vadd.f32 v14, v42;
	v5 =	vmul.f32 v5, v3;
	v4 =	vadd.f32 v4, v24  }
0x2cf: {  	v38 =	vld [tilespmem:$0x9F50];
	v10 =	vadd.f32 v10, v44;
	v8 =	vmul.f32 v8, v3;
	v7 =	vadd.f32 v7, v27  }
0x2d0: {  	v22 =	vld [tilespmem:$0x9F20];
	v48 =	vmul.f32 v6, v3;
	v54 =	vmul.f32 v49, v3;
	v5 =	vadd.f32 v5, v30;
	[tilespmem:$0x13080] =	vst v4  }
0x2d1: {  	v25 =	vld [tilespmem:$0x9F30];
	v52 =	vmul.f32 v11, v3;
	v3 =	vmul.f32 v10, v3;
	v8 =	vadd.f32 v8, v33;
	[tilespmem:$0x13090] =	vst v7  }
0x2d2: {  	v28 =	vld [tilespmem:$0x13150];
	v56 =	vadd.f32 v54, v47;
	[tilespmem:$0x130A0] =	vst v5  }
0x2d3: {  	v34 =	vld [tilespmem:$0x13160];
	v3 =	vadd.f32 v3, v50;
	[tilespmem:$0x130B0] =	vst v8  }
0x2d4: {  	v36 =	vld [tilespmem:$0x13170];
	v4 =	vadd.f32 v48, v45;
	[tilespmem:$0x130E0] =	vst v56  }
0x2d5: {  	v37 =	vld [tilespmem:$0x9F40];
	v7 =	vadd.f32 v52, v46;
	[tilespmem:$0x130F0] =	vst v3  }
0x2d6: {  	v39 =	vld [tilespmem:$0x9F60];
	[tilespmem:$0x130C0] =	vst v4  }
0x2d7: {  	v24 =	vld [tilespmem:$0x13530];
	[tilespmem:$0x130D0] =	vst v7  }
0x2d8: {  	v3 =	vld.idx.msk [tilespmem:v55+s24+$0x0], $0xffff  }
0x2d9: {  	s9 =	sadd.s32 $0x5, s8;
	v27 =	vld [tilespmem:$0x13540]  }
0x2da: {  	v43 =	vmov s9;
	v30 =	vld [tilespmem:$0x13550]  }
0x2db: {  	v33 =	vld [tilespmem:$0x13570];
	v45 =	vand.u32 $0xFFFFFFFD, v43  }
0x2dc: {  	v42 =	vld [tilespmem:$0x9F70];
	v47 =	vbroadcast v45, $0x0  }
0x2dd: {  	v49 =	vld [tilespmem:$0x13180];
	v5 =	vmul.f32 v58, v3;
	v8 =	vmul.f32 v61, v3  }
0x2de: {  	v50 =	vld [tilespmem:$0x13580];
	v29 =	vmul.f32 v21, v3;
	v31 =	vmul.f32 v24, v3  }
0x2df: {  	v54 =	vld [tilespmem:$0x9F10];
	v35 =	vmul.f32 v27, v3;
	v11 =	vmul.f32 v30, v3;
	v4 =	vadd.f32 v5, v57  }
0x2e0: {  	v52 =	vld [tilespmem:$0x13190];
	v14 =	vmul.f32 v32, v3;
	v10 =	vmul.f32 v33, v3;
	v7 =	vadd.f32 v8, v60  }
0x2e1: {  	v56 =	vld [tilespmem:$0x135A0];
	v5 =	vadd.f32 v29, v63;
	v8 =	vadd.f32 v31, v23;
	v4 =	vmul.f32 v4, v3  }
0x2e2: {  	v43 =	vld [tilespmem:$0x13610];
	v6 =	vadd.f32 v35, v26;
	v11 =	vadd.f32 v11, v28;
	v7 =	vmul.f32 v7, v3  }
0x2e3: {  	v45 =	vld [tilespmem:$0x13220];
	v41 =	vadd.f32 v14, v34;
	v5 =	vmul.f32 v5, v3;
	v4 =	vadd.f32 v4, v59  }
0x2e4: {  	v55 =	vld [tilespmem:$0x131A0];
	v10 =	vadd.f32 v10, v36;
	v8 =	vmul.f32 v8, v3;
	v7 =	vadd.f32 v7, v62  }
0x2e5: {  	v58 =	vld [tilespmem:$0x131B0];
	v40 =	vmul.f32 v6, v3;
	v46 =	vmul.f32 v41, v3;
	v5 =	vadd.f32 v5, v22;
	[tilespmem:$0x13100] =	vst v4  }
0x2e6: {  	v61 =	vld [tilespmem:$0x131C0];
	v44 =	vmul.f32 v11, v3;
	v3 =	vmul.f32 v10, v3;
	v8 =	vadd.f32 v8, v25;
	[tilespmem:$0x13110] =	vst v7  }
0x2e7: {  	v24 =	vld [tilespmem:$0x131E0];
	v48 =	vadd.f32 v46, v39;
	[tilespmem:$0x13120] =	vst v5  }
0x2e8: {  	v27 =	vld [tilespmem:$0x9F40];
	v3 =	vadd.f32 v3, v42;
	[tilespmem:$0x13130] =	vst v8  }
0x2e9: {  	v32 =	vld [tilespmem:$0x9F70];
	v4 =	vadd.f32 v40, v37;
	[tilespmem:$0x13160] =	vst v48  }
0x2ea: {  	v57 =	vld [tilespmem:$0x9F20];
	v7 =	vadd.f32 v44, v38;
	[tilespmem:$0x13170] =	vst v3  }
0x2eb: {  	v60 =	vld [tilespmem:$0x9F30];
	[tilespmem:$0x13140] =	vst v4  }
0x2ec: {  	v23 =	vld [tilespmem:$0x135F0];
	[tilespmem:$0x13150] =	vst v7  }
0x2ed: {  	v3 =	vld.idx.msk [tilespmem:v47+s24+$0x0], $0xffff  }
0x2ee: {  	v59 =	vld [tilespmem:$0x135B0]  }
0x2ef: {  	v62 =	vld [tilespmem:$0x135C0]  }
0x2f0: {  	v22 =	vld [tilespmem:$0x135E0]  }
0x2f1: {  	s9 =	sadd.s32 $0x6, s8;
	v63 =	vld [tilespmem:$0x131D0]  }
0x2f2: {  	v33 =	vmov s9;
	v26 =	vld [tilespmem:$0x131F0];
	v5 =	vmul.f32 v50, v3;
	v8 =	vmul.f32 v53, v3  }
0x2f3: {  	v28 =	vld [tilespmem:$0x9F50];
	v35 =	vand.u32 $0xFFFFFFFE, v33;
	v19 =	vmul.f32 v56, v3;
	v21 =	vmul.f32 v59, v3  }
0x2f4: {  	v29 =	vld [tilespmem:$0x9F60];
	v25 =	vmul.f32 v62, v3;
	v11 =	vmul.f32 v20, v3;
	v4 =	vadd.f32 v5, v49  }
0x2f5: {  	v33 =	vld [tilespmem:$0x13690];
	v14 =	vmul.f32 v22, v3;
	v10 =	vmul.f32 v23, v3;
	v7 =	vadd.f32 v8, v52  }
0x2f6: {  	v41 =	vld [tilespmem:$0x9F00];
	v5 =	vadd.f32 v19, v55;
	v8 =	vadd.f32 v21, v58;
	v4 =	vmul.f32 v4, v3  }
0x2f7: {  	v39 =	vld [tilespmem:$0x13200];
	v6 =	vadd.f32 v25, v61;
	v11 =	vadd.f32 v11, v63;
	v7 =	vmul.f32 v7, v3  }
0x2f8: {  	v42 =	vld [tilespmem:$0x13210];
	v31 =	vadd.f32 v14, v24;
	v5 =	vmul.f32 v5, v3;
	v4 =	vadd.f32 v4, v51  }
0x2f9: {  	v46 =	vld [tilespmem:$0x13620];
	v10 =	vadd.f32 v10, v26;
	v8 =	vmul.f32 v8, v3;
	v7 =	vadd.f32 v7, v54  }
0x2fa: {  	v40 =	vld [tilespmem:$0x13600];
	v30 =	vmul.f32 v6, v3;
	v36 =	vmul.f32 v31, v3;
	v5 =	vadd.f32 v5, v57;
	[tilespmem:$0x13180] =	vst v4  }
0x2fb: {  	v44 =	vld [tilespmem:$0x9F10];
	v34 =	vmul.f32 v11, v3;
	v3 =	vmul.f32 v10, v3;
	v8 =	vadd.f32 v8, v60;
	[tilespmem:$0x13190] =	vst v7  }
0x2fc: {  	v37 =	vbroadcast v35, $0x0;
	v48 =	vld [tilespmem:$0x13230];
	v38 =	vadd.f32 v36, v29;
	[tilespmem:$0x131A0] =	vst v5  }
0x2fd: {  	v35 =	vld [tilespmem:$0x132A0];
	v3 =	vadd.f32 v3, v32;
	[tilespmem:$0x131B0] =	vst v8  }
0x2fe: {  	v47 =	vld [tilespmem:$0x9F20];
	v4 =	vadd.f32 v30, v27;
	[tilespmem:$0x131E0] =	vst v38  }
0x2ff: {  	v50 =	vld [tilespmem:$0x9F30];
	v7 =	vadd.f32 v34, v28;
	[tilespmem:$0x131F0] =	vst v3  }
0x300: {  	v53 =	vld [tilespmem:$0x13250];
	[tilespmem:$0x131C0] =	vst v4  }
0x301: {  	v20 =	vld [tilespmem:$0x13260];
	[tilespmem:$0x131D0] =	vst v7  }
0x302: {  	v3 =	vld.idx.msk [tilespmem:v37+s24+$0x0], $0xffff  }
0x303: {  	v49 =	vld [tilespmem:$0x13630]  }
0x304: {  	v52 =	vld [tilespmem:$0x13640]  }
0x305: {  	v19 =	vld [tilespmem:$0x13670]  }
0x306: {  	v51 =	vld [tilespmem:$0x13240]  }
0x307: {  	v54 =	vld [tilespmem:$0x13650];
	v5 =	vmul.f32 v40, v3  }
0x308: {  	v55 =	vld [tilespmem:$0x13660];
	v8 =	vmul.f32 v43, v3  }
0x309: {  	v62 =	vld [tilespmem:$0x9F60];
	v11 =	vmul.f32 v46, v3;
	v14 =	vmul.f32 v49, v3;
	v4 =	vadd.f32 v5, v39  }
0x30a: {  	v22 =	vld [tilespmem:$0x9F70];
	v57 =	vmul.f32 v52, v3;
	v63 =	vmul.f32 v19, v3;
	v7 =	vadd.f32 v8, v42  }
0x30b: {  	v58 =	vld [tilespmem:$0x13270];
	v56 =	vadd.f32 v11, v45;
	v59 =	vadd.f32 v14, v48;
	v4 =	vmul.f32 v4, v3  }
0x30c: {  	v60 =	vld [tilespmem:$0x9F40];
	v5 =	vmul.f32 v54, v3;
	v10 =	vadd.f32 v57, v51;
	v7 =	vmul.f32 v7, v3  }
0x30d: {  	v61 =	vld [tilespmem:$0x9F50];
	v8 =	vmul.f32 v55, v3;
	v6 =	vmul.f32 v56, v3;
	v4 =	vadd.f32 v4, v41  }
0x30e: {  	v31 =	vld [tilespmem:$0x9F00];
	v9 =	vmul.f32 v59, v3;
	v5 =	vadd.f32 v5, v53;
	v7 =	vadd.f32 v7, v44  }
0x30f: {  	v29 =	vld [tilespmem:$0x13280];
	v21 =	vmul.f32 v10, v3;
	v8 =	vadd.f32 v8, v20;
	v19 =	vadd.f32 v6, v47;
	[tilespmem:$0x13200] =	vst v4  }
0x310: {  	v32 =	vld [tilespmem:$0x13290];
	v24 =	vadd.f32 v63, v58;
	v23 =	vadd.f32 v9, v50;
	v5 =	vmul.f32 v5, v3;
	[tilespmem:$0x13210] =	vst v7  }
0x311: {  	s8 =	sadd.s32 $0x7, s8;
	v36 =	vld [tilespmem:$0x136A0];
	v25 =	vadd.f32 v21, v60;
	v26 =	vmul.f32 v8, v3;
	[tilespmem:$0x13220] =	vst v19  }
0x312: {  	v27 =	vmov s8;
	v30 =	vld [tilespmem:$0x13680];
	v3 =	vmul.f32 v24, v3;
	[tilespmem:$0x13230] =	vst v23;
	v5 =	vadd.f32 v5, v61  }
0x313: {  	v34 =	vld [tilespmem:$0x9F10];
	[tilespmem:$0x13240] =	vst v25;
	v28 =	vadd.f32 v26, v62  }
0x314: {  	v38 =	vld [tilespmem:$0x132B0];
	v3 =	vadd.f32 v3, v22;
	[tilespmem:$0x13250] =	vst v5  }
0x315: {  	v37 =	vld [tilespmem:$0x9F20];
	[tilespmem:$0x13260] =	vst v28  }
0x316: {  	v40 =	vld [tilespmem:$0x9F30];
	[tilespmem:$0x13270] =	vst v3  }
0x317: {  	v3 =	vld.idx.msk [tilespmem:v27+s24+$0x0], $0xffff  }
0x318: {  	v46 =	vld [tilespmem:$0x136F0]  }
0x319: {  	v39 =	vld [tilespmem:$0x136B0]  }
0x31a: {  	v42 =	vld [tilespmem:$0x136C0]  }
0x31b: {  	v41 =	vld [tilespmem:$0x132C0]  }
0x31c: {  	v44 =	vld [tilespmem:$0x136D0];
	v5 =	vmul.f32 v30, v3  }
0x31d: {  	v45 =	vld [tilespmem:$0x136E0];
	v8 =	vmul.f32 v33, v3  }
0x31e: {  	v43 =	vld [tilespmem:$0x132D0];
	v11 =	vmul.f32 v36, v3;
	v14 =	vmul.f32 v39, v3;
	v4 =	vadd.f32 v5, v29  }
0x31f: {  	v47 =	vld [tilespmem:$0x132E0];
	v49 =	vmul.f32 v42, v3;
	v55 =	vmul.f32 v46, v3;
	v7 =	vadd.f32 v8, v32  }
0x320: {  	v50 =	vld [tilespmem:$0x132F0];
	v48 =	vadd.f32 v11, v35;
	v51 =	vadd.f32 v14, v38;
	v4 =	vmul.f32 v4, v3  }
0x321: {  	v52 =	vld [tilespmem:$0x9F40];
	v5 =	vmul.f32 v44, v3;
	v10 =	vadd.f32 v49, v41;
	v7 =	vmul.f32 v7, v3  }
0x322: {  	v53 =	vld [tilespmem:$0x9F50];
	v8 =	vmul.f32 v45, v3;
	v6 =	vmul.f32 v48, v3;
	v4 =	vadd.f32 v4, v31  }
0x323: {  	v54 =	vld [tilespmem:$0x9F60];
	v9 =	vmul.f32 v51, v3;
	v5 =	vadd.f32 v5, v43;
	v7 =	vadd.f32 v7, v34  }
0x324: {  	v58 =	vld [tilespmem:$0x9F70];
	v57 =	vmul.f32 v10, v3;
	v8 =	vadd.f32 v8, v47;
	v56 =	vadd.f32 v6, v37;
	[tilespmem:$0x13280] =	vst v4  }
0x325: {  	v60 =	vadd.f32 v55, v50;
	v59 =	vadd.f32 v9, v40;
	v5 =	vmul.f32 v5, v3;
	[tilespmem:$0x13290] =	vst v7  }
0x326: {  	v61 =	vadd.f32 v57, v52;
	v62 =	vmul.f32 v8, v3;
	[tilespmem:$0x132A0] =	vst v56  }
0x327: {  	v3 =	vmul.f32 v60, v3;
	[tilespmem:$0x132B0] =	vst v59;
	v5 =	vadd.f32 v5, v53  }
0x328: {  	[tilespmem:$0x132C0] =	vst v61;
	v63 =	vadd.f32 v62, v54  }
0x329: {  	v3 =	vadd.f32 v3, v58;
	[tilespmem:$0x132D0] =	vst v5  }
0x32a: {  	[tilespmem:$0x132E0] =	vst v63  }
.Ltmp16:
0x32b: {  	[tilespmem:$0x132F0] =	vst v3;
	(pc) =	sbr.rel .LBB2_22-.Ltmp16, $4  }
0x32c: {  	[hbm4b:s16+s4] =	stream.linear.scatter [tilespmem:s30], [sflag:$0x1], $0x400, $0x38;
	[tilespmem:$0x1D700] =	vst v63  }
0x32d: {  	_ =	swait.ge [sflag:s21], $0x400  }
0x32e: {  	[sflag:s21] =	ssyncset.done $0x0  }
0x32f: {  	[sflag:s21] =	ssyncadd.s32 $0xFFFFFC00  }
.LBB2_24:
0x330: {  	_ =	sfence.sel $0x180000  }
0x331: {  	[bflag:$0x0] =	sbarrier.arrive $0xFFFF  }
0x332: {  	_ =	strace $0x9000004A  }
0x333: {  	s0 =	stileid.u32;
	[bflag:$0x2] =	sbarrier.arrive $0xFFFF  }
0x334: {  	p0 =	sne.s32 s0, $0x0;
	s0 =	rddreg [dreg:$0x4]  }
0x335: {  	s0 =	sadd.s32 @!p0 $0x100000, s0  }
0x336: {  	[sflag:s0] =	ssyncadd.tile.s32 @!p0 $0x1;
	_ =	shalt  }
.Lfunc_end2:
_tile_overlayer_lowered:
.L_overlay_start_2:
0x337: {  	(tag) =	ssettag $0x2  }
0x338: {  	s0 =	rddreg [dreg:$0x0];
	s2 =	stileid.u32  }
0x339: {  	s1 =	rddreg [dreg:$0x1];
	p0 =	sne.s32 s2, $0x0  }
0x33a: {  	s3 =	rddreg [dreg:$0x2];
	[bflag:$0x3] =	sbarrier.arrive $0xFFFF;
	s2 =	simm.s32 @!p0 $0x1C01  }
0x33b: {  	[timem:s3], [sflag:s2] =	dma.local @!p0 [hbm:s0], s1  }
0x33c: {  	s0 =	simm.s32 @!p0 $0x1  }
0x33d: {  	_ =	swait.ge @!p0 [sflag:s0], s1  }
0x33e: {  	s1 =	ssub.s32 @!p0 $0x0, s1;
	[sflag:s0] =	ssyncset.done @!p0 $0x0  }
0x33f: {  	[sflag:s0] =	ssyncadd.s32 @!p0 s1  }
0x340: {  	[bflag:$0x3] =	sbarrier.arrive $0xFFFF  }
0x341: {  	_ =	shalt  }

</sc_bundles>
